<compile_context>
chip_gen: v7x
topology: tpu7x:2x2x1
jax: 0.10.2.dev20260603
libtpu: 0.0.44.dev20260713+nightly
codegen_flags: <defaults>
</compile_context>

<pallas_src>
import functools

import jax
import jax.numpy as jnp
from jax import lax
from jax.experimental import pallas as pl
from jax.experimental.pallas import tpu as pltpu
from jax.experimental.pallas import tpu_sc as plsc

_BINS = 16
_LANES = 16
_ROWS = 96
_IMG = 512
_PIX = _IMG * _IMG
_CHROWS = 64
_CHUNK = _CHROWS * _IMG
_NCHUNK = _PIX // _CHUNK
_UNROLL = 16
_VREGS_PER_CHUNK = _CHUNK // _LANES

_INFO = plsc.get_sparse_core_info()
_NC = _INFO.num_cores
_NS = _INFO.num_subcores
_NW = _NC * _NS
_ROWS_SC = 64
_ROWS_TC = _ROWS - _ROWS_SC
_ROWS_PER_W = _ROWS_SC // _NW


def _sc_hist(x_flat):
    mesh = plsc.VectorSubcoreMesh(core_axis_name="c", subcore_axis_name="s")

    @functools.partial(
        pl.kernel,
        out_type=jax.ShapeDtypeStruct((_NW, _ROWS_PER_W, _BINS), jnp.float32),
        mesh=mesh,
        compiler_params=pltpu.CompilerParams(needs_layout_passes=False),
        scratch_types=[
            pltpu.VMEM((2, _CHROWS, _IMG), jnp.float32),
            pltpu.VMEM((_BINS * _LANES,), jnp.float32),
            pltpu.VMEM((_ROWS_PER_W, _BINS), jnp.float32),
            pltpu.SemaphoreType.DMA,
            pltpu.SemaphoreType.DMA,
        ],
    )
    def body(x_hbm, out_hbm, buf, hist, outv, sem0, sem1):
        wid = lax.axis_index("s") * _NC + lax.axis_index("c")
        row0 = wid * _ROWS_PER_W
        sems = (sem0, sem1)
        lane = lax.iota(jnp.int32, 16)
        ones = jnp.ones((16,), jnp.float32)
        zeros = jnp.zeros((16,), jnp.float32)

        tasks = [(r, c) for r in range(_ROWS_PER_W) for c in range(_NCHUNK)]

        def start(i):
            r, c = tasks[i]
            return pltpu.async_copy(
                x_hbm.at[row0 + r, pl.ds(c * _CHROWS, _CHROWS), :],
                buf.at[i % 2],
                sems[i % 2],
            )

        copies = [start(0)]
        for i, (r, c) in enumerate(tasks):
            if i + 1 < len(tasks):
                copies.append(start(i + 1))
            if c == 0:
                for bb in range(_BINS):
                    hist[pl.ds(bb * _LANES, _LANES)] = zeros
            copies[i].wait()
            bref = buf.at[i % 2]

            @plsc.parallel_loop(0, _VREGS_PER_CHUNK, step=1, unroll=_UNROLL)
            def _(j):
                rr = lax.shift_right_logical(j, 5)
                cc = lax.shift_left(jnp.bitwise_and(j, 31), 4)
                v = bref[rr, pl.ds(cc, _LANES)]
                bits = plsc.bitcast(v + 1.0, jnp.int32)
                b16x = jnp.bitwise_and(
                    lax.shift_right_logical(bits, 15), 0xF0)
                idx = b16x + lane
                plsc.addupdate_scatter(hist, [idx], ones)

            if c == _NCHUNK - 1:
                tot = zeros
                lane16 = lane * 16
                for l in range(_LANES):
                    tot = tot + plsc.load_gather(hist, [lane16 + l])
                outv[r] = tot * (1.0 / _PIX)

        pltpu.sync_copy(outv, out_hbm.at[wid])

    return body(x_flat)


def _tc_hist(xr):
    k = _ROWS_TC

    def hbody(x_ref, o_ref):
        v = x_ref[0]
        bits = (v + 1.0).view(jnp.int32)
        bn = jnp.bitwise_and(lax.shift_right_logical(bits, 19), 0xF)
        bn16 = bn.astype(jnp.int16)
        cols = []
        for i in range(_BINS):
            m = (bn16 == jnp.int16(i)).astype(jnp.int16)
            n = m.shape[0]
            while n > 8:
                n //= 2
                m = m[:n] + m[n:]
            cols.append(jnp.sum(m.astype(jnp.float32)))
        row = jnp.concatenate(
            [jnp.stack(cols) * (1.0 / _PIX),
             jnp.zeros((128 - _BINS,), jnp.float32)])
        o_ref[...] = jnp.broadcast_to(row.reshape(1, 1, 128), (1, 8, 128))

    return pl.pallas_call(
        hbody,
        grid=(k,),
        in_specs=[pl.BlockSpec((1, _IMG, _IMG),
                               lambda i: (i + _ROWS_SC, 0, 0))],
        out_specs=pl.BlockSpec((1, 8, 128), lambda i: (i, 0, 0)),
        out_shape=jax.ShapeDtypeStruct((k, 8, 128), jnp.float32),
    )(xr)


def _fc(h, W, b):
    def fc_body(h_ref, w_ref, b_ref, o_ref):
        acc = jnp.dot(h_ref[...], w_ref[...],
                      preferred_element_type=jnp.float32)
        o_ref[...] = jnp.maximum(acc + b_ref[...], 0.0)

    return pl.pallas_call(
        fc_body,
        out_shape=jax.ShapeDtypeStruct((32, 64), jnp.float32),
    )(h, W, b.reshape(1, 64))


def kernel(x, W, b):
    x_flat = x.reshape(_ROWS, _IMG, _IMG)
    sc_means = _sc_hist(x_flat)
    tc_out = _tc_hist(x_flat)
    h = jnp.concatenate(
        [sc_means.reshape(_ROWS_SC, _BINS), tc_out[:, 0, :_BINS]],
        axis=0).reshape(32, 48)
    return _fc(h, W, b)

# --- scband reference (transcript-rebuilt; emitter-appended) ---
"""Pipeline reference for scband-color-histogram-layer-16827681866032 (READ-ONLY COPY).

The authoritative reference and input builder live on the scoring server;
editing this copy changes nothing except your own understanding.
"""

import jax, jax.numpy as jnp
import numpy as np

BINS = 16
OUTPUT_DIM = 64

def _create_hist(x, bins=BINS, min_val=0.0, max_val=1.0):
    # x: [B, P] pixel values in [0, 1]
    edges = jnp.linspace(min_val, max_val, bins + 1)
    cols = []
    for i in range(bins):
        mask = (x >= edges[i]) & (x < edges[i + 1])
        if i == bins - 1:
            mask = mask | (x == edges[i + 1])
        cols.append(mask.astype(jnp.float32).mean(axis=1))
    return jnp.stack(cols, axis=1)  # [B, bins]

def setup_inputs(seed: int = 0) -> dict:
    key = jax.random.key(seed)
    k1, k2, k3 = jax.random.split(key, 3)
    x = jax.random.uniform(k1, (32, 3, 512, 512), dtype=jnp.float32)
    # nn.Linear(bins*3=48, 64): store as [in, out] for h @ W + b
    W = jax.random.normal(k2, (BINS * 3, OUTPUT_DIM), dtype=jnp.float32) * (1.0 / np.sqrt(BINS * 3))
    b = jax.random.normal(k3, (OUTPUT_DIM,), dtype=jnp.float32) * 0.01
    return {"x": x, "W": W, "b": b}

def reference(x, W, b):
    batch_size = x.shape[0]
    r_hist = _create_hist(x[:, 0].reshape(batch_size, -1))
    g_hist = _create_hist(x[:, 1].reshape(batch_size, -1))
    b_hist = _create_hist(x[:, 2].reshape(batch_size, -1))
    hist_features = jnp.concatenate([r_hist, g_hist, b_hist], axis=1)  # [B, 48]
    # Linear -> ReLU -> Dropout(eval mode = identity)
    out = jnp.maximum(hist_features @ W + b, 0.0)
    return out

if __name__ == "__main__":
    import jax
    _d = setup_inputs()
    print(jax.jit(kernel)(*tuple(_d.values())))

</pallas_src>

<mosaic_0001>
#map = affine_map<(d0, d1) -> (0, 0, 0)>
module attributes {stable_mosaic.version = 14 : i64} {
  func.func @body(%arg0: i32, %arg1: i32, %arg2: memref<96x512x512xf32, #tpu.memory_space<hbm>>, %arg3: memref<32x2x16xf32, #tpu.memory_space<hbm>>, %arg4: memref<2x64x512xf32, #tpu.memory_space<vmem>>, %arg5: memref<256xf32, #tpu.memory_space<vmem>>, %arg6: memref<2x16xf32, #tpu.memory_space<vmem>>, %arg7: memref<!tpu.dma_semaphore, #tpu.memory_space<semaphore_mem>>, %arg8: memref<!tpu.dma_semaphore, #tpu.memory_space<semaphore_mem>>) attributes {dimension_semantics = [#tpu.dimension_semantics<core_parallel>, #tpu.dimension_semantics<subcore_parallel>], iteration_bounds = array<i64: 2, 16>, scalar_prefetch = 0 : i64, scratch_operands = 5 : i64, tpu.core_type = #tpu.core_type<sc_vector_subcore>, window_params = [{transform_indices = #map}, {transform_indices = #map}]} {
    %mul3A = arith.constant 2 : i32
    %mul3A_0 = arith.muli %arg1, %mul3A : i32
    %add3A = arith.addi %mul3A_0, %arg0 : i32
    %mul3A_1 = arith.constant 2 : i32
    %mul3A_2 = arith.muli %add3A, %mul3A_1 : i32
    %iota3A = tpu.iota {dimensions = array<i32: 0>} : vector<16xi32>
    %broadcast_in_dim3A = arith.constant 1.000000e+00 : f32
    %broadcast_in_dim3A_3 = vector.broadcast %broadcast_in_dim3A : f32 to vector<16xf32>
    %broadcast_in_dim3A_4 = arith.constant 0.000000e+00 : f32
    %broadcast_in_dim3A_5 = vector.broadcast %broadcast_in_dim3A_4 : f32 to vector<16xf32>
    %add3A_6 = arith.constant 0 : i32
    %add3A_7 = arith.addi %mul3A_2, %add3A_6 : i32
    %dma_start3A = arith.constant 0 : i32
    %dma_start3A_8 = arith.constant 0 : i32
    %dma_start3A_9 = arith.constant 0 : i32
    %dma_start3A_10 = tpu.memref_slice %arg4[%dma_start3A, %dma_start3A_8, %dma_start3A_9] : memref<2x64x512xf32, #tpu.memory_space<vmem>> -> memref<1x64x512xf32, #tpu.memory_space<vmem>>
    %dma_start3A_11 = tpu.memref_squeeze %dma_start3A_10 : memref<1x64x512xf32, #tpu.memory_space<vmem>> -> memref<64x512xf32, #tpu.memory_space<vmem>>
    %dma_start3A_12 = arith.constant 0 : i32
    %dma_start3A_13 = arith.constant 0 : i32
    %dma_start3A_14 = tpu.memref_slice %arg2[%add3A_7, %dma_start3A_12, %dma_start3A_13] : memref<96x512x512xf32, #tpu.memory_space<hbm>> -> memref<1x64x512xf32, #tpu.memory_space<hbm>>
    %dma_start3A_15 = tpu.memref_squeeze %dma_start3A_14 : memref<1x64x512xf32, #tpu.memory_space<hbm>> -> memref<64x512xf32, #tpu.memory_space<hbm>>
    %dma_start3A_16 = arith.constant 0 : i32
    %dma_start3A_17 = arith.constant 0 : i32
    %dma_start3A_18 = tpu.memref_slice %arg4[%dma_start3A, %dma_start3A_16, %dma_start3A_17] : memref<2x64x512xf32, #tpu.memory_space<vmem>> -> memref<1x64x512xf32, #tpu.memory_space<vmem>>
    %dma_start3A_19 = tpu.memref_squeeze %dma_start3A_18 : memref<1x64x512xf32, #tpu.memory_space<vmem>> -> memref<64x512xf32, #tpu.memory_space<vmem>>
    %dma_start3A_20 = arith.constant 0 : i32
    %dma_start3A_21 = arith.constant 0 : i32
    %dma_start3A_22 = tpu.memref_slice %arg2[%add3A_7, %dma_start3A_20, %dma_start3A_21] : memref<96x512x512xf32, #tpu.memory_space<hbm>> -> memref<1x64x512xf32, #tpu.memory_space<hbm>>
    %dma_start3A_23 = tpu.memref_squeeze %dma_start3A_22 : memref<1x64x512xf32, #tpu.memory_space<hbm>> -> memref<64x512xf32, #tpu.memory_space<hbm>>
    tpu.enqueue_dma source(%dma_start3A_23 : memref<64x512xf32, #tpu.memory_space<hbm>>) target(%dma_start3A_19 : memref<64x512xf32, #tpu.memory_space<vmem>>) target_semaphore(%arg7 : memref<!tpu.dma_semaphore, #tpu.memory_space<semaphore_mem>>)
    %add3A_24 = arith.constant 0 : i32
    %add3A_25 = arith.addi %mul3A_2, %add3A_24 : i32
    %dma_start3A_26 = arith.constant 1 : i32
    %dma_start3A_27 = arith.constant 0 : i32
    %dma_start3A_28 = arith.constant 0 : i32
    %dma_start3A_29 = tpu.memref_slice %arg4[%dma_start3A_26, %dma_start3A_27, %dma_start3A_28] : memref<2x64x512xf32, #tpu.memory_space<vmem>> -> memref<1x64x512xf32, #tpu.memory_space<vmem>>
    %dma_start3A_30 = tpu.memref_squeeze %dma_start3A_29 : memref<1x64x512xf32, #tpu.memory_space<vmem>> -> memref<64x512xf32, #tpu.memory_space<vmem>>
    %dma_start3A_31 = arith.constant 64 : i32
    %dma_start3A_32 = arith.constant 0 : i32
    %dma_start3A_33 = tpu.memref_slice %arg2[%add3A_25, %dma_start3A_31, %dma_start3A_32] : memref<96x512x512xf32, #tpu.memory_space<hbm>> -> memref<1x64x512xf32, #tpu.memory_space<hbm>>
    %dma_start3A_34 = tpu.memref_squeeze %dma_start3A_33 : memref<1x64x512xf32, #tpu.memory_space<hbm>> -> memref<64x512xf32, #tpu.memory_space<hbm>>
    %dma_start3A_35 = arith.constant 0 : i32
    %dma_start3A_36 = arith.constant 0 : i32
    %dma_start3A_37 = tpu.memref_slice %arg4[%dma_start3A_26, %dma_start3A_35, %dma_start3A_36] : memref<2x64x512xf32, #tpu.memory_space<vmem>> -> memref<1x64x512xf32, #tpu.memory_space<vmem>>
    %dma_start3A_38 = tpu.memref_squeeze %dma_start3A_37 : memref<1x64x512xf32, #tpu.memory_space<vmem>> -> memref<64x512xf32, #tpu.memory_space<vmem>>
    %dma_start3A_39 = arith.constant 64 : i32
    %dma_start3A_40 = arith.constant 0 : i32
    %dma_start3A_41 = tpu.memref_slice %arg2[%add3A_25, %dma_start3A_39, %dma_start3A_40] : memref<96x512x512xf32, #tpu.memory_space<hbm>> -> memref<1x64x512xf32, #tpu.memory_space<hbm>>
    %dma_start3A_42 = tpu.memref_squeeze %dma_start3A_41 : memref<1x64x512xf32, #tpu.memory_space<hbm>> -> memref<64x512xf32, #tpu.memory_space<hbm>>
    tpu.enqueue_dma source(%dma_start3A_42 : memref<64x512xf32, #tpu.memory_space<hbm>>) target(%dma_start3A_38 : memref<64x512xf32, #tpu.memory_space<vmem>>) target_semaphore(%arg8 : memref<!tpu.dma_semaphore, #tpu.memory_space<semaphore_mem>>)
    %swap3A = arith.constant 0 : index
    %swap3A_43 = tpu.vector_load %arg5[%swap3A] {strides = array<i32>} : memref<256xf32, #tpu.memory_space<vmem>>, vector<16xf32>,
    tpu.vector_store %arg5[%swap3A], %broadcast_in_dim3A_5 {strides = array<i32>} : memref<256xf32, #tpu.memory_space<vmem>>, vector<16xf32>,
    %swap3A_44 = arith.constant 16 : index
    %swap3A_45 = tpu.vector_load %arg5[%swap3A_44] {strides = array<i32>} : memref<256xf32, #tpu.memory_space<vmem>>, vector<16xf32>,
    tpu.vector_store %arg5[%swap3A_44], %broadcast_in_dim3A_5 {strides = array<i32>} : memref<256xf32, #tpu.memory_space<vmem>>, vector<16xf32>,
    %swap3A_46 = arith.constant 32 : index
    %swap3A_47 = tpu.vector_load %arg5[%swap3A_46] {strides = array<i32>} : memref<256xf32, #tpu.memory_space<vmem>>, vector<16xf32>,
    tpu.vector_store %arg5[%swap3A_46], %broadcast_in_dim3A_5 {strides = array<i32>} : memref<256xf32, #tpu.memory_space<vmem>>, vector<16xf32>,
    %swap3A_48 = arith.constant 48 : index
    %swap3A_49 = tpu.vector_load %arg5[%swap3A_48] {strides = array<i32>} : memref<256xf32, #tpu.memory_space<vmem>>, vector<16xf32>,
    tpu.vector_store %arg5[%swap3A_48], %broadcast_in_dim3A_5 {strides = array<i32>} : memref<256xf32, #tpu.memory_space<vmem>>, vector<16xf32>,
    %swap3A_50 = arith.constant 64 : index
    %swap3A_51 = tpu.vector_load %arg5[%swap3A_50] {strides = array<i32>} : memref<256xf32, #tpu.memory_space<vmem>>, vector<16xf32>,
    tpu.vector_store %arg5[%swap3A_50], %broadcast_in_dim3A_5 {strides = array<i32>} : memref<256xf32, #tpu.memory_space<vmem>>, vector<16xf32>,
    %swap3A_52 = arith.constant 80 : index
    %swap3A_53 = tpu.vector_load %arg5[%swap3A_52] {strides = array<i32>} : memref<256xf32, #tpu.memory_space<vmem>>, vector<16xf32>,
    tpu.vector_store %arg5[%swap3A_52], %broadcast_in_dim3A_5 {strides = array<i32>} : memref<256xf32, #tpu.memory_space<vmem>>, vector<16xf32>,
    %swap3A_54 = arith.constant 96 : index
    %swap3A_55 = tpu.vector_load %arg5[%swap3A_54] {strides = array<i32>} : memref<256xf32, #tpu.memory_space<vmem>>, vector<16xf32>,
    tpu.vector_store %arg5[%swap3A_54], %broadcast_in_dim3A_5 {strides = array<i32>} : memref<256xf32, #tpu.memory_space<vmem>>, vector<16xf32>,
    %swap3A_56 = arith.constant 112 : index
    %swap3A_57 = tpu.vector_load %arg5[%swap3A_56] {strides = array<i32>} : memref<256xf32, #tpu.memory_space<vmem>>, vector<16xf32>,
    tpu.vector_store %arg5[%swap3A_56], %broadcast_in_dim3A_5 {strides = array<i32>} : memref<256xf32, #tpu.memory_space<vmem>>, vector<16xf32>,
    %swap3A_58 = arith.constant 128 : index
    %swap3A_59 = tpu.vector_load %arg5[%swap3A_58] {strides = array<i32>} : memref<256xf32, #tpu.memory_space<vmem>>, vector<16xf32>,
    tpu.vector_store %arg5[%swap3A_58], %broadcast_in_dim3A_5 {strides = array<i32>} : memref<256xf32, #tpu.memory_space<vmem>>, vector<16xf32>,
    %swap3A_60 = arith.constant 144 : index
    %swap3A_61 = tpu.vector_load %arg5[%swap3A_60] {strides = array<i32>} : memref<256xf32, #tpu.memory_space<vmem>>, vector<16xf32>,
    tpu.vector_store %arg5[%swap3A_60], %broadcast_in_dim3A_5 {strides = array<i32>} : memref<256xf32, #tpu.memory_space<vmem>>, vector<16xf32>,
    %swap3A_62 = arith.constant 160 : index
    %swap3A_63 = tpu.vector_load %arg5[%swap3A_62] {strides = array<i32>} : memref<256xf32, #tpu.memory_space<vmem>>, vector<16xf32>,
    tpu.vector_store %arg5[%swap3A_62], %broadcast_in_dim3A_5 {strides = array<i32>} : memref<256xf32, #tpu.memory_space<vmem>>, vector<16xf32>,
    %swap3A_64 = arith.constant 176 : index
    %swap3A_65 = tpu.vector_load %arg5[%swap3A_64] {strides = array<i32>} : memref<256xf32, #tpu.memory_space<vmem>>, vector<16xf32>,
    tpu.vector_store %arg5[%swap3A_64], %broadcast_in_dim3A_5 {strides = array<i32>} : memref<256xf32, #tpu.memory_space<vmem>>, vector<16xf32>,
    %swap3A_66 = arith.constant 192 : index
    %swap3A_67 = tpu.vector_load %arg5[%swap3A_66] {strides = array<i32>} : memref<256xf32, #tpu.memory_space<vmem>>, vector<16xf32>,
    tpu.vector_store %arg5[%swap3A_66], %broadcast_in_dim3A_5 {strides = array<i32>} : memref<256xf32, #tpu.memory_space<vmem>>, vector<16xf32>,
    %swap3A_68 = arith.constant 208 : index
    %swap3A_69 = tpu.vector_load %arg5[%swap3A_68] {strides = array<i32>} : memref<256xf32, #tpu.memory_space<vmem>>, vector<16xf32>,
    tpu.vector_store %arg5[%swap3A_68], %broadcast_in_dim3A_5 {strides = array<i32>} : memref<256xf32, #tpu.memory_space<vmem>>, vector<16xf32>,
    %swap3A_70 = arith.constant 224 : index
    %swap3A_71 = tpu.vector_load %arg5[%swap3A_70] {strides = array<i32>} : memref<256xf32, #tpu.memory_space<vmem>>, vector<16xf32>,
    tpu.vector_store %arg5[%swap3A_70], %broadcast_in_dim3A_5 {strides = array<i32>} : memref<256xf32, #tpu.memory_space<vmem>>, vector<16xf32>,
    %swap3A_72 = arith.constant 240 : index
    %swap3A_73 = tpu.vector_load %arg5[%swap3A_72] {strides = array<i32>} : memref<256xf32, #tpu.memory_space<vmem>>, vector<16xf32>,
    tpu.vector_store %arg5[%swap3A_72], %broadcast_in_dim3A_5 {strides = array<i32>} : memref<256xf32, #tpu.memory_space<vmem>>, vector<16xf32>,
    %dma_wait3A = arith.constant 0 : i32
    %dma_wait3A_74 = arith.constant 0 : i32
    %dma_wait3A_75 = arith.constant 0 : i32
    %dma_wait3A_76 = tpu.memref_slice %arg4[%dma_wait3A, %dma_wait3A_74, %dma_wait3A_75] : memref<2x64x512xf32, #tpu.memory_space<vmem>> -> memref<1x64x512xf32, #tpu.memory_space<vmem>>
    %dma_wait3A_77 = tpu.memref_squeeze %dma_wait3A_76 : memref<1x64x512xf32, #tpu.memory_space<vmem>> -> memref<64x512xf32, #tpu.memory_space<vmem>>
    %dma_wait3A_78 = arith.constant 0 : i32
    %dma_wait3A_79 = arith.constant 0 : i32
    %dma_wait3A_80 = tpu.memref_slice %arg2[%add3A_7, %dma_wait3A_78, %dma_wait3A_79] : memref<96x512x512xf32, #tpu.memory_space<hbm>> -> memref<1x64x512xf32, #tpu.memory_space<hbm>>
    %dma_wait3A_81 = tpu.memref_squeeze %dma_wait3A_80 : memref<1x64x512xf32, #tpu.memory_space<hbm>> -> memref<64x512xf32, #tpu.memory_space<hbm>>
    %dma_wait3A_82 = arith.constant 0 : i32
    %dma_wait3A_83 = arith.constant 0 : i32
    %dma_wait3A_84 = tpu.memref_slice %arg4[%dma_wait3A, %dma_wait3A_82, %dma_wait3A_83] : memref<2x64x512xf32, #tpu.memory_space<vmem>> -> memref<1x64x512xf32, #tpu.memory_space<vmem>>
    %dma_wait3A_85 = tpu.memref_squeeze %dma_wait3A_84 : memref<1x64x512xf32, #tpu.memory_space<vmem>> -> memref<64x512xf32, #tpu.memory_space<vmem>>
    %dma_wait3A_86 = arith.constant 0 : i32
    %dma_wait3A_87 = arith.constant 0 : i32
    %dma_wait3A_88 = tpu.memref_slice %arg2[%add3A_7, %dma_wait3A_86, %dma_wait3A_87] : memref<96x512x512xf32, #tpu.memory_space<hbm>> -> memref<1x64x512xf32, #tpu.memory_space<hbm>>
    %dma_wait3A_89 = tpu.memref_squeeze %dma_wait3A_88 : memref<1x64x512xf32, #tpu.memory_space<hbm>> -> memref<64x512xf32, #tpu.memory_space<hbm>>
    tpu.wait_dma2 semaphore(%arg7 : memref<!tpu.dma_semaphore, #tpu.memory_space<semaphore_mem>>) src(%dma_wait3A_89 : memref<64x512xf32, #tpu.memory_space<hbm>>) dst(%dma_wait3A_85 : memref<64x512xf32, #tpu.memory_space<vmem>>)
    %parallel_loop3A = arith.constant 0 : i32
    %parallel_loop3A_90 = arith.constant 2048 : i32
    %parallel_loop3A_91 = arith.constant 1 : i32
    %parallel_loop3A_92 = arith.constant 0 : i32
    scf.for %parallel_loop3A_885 = %parallel_loop3A to %parallel_loop3A_90 step %parallel_loop3A_91  : i32 {
      %parallel_loop3A_886 = arith.constant 5 : i32
      %parallel_loop3A_887 = arith.shrui %parallel_loop3A_885, %parallel_loop3A_886 : i32
      %parallel_loop3A_888 = arith.constant 31 : i32
      %parallel_loop3A_889 = arith.andi %parallel_loop3A_885, %parallel_loop3A_888 : i32
      %parallel_loop3A_890 = arith.constant 4 : i32
      %parallel_loop3A_891 = arith.shli %parallel_loop3A_889, %parallel_loop3A_890 : i32
      %parallel_loop3A_892 = arith.constant 0 : i32
      %parallel_loop3A_893 = arith.constant 0 : i32
      %parallel_loop3A_894 = tpu.memref_slice %arg4[%parallel_loop3A_92, %parallel_loop3A_892, %parallel_loop3A_893] : memref<2x64x512xf32, #tpu.memory_space<vmem>> -> memref<1x64x512xf32, #tpu.memory_space<vmem>>
      %parallel_loop3A_895 = tpu.memref_squeeze %parallel_loop3A_894 : memref<1x64x512xf32, #tpu.memory_space<vmem>> -> memref<64x512xf32, #tpu.memory_space<vmem>>
      %parallel_loop3A_896 = arith.index_cast %parallel_loop3A_887 : i32 to index
      %parallel_loop3A_897 = arith.index_cast %parallel_loop3A_891 : i32 to index
      %parallel_loop3A_898 = tpu.vector_load %parallel_loop3A_895[%parallel_loop3A_896, %parallel_loop3A_897] {strides = array<i32>} : memref<64x512xf32, #tpu.memory_space<vmem>>, vector<16xf32>,
      %parallel_loop3A_899 = arith.constant 1.000000e+00 : f32
      %parallel_loop3A_900 = vector.broadcast %parallel_loop3A_899 : f32 to vector<16xf32>
      %parallel_loop3A_901 = arith.addf %parallel_loop3A_898, %parallel_loop3A_900 : vector<16xf32>
      %parallel_loop3A_902 = vector.bitcast %parallel_loop3A_901 : vector<16xf32> to vector<16xi32>
      %parallel_loop3A_903 = arith.constant 15 : i32
      %parallel_loop3A_904 = vector.broadcast %parallel_loop3A_903 : i32 to vector<16xi32>
      %parallel_loop3A_905 = arith.shrui %parallel_loop3A_902, %parallel_loop3A_904 : vector<16xi32>
      %parallel_loop3A_906 = arith.constant 240 : i32
      %parallel_loop3A_907 = vector.broadcast %parallel_loop3A_906 : i32 to vector<16xi32>
      %parallel_loop3A_908 = arith.andi %parallel_loop3A_905, %parallel_loop3A_907 : vector<16xi32>
      %parallel_loop3A_909 = arith.addi %parallel_loop3A_908, %iota3A : vector<16xi32>
      tpu.vector_store_idx %arg5[%parallel_loop3A_909], %broadcast_in_dim3A_3 {add = true} : memref<256xf32, #tpu.memory_space<vmem>>[vector<16xi32>], vector<16xf32>,
    } {sc.loop_unroll_factor = 16 : i64, sc.parallel_access}
    %add3A_93 = arith.constant 0 : i32
    %add3A_94 = arith.addi %mul3A_2, %add3A_93 : i32
    %dma_start3A_95 = arith.constant 0 : i32
    %dma_start3A_96 = arith.constant 0 : i32
    %dma_start3A_97 = arith.constant 0 : i32
    %dma_start3A_98 = tpu.memref_slice %arg4[%dma_start3A_95, %dma_start3A_96, %dma_start3A_97] : memref<2x64x512xf32, #tpu.memory_space<vmem>> -> memref<1x64x512xf32, #tpu.memory_space<vmem>>
    %dma_start3A_99 = tpu.memref_squeeze %dma_start3A_98 : memref<1x64x512xf32, #tpu.memory_space<vmem>> -> memref<64x512xf32, #tpu.memory_space<vmem>>
    %dma_start3A_100 = arith.constant 128 : i32
    %dma_start3A_101 = arith.constant 0 : i32
    %dma_start3A_102 = tpu.memref_slice %arg2[%add3A_94, %dma_start3A_100, %dma_start3A_101] : memref<96x512x512xf32, #tpu.memory_space<hbm>> -> memref<1x64x512xf32, #tpu.memory_space<hbm>>
    %dma_start3A_103 = tpu.memref_squeeze %dma_start3A_102 : memref<1x64x512xf32, #tpu.memory_space<hbm>> -> memref<64x512xf32, #tpu.memory_space<hbm>>
    %dma_start3A_104 = arith.constant 0 : i32
    %dma_start3A_105 = arith.constant 0 : i32
    %dma_start3A_106 = tpu.memref_slice %arg4[%dma_start3A_95, %dma_start3A_104, %dma_start3A_105] : memref<2x64x512xf32, #tpu.memory_space<vmem>> -> memref<1x64x512xf32, #tpu.memory_space<vmem>>
    %dma_start3A_107 = tpu.memref_squeeze %dma_start3A_106 : memref<1x64x512xf32, #tpu.memory_space<vmem>> -> memref<64x512xf32, #tpu.memory_space<vmem>>
    %dma_start3A_108 = arith.constant 128 : i32
    %dma_start3A_109 = arith.constant 0 : i32
    %dma_start3A_110 = tpu.memref_slice %arg2[%add3A_94, %dma_start3A_108, %dma_start3A_109] : memref<96x512x512xf32, #tpu.memory_space<hbm>> -> memref<1x64x512xf32, #tpu.memory_space<hbm>>
    %dma_start3A_111 = tpu.memref_squeeze %dma_start3A_110 : memref<1x64x512xf32, #tpu.memory_space<hbm>> -> memref<64x512xf32, #tpu.memory_space<hbm>>
    tpu.enqueue_dma source(%dma_start3A_111 : memref<64x512xf32, #tpu.memory_space<hbm>>) target(%dma_start3A_107 : memref<64x512xf32, #tpu.memory_space<vmem>>) target_semaphore(%arg7 : memref<!tpu.dma_semaphore, #tpu.memory_space<semaphore_mem>>)
    %dma_wait3A_112 = arith.constant 1 : i32
    %dma_wait3A_113 = arith.constant 0 : i32
    %dma_wait3A_114 = arith.constant 0 : i32
    %dma_wait3A_115 = tpu.memref_slice %arg4[%dma_wait3A_112, %dma_wait3A_113, %dma_wait3A_114] : memref<2x64x512xf32, #tpu.memory_space<vmem>> -> memref<1x64x512xf32, #tpu.memory_space<vmem>>
    %dma_wait3A_116 = tpu.memref_squeeze %dma_wait3A_115 : memref<1x64x512xf32, #tpu.memory_space<vmem>> -> memref<64x512xf32, #tpu.memory_space<vmem>>
    %dma_wait3A_117 = arith.constant 64 : i32
    %dma_wait3A_118 = arith.constant 0 : i32
    %dma_wait3A_119 = tpu.memref_slice %arg2[%add3A_25, %dma_wait3A_117, %dma_wait3A_118] : memref<96x512x512xf32, #tpu.memory_space<hbm>> -> memref<1x64x512xf32, #tpu.memory_space<hbm>>
    %dma_wait3A_120 = tpu.memref_squeeze %dma_wait3A_119 : memref<1x64x512xf32, #tpu.memory_space<hbm>> -> memref<64x512xf32, #tpu.memory_space<hbm>>
    %dma_wait3A_121 = arith.constant 0 : i32
    %dma_wait3A_122 = arith.constant 0 : i32
    %dma_wait3A_123 = tpu.memref_slice %arg4[%dma_wait3A_112, %dma_wait3A_121, %dma_wait3A_122] : memref<2x64x512xf32, #tpu.memory_space<vmem>> -> memref<1x64x512xf32, #tpu.memory_space<vmem>>
    %dma_wait3A_124 = tpu.memref_squeeze %dma_wait3A_123 : memref<1x64x512xf32, #tpu.memory_space<vmem>> -> memref<64x512xf32, #tpu.memory_space<vmem>>
    %dma_wait3A_125 = arith.constant 64 : i32
    %dma_wait3A_126 = arith.constant 0 : i32
    %dma_wait3A_127 = tpu.memref_slice %arg2[%add3A_25, %dma_wait3A_125, %dma_wait3A_126] : memref<96x512x512xf32, #tpu.memory_space<hbm>> -> memref<1x64x512xf32, #tpu.memory_space<hbm>>
    %dma_wait3A_128 = tpu.memref_squeeze %dma_wait3A_127 : memref<1x64x512xf32, #tpu.memory_space<hbm>> -> memref<64x512xf32, #tpu.memory_space<hbm>>
    tpu.wait_dma2 semaphore(%arg8 : memref<!tpu.dma_semaphore, #tpu.memory_space<semaphore_mem>>) src(%dma_wait3A_128 : memref<64x512xf32, #tpu.memory_space<hbm>>) dst(%dma_wait3A_124 : memref<64x512xf32, #tpu.memory_space<vmem>>)
    %parallel_loop3A_129 = arith.constant 0 : i32
    %parallel_loop3A_130 = arith.constant 2048 : i32
    %parallel_loop3A_131 = arith.constant 1 : i32
    %parallel_loop3A_132 = arith.constant 1 : i32
    scf.for %parallel_loop3A_885 = %parallel_loop3A_129 to %parallel_loop3A_130 step %parallel_loop3A_131  : i32 {
      %parallel_loop3A_886 = arith.constant 5 : i32
      %parallel_loop3A_887 = arith.shrui %parallel_loop3A_885, %parallel_loop3A_886 : i32
      %parallel_loop3A_888 = arith.constant 31 : i32
      %parallel_loop3A_889 = arith.andi %parallel_loop3A_885, %parallel_loop3A_888 : i32
      %parallel_loop3A_890 = arith.constant 4 : i32
      %parallel_loop3A_891 = arith.shli %parallel_loop3A_889, %parallel_loop3A_890 : i32
      %parallel_loop3A_892 = arith.constant 0 : i32
      %parallel_loop3A_893 = arith.constant 0 : i32
      %parallel_loop3A_894 = tpu.memref_slice %arg4[%parallel_loop3A_132, %parallel_loop3A_892, %parallel_loop3A_893] : memref<2x64x512xf32, #tpu.memory_space<vmem>> -> memref<1x64x512xf32, #tpu.memory_space<vmem>>
      %parallel_loop3A_895 = tpu.memref_squeeze %parallel_loop3A_894 : memref<1x64x512xf32, #tpu.memory_space<vmem>> -> memref<64x512xf32, #tpu.memory_space<vmem>>
      %parallel_loop3A_896 = arith.index_cast %parallel_loop3A_887 : i32 to index
      %parallel_loop3A_897 = arith.index_cast %parallel_loop3A_891 : i32 to index
      %parallel_loop3A_898 = tpu.vector_load %parallel_loop3A_895[%parallel_loop3A_896, %parallel_loop3A_897] {strides = array<i32>} : memref<64x512xf32, #tpu.memory_space<vmem>>, vector<16xf32>,
      %parallel_loop3A_899 = arith.constant 1.000000e+00 : f32
      %parallel_loop3A_900 = vector.broadcast %parallel_loop3A_899 : f32 to vector<16xf32>
      %parallel_loop3A_901 = arith.addf %parallel_loop3A_898, %parallel_loop3A_900 : vector<16xf32>
      %parallel_loop3A_902 = vector.bitcast %parallel_loop3A_901 : vector<16xf32> to vector<16xi32>
      %parallel_loop3A_903 = arith.constant 15 : i32
      %parallel_loop3A_904 = vector.broadcast %parallel_loop3A_903 : i32 to vector<16xi32>
      %parallel_loop3A_905 = arith.shrui %parallel_loop3A_902, %parallel_loop3A_904 : vector<16xi32>
      %parallel_loop3A_906 = arith.constant 240 : i32
      %parallel_loop3A_907 = vector.broadcast %parallel_loop3A_906 : i32 to vector<16xi32>
      %parallel_loop3A_908 = arith.andi %parallel_loop3A_905, %parallel_loop3A_907 : vector<16xi32>
      %parallel_loop3A_909 = arith.addi %parallel_loop3A_908, %iota3A : vector<16xi32>
      tpu.vector_store_idx %arg5[%parallel_loop3A_909], %broadcast_in_dim3A_3 {add = true} : memref<256xf32, #tpu.memory_space<vmem>>[vector<16xi32>], vector<16xf32>,
    } {sc.loop_unroll_factor = 16 : i64, sc.parallel_access}
    %add3A_133 = arith.constant 0 : i32
    %add3A_134 = arith.addi %mul3A_2, %add3A_133 : i32
    %dma_start3A_135 = arith.constant 1 : i32
    %dma_start3A_136 = arith.constant 0 : i32
    %dma_start3A_137 = arith.constant 0 : i32
    %dma_start3A_138 = tpu.memref_slice %arg4[%dma_start3A_135, %dma_start3A_136, %dma_start3A_137] : memref<2x64x512xf32, #tpu.memory_space<vmem>> -> memref<1x64x512xf32, #tpu.memory_space<vmem>>
    %dma_start3A_139 = tpu.memref_squeeze %dma_start3A_138 : memref<1x64x512xf32, #tpu.memory_space<vmem>> -> memref<64x512xf32, #tpu.memory_space<vmem>>
    %dma_start3A_140 = arith.constant 192 : i32
    %dma_start3A_141 = arith.constant 0 : i32
    %dma_start3A_142 = tpu.memref_slice %arg2[%add3A_134, %dma_start3A_140, %dma_start3A_141] : memref<96x512x512xf32, #tpu.memory_space<hbm>> -> memref<1x64x512xf32, #tpu.memory_space<hbm>>
    %dma_start3A_143 = tpu.memref_squeeze %dma_start3A_142 : memref<1x64x512xf32, #tpu.memory_space<hbm>> -> memref<64x512xf32, #tpu.memory_space<hbm>>
    %dma_start3A_144 = arith.constant 0 : i32
    %dma_start3A_145 = arith.constant 0 : i32
    %dma_start3A_146 = tpu.memref_slice %arg4[%dma_start3A_135, %dma_start3A_144, %dma_start3A_145] : memref<2x64x512xf32, #tpu.memory_space<vmem>> -> memref<1x64x512xf32, #tpu.memory_space<vmem>>
    %dma_start3A_147 = tpu.memref_squeeze %dma_start3A_146 : memref<1x64x512xf32, #tpu.memory_space<vmem>> -> memref<64x512xf32, #tpu.memory_space<vmem>>
    %dma_start3A_148 = arith.constant 192 : i32
    %dma_start3A_149 = arith.constant 0 : i32
    %dma_start3A_150 = tpu.memref_slice %arg2[%add3A_134, %dma_start3A_148, %dma_start3A_149] : memref<96x512x512xf32, #tpu.memory_space<hbm>> -> memref<1x64x512xf32, #tpu.memory_space<hbm>>
    %dma_start3A_151 = tpu.memref_squeeze %dma_start3A_150 : memref<1x64x512xf32, #tpu.memory_space<hbm>> -> memref<64x512xf32, #tpu.memory_space<hbm>>
    tpu.enqueue_dma source(%dma_start3A_151 : memref<64x512xf32, #tpu.memory_space<hbm>>) target(%dma_start3A_147 : memref<64x512xf32, #tpu.memory_space<vmem>>) target_semaphore(%arg8 : memref<!tpu.dma_semaphore, #tpu.memory_space<semaphore_mem>>)
    %dma_wait3A_152 = arith.constant 0 : i32
    %dma_wait3A_153 = arith.constant 0 : i32
    %dma_wait3A_154 = arith.constant 0 : i32
    %dma_wait3A_155 = tpu.memref_slice %arg4[%dma_wait3A_152, %dma_wait3A_153, %dma_wait3A_154] : memref<2x64x512xf32, #tpu.memory_space<vmem>> -> memref<1x64x512xf32, #tpu.memory_space<vmem>>
    %dma_wait3A_156 = tpu.memref_squeeze %dma_wait3A_155 : memref<1x64x512xf32, #tpu.memory_space<vmem>> -> memref<64x512xf32, #tpu.memory_space<vmem>>
    %dma_wait3A_157 = arith.constant 128 : i32
    %dma_wait3A_158 = arith.constant 0 : i32
    %dma_wait3A_159 = tpu.memref_slice %arg2[%add3A_94, %dma_wait3A_157, %dma_wait3A_158] : memref<96x512x512xf32, #tpu.memory_space<hbm>> -> memref<1x64x512xf32, #tpu.memory_space<hbm>>
    %dma_wait3A_160 = tpu.memref_squeeze %dma_wait3A_159 : memref<1x64x512xf32, #tpu.memory_space<hbm>> -> memref<64x512xf32, #tpu.memory_space<hbm>>
    %dma_wait3A_161 = arith.constant 0 : i32
    %dma_wait3A_162 = arith.constant 0 : i32
    %dma_wait3A_163 = tpu.memref_slice %arg4[%dma_wait3A_152, %dma_wait3A_161, %dma_wait3A_162] : memref<2x64x512xf32, #tpu.memory_space<vmem>> -> memref<1x64x512xf32, #tpu.memory_space<vmem>>
    %dma_wait3A_164 = tpu.memref_squeeze %dma_wait3A_163 : memref<1x64x512xf32, #tpu.memory_space<vmem>> -> memref<64x512xf32, #tpu.memory_space<vmem>>
    %dma_wait3A_165 = arith.constant 128 : i32
    %dma_wait3A_166 = arith.constant 0 : i32
    %dma_wait3A_167 = tpu.memref_slice %arg2[%add3A_94, %dma_wait3A_165, %dma_wait3A_166] : memref<96x512x512xf32, #tpu.memory_space<hbm>> -> memref<1x64x512xf32, #tpu.memory_space<hbm>>
    %dma_wait3A_168 = tpu.memref_squeeze %dma_wait3A_167 : memref<1x64x512xf32, #tpu.memory_space<hbm>> -> memref<64x512xf32, #tpu.memory_space<hbm>>
    tpu.wait_dma2 semaphore(%arg7 : memref<!tpu.dma_semaphore, #tpu.memory_space<semaphore_mem>>) src(%dma_wait3A_168 : memref<64x512xf32, #tpu.memory_space<hbm>>) dst(%dma_wait3A_164 : memref<64x512xf32, #tpu.memory_space<vmem>>)
    %parallel_loop3A_169 = arith.constant 0 : i32
    %parallel_loop3A_170 = arith.constant 2048 : i32
    %parallel_loop3A_171 = arith.constant 1 : i32
    %parallel_loop3A_172 = arith.constant 0 : i32
    scf.for %parallel_loop3A_885 = %parallel_loop3A_169 to %parallel_loop3A_170 step %parallel_loop3A_171  : i32 {
      %parallel_loop3A_886 = arith.constant 5 : i32
      %parallel_loop3A_887 = arith.shrui %parallel_loop3A_885, %parallel_loop3A_886 : i32
      %parallel_loop3A_888 = arith.constant 31 : i32
      %parallel_loop3A_889 = arith.andi %parallel_loop3A_885, %parallel_loop3A_888 : i32
      %parallel_loop3A_890 = arith.constant 4 : i32
      %parallel_loop3A_891 = arith.shli %parallel_loop3A_889, %parallel_loop3A_890 : i32
      %parallel_loop3A_892 = arith.constant 0 : i32
      %parallel_loop3A_893 = arith.constant 0 : i32
      %parallel_loop3A_894 = tpu.memref_slice %arg4[%parallel_loop3A_172, %parallel_loop3A_892, %parallel_loop3A_893] : memref<2x64x512xf32, #tpu.memory_space<vmem>> -> memref<1x64x512xf32, #tpu.memory_space<vmem>>
      %parallel_loop3A_895 = tpu.memref_squeeze %parallel_loop3A_894 : memref<1x64x512xf32, #tpu.memory_space<vmem>> -> memref<64x512xf32, #tpu.memory_space<vmem>>
      %parallel_loop3A_896 = arith.index_cast %parallel_loop3A_887 : i32 to index
      %parallel_loop3A_897 = arith.index_cast %parallel_loop3A_891 : i32 to index
      %parallel_loop3A_898 = tpu.vector_load %parallel_loop3A_895[%parallel_loop3A_896, %parallel_loop3A_897] {strides = array<i32>} : memref<64x512xf32, #tpu.memory_space<vmem>>, vector<16xf32>,
      %parallel_loop3A_899 = arith.constant 1.000000e+00 : f32
      %parallel_loop3A_900 = vector.broadcast %parallel_loop3A_899 : f32 to vector<16xf32>
      %parallel_loop3A_901 = arith.addf %parallel_loop3A_898, %parallel_loop3A_900 : vector<16xf32>
      %parallel_loop3A_902 = vector.bitcast %parallel_loop3A_901 : vector<16xf32> to vector<16xi32>
      %parallel_loop3A_903 = arith.constant 15 : i32
      %parallel_loop3A_904 = vector.broadcast %parallel_loop3A_903 : i32 to vector<16xi32>
      %parallel_loop3A_905 = arith.shrui %parallel_loop3A_902, %parallel_loop3A_904 : vector<16xi32>
      %parallel_loop3A_906 = arith.constant 240 : i32
      %parallel_loop3A_907 = vector.broadcast %parallel_loop3A_906 : i32 to vector<16xi32>
      %parallel_loop3A_908 = arith.andi %parallel_loop3A_905, %parallel_loop3A_907 : vector<16xi32>
      %parallel_loop3A_909 = arith.addi %parallel_loop3A_908, %iota3A : vector<16xi32>
      tpu.vector_store_idx %arg5[%parallel_loop3A_909], %broadcast_in_dim3A_3 {add = true} : memref<256xf32, #tpu.memory_space<vmem>>[vector<16xi32>], vector<16xf32>,
    } {sc.loop_unroll_factor = 16 : i64, sc.parallel_access}
    %add3A_173 = arith.constant 0 : i32
    %add3A_174 = arith.addi %mul3A_2, %add3A_173 : i32
    %dma_start3A_175 = arith.constant 0 : i32
    %dma_start3A_176 = arith.constant 0 : i32
    %dma_start3A_177 = arith.constant 0 : i32
    %dma_start3A_178 = tpu.memref_slice %arg4[%dma_start3A_175, %dma_start3A_176, %dma_start3A_177] : memref<2x64x512xf32, #tpu.memory_space<vmem>> -> memref<1x64x512xf32, #tpu.memory_space<vmem>>
    %dma_start3A_179 = tpu.memref_squeeze %dma_start3A_178 : memref<1x64x512xf32, #tpu.memory_space<vmem>> -> memref<64x512xf32, #tpu.memory_space<vmem>>
    %dma_start3A_180 = arith.constant 256 : i32
    %dma_start3A_181 = arith.constant 0 : i32
    %dma_start3A_182 = tpu.memref_slice %arg2[%add3A_174, %dma_start3A_180, %dma_start3A_181] : memref<96x512x512xf32, #tpu.memory_space<hbm>> -> memref<1x64x512xf32, #tpu.memory_space<hbm>>
    %dma_start3A_183 = tpu.memref_squeeze %dma_start3A_182 : memref<1x64x512xf32, #tpu.memory_space<hbm>> -> memref<64x512xf32, #tpu.memory_space<hbm>>
    %dma_start3A_184 = arith.constant 0 : i32
    %dma_start3A_185 = arith.constant 0 : i32
    %dma_start3A_186 = tpu.memref_slice %arg4[%dma_start3A_175, %dma_start3A_184, %dma_start3A_185] : memref<2x64x512xf32, #tpu.memory_space<vmem>> -> memref<1x64x512xf32, #tpu.memory_space<vmem>>
    %dma_start3A_187 = tpu.memref_squeeze %dma_start3A_186 : memref<1x64x512xf32, #tpu.memory_space<vmem>> -> memref<64x512xf32, #tpu.memory_space<vmem>>
    %dma_start3A_188 = arith.constant 256 : i32
    %dma_start3A_189 = arith.constant 0 : i32
    %dma_start3A_190 = tpu.memref_slice %arg2[%add3A_174, %dma_start3A_188, %dma_start3A_189] : memref<96x512x512xf32, #tpu.memory_space<hbm>> -> memref<1x64x512xf32, #tpu.memory_space<hbm>>
    %dma_start3A_191 = tpu.memref_squeeze %dma_start3A_190 : memref<1x64x512xf32, #tpu.memory_space<hbm>> -> memref<64x512xf32, #tpu.memory_space<hbm>>
    tpu.enqueue_dma source(%dma_start3A_191 : memref<64x512xf32, #tpu.memory_space<hbm>>) target(%dma_start3A_187 : memref<64x512xf32, #tpu.memory_space<vmem>>) target_semaphore(%arg7 : memref<!tpu.dma_semaphore, #tpu.memory_space<semaphore_mem>>)
    %dma_wait3A_192 = arith.constant 1 : i32
    %dma_wait3A_193 = arith.constant 0 : i32
    %dma_wait3A_194 = arith.constant 0 : i32
    %dma_wait3A_195 = tpu.memref_slice %arg4[%dma_wait3A_192, %dma_wait3A_193, %dma_wait3A_194] : memref<2x64x512xf32, #tpu.memory_space<vmem>> -> memref<1x64x512xf32, #tpu.memory_space<vmem>>
    %dma_wait3A_196 = tpu.memref_squeeze %dma_wait3A_195 : memref<1x64x512xf32, #tpu.memory_space<vmem>> -> memref<64x512xf32, #tpu.memory_space<vmem>>
    %dma_wait3A_197 = arith.constant 192 : i32
    %dma_wait3A_198 = arith.constant 0 : i32
    %dma_wait3A_199 = tpu.memref_slice %arg2[%add3A_134, %dma_wait3A_197, %dma_wait3A_198] : memref<96x512x512xf32, #tpu.memory_space<hbm>> -> memref<1x64x512xf32, #tpu.memory_space<hbm>>
    %dma_wait3A_200 = tpu.memref_squeeze %dma_wait3A_199 : memref<1x64x512xf32, #tpu.memory_space<hbm>> -> memref<64x512xf32, #tpu.memory_space<hbm>>
    %dma_wait3A_201 = arith.constant 0 : i32
    %dma_wait3A_202 = arith.constant 0 : i32
    %dma_wait3A_203 = tpu.memref_slice %arg4[%dma_wait3A_192, %dma_wait3A_201, %dma_wait3A_202] : memref<2x64x512xf32, #tpu.memory_space<vmem>> -> memref<1x64x512xf32, #tpu.memory_space<vmem>>
    %dma_wait3A_204 = tpu.memref_squeeze %dma_wait3A_203 : memref<1x64x512xf32, #tpu.memory_space<vmem>> -> memref<64x512xf32, #tpu.memory_space<vmem>>
    %dma_wait3A_205 = arith.constant 192 : i32
    %dma_wait3A_206 = arith.constant 0 : i32
    %dma_wait3A_207 = tpu.memref_slice %arg2[%add3A_134, %dma_wait3A_205, %dma_wait3A_206] : memref<96x512x512xf32, #tpu.memory_space<hbm>> -> memref<1x64x512xf32, #tpu.memory_space<hbm>>
    %dma_wait3A_208 = tpu.memref_squeeze %dma_wait3A_207 : memref<1x64x512xf32, #tpu.memory_space<hbm>> -> memref<64x512xf32, #tpu.memory_space<hbm>>
    tpu.wait_dma2 semaphore(%arg8 : memref<!tpu.dma_semaphore, #tpu.memory_space<semaphore_mem>>) src(%dma_wait3A_208 : memref<64x512xf32, #tpu.memory_space<hbm>>) dst(%dma_wait3A_204 : memref<64x512xf32, #tpu.memory_space<vmem>>)
    %parallel_loop3A_209 = arith.constant 0 : i32
    %parallel_loop3A_210 = arith.constant 2048 : i32
    %parallel_loop3A_211 = arith.constant 1 : i32
    %parallel_loop3A_212 = arith.constant 1 : i32
    scf.for %parallel_loop3A_885 = %parallel_loop3A_209 to %parallel_loop3A_210 step %parallel_loop3A_211  : i32 {
      %parallel_loop3A_886 = arith.constant 5 : i32
      %parallel_loop3A_887 = arith.shrui %parallel_loop3A_885, %parallel_loop3A_886 : i32
      %parallel_loop3A_888 = arith.constant 31 : i32
      %parallel_loop3A_889 = arith.andi %parallel_loop3A_885, %parallel_loop3A_888 : i32
      %parallel_loop3A_890 = arith.constant 4 : i32
      %parallel_loop3A_891 = arith.shli %parallel_loop3A_889, %parallel_loop3A_890 : i32
      %parallel_loop3A_892 = arith.constant 0 : i32
      %parallel_loop3A_893 = arith.constant 0 : i32
      %parallel_loop3A_894 = tpu.memref_slice %arg4[%parallel_loop3A_212, %parallel_loop3A_892, %parallel_loop3A_893] : memref<2x64x512xf32, #tpu.memory_space<vmem>> -> memref<1x64x512xf32, #tpu.memory_space<vmem>>
      %parallel_loop3A_895 = tpu.memref_squeeze %parallel_loop3A_894 : memref<1x64x512xf32, #tpu.memory_space<vmem>> -> memref<64x512xf32, #tpu.memory_space<vmem>>
      %parallel_loop3A_896 = arith.index_cast %parallel_loop3A_887 : i32 to index
      %parallel_loop3A_897 = arith.index_cast %parallel_loop3A_891 : i32 to index
      %parallel_loop3A_898 = tpu.vector_load %parallel_loop3A_895[%parallel_loop3A_896, %parallel_loop3A_897] {strides = array<i32>} : memref<64x512xf32, #tpu.memory_space<vmem>>, vector<16xf32>,
      %parallel_loop3A_899 = arith.constant 1.000000e+00 : f32
      %parallel_loop3A_900 = vector.broadcast %parallel_loop3A_899 : f32 to vector<16xf32>
      %parallel_loop3A_901 = arith.addf %parallel_loop3A_898, %parallel_loop3A_900 : vector<16xf32>
      %parallel_loop3A_902 = vector.bitcast %parallel_loop3A_901 : vector<16xf32> to vector<16xi32>
      %parallel_loop3A_903 = arith.constant 15 : i32
      %parallel_loop3A_904 = vector.broadcast %parallel_loop3A_903 : i32 to vector<16xi32>
      %parallel_loop3A_905 = arith.shrui %parallel_loop3A_902, %parallel_loop3A_904 : vector<16xi32>
      %parallel_loop3A_906 = arith.constant 240 : i32
      %parallel_loop3A_907 = vector.broadcast %parallel_loop3A_906 : i32 to vector<16xi32>
      %parallel_loop3A_908 = arith.andi %parallel_loop3A_905, %parallel_loop3A_907 : vector<16xi32>
      %parallel_loop3A_909 = arith.addi %parallel_loop3A_908, %iota3A : vector<16xi32>
      tpu.vector_store_idx %arg5[%parallel_loop3A_909], %broadcast_in_dim3A_3 {add = true} : memref<256xf32, #tpu.memory_space<vmem>>[vector<16xi32>], vector<16xf32>,
    } {sc.loop_unroll_factor = 16 : i64, sc.parallel_access}
    %add3A_213 = arith.constant 0 : i32
    %add3A_214 = arith.addi %mul3A_2, %add3A_213 : i32
    %dma_start3A_215 = arith.constant 1 : i32
    %dma_start3A_216 = arith.constant 0 : i32
    %dma_start3A_217 = arith.constant 0 : i32
    %dma_start3A_218 = tpu.memref_slice %arg4[%dma_start3A_215, %dma_start3A_216, %dma_start3A_217] : memref<2x64x512xf32, #tpu.memory_space<vmem>> -> memref<1x64x512xf32, #tpu.memory_space<vmem>>
    %dma_start3A_219 = tpu.memref_squeeze %dma_start3A_218 : memref<1x64x512xf32, #tpu.memory_space<vmem>> -> memref<64x512xf32, #tpu.memory_space<vmem>>
    %dma_start3A_220 = arith.constant 320 : i32
    %dma_start3A_221 = arith.constant 0 : i32
    %dma_start3A_222 = tpu.memref_slice %arg2[%add3A_214, %dma_start3A_220, %dma_start3A_221] : memref<96x512x512xf32, #tpu.memory_space<hbm>> -> memref<1x64x512xf32, #tpu.memory_space<hbm>>
    %dma_start3A_223 = tpu.memref_squeeze %dma_start3A_222 : memref<1x64x512xf32, #tpu.memory_space<hbm>> -> memref<64x512xf32, #tpu.memory_space<hbm>>
    %dma_start3A_224 = arith.constant 0 : i32
    %dma_start3A_225 = arith.constant 0 : i32
    %dma_start3A_226 = tpu.memref_slice %arg4[%dma_start3A_215, %dma_start3A_224, %dma_start3A_225] : memref<2x64x512xf32, #tpu.memory_space<vmem>> -> memref<1x64x512xf32, #tpu.memory_space<vmem>>
    %dma_start3A_227 = tpu.memref_squeeze %dma_start3A_226 : memref<1x64x512xf32, #tpu.memory_space<vmem>> -> memref<64x512xf32, #tpu.memory_space<vmem>>
    %dma_start3A_228 = arith.constant 320 : i32
    %dma_start3A_229 = arith.constant 0 : i32
    %dma_start3A_230 = tpu.memref_slice %arg2[%add3A_214, %dma_start3A_228, %dma_start3A_229] : memref<96x512x512xf32, #tpu.memory_space<hbm>> -> memref<1x64x512xf32, #tpu.memory_space<hbm>>
    %dma_start3A_231 = tpu.memref_squeeze %dma_start3A_230 : memref<1x64x512xf32, #tpu.memory_space<hbm>> -> memref<64x512xf32, #tpu.memory_space<hbm>>
    tpu.enqueue_dma source(%dma_start3A_231 : memref<64x512xf32, #tpu.memory_space<hbm>>) target(%dma_start3A_227 : memref<64x512xf32, #tpu.memory_space<vmem>>) target_semaphore(%arg8 : memref<!tpu.dma_semaphore, #tpu.memory_space<semaphore_mem>>)
    %dma_wait3A_232 = arith.constant 0 : i32
    %dma_wait3A_233 = arith.constant 0 : i32
    %dma_wait3A_234 = arith.constant 0 : i32
    %dma_wait3A_235 = tpu.memref_slice %arg4[%dma_wait3A_232, %dma_wait3A_233, %dma_wait3A_234] : memref<2x64x512xf32, #tpu.memory_space<vmem>> -> memref<1x64x512xf32, #tpu.memory_space<vmem>>
    %dma_wait3A_236 = tpu.memref_squeeze %dma_wait3A_235 : memref<1x64x512xf32, #tpu.memory_space<vmem>> -> memref<64x512xf32, #tpu.memory_space<vmem>>
    %dma_wait3A_237 = arith.constant 256 : i32
    %dma_wait3A_238 = arith.constant 0 : i32
    %dma_wait3A_239 = tpu.memref_slice %arg2[%add3A_174, %dma_wait3A_237, %dma_wait3A_238] : memref<96x512x512xf32, #tpu.memory_space<hbm>> -> memref<1x64x512xf32, #tpu.memory_space<hbm>>
    %dma_wait3A_240 = tpu.memref_squeeze %dma_wait3A_239 : memref<1x64x512xf32, #tpu.memory_space<hbm>> -> memref<64x512xf32, #tpu.memory_space<hbm>>
    %dma_wait3A_241 = arith.constant 0 : i32
    %dma_wait3A_242 = arith.constant 0 : i32
    %dma_wait3A_243 = tpu.memref_slice %arg4[%dma_wait3A_232, %dma_wait3A_241, %dma_wait3A_242] : memref<2x64x512xf32, #tpu.memory_space<vmem>> -> memref<1x64x512xf32, #tpu.memory_space<vmem>>
    %dma_wait3A_244 = tpu.memref_squeeze %dma_wait3A_243 : memref<1x64x512xf32, #tpu.memory_space<vmem>> -> memref<64x512xf32, #tpu.memory_space<vmem>>
    %dma_wait3A_245 = arith.constant 256 : i32
    %dma_wait3A_246 = arith.constant 0 : i32
    %dma_wait3A_247 = tpu.memref_slice %arg2[%add3A_174, %dma_wait3A_245, %dma_wait3A_246] : memref<96x512x512xf32, #tpu.memory_space<hbm>> -> memref<1x64x512xf32, #tpu.memory_space<hbm>>
    %dma_wait3A_248 = tpu.memref_squeeze %dma_wait3A_247 : memref<1x64x512xf32, #tpu.memory_space<hbm>> -> memref<64x512xf32, #tpu.memory_space<hbm>>
    tpu.wait_dma2 semaphore(%arg7 : memref<!tpu.dma_semaphore, #tpu.memory_space<semaphore_mem>>) src(%dma_wait3A_248 : memref<64x512xf32, #tpu.memory_space<hbm>>) dst(%dma_wait3A_244 : memref<64x512xf32, #tpu.memory_space<vmem>>)
    %parallel_loop3A_249 = arith.constant 0 : i32
    %parallel_loop3A_250 = arith.constant 2048 : i32
    %parallel_loop3A_251 = arith.constant 1 : i32
    %parallel_loop3A_252 = arith.constant 0 : i32
    scf.for %parallel_loop3A_885 = %parallel_loop3A_249 to %parallel_loop3A_250 step %parallel_loop3A_251  : i32 {
      %parallel_loop3A_886 = arith.constant 5 : i32
      %parallel_loop3A_887 = arith.shrui %parallel_loop3A_885, %parallel_loop3A_886 : i32
      %parallel_loop3A_888 = arith.constant 31 : i32
      %parallel_loop3A_889 = arith.andi %parallel_loop3A_885, %parallel_loop3A_888 : i32
      %parallel_loop3A_890 = arith.constant 4 : i32
      %parallel_loop3A_891 = arith.shli %parallel_loop3A_889, %parallel_loop3A_890 : i32
      %parallel_loop3A_892 = arith.constant 0 : i32
      %parallel_loop3A_893 = arith.constant 0 : i32
      %parallel_loop3A_894 = tpu.memref_slice %arg4[%parallel_loop3A_252, %parallel_loop3A_892, %parallel_loop3A_893] : memref<2x64x512xf32, #tpu.memory_space<vmem>> -> memref<1x64x512xf32, #tpu.memory_space<vmem>>
      %parallel_loop3A_895 = tpu.memref_squeeze %parallel_loop3A_894 : memref<1x64x512xf32, #tpu.memory_space<vmem>> -> memref<64x512xf32, #tpu.memory_space<vmem>>
      %parallel_loop3A_896 = arith.index_cast %parallel_loop3A_887 : i32 to index
      %parallel_loop3A_897 = arith.index_cast %parallel_loop3A_891 : i32 to index
      %parallel_loop3A_898 = tpu.vector_load %parallel_loop3A_895[%parallel_loop3A_896, %parallel_loop3A_897] {strides = array<i32>} : memref<64x512xf32, #tpu.memory_space<vmem>>, vector<16xf32>,
      %parallel_loop3A_899 = arith.constant 1.000000e+00 : f32
      %parallel_loop3A_900 = vector.broadcast %parallel_loop3A_899 : f32 to vector<16xf32>
      %parallel_loop3A_901 = arith.addf %parallel_loop3A_898, %parallel_loop3A_900 : vector<16xf32>
      %parallel_loop3A_902 = vector.bitcast %parallel_loop3A_901 : vector<16xf32> to vector<16xi32>
      %parallel_loop3A_903 = arith.constant 15 : i32
      %parallel_loop3A_904 = vector.broadcast %parallel_loop3A_903 : i32 to vector<16xi32>
      %parallel_loop3A_905 = arith.shrui %parallel_loop3A_902, %parallel_loop3A_904 : vector<16xi32>
      %parallel_loop3A_906 = arith.constant 240 : i32
      %parallel_loop3A_907 = vector.broadcast %parallel_loop3A_906 : i32 to vector<16xi32>
      %parallel_loop3A_908 = arith.andi %parallel_loop3A_905, %parallel_loop3A_907 : vector<16xi32>
      %parallel_loop3A_909 = arith.addi %parallel_loop3A_908, %iota3A : vector<16xi32>
      tpu.vector_store_idx %arg5[%parallel_loop3A_909], %broadcast_in_dim3A_3 {add = true} : memref<256xf32, #tpu.memory_space<vmem>>[vector<16xi32>], vector<16xf32>,
    } {sc.loop_unroll_factor = 16 : i64, sc.parallel_access}
    %add3A_253 = arith.constant 0 : i32
    %add3A_254 = arith.addi %mul3A_2, %add3A_253 : i32
    %dma_start3A_255 = arith.constant 0 : i32
    %dma_start3A_256 = arith.constant 0 : i32
    %dma_start3A_257 = arith.constant 0 : i32
    %dma_start3A_258 = tpu.memref_slice %arg4[%dma_start3A_255, %dma_start3A_256, %dma_start3A_257] : memref<2x64x512xf32, #tpu.memory_space<vmem>> -> memref<1x64x512xf32, #tpu.memory_space<vmem>>
    %dma_start3A_259 = tpu.memref_squeeze %dma_start3A_258 : memref<1x64x512xf32, #tpu.memory_space<vmem>> -> memref<64x512xf32, #tpu.memory_space<vmem>>
    %dma_start3A_260 = arith.constant 384 : i32
    %dma_start3A_261 = arith.constant 0 : i32
    %dma_start3A_262 = tpu.memref_slice %arg2[%add3A_254, %dma_start3A_260, %dma_start3A_261] : memref<96x512x512xf32, #tpu.memory_space<hbm>> -> memref<1x64x512xf32, #tpu.memory_space<hbm>>
    %dma_start3A_263 = tpu.memref_squeeze %dma_start3A_262 : memref<1x64x512xf32, #tpu.memory_space<hbm>> -> memref<64x512xf32, #tpu.memory_space<hbm>>
    %dma_start3A_264 = arith.constant 0 : i32
    %dma_start3A_265 = arith.constant 0 : i32
    %dma_start3A_266 = tpu.memref_slice %arg4[%dma_start3A_255, %dma_start3A_264, %dma_start3A_265] : memref<2x64x512xf32, #tpu.memory_space<vmem>> -> memref<1x64x512xf32, #tpu.memory_space<vmem>>
    %dma_start3A_267 = tpu.memref_squeeze %dma_start3A_266 : memref<1x64x512xf32, #tpu.memory_space<vmem>> -> memref<64x512xf32, #tpu.memory_space<vmem>>
    %dma_start3A_268 = arith.constant 384 : i32
    %dma_start3A_269 = arith.constant 0 : i32
    %dma_start3A_270 = tpu.memref_slice %arg2[%add3A_254, %dma_start3A_268, %dma_start3A_269] : memref<96x512x512xf32, #tpu.memory_space<hbm>> -> memref<1x64x512xf32, #tpu.memory_space<hbm>>
    %dma_start3A_271 = tpu.memref_squeeze %dma_start3A_270 : memref<1x64x512xf32, #tpu.memory_space<hbm>> -> memref<64x512xf32, #tpu.memory_space<hbm>>
    tpu.enqueue_dma source(%dma_start3A_271 : memref<64x512xf32, #tpu.memory_space<hbm>>) target(%dma_start3A_267 : memref<64x512xf32, #tpu.memory_space<vmem>>) target_semaphore(%arg7 : memref<!tpu.dma_semaphore, #tpu.memory_space<semaphore_mem>>)
    %dma_wait3A_272 = arith.constant 1 : i32
    %dma_wait3A_273 = arith.constant 0 : i32
    %dma_wait3A_274 = arith.constant 0 : i32
    %dma_wait3A_275 = tpu.memref_slice %arg4[%dma_wait3A_272, %dma_wait3A_273, %dma_wait3A_274] : memref<2x64x512xf32, #tpu.memory_space<vmem>> -> memref<1x64x512xf32, #tpu.memory_space<vmem>>
    %dma_wait3A_276 = tpu.memref_squeeze %dma_wait3A_275 : memref<1x64x512xf32, #tpu.memory_space<vmem>> -> memref<64x512xf32, #tpu.memory_space<vmem>>
    %dma_wait3A_277 = arith.constant 320 : i32
    %dma_wait3A_278 = arith.constant 0 : i32
    %dma_wait3A_279 = tpu.memref_slice %arg2[%add3A_214, %dma_wait3A_277, %dma_wait3A_278] : memref<96x512x512xf32, #tpu.memory_space<hbm>> -> memref<1x64x512xf32, #tpu.memory_space<hbm>>
    %dma_wait3A_280 = tpu.memref_squeeze %dma_wait3A_279 : memref<1x64x512xf32, #tpu.memory_space<hbm>> -> memref<64x512xf32, #tpu.memory_space<hbm>>
    %dma_wait3A_281 = arith.constant 0 : i32
    %dma_wait3A_282 = arith.constant 0 : i32
    %dma_wait3A_283 = tpu.memref_slice %arg4[%dma_wait3A_272, %dma_wait3A_281, %dma_wait3A_282] : memref<2x64x512xf32, #tpu.memory_space<vmem>> -> memref<1x64x512xf32, #tpu.memory_space<vmem>>
    %dma_wait3A_284 = tpu.memref_squeeze %dma_wait3A_283 : memref<1x64x512xf32, #tpu.memory_space<vmem>> -> memref<64x512xf32, #tpu.memory_space<vmem>>
    %dma_wait3A_285 = arith.constant 320 : i32
    %dma_wait3A_286 = arith.constant 0 : i32
    %dma_wait3A_287 = tpu.memref_slice %arg2[%add3A_214, %dma_wait3A_285, %dma_wait3A_286] : memref<96x512x512xf32, #tpu.memory_space<hbm>> -> memref<1x64x512xf32, #tpu.memory_space<hbm>>
    %dma_wait3A_288 = tpu.memref_squeeze %dma_wait3A_287 : memref<1x64x512xf32, #tpu.memory_space<hbm>> -> memref<64x512xf32, #tpu.memory_space<hbm>>
    tpu.wait_dma2 semaphore(%arg8 : memref<!tpu.dma_semaphore, #tpu.memory_space<semaphore_mem>>) src(%dma_wait3A_288 : memref<64x512xf32, #tpu.memory_space<hbm>>) dst(%dma_wait3A_284 : memref<64x512xf32, #tpu.memory_space<vmem>>)
    %parallel_loop3A_289 = arith.constant 0 : i32
    %parallel_loop3A_290 = arith.constant 2048 : i32
    %parallel_loop3A_291 = arith.constant 1 : i32
    %parallel_loop3A_292 = arith.constant 1 : i32
    scf.for %parallel_loop3A_885 = %parallel_loop3A_289 to %parallel_loop3A_290 step %parallel_loop3A_291  : i32 {
      %parallel_loop3A_886 = arith.constant 5 : i32
      %parallel_loop3A_887 = arith.shrui %parallel_loop3A_885, %parallel_loop3A_886 : i32
      %parallel_loop3A_888 = arith.constant 31 : i32
      %parallel_loop3A_889 = arith.andi %parallel_loop3A_885, %parallel_loop3A_888 : i32
      %parallel_loop3A_890 = arith.constant 4 : i32
      %parallel_loop3A_891 = arith.shli %parallel_loop3A_889, %parallel_loop3A_890 : i32
      %parallel_loop3A_892 = arith.constant 0 : i32
      %parallel_loop3A_893 = arith.constant 0 : i32
      %parallel_loop3A_894 = tpu.memref_slice %arg4[%parallel_loop3A_292, %parallel_loop3A_892, %parallel_loop3A_893] : memref<2x64x512xf32, #tpu.memory_space<vmem>> -> memref<1x64x512xf32, #tpu.memory_space<vmem>>
      %parallel_loop3A_895 = tpu.memref_squeeze %parallel_loop3A_894 : memref<1x64x512xf32, #tpu.memory_space<vmem>> -> memref<64x512xf32, #tpu.memory_space<vmem>>
      %parallel_loop3A_896 = arith.index_cast %parallel_loop3A_887 : i32 to index
      %parallel_loop3A_897 = arith.index_cast %parallel_loop3A_891 : i32 to index
      %parallel_loop3A_898 = tpu.vector_load %parallel_loop3A_895[%parallel_loop3A_896, %parallel_loop3A_897] {strides = array<i32>} : memref<64x512xf32, #tpu.memory_space<vmem>>, vector<16xf32>,
      %parallel_loop3A_899 = arith.constant 1.000000e+00 : f32
      %parallel_loop3A_900 = vector.broadcast %parallel_loop3A_899 : f32 to vector<16xf32>
      %parallel_loop3A_901 = arith.addf %parallel_loop3A_898, %parallel_loop3A_900 : vector<16xf32>
      %parallel_loop3A_902 = vector.bitcast %parallel_loop3A_901 : vector<16xf32> to vector<16xi32>
      %parallel_loop3A_903 = arith.constant 15 : i32
      %parallel_loop3A_904 = vector.broadcast %parallel_loop3A_903 : i32 to vector<16xi32>
      %parallel_loop3A_905 = arith.shrui %parallel_loop3A_902, %parallel_loop3A_904 : vector<16xi32>
      %parallel_loop3A_906 = arith.constant 240 : i32
      %parallel_loop3A_907 = vector.broadcast %parallel_loop3A_906 : i32 to vector<16xi32>
      %parallel_loop3A_908 = arith.andi %parallel_loop3A_905, %parallel_loop3A_907 : vector<16xi32>
      %parallel_loop3A_909 = arith.addi %parallel_loop3A_908, %iota3A : vector<16xi32>
      tpu.vector_store_idx %arg5[%parallel_loop3A_909], %broadcast_in_dim3A_3 {add = true} : memref<256xf32, #tpu.memory_space<vmem>>[vector<16xi32>], vector<16xf32>,
    } {sc.loop_unroll_factor = 16 : i64, sc.parallel_access}
    %add3A_293 = arith.constant 0 : i32
    %add3A_294 = arith.addi %mul3A_2, %add3A_293 : i32
    %dma_start3A_295 = arith.constant 1 : i32
    %dma_start3A_296 = arith.constant 0 : i32
    %dma_start3A_297 = arith.constant 0 : i32
    %dma_start3A_298 = tpu.memref_slice %arg4[%dma_start3A_295, %dma_start3A_296, %dma_start3A_297] : memref<2x64x512xf32, #tpu.memory_space<vmem>> -> memref<1x64x512xf32, #tpu.memory_space<vmem>>
    %dma_start3A_299 = tpu.memref_squeeze %dma_start3A_298 : memref<1x64x512xf32, #tpu.memory_space<vmem>> -> memref<64x512xf32, #tpu.memory_space<vmem>>
    %dma_start3A_300 = arith.constant 448 : i32
    %dma_start3A_301 = arith.constant 0 : i32
    %dma_start3A_302 = tpu.memref_slice %arg2[%add3A_294, %dma_start3A_300, %dma_start3A_301] : memref<96x512x512xf32, #tpu.memory_space<hbm>> -> memref<1x64x512xf32, #tpu.memory_space<hbm>>
    %dma_start3A_303 = tpu.memref_squeeze %dma_start3A_302 : memref<1x64x512xf32, #tpu.memory_space<hbm>> -> memref<64x512xf32, #tpu.memory_space<hbm>>
    %dma_start3A_304 = arith.constant 0 : i32
    %dma_start3A_305 = arith.constant 0 : i32
    %dma_start3A_306 = tpu.memref_slice %arg4[%dma_start3A_295, %dma_start3A_304, %dma_start3A_305] : memref<2x64x512xf32, #tpu.memory_space<vmem>> -> memref<1x64x512xf32, #tpu.memory_space<vmem>>
    %dma_start3A_307 = tpu.memref_squeeze %dma_start3A_306 : memref<1x64x512xf32, #tpu.memory_space<vmem>> -> memref<64x512xf32, #tpu.memory_space<vmem>>
    %dma_start3A_308 = arith.constant 448 : i32
    %dma_start3A_309 = arith.constant 0 : i32
    %dma_start3A_310 = tpu.memref_slice %arg2[%add3A_294, %dma_start3A_308, %dma_start3A_309] : memref<96x512x512xf32, #tpu.memory_space<hbm>> -> memref<1x64x512xf32, #tpu.memory_space<hbm>>
    %dma_start3A_311 = tpu.memref_squeeze %dma_start3A_310 : memref<1x64x512xf32, #tpu.memory_space<hbm>> -> memref<64x512xf32, #tpu.memory_space<hbm>>
    tpu.enqueue_dma source(%dma_start3A_311 : memref<64x512xf32, #tpu.memory_space<hbm>>) target(%dma_start3A_307 : memref<64x512xf32, #tpu.memory_space<vmem>>) target_semaphore(%arg8 : memref<!tpu.dma_semaphore, #tpu.memory_space<semaphore_mem>>)
    %dma_wait3A_312 = arith.constant 0 : i32
    %dma_wait3A_313 = arith.constant 0 : i32
    %dma_wait3A_314 = arith.constant 0 : i32
    %dma_wait3A_315 = tpu.memref_slice %arg4[%dma_wait3A_312, %dma_wait3A_313, %dma_wait3A_314] : memref<2x64x512xf32, #tpu.memory_space<vmem>> -> memref<1x64x512xf32, #tpu.memory_space<vmem>>
    %dma_wait3A_316 = tpu.memref_squeeze %dma_wait3A_315 : memref<1x64x512xf32, #tpu.memory_space<vmem>> -> memref<64x512xf32, #tpu.memory_space<vmem>>
    %dma_wait3A_317 = arith.constant 384 : i32
    %dma_wait3A_318 = arith.constant 0 : i32
    %dma_wait3A_319 = tpu.memref_slice %arg2[%add3A_254, %dma_wait3A_317, %dma_wait3A_318] : memref<96x512x512xf32, #tpu.memory_space<hbm>> -> memref<1x64x512xf32, #tpu.memory_space<hbm>>
    %dma_wait3A_320 = tpu.memref_squeeze %dma_wait3A_319 : memref<1x64x512xf32, #tpu.memory_space<hbm>> -> memref<64x512xf32, #tpu.memory_space<hbm>>
    %dma_wait3A_321 = arith.constant 0 : i32
    %dma_wait3A_322 = arith.constant 0 : i32
    %dma_wait3A_323 = tpu.memref_slice %arg4[%dma_wait3A_312, %dma_wait3A_321, %dma_wait3A_322] : memref<2x64x512xf32, #tpu.memory_space<vmem>> -> memref<1x64x512xf32, #tpu.memory_space<vmem>>
    %dma_wait3A_324 = tpu.memref_squeeze %dma_wait3A_323 : memref<1x64x512xf32, #tpu.memory_space<vmem>> -> memref<64x512xf32, #tpu.memory_space<vmem>>
    %dma_wait3A_325 = arith.constant 384 : i32
    %dma_wait3A_326 = arith.constant 0 : i32
    %dma_wait3A_327 = tpu.memref_slice %arg2[%add3A_254, %dma_wait3A_325, %dma_wait3A_326] : memref<96x512x512xf32, #tpu.memory_space<hbm>> -> memref<1x64x512xf32, #tpu.memory_space<hbm>>
    %dma_wait3A_328 = tpu.memref_squeeze %dma_wait3A_327 : memref<1x64x512xf32, #tpu.memory_space<hbm>> -> memref<64x512xf32, #tpu.memory_space<hbm>>
    tpu.wait_dma2 semaphore(%arg7 : memref<!tpu.dma_semaphore, #tpu.memory_space<semaphore_mem>>) src(%dma_wait3A_328 : memref<64x512xf32, #tpu.memory_space<hbm>>) dst(%dma_wait3A_324 : memref<64x512xf32, #tpu.memory_space<vmem>>)
    %parallel_loop3A_329 = arith.constant 0 : i32
    %parallel_loop3A_330 = arith.constant 2048 : i32
    %parallel_loop3A_331 = arith.constant 1 : i32
    %parallel_loop3A_332 = arith.constant 0 : i32
    scf.for %parallel_loop3A_885 = %parallel_loop3A_329 to %parallel_loop3A_330 step %parallel_loop3A_331  : i32 {
      %parallel_loop3A_886 = arith.constant 5 : i32
      %parallel_loop3A_887 = arith.shrui %parallel_loop3A_885, %parallel_loop3A_886 : i32
      %parallel_loop3A_888 = arith.constant 31 : i32
      %parallel_loop3A_889 = arith.andi %parallel_loop3A_885, %parallel_loop3A_888 : i32
      %parallel_loop3A_890 = arith.constant 4 : i32
      %parallel_loop3A_891 = arith.shli %parallel_loop3A_889, %parallel_loop3A_890 : i32
      %parallel_loop3A_892 = arith.constant 0 : i32
      %parallel_loop3A_893 = arith.constant 0 : i32
      %parallel_loop3A_894 = tpu.memref_slice %arg4[%parallel_loop3A_332, %parallel_loop3A_892, %parallel_loop3A_893] : memref<2x64x512xf32, #tpu.memory_space<vmem>> -> memref<1x64x512xf32, #tpu.memory_space<vmem>>
      %parallel_loop3A_895 = tpu.memref_squeeze %parallel_loop3A_894 : memref<1x64x512xf32, #tpu.memory_space<vmem>> -> memref<64x512xf32, #tpu.memory_space<vmem>>
      %parallel_loop3A_896 = arith.index_cast %parallel_loop3A_887 : i32 to index
      %parallel_loop3A_897 = arith.index_cast %parallel_loop3A_891 : i32 to index
      %parallel_loop3A_898 = tpu.vector_load %parallel_loop3A_895[%parallel_loop3A_896, %parallel_loop3A_897] {strides = array<i32>} : memref<64x512xf32, #tpu.memory_space<vmem>>, vector<16xf32>,
      %parallel_loop3A_899 = arith.constant 1.000000e+00 : f32
      %parallel_loop3A_900 = vector.broadcast %parallel_loop3A_899 : f32 to vector<16xf32>
      %parallel_loop3A_901 = arith.addf %parallel_loop3A_898, %parallel_loop3A_900 : vector<16xf32>
      %parallel_loop3A_902 = vector.bitcast %parallel_loop3A_901 : vector<16xf32> to vector<16xi32>
      %parallel_loop3A_903 = arith.constant 15 : i32
      %parallel_loop3A_904 = vector.broadcast %parallel_loop3A_903 : i32 to vector<16xi32>
      %parallel_loop3A_905 = arith.shrui %parallel_loop3A_902, %parallel_loop3A_904 : vector<16xi32>
      %parallel_loop3A_906 = arith.constant 240 : i32
      %parallel_loop3A_907 = vector.broadcast %parallel_loop3A_906 : i32 to vector<16xi32>
      %parallel_loop3A_908 = arith.andi %parallel_loop3A_905, %parallel_loop3A_907 : vector<16xi32>
      %parallel_loop3A_909 = arith.addi %parallel_loop3A_908, %iota3A : vector<16xi32>
      tpu.vector_store_idx %arg5[%parallel_loop3A_909], %broadcast_in_dim3A_3 {add = true} : memref<256xf32, #tpu.memory_space<vmem>>[vector<16xi32>], vector<16xf32>,
    } {sc.loop_unroll_factor = 16 : i64, sc.parallel_access}
    %add3A_333 = arith.constant 1 : i32
    %add3A_334 = arith.addi %mul3A_2, %add3A_333 : i32
    %dma_start3A_335 = arith.constant 0 : i32
    %dma_start3A_336 = arith.constant 0 : i32
    %dma_start3A_337 = arith.constant 0 : i32
    %dma_start3A_338 = tpu.memref_slice %arg4[%dma_start3A_335, %dma_start3A_336, %dma_start3A_337] : memref<2x64x512xf32, #tpu.memory_space<vmem>> -> memref<1x64x512xf32, #tpu.memory_space<vmem>>
    %dma_start3A_339 = tpu.memref_squeeze %dma_start3A_338 : memref<1x64x512xf32, #tpu.memory_space<vmem>> -> memref<64x512xf32, #tpu.memory_space<vmem>>
    %dma_start3A_340 = arith.constant 0 : i32
    %dma_start3A_341 = arith.constant 0 : i32
    %dma_start3A_342 = tpu.memref_slice %arg2[%add3A_334, %dma_start3A_340, %dma_start3A_341] : memref<96x512x512xf32, #tpu.memory_space<hbm>> -> memref<1x64x512xf32, #tpu.memory_space<hbm>>
    %dma_start3A_343 = tpu.memref_squeeze %dma_start3A_342 : memref<1x64x512xf32, #tpu.memory_space<hbm>> -> memref<64x512xf32, #tpu.memory_space<hbm>>
    %dma_start3A_344 = arith.constant 0 : i32
    %dma_start3A_345 = arith.constant 0 : i32
    %dma_start3A_346 = tpu.memref_slice %arg4[%dma_start3A_335, %dma_start3A_344, %dma_start3A_345] : memref<2x64x512xf32, #tpu.memory_space<vmem>> -> memref<1x64x512xf32, #tpu.memory_space<vmem>>
    %dma_start3A_347 = tpu.memref_squeeze %dma_start3A_346 : memref<1x64x512xf32, #tpu.memory_space<vmem>> -> memref<64x512xf32, #tpu.memory_space<vmem>>
    %dma_start3A_348 = arith.constant 0 : i32
    %dma_start3A_349 = arith.constant 0 : i32
    %dma_start3A_350 = tpu.memref_slice %arg2[%add3A_334, %dma_start3A_348, %dma_start3A_349] : memref<96x512x512xf32, #tpu.memory_space<hbm>> -> memref<1x64x512xf32, #tpu.memory_space<hbm>>
    %dma_start3A_351 = tpu.memref_squeeze %dma_start3A_350 : memref<1x64x512xf32, #tpu.memory_space<hbm>> -> memref<64x512xf32, #tpu.memory_space<hbm>>
    tpu.enqueue_dma source(%dma_start3A_351 : memref<64x512xf32, #tpu.memory_space<hbm>>) target(%dma_start3A_347 : memref<64x512xf32, #tpu.memory_space<vmem>>) target_semaphore(%arg7 : memref<!tpu.dma_semaphore, #tpu.memory_space<semaphore_mem>>)
    %dma_wait3A_352 = arith.constant 1 : i32
    %dma_wait3A_353 = arith.constant 0 : i32
    %dma_wait3A_354 = arith.constant 0 : i32
    %dma_wait3A_355 = tpu.memref_slice %arg4[%dma_wait3A_352, %dma_wait3A_353, %dma_wait3A_354] : memref<2x64x512xf32, #tpu.memory_space<vmem>> -> memref<1x64x512xf32, #tpu.memory_space<vmem>>
    %dma_wait3A_356 = tpu.memref_squeeze %dma_wait3A_355 : memref<1x64x512xf32, #tpu.memory_space<vmem>> -> memref<64x512xf32, #tpu.memory_space<vmem>>
    %dma_wait3A_357 = arith.constant 448 : i32
    %dma_wait3A_358 = arith.constant 0 : i32
    %dma_wait3A_359 = tpu.memref_slice %arg2[%add3A_294, %dma_wait3A_357, %dma_wait3A_358] : memref<96x512x512xf32, #tpu.memory_space<hbm>> -> memref<1x64x512xf32, #tpu.memory_space<hbm>>
    %dma_wait3A_360 = tpu.memref_squeeze %dma_wait3A_359 : memref<1x64x512xf32, #tpu.memory_space<hbm>> -> memref<64x512xf32, #tpu.memory_space<hbm>>
    %dma_wait3A_361 = arith.constant 0 : i32
    %dma_wait3A_362 = arith.constant 0 : i32
    %dma_wait3A_363 = tpu.memref_slice %arg4[%dma_wait3A_352, %dma_wait3A_361, %dma_wait3A_362] : memref<2x64x512xf32, #tpu.memory_space<vmem>> -> memref<1x64x512xf32, #tpu.memory_space<vmem>>
    %dma_wait3A_364 = tpu.memref_squeeze %dma_wait3A_363 : memref<1x64x512xf32, #tpu.memory_space<vmem>> -> memref<64x512xf32, #tpu.memory_space<vmem>>
    %dma_wait3A_365 = arith.constant 448 : i32
    %dma_wait3A_366 = arith.constant 0 : i32
    %dma_wait3A_367 = tpu.memref_slice %arg2[%add3A_294, %dma_wait3A_365, %dma_wait3A_366] : memref<96x512x512xf32, #tpu.memory_space<hbm>> -> memref<1x64x512xf32, #tpu.memory_space<hbm>>
    %dma_wait3A_368 = tpu.memref_squeeze %dma_wait3A_367 : memref<1x64x512xf32, #tpu.memory_space<hbm>> -> memref<64x512xf32, #tpu.memory_space<hbm>>
    tpu.wait_dma2 semaphore(%arg8 : memref<!tpu.dma_semaphore, #tpu.memory_space<semaphore_mem>>) src(%dma_wait3A_368 : memref<64x512xf32, #tpu.memory_space<hbm>>) dst(%dma_wait3A_364 : memref<64x512xf32, #tpu.memory_space<vmem>>)
    %parallel_loop3A_369 = arith.constant 0 : i32
    %parallel_loop3A_370 = arith.constant 2048 : i32
    %parallel_loop3A_371 = arith.constant 1 : i32
    %parallel_loop3A_372 = arith.constant 1 : i32
    scf.for %parallel_loop3A_885 = %parallel_loop3A_369 to %parallel_loop3A_370 step %parallel_loop3A_371  : i32 {
      %parallel_loop3A_886 = arith.constant 5 : i32
      %parallel_loop3A_887 = arith.shrui %parallel_loop3A_885, %parallel_loop3A_886 : i32
      %parallel_loop3A_888 = arith.constant 31 : i32
      %parallel_loop3A_889 = arith.andi %parallel_loop3A_885, %parallel_loop3A_888 : i32
      %parallel_loop3A_890 = arith.constant 4 : i32
      %parallel_loop3A_891 = arith.shli %parallel_loop3A_889, %parallel_loop3A_890 : i32
      %parallel_loop3A_892 = arith.constant 0 : i32
      %parallel_loop3A_893 = arith.constant 0 : i32
      %parallel_loop3A_894 = tpu.memref_slice %arg4[%parallel_loop3A_372, %parallel_loop3A_892, %parallel_loop3A_893] : memref<2x64x512xf32, #tpu.memory_space<vmem>> -> memref<1x64x512xf32, #tpu.memory_space<vmem>>
      %parallel_loop3A_895 = tpu.memref_squeeze %parallel_loop3A_894 : memref<1x64x512xf32, #tpu.memory_space<vmem>> -> memref<64x512xf32, #tpu.memory_space<vmem>>
      %parallel_loop3A_896 = arith.index_cast %parallel_loop3A_887 : i32 to index
      %parallel_loop3A_897 = arith.index_cast %parallel_loop3A_891 : i32 to index
      %parallel_loop3A_898 = tpu.vector_load %parallel_loop3A_895[%parallel_loop3A_896, %parallel_loop3A_897] {strides = array<i32>} : memref<64x512xf32, #tpu.memory_space<vmem>>, vector<16xf32>,
      %parallel_loop3A_899 = arith.constant 1.000000e+00 : f32
      %parallel_loop3A_900 = vector.broadcast %parallel_loop3A_899 : f32 to vector<16xf32>
      %parallel_loop3A_901 = arith.addf %parallel_loop3A_898, %parallel_loop3A_900 : vector<16xf32>
      %parallel_loop3A_902 = vector.bitcast %parallel_loop3A_901 : vector<16xf32> to vector<16xi32>
      %parallel_loop3A_903 = arith.constant 15 : i32
      %parallel_loop3A_904 = vector.broadcast %parallel_loop3A_903 : i32 to vector<16xi32>
      %parallel_loop3A_905 = arith.shrui %parallel_loop3A_902, %parallel_loop3A_904 : vector<16xi32>
      %parallel_loop3A_906 = arith.constant 240 : i32
      %parallel_loop3A_907 = vector.broadcast %parallel_loop3A_906 : i32 to vector<16xi32>
      %parallel_loop3A_908 = arith.andi %parallel_loop3A_905, %parallel_loop3A_907 : vector<16xi32>
      %parallel_loop3A_909 = arith.addi %parallel_loop3A_908, %iota3A : vector<16xi32>
      tpu.vector_store_idx %arg5[%parallel_loop3A_909], %broadcast_in_dim3A_3 {add = true} : memref<256xf32, #tpu.memory_space<vmem>>[vector<16xi32>], vector<16xf32>,
    } {sc.loop_unroll_factor = 16 : i64, sc.parallel_access}
    %mul3A_373 = arith.constant 16 : i32
    %mul3A_374 = vector.broadcast %mul3A_373 : i32 to vector<16xi32>
    %mul3A_375 = arith.muli %iota3A, %mul3A_374 : vector<16xi32>
    %add3A_376 = arith.constant 0 : i32
    %add3A_377 = vector.broadcast %add3A_376 : i32 to vector<16xi32>
    %add3A_378 = arith.addi %mul3A_375, %add3A_377 : vector<16xi32>
    %gather3A = tpu.vector_load_idx %arg5[%add3A_378] : memref<256xf32, #tpu.memory_space<vmem>>[vector<16xi32>], vector<16xf32>,
    %add3A_379 = arith.addf %broadcast_in_dim3A_5, %gather3A : vector<16xf32>
    %add3A_380 = arith.constant 1 : i32
    %add3A_381 = vector.broadcast %add3A_380 : i32 to vector<16xi32>
    %add3A_382 = arith.addi %mul3A_375, %add3A_381 : vector<16xi32>
    %gather3A_383 = tpu.vector_load_idx %arg5[%add3A_382] : memref<256xf32, #tpu.memory_space<vmem>>[vector<16xi32>], vector<16xf32>,
    %add3A_384 = arith.addf %add3A_379, %gather3A_383 : vector<16xf32>
    %add3A_385 = arith.constant 2 : i32
    %add3A_386 = vector.broadcast %add3A_385 : i32 to vector<16xi32>
    %add3A_387 = arith.addi %mul3A_375, %add3A_386 : vector<16xi32>
    %gather3A_388 = tpu.vector_load_idx %arg5[%add3A_387] : memref<256xf32, #tpu.memory_space<vmem>>[vector<16xi32>], vector<16xf32>,
    %add3A_389 = arith.addf %add3A_384, %gather3A_388 : vector<16xf32>
    %add3A_390 = arith.constant 3 : i32
    %add3A_391 = vector.broadcast %add3A_390 : i32 to vector<16xi32>
    %add3A_392 = arith.addi %mul3A_375, %add3A_391 : vector<16xi32>
    %gather3A_393 = tpu.vector_load_idx %arg5[%add3A_392] : memref<256xf32, #tpu.memory_space<vmem>>[vector<16xi32>], vector<16xf32>,
    %add3A_394 = arith.addf %add3A_389, %gather3A_393 : vector<16xf32>
    %add3A_395 = arith.constant 4 : i32
    %add3A_396 = vector.broadcast %add3A_395 : i32 to vector<16xi32>
    %add3A_397 = arith.addi %mul3A_375, %add3A_396 : vector<16xi32>
    %gather3A_398 = tpu.vector_load_idx %arg5[%add3A_397] : memref<256xf32, #tpu.memory_space<vmem>>[vector<16xi32>], vector<16xf32>,
    %add3A_399 = arith.addf %add3A_394, %gather3A_398 : vector<16xf32>
    %add3A_400 = arith.constant 5 : i32
    %add3A_401 = vector.broadcast %add3A_400 : i32 to vector<16xi32>
    %add3A_402 = arith.addi %mul3A_375, %add3A_401 : vector<16xi32>
    %gather3A_403 = tpu.vector_load_idx %arg5[%add3A_402] : memref<256xf32, #tpu.memory_space<vmem>>[vector<16xi32>], vector<16xf32>,
    %add3A_404 = arith.addf %add3A_399, %gather3A_403 : vector<16xf32>
    %add3A_405 = arith.constant 6 : i32
    %add3A_406 = vector.broadcast %add3A_405 : i32 to vector<16xi32>
    %add3A_407 = arith.addi %mul3A_375, %add3A_406 : vector<16xi32>
    %gather3A_408 = tpu.vector_load_idx %arg5[%add3A_407] : memref<256xf32, #tpu.memory_space<vmem>>[vector<16xi32>], vector<16xf32>,
    %add3A_409 = arith.addf %add3A_404, %gather3A_408 : vector<16xf32>
    %add3A_410 = arith.constant 7 : i32
    %add3A_411 = vector.broadcast %add3A_410 : i32 to vector<16xi32>
    %add3A_412 = arith.addi %mul3A_375, %add3A_411 : vector<16xi32>
    %gather3A_413 = tpu.vector_load_idx %arg5[%add3A_412] : memref<256xf32, #tpu.memory_space<vmem>>[vector<16xi32>], vector<16xf32>,
    %add3A_414 = arith.addf %add3A_409, %gather3A_413 : vector<16xf32>
    %add3A_415 = arith.constant 8 : i32
    %add3A_416 = vector.broadcast %add3A_415 : i32 to vector<16xi32>
    %add3A_417 = arith.addi %mul3A_375, %add3A_416 : vector<16xi32>
    %gather3A_418 = tpu.vector_load_idx %arg5[%add3A_417] : memref<256xf32, #tpu.memory_space<vmem>>[vector<16xi32>], vector<16xf32>,
    %add3A_419 = arith.addf %add3A_414, %gather3A_418 : vector<16xf32>
    %add3A_420 = arith.constant 9 : i32
    %add3A_421 = vector.broadcast %add3A_420 : i32 to vector<16xi32>
    %add3A_422 = arith.addi %mul3A_375, %add3A_421 : vector<16xi32>
    %gather3A_423 = tpu.vector_load_idx %arg5[%add3A_422] : memref<256xf32, #tpu.memory_space<vmem>>[vector<16xi32>], vector<16xf32>,
    %add3A_424 = arith.addf %add3A_419, %gather3A_423 : vector<16xf32>
    %add3A_425 = arith.constant 10 : i32
    %add3A_426 = vector.broadcast %add3A_425 : i32 to vector<16xi32>
    %add3A_427 = arith.addi %mul3A_375, %add3A_426 : vector<16xi32>
    %gather3A_428 = tpu.vector_load_idx %arg5[%add3A_427] : memref<256xf32, #tpu.memory_space<vmem>>[vector<16xi32>], vector<16xf32>,
    %add3A_429 = arith.addf %add3A_424, %gather3A_428 : vector<16xf32>
    %add3A_430 = arith.constant 11 : i32
    %add3A_431 = vector.broadcast %add3A_430 : i32 to vector<16xi32>
    %add3A_432 = arith.addi %mul3A_375, %add3A_431 : vector<16xi32>
    %gather3A_433 = tpu.vector_load_idx %arg5[%add3A_432] : memref<256xf32, #tpu.memory_space<vmem>>[vector<16xi32>], vector<16xf32>,
    %add3A_434 = arith.addf %add3A_429, %gather3A_433 : vector<16xf32>
    %add3A_435 = arith.constant 12 : i32
    %add3A_436 = vector.broadcast %add3A_435 : i32 to vector<16xi32>
    %add3A_437 = arith.addi %mul3A_375, %add3A_436 : vector<16xi32>
    %gather3A_438 = tpu.vector_load_idx %arg5[%add3A_437] : memref<256xf32, #tpu.memory_space<vmem>>[vector<16xi32>], vector<16xf32>,
    %add3A_439 = arith.addf %add3A_434, %gather3A_438 : vector<16xf32>
    %add3A_440 = arith.constant 13 : i32
    %add3A_441 = vector.broadcast %add3A_440 : i32 to vector<16xi32>
    %add3A_442 = arith.addi %mul3A_375, %add3A_441 : vector<16xi32>
    %gather3A_443 = tpu.vector_load_idx %arg5[%add3A_442] : memref<256xf32, #tpu.memory_space<vmem>>[vector<16xi32>], vector<16xf32>,
    %add3A_444 = arith.addf %add3A_439, %gather3A_443 : vector<16xf32>
    %add3A_445 = arith.constant 14 : i32
    %add3A_446 = vector.broadcast %add3A_445 : i32 to vector<16xi32>
    %add3A_447 = arith.addi %mul3A_375, %add3A_446 : vector<16xi32>
    %gather3A_448 = tpu.vector_load_idx %arg5[%add3A_447] : memref<256xf32, #tpu.memory_space<vmem>>[vector<16xi32>], vector<16xf32>,
    %add3A_449 = arith.addf %add3A_444, %gather3A_448 : vector<16xf32>
    %add3A_450 = arith.constant 15 : i32
    %add3A_451 = vector.broadcast %add3A_450 : i32 to vector<16xi32>
    %add3A_452 = arith.addi %mul3A_375, %add3A_451 : vector<16xi32>
    %gather3A_453 = tpu.vector_load_idx %arg5[%add3A_452] : memref<256xf32, #tpu.memory_space<vmem>>[vector<16xi32>], vector<16xf32>,
    %add3A_454 = arith.addf %add3A_449, %gather3A_453 : vector<16xf32>
    %mul3A_455 = arith.constant 3.81469727E-6 : f32
    %mul3A_456 = vector.broadcast %mul3A_455 : f32 to vector<16xf32>
    %mul3A_457 = arith.mulf %add3A_454, %mul3A_456 : vector<16xf32>
    %swap3A_458 = arith.constant 0 : i32
    %swap3A_459 = arith.index_cast %swap3A_458 : i32 to index
    %swap3A_460 = arith.constant 0 : index
    %swap3A_461 = tpu.vector_load %arg6[%swap3A_459, %swap3A_460] {strides = array<i32>} : memref<2x16xf32, #tpu.memory_space<vmem>>, vector<16xf32>,
    tpu.vector_store %arg6[%swap3A_459, %swap3A_460], %mul3A_457 {strides = array<i32>} : memref<2x16xf32, #tpu.memory_space<vmem>>, vector<16xf32>,
    %add3A_462 = arith.constant 1 : i32
    %add3A_463 = arith.addi %mul3A_2, %add3A_462 : i32
    %dma_start3A_464 = arith.constant 1 : i32
    %dma_start3A_465 = arith.constant 0 : i32
    %dma_start3A_466 = arith.constant 0 : i32
    %dma_start3A_467 = tpu.memref_slice %arg4[%dma_start3A_464, %dma_start3A_465, %dma_start3A_466] : memref<2x64x512xf32, #tpu.memory_space<vmem>> -> memref<1x64x512xf32, #tpu.memory_space<vmem>>
    %dma_start3A_468 = tpu.memref_squeeze %dma_start3A_467 : memref<1x64x512xf32, #tpu.memory_space<vmem>> -> memref<64x512xf32, #tpu.memory_space<vmem>>
    %dma_start3A_469 = arith.constant 64 : i32
    %dma_start3A_470 = arith.constant 0 : i32
    %dma_start3A_471 = tpu.memref_slice %arg2[%add3A_463, %dma_start3A_469, %dma_start3A_470] : memref<96x512x512xf32, #tpu.memory_space<hbm>> -> memref<1x64x512xf32, #tpu.memory_space<hbm>>
    %dma_start3A_472 = tpu.memref_squeeze %dma_start3A_471 : memref<1x64x512xf32, #tpu.memory_space<hbm>> -> memref<64x512xf32, #tpu.memory_space<hbm>>
    %dma_start3A_473 = arith.constant 0 : i32
    %dma_start3A_474 = arith.constant 0 : i32
    %dma_start3A_475 = tpu.memref_slice %arg4[%dma_start3A_464, %dma_start3A_473, %dma_start3A_474] : memref<2x64x512xf32, #tpu.memory_space<vmem>> -> memref<1x64x512xf32, #tpu.memory_space<vmem>>
    %dma_start3A_476 = tpu.memref_squeeze %dma_start3A_475 : memref<1x64x512xf32, #tpu.memory_space<vmem>> -> memref<64x512xf32, #tpu.memory_space<vmem>>
    %dma_start3A_477 = arith.constant 64 : i32
    %dma_start3A_478 = arith.constant 0 : i32
    %dma_start3A_479 = tpu.memref_slice %arg2[%add3A_463, %dma_start3A_477, %dma_start3A_478] : memref<96x512x512xf32, #tpu.memory_space<hbm>> -> memref<1x64x512xf32, #tpu.memory_space<hbm>>
    %dma_start3A_480 = tpu.memref_squeeze %dma_start3A_479 : memref<1x64x512xf32, #tpu.memory_space<hbm>> -> memref<64x512xf32, #tpu.memory_space<hbm>>
    tpu.enqueue_dma source(%dma_start3A_480 : memref<64x512xf32, #tpu.memory_space<hbm>>) target(%dma_start3A_476 : memref<64x512xf32, #tpu.memory_space<vmem>>) target_semaphore(%arg8 : memref<!tpu.dma_semaphore, #tpu.memory_space<semaphore_mem>>)
    %swap3A_481 = arith.constant 0 : index
    %swap3A_482 = tpu.vector_load %arg5[%swap3A_481] {strides = array<i32>} : memref<256xf32, #tpu.memory_space<vmem>>, vector<16xf32>,
    tpu.vector_store %arg5[%swap3A_481], %broadcast_in_dim3A_5 {strides = array<i32>} : memref<256xf32, #tpu.memory_space<vmem>>, vector<16xf32>,
    %swap3A_483 = arith.constant 16 : index
    %swap3A_484 = tpu.vector_load %arg5[%swap3A_483] {strides = array<i32>} : memref<256xf32, #tpu.memory_space<vmem>>, vector<16xf32>,
    tpu.vector_store %arg5[%swap3A_483], %broadcast_in_dim3A_5 {strides = array<i32>} : memref<256xf32, #tpu.memory_space<vmem>>, vector<16xf32>,
    %swap3A_485 = arith.constant 32 : index
    %swap3A_486 = tpu.vector_load %arg5[%swap3A_485] {strides = array<i32>} : memref<256xf32, #tpu.memory_space<vmem>>, vector<16xf32>,
    tpu.vector_store %arg5[%swap3A_485], %broadcast_in_dim3A_5 {strides = array<i32>} : memref<256xf32, #tpu.memory_space<vmem>>, vector<16xf32>,
    %swap3A_487 = arith.constant 48 : index
    %swap3A_488 = tpu.vector_load %arg5[%swap3A_487] {strides = array<i32>} : memref<256xf32, #tpu.memory_space<vmem>>, vector<16xf32>,
    tpu.vector_store %arg5[%swap3A_487], %broadcast_in_dim3A_5 {strides = array<i32>} : memref<256xf32, #tpu.memory_space<vmem>>, vector<16xf32>,
    %swap3A_489 = arith.constant 64 : index
    %swap3A_490 = tpu.vector_load %arg5[%swap3A_489] {strides = array<i32>} : memref<256xf32, #tpu.memory_space<vmem>>, vector<16xf32>,
    tpu.vector_store %arg5[%swap3A_489], %broadcast_in_dim3A_5 {strides = array<i32>} : memref<256xf32, #tpu.memory_space<vmem>>, vector<16xf32>,
    %swap3A_491 = arith.constant 80 : index
    %swap3A_492 = tpu.vector_load %arg5[%swap3A_491] {strides = array<i32>} : memref<256xf32, #tpu.memory_space<vmem>>, vector<16xf32>,
    tpu.vector_store %arg5[%swap3A_491], %broadcast_in_dim3A_5 {strides = array<i32>} : memref<256xf32, #tpu.memory_space<vmem>>, vector<16xf32>,
    %swap3A_493 = arith.constant 96 : index
    %swap3A_494 = tpu.vector_load %arg5[%swap3A_493] {strides = array<i32>} : memref<256xf32, #tpu.memory_space<vmem>>, vector<16xf32>,
    tpu.vector_store %arg5[%swap3A_493], %broadcast_in_dim3A_5 {strides = array<i32>} : memref<256xf32, #tpu.memory_space<vmem>>, vector<16xf32>,
    %swap3A_495 = arith.constant 112 : index
    %swap3A_496 = tpu.vector_load %arg5[%swap3A_495] {strides = array<i32>} : memref<256xf32, #tpu.memory_space<vmem>>, vector<16xf32>,
    tpu.vector_store %arg5[%swap3A_495], %broadcast_in_dim3A_5 {strides = array<i32>} : memref<256xf32, #tpu.memory_space<vmem>>, vector<16xf32>,
    %swap3A_497 = arith.constant 128 : index
    %swap3A_498 = tpu.vector_load %arg5[%swap3A_497] {strides = array<i32>} : memref<256xf32, #tpu.memory_space<vmem>>, vector<16xf32>,
    tpu.vector_store %arg5[%swap3A_497], %broadcast_in_dim3A_5 {strides = array<i32>} : memref<256xf32, #tpu.memory_space<vmem>>, vector<16xf32>,
    %swap3A_499 = arith.constant 144 : index
    %swap3A_500 = tpu.vector_load %arg5[%swap3A_499] {strides = array<i32>} : memref<256xf32, #tpu.memory_space<vmem>>, vector<16xf32>,
    tpu.vector_store %arg5[%swap3A_499], %broadcast_in_dim3A_5 {strides = array<i32>} : memref<256xf32, #tpu.memory_space<vmem>>, vector<16xf32>,
    %swap3A_501 = arith.constant 160 : index
    %swap3A_502 = tpu.vector_load %arg5[%swap3A_501] {strides = array<i32>} : memref<256xf32, #tpu.memory_space<vmem>>, vector<16xf32>,
    tpu.vector_store %arg5[%swap3A_501], %broadcast_in_dim3A_5 {strides = array<i32>} : memref<256xf32, #tpu.memory_space<vmem>>, vector<16xf32>,
    %swap3A_503 = arith.constant 176 : index
    %swap3A_504 = tpu.vector_load %arg5[%swap3A_503] {strides = array<i32>} : memref<256xf32, #tpu.memory_space<vmem>>, vector<16xf32>,
    tpu.vector_store %arg5[%swap3A_503], %broadcast_in_dim3A_5 {strides = array<i32>} : memref<256xf32, #tpu.memory_space<vmem>>, vector<16xf32>,
    %swap3A_505 = arith.constant 192 : index
    %swap3A_506 = tpu.vector_load %arg5[%swap3A_505] {strides = array<i32>} : memref<256xf32, #tpu.memory_space<vmem>>, vector<16xf32>,
    tpu.vector_store %arg5[%swap3A_505], %broadcast_in_dim3A_5 {strides = array<i32>} : memref<256xf32, #tpu.memory_space<vmem>>, vector<16xf32>,
    %swap3A_507 = arith.constant 208 : index
    %swap3A_508 = tpu.vector_load %arg5[%swap3A_507] {strides = array<i32>} : memref<256xf32, #tpu.memory_space<vmem>>, vector<16xf32>,
    tpu.vector_store %arg5[%swap3A_507], %broadcast_in_dim3A_5 {strides = array<i32>} : memref<256xf32, #tpu.memory_space<vmem>>, vector<16xf32>,
    %swap3A_509 = arith.constant 224 : index
    %swap3A_510 = tpu.vector_load %arg5[%swap3A_509] {strides = array<i32>} : memref<256xf32, #tpu.memory_space<vmem>>, vector<16xf32>,
    tpu.vector_store %arg5[%swap3A_509], %broadcast_in_dim3A_5 {strides = array<i32>} : memref<256xf32, #tpu.memory_space<vmem>>, vector<16xf32>,
    %swap3A_511 = arith.constant 240 : index
    %swap3A_512 = tpu.vector_load %arg5[%swap3A_511] {strides = array<i32>} : memref<256xf32, #tpu.memory_space<vmem>>, vector<16xf32>,
    tpu.vector_store %arg5[%swap3A_511], %broadcast_in_dim3A_5 {strides = array<i32>} : memref<256xf32, #tpu.memory_space<vmem>>, vector<16xf32>,
    %dma_wait3A_513 = arith.constant 0 : i32
    %dma_wait3A_514 = arith.constant 0 : i32
    %dma_wait3A_515 = arith.constant 0 : i32
    %dma_wait3A_516 = tpu.memref_slice %arg4[%dma_wait3A_513, %dma_wait3A_514, %dma_wait3A_515] : memref<2x64x512xf32, #tpu.memory_space<vmem>> -> memref<1x64x512xf32, #tpu.memory_space<vmem>>
    %dma_wait3A_517 = tpu.memref_squeeze %dma_wait3A_516 : memref<1x64x512xf32, #tpu.memory_space<vmem>> -> memref<64x512xf32, #tpu.memory_space<vmem>>
    %dma_wait3A_518 = arith.constant 0 : i32
    %dma_wait3A_519 = arith.constant 0 : i32
    %dma_wait3A_520 = tpu.memref_slice %arg2[%add3A_334, %dma_wait3A_518, %dma_wait3A_519] : memref<96x512x512xf32, #tpu.memory_space<hbm>> -> memref<1x64x512xf32, #tpu.memory_space<hbm>>
    %dma_wait3A_521 = tpu.memref_squeeze %dma_wait3A_520 : memref<1x64x512xf32, #tpu.memory_space<hbm>> -> memref<64x512xf32, #tpu.memory_space<hbm>>
    %dma_wait3A_522 = arith.constant 0 : i32
    %dma_wait3A_523 = arith.constant 0 : i32
    %dma_wait3A_524 = tpu.memref_slice %arg4[%dma_wait3A_513, %dma_wait3A_522, %dma_wait3A_523] : memref<2x64x512xf32, #tpu.memory_space<vmem>> -> memref<1x64x512xf32, #tpu.memory_space<vmem>>
    %dma_wait3A_525 = tpu.memref_squeeze %dma_wait3A_524 : memref<1x64x512xf32, #tpu.memory_space<vmem>> -> memref<64x512xf32, #tpu.memory_space<vmem>>
    %dma_wait3A_526 = arith.constant 0 : i32
    %dma_wait3A_527 = arith.constant 0 : i32
    %dma_wait3A_528 = tpu.memref_slice %arg2[%add3A_334, %dma_wait3A_526, %dma_wait3A_527] : memref<96x512x512xf32, #tpu.memory_space<hbm>> -> memref<1x64x512xf32, #tpu.memory_space<hbm>>
    %dma_wait3A_529 = tpu.memref_squeeze %dma_wait3A_528 : memref<1x64x512xf32, #tpu.memory_space<hbm>> -> memref<64x512xf32, #tpu.memory_space<hbm>>
    tpu.wait_dma2 semaphore(%arg7 : memref<!tpu.dma_semaphore, #tpu.memory_space<semaphore_mem>>) src(%dma_wait3A_529 : memref<64x512xf32, #tpu.memory_space<hbm>>) dst(%dma_wait3A_525 : memref<64x512xf32, #tpu.memory_space<vmem>>)
    %parallel_loop3A_530 = arith.constant 0 : i32
    %parallel_loop3A_531 = arith.constant 2048 : i32
    %parallel_loop3A_532 = arith.constant 1 : i32
    %parallel_loop3A_533 = arith.constant 0 : i32
    scf.for %parallel_loop3A_885 = %parallel_loop3A_530 to %parallel_loop3A_531 step %parallel_loop3A_532  : i32 {
      %parallel_loop3A_886 = arith.constant 5 : i32
      %parallel_loop3A_887 = arith.shrui %parallel_loop3A_885, %parallel_loop3A_886 : i32
      %parallel_loop3A_888 = arith.constant 31 : i32
      %parallel_loop3A_889 = arith.andi %parallel_loop3A_885, %parallel_loop3A_888 : i32
      %parallel_loop3A_890 = arith.constant 4 : i32
      %parallel_loop3A_891 = arith.shli %parallel_loop3A_889, %parallel_loop3A_890 : i32
      %parallel_loop3A_892 = arith.constant 0 : i32
      %parallel_loop3A_893 = arith.constant 0 : i32
      %parallel_loop3A_894 = tpu.memref_slice %arg4[%parallel_loop3A_533, %parallel_loop3A_892, %parallel_loop3A_893] : memref<2x64x512xf32, #tpu.memory_space<vmem>> -> memref<1x64x512xf32, #tpu.memory_space<vmem>>
      %parallel_loop3A_895 = tpu.memref_squeeze %parallel_loop3A_894 : memref<1x64x512xf32, #tpu.memory_space<vmem>> -> memref<64x512xf32, #tpu.memory_space<vmem>>
      %parallel_loop3A_896 = arith.index_cast %parallel_loop3A_887 : i32 to index
      %parallel_loop3A_897 = arith.index_cast %parallel_loop3A_891 : i32 to index
      %parallel_loop3A_898 = tpu.vector_load %parallel_loop3A_895[%parallel_loop3A_896, %parallel_loop3A_897] {strides = array<i32>} : memref<64x512xf32, #tpu.memory_space<vmem>>, vector<16xf32>,
      %parallel_loop3A_899 = arith.constant 1.000000e+00 : f32
      %parallel_loop3A_900 = vector.broadcast %parallel_loop3A_899 : f32 to vector<16xf32>
      %parallel_loop3A_901 = arith.addf %parallel_loop3A_898, %parallel_loop3A_900 : vector<16xf32>
      %parallel_loop3A_902 = vector.bitcast %parallel_loop3A_901 : vector<16xf32> to vector<16xi32>
      %parallel_loop3A_903 = arith.constant 15 : i32
      %parallel_loop3A_904 = vector.broadcast %parallel_loop3A_903 : i32 to vector<16xi32>
      %parallel_loop3A_905 = arith.shrui %parallel_loop3A_902, %parallel_loop3A_904 : vector<16xi32>
      %parallel_loop3A_906 = arith.constant 240 : i32
      %parallel_loop3A_907 = vector.broadcast %parallel_loop3A_906 : i32 to vector<16xi32>
      %parallel_loop3A_908 = arith.andi %parallel_loop3A_905, %parallel_loop3A_907 : vector<16xi32>
      %parallel_loop3A_909 = arith.addi %parallel_loop3A_908, %iota3A : vector<16xi32>
      tpu.vector_store_idx %arg5[%parallel_loop3A_909], %broadcast_in_dim3A_3 {add = true} : memref<256xf32, #tpu.memory_space<vmem>>[vector<16xi32>], vector<16xf32>,
    } {sc.loop_unroll_factor = 16 : i64, sc.parallel_access}
    %add3A_534 = arith.constant 1 : i32
    %add3A_535 = arith.addi %mul3A_2, %add3A_534 : i32
    %dma_start3A_536 = arith.constant 0 : i32
    %dma_start3A_537 = arith.constant 0 : i32
    %dma_start3A_538 = arith.constant 0 : i32
    %dma_start3A_539 = tpu.memref_slice %arg4[%dma_start3A_536, %dma_start3A_537, %dma_start3A_538] : memref<2x64x512xf32, #tpu.memory_space<vmem>> -> memref<1x64x512xf32, #tpu.memory_space<vmem>>
    %dma_start3A_540 = tpu.memref_squeeze %dma_start3A_539 : memref<1x64x512xf32, #tpu.memory_space<vmem>> -> memref<64x512xf32, #tpu.memory_space<vmem>>
    %dma_start3A_541 = arith.constant 128 : i32
    %dma_start3A_542 = arith.constant 0 : i32
    %dma_start3A_543 = tpu.memref_slice %arg2[%add3A_535, %dma_start3A_541, %dma_start3A_542] : memref<96x512x512xf32, #tpu.memory_space<hbm>> -> memref<1x64x512xf32, #tpu.memory_space<hbm>>
    %dma_start3A_544 = tpu.memref_squeeze %dma_start3A_543 : memref<1x64x512xf32, #tpu.memory_space<hbm>> -> memref<64x512xf32, #tpu.memory_space<hbm>>
    %dma_start3A_545 = arith.constant 0 : i32
    %dma_start3A_546 = arith.constant 0 : i32
    %dma_start3A_547 = tpu.memref_slice %arg4[%dma_start3A_536, %dma_start3A_545, %dma_start3A_546] : memref<2x64x512xf32, #tpu.memory_space<vmem>> -> memref<1x64x512xf32, #tpu.memory_space<vmem>>
    %dma_start3A_548 = tpu.memref_squeeze %dma_start3A_547 : memref<1x64x512xf32, #tpu.memory_space<vmem>> -> memref<64x512xf32, #tpu.memory_space<vmem>>
    %dma_start3A_549 = arith.constant 128 : i32
    %dma_start3A_550 = arith.constant 0 : i32
    %dma_start3A_551 = tpu.memref_slice %arg2[%add3A_535, %dma_start3A_549, %dma_start3A_550] : memref<96x512x512xf32, #tpu.memory_space<hbm>> -> memref<1x64x512xf32, #tpu.memory_space<hbm>>
    %dma_start3A_552 = tpu.memref_squeeze %dma_start3A_551 : memref<1x64x512xf32, #tpu.memory_space<hbm>> -> memref<64x512xf32, #tpu.memory_space<hbm>>
    tpu.enqueue_dma source(%dma_start3A_552 : memref<64x512xf32, #tpu.memory_space<hbm>>) target(%dma_start3A_548 : memref<64x512xf32, #tpu.memory_space<vmem>>) target_semaphore(%arg7 : memref<!tpu.dma_semaphore, #tpu.memory_space<semaphore_mem>>)
    %dma_wait3A_553 = arith.constant 1 : i32
    %dma_wait3A_554 = arith.constant 0 : i32
    %dma_wait3A_555 = arith.constant 0 : i32
    %dma_wait3A_556 = tpu.memref_slice %arg4[%dma_wait3A_553, %dma_wait3A_554, %dma_wait3A_555] : memref<2x64x512xf32, #tpu.memory_space<vmem>> -> memref<1x64x512xf32, #tpu.memory_space<vmem>>
    %dma_wait3A_557 = tpu.memref_squeeze %dma_wait3A_556 : memref<1x64x512xf32, #tpu.memory_space<vmem>> -> memref<64x512xf32, #tpu.memory_space<vmem>>
    %dma_wait3A_558 = arith.constant 64 : i32
    %dma_wait3A_559 = arith.constant 0 : i32
    %dma_wait3A_560 = tpu.memref_slice %arg2[%add3A_463, %dma_wait3A_558, %dma_wait3A_559] : memref<96x512x512xf32, #tpu.memory_space<hbm>> -> memref<1x64x512xf32, #tpu.memory_space<hbm>>
    %dma_wait3A_561 = tpu.memref_squeeze %dma_wait3A_560 : memref<1x64x512xf32, #tpu.memory_space<hbm>> -> memref<64x512xf32, #tpu.memory_space<hbm>>
    %dma_wait3A_562 = arith.constant 0 : i32
    %dma_wait3A_563 = arith.constant 0 : i32
    %dma_wait3A_564 = tpu.memref_slice %arg4[%dma_wait3A_553, %dma_wait3A_562, %dma_wait3A_563] : memref<2x64x512xf32, #tpu.memory_space<vmem>> -> memref<1x64x512xf32, #tpu.memory_space<vmem>>
    %dma_wait3A_565 = tpu.memref_squeeze %dma_wait3A_564 : memref<1x64x512xf32, #tpu.memory_space<vmem>> -> memref<64x512xf32, #tpu.memory_space<vmem>>
    %dma_wait3A_566 = arith.constant 64 : i32
    %dma_wait3A_567 = arith.constant 0 : i32
    %dma_wait3A_568 = tpu.memref_slice %arg2[%add3A_463, %dma_wait3A_566, %dma_wait3A_567] : memref<96x512x512xf32, #tpu.memory_space<hbm>> -> memref<1x64x512xf32, #tpu.memory_space<hbm>>
    %dma_wait3A_569 = tpu.memref_squeeze %dma_wait3A_568 : memref<1x64x512xf32, #tpu.memory_space<hbm>> -> memref<64x512xf32, #tpu.memory_space<hbm>>
    tpu.wait_dma2 semaphore(%arg8 : memref<!tpu.dma_semaphore, #tpu.memory_space<semaphore_mem>>) src(%dma_wait3A_569 : memref<64x512xf32, #tpu.memory_space<hbm>>) dst(%dma_wait3A_565 : memref<64x512xf32, #tpu.memory_space<vmem>>)
    %parallel_loop3A_570 = arith.constant 0 : i32
    %parallel_loop3A_571 = arith.constant 2048 : i32
    %parallel_loop3A_572 = arith.constant 1 : i32
    %parallel_loop3A_573 = arith.constant 1 : i32
    scf.for %parallel_loop3A_885 = %parallel_loop3A_570 to %parallel_loop3A_571 step %parallel_loop3A_572  : i32 {
      %parallel_loop3A_886 = arith.constant 5 : i32
      %parallel_loop3A_887 = arith.shrui %parallel_loop3A_885, %parallel_loop3A_886 : i32
      %parallel_loop3A_888 = arith.constant 31 : i32
      %parallel_loop3A_889 = arith.andi %parallel_loop3A_885, %parallel_loop3A_888 : i32
      %parallel_loop3A_890 = arith.constant 4 : i32
      %parallel_loop3A_891 = arith.shli %parallel_loop3A_889, %parallel_loop3A_890 : i32
      %parallel_loop3A_892 = arith.constant 0 : i32
      %parallel_loop3A_893 = arith.constant 0 : i32
      %parallel_loop3A_894 = tpu.memref_slice %arg4[%parallel_loop3A_573, %parallel_loop3A_892, %parallel_loop3A_893] : memref<2x64x512xf32, #tpu.memory_space<vmem>> -> memref<1x64x512xf32, #tpu.memory_space<vmem>>
      %parallel_loop3A_895 = tpu.memref_squeeze %parallel_loop3A_894 : memref<1x64x512xf32, #tpu.memory_space<vmem>> -> memref<64x512xf32, #tpu.memory_space<vmem>>
      %parallel_loop3A_896 = arith.index_cast %parallel_loop3A_887 : i32 to index
      %parallel_loop3A_897 = arith.index_cast %parallel_loop3A_891 : i32 to index
      %parallel_loop3A_898 = tpu.vector_load %parallel_loop3A_895[%parallel_loop3A_896, %parallel_loop3A_897] {strides = array<i32>} : memref<64x512xf32, #tpu.memory_space<vmem>>, vector<16xf32>,
      %parallel_loop3A_899 = arith.constant 1.000000e+00 : f32
      %parallel_loop3A_900 = vector.broadcast %parallel_loop3A_899 : f32 to vector<16xf32>
      %parallel_loop3A_901 = arith.addf %parallel_loop3A_898, %parallel_loop3A_900 : vector<16xf32>
      %parallel_loop3A_902 = vector.bitcast %parallel_loop3A_901 : vector<16xf32> to vector<16xi32>
      %parallel_loop3A_903 = arith.constant 15 : i32
      %parallel_loop3A_904 = vector.broadcast %parallel_loop3A_903 : i32 to vector<16xi32>
      %parallel_loop3A_905 = arith.shrui %parallel_loop3A_902, %parallel_loop3A_904 : vector<16xi32>
      %parallel_loop3A_906 = arith.constant 240 : i32
      %parallel_loop3A_907 = vector.broadcast %parallel_loop3A_906 : i32 to vector<16xi32>
      %parallel_loop3A_908 = arith.andi %parallel_loop3A_905, %parallel_loop3A_907 : vector<16xi32>
      %parallel_loop3A_909 = arith.addi %parallel_loop3A_908, %iota3A : vector<16xi32>
      tpu.vector_store_idx %arg5[%parallel_loop3A_909], %broadcast_in_dim3A_3 {add = true} : memref<256xf32, #tpu.memory_space<vmem>>[vector<16xi32>], vector<16xf32>,
    } {sc.loop_unroll_factor = 16 : i64, sc.parallel_access}
    %add3A_574 = arith.constant 1 : i32
    %add3A_575 = arith.addi %mul3A_2, %add3A_574 : i32
    %dma_start3A_576 = arith.constant 1 : i32
    %dma_start3A_577 = arith.constant 0 : i32
    %dma_start3A_578 = arith.constant 0 : i32
    %dma_start3A_579 = tpu.memref_slice %arg4[%dma_start3A_576, %dma_start3A_577, %dma_start3A_578] : memref<2x64x512xf32, #tpu.memory_space<vmem>> -> memref<1x64x512xf32, #tpu.memory_space<vmem>>
    %dma_start3A_580 = tpu.memref_squeeze %dma_start3A_579 : memref<1x64x512xf32, #tpu.memory_space<vmem>> -> memref<64x512xf32, #tpu.memory_space<vmem>>
    %dma_start3A_581 = arith.constant 192 : i32
    %dma_start3A_582 = arith.constant 0 : i32
    %dma_start3A_583 = tpu.memref_slice %arg2[%add3A_575, %dma_start3A_581, %dma_start3A_582] : memref<96x512x512xf32, #tpu.memory_space<hbm>> -> memref<1x64x512xf32, #tpu.memory_space<hbm>>
    %dma_start3A_584 = tpu.memref_squeeze %dma_start3A_583 : memref<1x64x512xf32, #tpu.memory_space<hbm>> -> memref<64x512xf32, #tpu.memory_space<hbm>>
    %dma_start3A_585 = arith.constant 0 : i32
    %dma_start3A_586 = arith.constant 0 : i32
    %dma_start3A_587 = tpu.memref_slice %arg4[%dma_start3A_576, %dma_start3A_585, %dma_start3A_586] : memref<2x64x512xf32, #tpu.memory_space<vmem>> -> memref<1x64x512xf32, #tpu.memory_space<vmem>>
    %dma_start3A_588 = tpu.memref_squeeze %dma_start3A_587 : memref<1x64x512xf32, #tpu.memory_space<vmem>> -> memref<64x512xf32, #tpu.memory_space<vmem>>
    %dma_start3A_589 = arith.constant 192 : i32
    %dma_start3A_590 = arith.constant 0 : i32
    %dma_start3A_591 = tpu.memref_slice %arg2[%add3A_575, %dma_start3A_589, %dma_start3A_590] : memref<96x512x512xf32, #tpu.memory_space<hbm>> -> memref<1x64x512xf32, #tpu.memory_space<hbm>>
    %dma_start3A_592 = tpu.memref_squeeze %dma_start3A_591 : memref<1x64x512xf32, #tpu.memory_space<hbm>> -> memref<64x512xf32, #tpu.memory_space<hbm>>
    tpu.enqueue_dma source(%dma_start3A_592 : memref<64x512xf32, #tpu.memory_space<hbm>>) target(%dma_start3A_588 : memref<64x512xf32, #tpu.memory_space<vmem>>) target_semaphore(%arg8 : memref<!tpu.dma_semaphore, #tpu.memory_space<semaphore_mem>>)
    %dma_wait3A_593 = arith.constant 0 : i32
    %dma_wait3A_594 = arith.constant 0 : i32
    %dma_wait3A_595 = arith.constant 0 : i32
    %dma_wait3A_596 = tpu.memref_slice %arg4[%dma_wait3A_593, %dma_wait3A_594, %dma_wait3A_595] : memref<2x64x512xf32, #tpu.memory_space<vmem>> -> memref<1x64x512xf32, #tpu.memory_space<vmem>>
    %dma_wait3A_597 = tpu.memref_squeeze %dma_wait3A_596 : memref<1x64x512xf32, #tpu.memory_space<vmem>> -> memref<64x512xf32, #tpu.memory_space<vmem>>
    %dma_wait3A_598 = arith.constant 128 : i32
    %dma_wait3A_599 = arith.constant 0 : i32
    %dma_wait3A_600 = tpu.memref_slice %arg2[%add3A_535, %dma_wait3A_598, %dma_wait3A_599] : memref<96x512x512xf32, #tpu.memory_space<hbm>> -> memref<1x64x512xf32, #tpu.memory_space<hbm>>
    %dma_wait3A_601 = tpu.memref_squeeze %dma_wait3A_600 : memref<1x64x512xf32, #tpu.memory_space<hbm>> -> memref<64x512xf32, #tpu.memory_space<hbm>>
    %dma_wait3A_602 = arith.constant 0 : i32
    %dma_wait3A_603 = arith.constant 0 : i32
    %dma_wait3A_604 = tpu.memref_slice %arg4[%dma_wait3A_593, %dma_wait3A_602, %dma_wait3A_603] : memref<2x64x512xf32, #tpu.memory_space<vmem>> -> memref<1x64x512xf32, #tpu.memory_space<vmem>>
    %dma_wait3A_605 = tpu.memref_squeeze %dma_wait3A_604 : memref<1x64x512xf32, #tpu.memory_space<vmem>> -> memref<64x512xf32, #tpu.memory_space<vmem>>
    %dma_wait3A_606 = arith.constant 128 : i32
    %dma_wait3A_607 = arith.constant 0 : i32
    %dma_wait3A_608 = tpu.memref_slice %arg2[%add3A_535, %dma_wait3A_606, %dma_wait3A_607] : memref<96x512x512xf32, #tpu.memory_space<hbm>> -> memref<1x64x512xf32, #tpu.memory_space<hbm>>
    %dma_wait3A_609 = tpu.memref_squeeze %dma_wait3A_608 : memref<1x64x512xf32, #tpu.memory_space<hbm>> -> memref<64x512xf32, #tpu.memory_space<hbm>>
    tpu.wait_dma2 semaphore(%arg7 : memref<!tpu.dma_semaphore, #tpu.memory_space<semaphore_mem>>) src(%dma_wait3A_609 : memref<64x512xf32, #tpu.memory_space<hbm>>) dst(%dma_wait3A_605 : memref<64x512xf32, #tpu.memory_space<vmem>>)
    %parallel_loop3A_610 = arith.constant 0 : i32
    %parallel_loop3A_611 = arith.constant 2048 : i32
    %parallel_loop3A_612 = arith.constant 1 : i32
    %parallel_loop3A_613 = arith.constant 0 : i32
    scf.for %parallel_loop3A_885 = %parallel_loop3A_610 to %parallel_loop3A_611 step %parallel_loop3A_612  : i32 {
      %parallel_loop3A_886 = arith.constant 5 : i32
      %parallel_loop3A_887 = arith.shrui %parallel_loop3A_885, %parallel_loop3A_886 : i32
      %parallel_loop3A_888 = arith.constant 31 : i32
      %parallel_loop3A_889 = arith.andi %parallel_loop3A_885, %parallel_loop3A_888 : i32
      %parallel_loop3A_890 = arith.constant 4 : i32
      %parallel_loop3A_891 = arith.shli %parallel_loop3A_889, %parallel_loop3A_890 : i32
      %parallel_loop3A_892 = arith.constant 0 : i32
      %parallel_loop3A_893 = arith.constant 0 : i32
      %parallel_loop3A_894 = tpu.memref_slice %arg4[%parallel_loop3A_613, %parallel_loop3A_892, %parallel_loop3A_893] : memref<2x64x512xf32, #tpu.memory_space<vmem>> -> memref<1x64x512xf32, #tpu.memory_space<vmem>>
      %parallel_loop3A_895 = tpu.memref_squeeze %parallel_loop3A_894 : memref<1x64x512xf32, #tpu.memory_space<vmem>> -> memref<64x512xf32, #tpu.memory_space<vmem>>
      %parallel_loop3A_896 = arith.index_cast %parallel_loop3A_887 : i32 to index
      %parallel_loop3A_897 = arith.index_cast %parallel_loop3A_891 : i32 to index
      %parallel_loop3A_898 = tpu.vector_load %parallel_loop3A_895[%parallel_loop3A_896, %parallel_loop3A_897] {strides = array<i32>} : memref<64x512xf32, #tpu.memory_space<vmem>>, vector<16xf32>,
      %parallel_loop3A_899 = arith.constant 1.000000e+00 : f32
      %parallel_loop3A_900 = vector.broadcast %parallel_loop3A_899 : f32 to vector<16xf32>
      %parallel_loop3A_901 = arith.addf %parallel_loop3A_898, %parallel_loop3A_900 : vector<16xf32>
      %parallel_loop3A_902 = vector.bitcast %parallel_loop3A_901 : vector<16xf32> to vector<16xi32>
      %parallel_loop3A_903 = arith.constant 15 : i32
      %parallel_loop3A_904 = vector.broadcast %parallel_loop3A_903 : i32 to vector<16xi32>
      %parallel_loop3A_905 = arith.shrui %parallel_loop3A_902, %parallel_loop3A_904 : vector<16xi32>
      %parallel_loop3A_906 = arith.constant 240 : i32
      %parallel_loop3A_907 = vector.broadcast %parallel_loop3A_906 : i32 to vector<16xi32>
      %parallel_loop3A_908 = arith.andi %parallel_loop3A_905, %parallel_loop3A_907 : vector<16xi32>
      %parallel_loop3A_909 = arith.addi %parallel_loop3A_908, %iota3A : vector<16xi32>
      tpu.vector_store_idx %arg5[%parallel_loop3A_909], %broadcast_in_dim3A_3 {add = true} : memref<256xf32, #tpu.memory_space<vmem>>[vector<16xi32>], vector<16xf32>,
    } {sc.loop_unroll_factor = 16 : i64, sc.parallel_access}
    %add3A_614 = arith.constant 1 : i32
    %add3A_615 = arith.addi %mul3A_2, %add3A_614 : i32
    %dma_start3A_616 = arith.constant 0 : i32
    %dma_start3A_617 = arith.constant 0 : i32
    %dma_start3A_618 = arith.constant 0 : i32
    %dma_start3A_619 = tpu.memref_slice %arg4[%dma_start3A_616, %dma_start3A_617, %dma_start3A_618] : memref<2x64x512xf32, #tpu.memory_space<vmem>> -> memref<1x64x512xf32, #tpu.memory_space<vmem>>
    %dma_start3A_620 = tpu.memref_squeeze %dma_start3A_619 : memref<1x64x512xf32, #tpu.memory_space<vmem>> -> memref<64x512xf32, #tpu.memory_space<vmem>>
    %dma_start3A_621 = arith.constant 256 : i32
    %dma_start3A_622 = arith.constant 0 : i32
    %dma_start3A_623 = tpu.memref_slice %arg2[%add3A_615, %dma_start3A_621, %dma_start3A_622] : memref<96x512x512xf32, #tpu.memory_space<hbm>> -> memref<1x64x512xf32, #tpu.memory_space<hbm>>
    %dma_start3A_624 = tpu.memref_squeeze %dma_start3A_623 : memref<1x64x512xf32, #tpu.memory_space<hbm>> -> memref<64x512xf32, #tpu.memory_space<hbm>>
    %dma_start3A_625 = arith.constant 0 : i32
    %dma_start3A_626 = arith.constant 0 : i32
    %dma_start3A_627 = tpu.memref_slice %arg4[%dma_start3A_616, %dma_start3A_625, %dma_start3A_626] : memref<2x64x512xf32, #tpu.memory_space<vmem>> -> memref<1x64x512xf32, #tpu.memory_space<vmem>>
    %dma_start3A_628 = tpu.memref_squeeze %dma_start3A_627 : memref<1x64x512xf32, #tpu.memory_space<vmem>> -> memref<64x512xf32, #tpu.memory_space<vmem>>
    %dma_start3A_629 = arith.constant 256 : i32
    %dma_start3A_630 = arith.constant 0 : i32
    %dma_start3A_631 = tpu.memref_slice %arg2[%add3A_615, %dma_start3A_629, %dma_start3A_630] : memref<96x512x512xf32, #tpu.memory_space<hbm>> -> memref<1x64x512xf32, #tpu.memory_space<hbm>>
    %dma_start3A_632 = tpu.memref_squeeze %dma_start3A_631 : memref<1x64x512xf32, #tpu.memory_space<hbm>> -> memref<64x512xf32, #tpu.memory_space<hbm>>
    tpu.enqueue_dma source(%dma_start3A_632 : memref<64x512xf32, #tpu.memory_space<hbm>>) target(%dma_start3A_628 : memref<64x512xf32, #tpu.memory_space<vmem>>) target_semaphore(%arg7 : memref<!tpu.dma_semaphore, #tpu.memory_space<semaphore_mem>>)
    %dma_wait3A_633 = arith.constant 1 : i32
    %dma_wait3A_634 = arith.constant 0 : i32
    %dma_wait3A_635 = arith.constant 0 : i32
    %dma_wait3A_636 = tpu.memref_slice %arg4[%dma_wait3A_633, %dma_wait3A_634, %dma_wait3A_635] : memref<2x64x512xf32, #tpu.memory_space<vmem>> -> memref<1x64x512xf32, #tpu.memory_space<vmem>>
    %dma_wait3A_637 = tpu.memref_squeeze %dma_wait3A_636 : memref<1x64x512xf32, #tpu.memory_space<vmem>> -> memref<64x512xf32, #tpu.memory_space<vmem>>
    %dma_wait3A_638 = arith.constant 192 : i32
    %dma_wait3A_639 = arith.constant 0 : i32
    %dma_wait3A_640 = tpu.memref_slice %arg2[%add3A_575, %dma_wait3A_638, %dma_wait3A_639] : memref<96x512x512xf32, #tpu.memory_space<hbm>> -> memref<1x64x512xf32, #tpu.memory_space<hbm>>
    %dma_wait3A_641 = tpu.memref_squeeze %dma_wait3A_640 : memref<1x64x512xf32, #tpu.memory_space<hbm>> -> memref<64x512xf32, #tpu.memory_space<hbm>>
    %dma_wait3A_642 = arith.constant 0 : i32
    %dma_wait3A_643 = arith.constant 0 : i32
    %dma_wait3A_644 = tpu.memref_slice %arg4[%dma_wait3A_633, %dma_wait3A_642, %dma_wait3A_643] : memref<2x64x512xf32, #tpu.memory_space<vmem>> -> memref<1x64x512xf32, #tpu.memory_space<vmem>>
    %dma_wait3A_645 = tpu.memref_squeeze %dma_wait3A_644 : memref<1x64x512xf32, #tpu.memory_space<vmem>> -> memref<64x512xf32, #tpu.memory_space<vmem>>
    %dma_wait3A_646 = arith.constant 192 : i32
    %dma_wait3A_647 = arith.constant 0 : i32
    %dma_wait3A_648 = tpu.memref_slice %arg2[%add3A_575, %dma_wait3A_646, %dma_wait3A_647] : memref<96x512x512xf32, #tpu.memory_space<hbm>> -> memref<1x64x512xf32, #tpu.memory_space<hbm>>
    %dma_wait3A_649 = tpu.memref_squeeze %dma_wait3A_648 : memref<1x64x512xf32, #tpu.memory_space<hbm>> -> memref<64x512xf32, #tpu.memory_space<hbm>>
    tpu.wait_dma2 semaphore(%arg8 : memref<!tpu.dma_semaphore, #tpu.memory_space<semaphore_mem>>) src(%dma_wait3A_649 : memref<64x512xf32, #tpu.memory_space<hbm>>) dst(%dma_wait3A_645 : memref<64x512xf32, #tpu.memory_space<vmem>>)
    %parallel_loop3A_650 = arith.constant 0 : i32
    %parallel_loop3A_651 = arith.constant 2048 : i32
    %parallel_loop3A_652 = arith.constant 1 : i32
    %parallel_loop3A_653 = arith.constant 1 : i32
    scf.for %parallel_loop3A_885 = %parallel_loop3A_650 to %parallel_loop3A_651 step %parallel_loop3A_652  : i32 {
      %parallel_loop3A_886 = arith.constant 5 : i32
      %parallel_loop3A_887 = arith.shrui %parallel_loop3A_885, %parallel_loop3A_886 : i32
      %parallel_loop3A_888 = arith.constant 31 : i32
      %parallel_loop3A_889 = arith.andi %parallel_loop3A_885, %parallel_loop3A_888 : i32
      %parallel_loop3A_890 = arith.constant 4 : i32
      %parallel_loop3A_891 = arith.shli %parallel_loop3A_889, %parallel_loop3A_890 : i32
      %parallel_loop3A_892 = arith.constant 0 : i32
      %parallel_loop3A_893 = arith.constant 0 : i32
      %parallel_loop3A_894 = tpu.memref_slice %arg4[%parallel_loop3A_653, %parallel_loop3A_892, %parallel_loop3A_893] : memref<2x64x512xf32, #tpu.memory_space<vmem>> -> memref<1x64x512xf32, #tpu.memory_space<vmem>>
      %parallel_loop3A_895 = tpu.memref_squeeze %parallel_loop3A_894 : memref<1x64x512xf32, #tpu.memory_space<vmem>> -> memref<64x512xf32, #tpu.memory_space<vmem>>
      %parallel_loop3A_896 = arith.index_cast %parallel_loop3A_887 : i32 to index
      %parallel_loop3A_897 = arith.index_cast %parallel_loop3A_891 : i32 to index
      %parallel_loop3A_898 = tpu.vector_load %parallel_loop3A_895[%parallel_loop3A_896, %parallel_loop3A_897] {strides = array<i32>} : memref<64x512xf32, #tpu.memory_space<vmem>>, vector<16xf32>,
      %parallel_loop3A_899 = arith.constant 1.000000e+00 : f32
      %parallel_loop3A_900 = vector.broadcast %parallel_loop3A_899 : f32 to vector<16xf32>
      %parallel_loop3A_901 = arith.addf %parallel_loop3A_898, %parallel_loop3A_900 : vector<16xf32>
      %parallel_loop3A_902 = vector.bitcast %parallel_loop3A_901 : vector<16xf32> to vector<16xi32>
      %parallel_loop3A_903 = arith.constant 15 : i32
      %parallel_loop3A_904 = vector.broadcast %parallel_loop3A_903 : i32 to vector<16xi32>
      %parallel_loop3A_905 = arith.shrui %parallel_loop3A_902, %parallel_loop3A_904 : vector<16xi32>
      %parallel_loop3A_906 = arith.constant 240 : i32
      %parallel_loop3A_907 = vector.broadcast %parallel_loop3A_906 : i32 to vector<16xi32>
      %parallel_loop3A_908 = arith.andi %parallel_loop3A_905, %parallel_loop3A_907 : vector<16xi32>
      %parallel_loop3A_909 = arith.addi %parallel_loop3A_908, %iota3A : vector<16xi32>
      tpu.vector_store_idx %arg5[%parallel_loop3A_909], %broadcast_in_dim3A_3 {add = true} : memref<256xf32, #tpu.memory_space<vmem>>[vector<16xi32>], vector<16xf32>,
    } {sc.loop_unroll_factor = 16 : i64, sc.parallel_access}
    %add3A_654 = arith.constant 1 : i32
    %add3A_655 = arith.addi %mul3A_2, %add3A_654 : i32
    %dma_start3A_656 = arith.constant 1 : i32
    %dma_start3A_657 = arith.constant 0 : i32
    %dma_start3A_658 = arith.constant 0 : i32
    %dma_start3A_659 = tpu.memref_slice %arg4[%dma_start3A_656, %dma_start3A_657, %dma_start3A_658] : memref<2x64x512xf32, #tpu.memory_space<vmem>> -> memref<1x64x512xf32, #tpu.memory_space<vmem>>
    %dma_start3A_660 = tpu.memref_squeeze %dma_start3A_659 : memref<1x64x512xf32, #tpu.memory_space<vmem>> -> memref<64x512xf32, #tpu.memory_space<vmem>>
    %dma_start3A_661 = arith.constant 320 : i32
    %dma_start3A_662 = arith.constant 0 : i32
    %dma_start3A_663 = tpu.memref_slice %arg2[%add3A_655, %dma_start3A_661, %dma_start3A_662] : memref<96x512x512xf32, #tpu.memory_space<hbm>> -> memref<1x64x512xf32, #tpu.memory_space<hbm>>
    %dma_start3A_664 = tpu.memref_squeeze %dma_start3A_663 : memref<1x64x512xf32, #tpu.memory_space<hbm>> -> memref<64x512xf32, #tpu.memory_space<hbm>>
    %dma_start3A_665 = arith.constant 0 : i32
    %dma_start3A_666 = arith.constant 0 : i32
    %dma_start3A_667 = tpu.memref_slice %arg4[%dma_start3A_656, %dma_start3A_665, %dma_start3A_666] : memref<2x64x512xf32, #tpu.memory_space<vmem>> -> memref<1x64x512xf32, #tpu.memory_space<vmem>>
    %dma_start3A_668 = tpu.memref_squeeze %dma_start3A_667 : memref<1x64x512xf32, #tpu.memory_space<vmem>> -> memref<64x512xf32, #tpu.memory_space<vmem>>
    %dma_start3A_669 = arith.constant 320 : i32
    %dma_start3A_670 = arith.constant 0 : i32
    %dma_start3A_671 = tpu.memref_slice %arg2[%add3A_655, %dma_start3A_669, %dma_start3A_670] : memref<96x512x512xf32, #tpu.memory_space<hbm>> -> memref<1x64x512xf32, #tpu.memory_space<hbm>>
    %dma_start3A_672 = tpu.memref_squeeze %dma_start3A_671 : memref<1x64x512xf32, #tpu.memory_space<hbm>> -> memref<64x512xf32, #tpu.memory_space<hbm>>
    tpu.enqueue_dma source(%dma_start3A_672 : memref<64x512xf32, #tpu.memory_space<hbm>>) target(%dma_start3A_668 : memref<64x512xf32, #tpu.memory_space<vmem>>) target_semaphore(%arg8 : memref<!tpu.dma_semaphore, #tpu.memory_space<semaphore_mem>>)
    %dma_wait3A_673 = arith.constant 0 : i32
    %dma_wait3A_674 = arith.constant 0 : i32
    %dma_wait3A_675 = arith.constant 0 : i32
    %dma_wait3A_676 = tpu.memref_slice %arg4[%dma_wait3A_673, %dma_wait3A_674, %dma_wait3A_675] : memref<2x64x512xf32, #tpu.memory_space<vmem>> -> memref<1x64x512xf32, #tpu.memory_space<vmem>>
    %dma_wait3A_677 = tpu.memref_squeeze %dma_wait3A_676 : memref<1x64x512xf32, #tpu.memory_space<vmem>> -> memref<64x512xf32, #tpu.memory_space<vmem>>
    %dma_wait3A_678 = arith.constant 256 : i32
    %dma_wait3A_679 = arith.constant 0 : i32
    %dma_wait3A_680 = tpu.memref_slice %arg2[%add3A_615, %dma_wait3A_678, %dma_wait3A_679] : memref<96x512x512xf32, #tpu.memory_space<hbm>> -> memref<1x64x512xf32, #tpu.memory_space<hbm>>
    %dma_wait3A_681 = tpu.memref_squeeze %dma_wait3A_680 : memref<1x64x512xf32, #tpu.memory_space<hbm>> -> memref<64x512xf32, #tpu.memory_space<hbm>>
    %dma_wait3A_682 = arith.constant 0 : i32
    %dma_wait3A_683 = arith.constant 0 : i32
    %dma_wait3A_684 = tpu.memref_slice %arg4[%dma_wait3A_673, %dma_wait3A_682, %dma_wait3A_683] : memref<2x64x512xf32, #tpu.memory_space<vmem>> -> memref<1x64x512xf32, #tpu.memory_space<vmem>>
    %dma_wait3A_685 = tpu.memref_squeeze %dma_wait3A_684 : memref<1x64x512xf32, #tpu.memory_space<vmem>> -> memref<64x512xf32, #tpu.memory_space<vmem>>
    %dma_wait3A_686 = arith.constant 256 : i32
    %dma_wait3A_687 = arith.constant 0 : i32
    %dma_wait3A_688 = tpu.memref_slice %arg2[%add3A_615, %dma_wait3A_686, %dma_wait3A_687] : memref<96x512x512xf32, #tpu.memory_space<hbm>> -> memref<1x64x512xf32, #tpu.memory_space<hbm>>
    %dma_wait3A_689 = tpu.memref_squeeze %dma_wait3A_688 : memref<1x64x512xf32, #tpu.memory_space<hbm>> -> memref<64x512xf32, #tpu.memory_space<hbm>>
    tpu.wait_dma2 semaphore(%arg7 : memref<!tpu.dma_semaphore, #tpu.memory_space<semaphore_mem>>) src(%dma_wait3A_689 : memref<64x512xf32, #tpu.memory_space<hbm>>) dst(%dma_wait3A_685 : memref<64x512xf32, #tpu.memory_space<vmem>>)
    %parallel_loop3A_690 = arith.constant 0 : i32
    %parallel_loop3A_691 = arith.constant 2048 : i32
    %parallel_loop3A_692 = arith.constant 1 : i32
    %parallel_loop3A_693 = arith.constant 0 : i32
    scf.for %parallel_loop3A_885 = %parallel_loop3A_690 to %parallel_loop3A_691 step %parallel_loop3A_692  : i32 {
      %parallel_loop3A_886 = arith.constant 5 : i32
      %parallel_loop3A_887 = arith.shrui %parallel_loop3A_885, %parallel_loop3A_886 : i32
      %parallel_loop3A_888 = arith.constant 31 : i32
      %parallel_loop3A_889 = arith.andi %parallel_loop3A_885, %parallel_loop3A_888 : i32
      %parallel_loop3A_890 = arith.constant 4 : i32
      %parallel_loop3A_891 = arith.shli %parallel_loop3A_889, %parallel_loop3A_890 : i32
      %parallel_loop3A_892 = arith.constant 0 : i32
      %parallel_loop3A_893 = arith.constant 0 : i32
      %parallel_loop3A_894 = tpu.memref_slice %arg4[%parallel_loop3A_693, %parallel_loop3A_892, %parallel_loop3A_893] : memref<2x64x512xf32, #tpu.memory_space<vmem>> -> memref<1x64x512xf32, #tpu.memory_space<vmem>>
      %parallel_loop3A_895 = tpu.memref_squeeze %parallel_loop3A_894 : memref<1x64x512xf32, #tpu.memory_space<vmem>> -> memref<64x512xf32, #tpu.memory_space<vmem>>
      %parallel_loop3A_896 = arith.index_cast %parallel_loop3A_887 : i32 to index
      %parallel_loop3A_897 = arith.index_cast %parallel_loop3A_891 : i32 to index
      %parallel_loop3A_898 = tpu.vector_load %parallel_loop3A_895[%parallel_loop3A_896, %parallel_loop3A_897] {strides = array<i32>} : memref<64x512xf32, #tpu.memory_space<vmem>>, vector<16xf32>,
      %parallel_loop3A_899 = arith.constant 1.000000e+00 : f32
      %parallel_loop3A_900 = vector.broadcast %parallel_loop3A_899 : f32 to vector<16xf32>
      %parallel_loop3A_901 = arith.addf %parallel_loop3A_898, %parallel_loop3A_900 : vector<16xf32>
      %parallel_loop3A_902 = vector.bitcast %parallel_loop3A_901 : vector<16xf32> to vector<16xi32>
      %parallel_loop3A_903 = arith.constant 15 : i32
      %parallel_loop3A_904 = vector.broadcast %parallel_loop3A_903 : i32 to vector<16xi32>
      %parallel_loop3A_905 = arith.shrui %parallel_loop3A_902, %parallel_loop3A_904 : vector<16xi32>
      %parallel_loop3A_906 = arith.constant 240 : i32
      %parallel_loop3A_907 = vector.broadcast %parallel_loop3A_906 : i32 to vector<16xi32>
      %parallel_loop3A_908 = arith.andi %parallel_loop3A_905, %parallel_loop3A_907 : vector<16xi32>
      %parallel_loop3A_909 = arith.addi %parallel_loop3A_908, %iota3A : vector<16xi32>
      tpu.vector_store_idx %arg5[%parallel_loop3A_909], %broadcast_in_dim3A_3 {add = true} : memref<256xf32, #tpu.memory_space<vmem>>[vector<16xi32>], vector<16xf32>,
    } {sc.loop_unroll_factor = 16 : i64, sc.parallel_access}
    %add3A_694 = arith.constant 1 : i32
    %add3A_695 = arith.addi %mul3A_2, %add3A_694 : i32
    %dma_start3A_696 = arith.constant 0 : i32
    %dma_start3A_697 = arith.constant 0 : i32
    %dma_start3A_698 = arith.constant 0 : i32
    %dma_start3A_699 = tpu.memref_slice %arg4[%dma_start3A_696, %dma_start3A_697, %dma_start3A_698] : memref<2x64x512xf32, #tpu.memory_space<vmem>> -> memref<1x64x512xf32, #tpu.memory_space<vmem>>
    %dma_start3A_700 = tpu.memref_squeeze %dma_start3A_699 : memref<1x64x512xf32, #tpu.memory_space<vmem>> -> memref<64x512xf32, #tpu.memory_space<vmem>>
    %dma_start3A_701 = arith.constant 384 : i32
    %dma_start3A_702 = arith.constant 0 : i32
    %dma_start3A_703 = tpu.memref_slice %arg2[%add3A_695, %dma_start3A_701, %dma_start3A_702] : memref<96x512x512xf32, #tpu.memory_space<hbm>> -> memref<1x64x512xf32, #tpu.memory_space<hbm>>
    %dma_start3A_704 = tpu.memref_squeeze %dma_start3A_703 : memref<1x64x512xf32, #tpu.memory_space<hbm>> -> memref<64x512xf32, #tpu.memory_space<hbm>>
    %dma_start3A_705 = arith.constant 0 : i32
    %dma_start3A_706 = arith.constant 0 : i32
    %dma_start3A_707 = tpu.memref_slice %arg4[%dma_start3A_696, %dma_start3A_705, %dma_start3A_706] : memref<2x64x512xf32, #tpu.memory_space<vmem>> -> memref<1x64x512xf32, #tpu.memory_space<vmem>>
    %dma_start3A_708 = tpu.memref_squeeze %dma_start3A_707 : memref<1x64x512xf32, #tpu.memory_space<vmem>> -> memref<64x512xf32, #tpu.memory_space<vmem>>
    %dma_start3A_709 = arith.constant 384 : i32
    %dma_start3A_710 = arith.constant 0 : i32
    %dma_start3A_711 = tpu.memref_slice %arg2[%add3A_695, %dma_start3A_709, %dma_start3A_710] : memref<96x512x512xf32, #tpu.memory_space<hbm>> -> memref<1x64x512xf32, #tpu.memory_space<hbm>>
    %dma_start3A_712 = tpu.memref_squeeze %dma_start3A_711 : memref<1x64x512xf32, #tpu.memory_space<hbm>> -> memref<64x512xf32, #tpu.memory_space<hbm>>
    tpu.enqueue_dma source(%dma_start3A_712 : memref<64x512xf32, #tpu.memory_space<hbm>>) target(%dma_start3A_708 : memref<64x512xf32, #tpu.memory_space<vmem>>) target_semaphore(%arg7 : memref<!tpu.dma_semaphore, #tpu.memory_space<semaphore_mem>>)
    %dma_wait3A_713 = arith.constant 1 : i32
    %dma_wait3A_714 = arith.constant 0 : i32
    %dma_wait3A_715 = arith.constant 0 : i32
    %dma_wait3A_716 = tpu.memref_slice %arg4[%dma_wait3A_713, %dma_wait3A_714, %dma_wait3A_715] : memref<2x64x512xf32, #tpu.memory_space<vmem>> -> memref<1x64x512xf32, #tpu.memory_space<vmem>>
    %dma_wait3A_717 = tpu.memref_squeeze %dma_wait3A_716 : memref<1x64x512xf32, #tpu.memory_space<vmem>> -> memref<64x512xf32, #tpu.memory_space<vmem>>
    %dma_wait3A_718 = arith.constant 320 : i32
    %dma_wait3A_719 = arith.constant 0 : i32
    %dma_wait3A_720 = tpu.memref_slice %arg2[%add3A_655, %dma_wait3A_718, %dma_wait3A_719] : memref<96x512x512xf32, #tpu.memory_space<hbm>> -> memref<1x64x512xf32, #tpu.memory_space<hbm>>
    %dma_wait3A_721 = tpu.memref_squeeze %dma_wait3A_720 : memref<1x64x512xf32, #tpu.memory_space<hbm>> -> memref<64x512xf32, #tpu.memory_space<hbm>>
    %dma_wait3A_722 = arith.constant 0 : i32
    %dma_wait3A_723 = arith.constant 0 : i32
    %dma_wait3A_724 = tpu.memref_slice %arg4[%dma_wait3A_713, %dma_wait3A_722, %dma_wait3A_723] : memref<2x64x512xf32, #tpu.memory_space<vmem>> -> memref<1x64x512xf32, #tpu.memory_space<vmem>>
    %dma_wait3A_725 = tpu.memref_squeeze %dma_wait3A_724 : memref<1x64x512xf32, #tpu.memory_space<vmem>> -> memref<64x512xf32, #tpu.memory_space<vmem>>
    %dma_wait3A_726 = arith.constant 320 : i32
    %dma_wait3A_727 = arith.constant 0 : i32
    %dma_wait3A_728 = tpu.memref_slice %arg2[%add3A_655, %dma_wait3A_726, %dma_wait3A_727] : memref<96x512x512xf32, #tpu.memory_space<hbm>> -> memref<1x64x512xf32, #tpu.memory_space<hbm>>
    %dma_wait3A_729 = tpu.memref_squeeze %dma_wait3A_728 : memref<1x64x512xf32, #tpu.memory_space<hbm>> -> memref<64x512xf32, #tpu.memory_space<hbm>>
    tpu.wait_dma2 semaphore(%arg8 : memref<!tpu.dma_semaphore, #tpu.memory_space<semaphore_mem>>) src(%dma_wait3A_729 : memref<64x512xf32, #tpu.memory_space<hbm>>) dst(%dma_wait3A_725 : memref<64x512xf32, #tpu.memory_space<vmem>>)
    %parallel_loop3A_730 = arith.constant 0 : i32
    %parallel_loop3A_731 = arith.constant 2048 : i32
    %parallel_loop3A_732 = arith.constant 1 : i32
    %parallel_loop3A_733 = arith.constant 1 : i32
    scf.for %parallel_loop3A_885 = %parallel_loop3A_730 to %parallel_loop3A_731 step %parallel_loop3A_732  : i32 {
      %parallel_loop3A_886 = arith.constant 5 : i32
      %parallel_loop3A_887 = arith.shrui %parallel_loop3A_885, %parallel_loop3A_886 : i32
      %parallel_loop3A_888 = arith.constant 31 : i32
      %parallel_loop3A_889 = arith.andi %parallel_loop3A_885, %parallel_loop3A_888 : i32
      %parallel_loop3A_890 = arith.constant 4 : i32
      %parallel_loop3A_891 = arith.shli %parallel_loop3A_889, %parallel_loop3A_890 : i32
      %parallel_loop3A_892 = arith.constant 0 : i32
      %parallel_loop3A_893 = arith.constant 0 : i32
      %parallel_loop3A_894 = tpu.memref_slice %arg4[%parallel_loop3A_733, %parallel_loop3A_892, %parallel_loop3A_893] : memref<2x64x512xf32, #tpu.memory_space<vmem>> -> memref<1x64x512xf32, #tpu.memory_space<vmem>>
      %parallel_loop3A_895 = tpu.memref_squeeze %parallel_loop3A_894 : memref<1x64x512xf32, #tpu.memory_space<vmem>> -> memref<64x512xf32, #tpu.memory_space<vmem>>
      %parallel_loop3A_896 = arith.index_cast %parallel_loop3A_887 : i32 to index
      %parallel_loop3A_897 = arith.index_cast %parallel_loop3A_891 : i32 to index
      %parallel_loop3A_898 = tpu.vector_load %parallel_loop3A_895[%parallel_loop3A_896, %parallel_loop3A_897] {strides = array<i32>} : memref<64x512xf32, #tpu.memory_space<vmem>>, vector<16xf32>,
      %parallel_loop3A_899 = arith.constant 1.000000e+00 : f32
      %parallel_loop3A_900 = vector.broadcast %parallel_loop3A_899 : f32 to vector<16xf32>
      %parallel_loop3A_901 = arith.addf %parallel_loop3A_898, %parallel_loop3A_900 : vector<16xf32>
      %parallel_loop3A_902 = vector.bitcast %parallel_loop3A_901 : vector<16xf32> to vector<16xi32>
      %parallel_loop3A_903 = arith.constant 15 : i32
      %parallel_loop3A_904 = vector.broadcast %parallel_loop3A_903 : i32 to vector<16xi32>
      %parallel_loop3A_905 = arith.shrui %parallel_loop3A_902, %parallel_loop3A_904 : vector<16xi32>
      %parallel_loop3A_906 = arith.constant 240 : i32
      %parallel_loop3A_907 = vector.broadcast %parallel_loop3A_906 : i32 to vector<16xi32>
      %parallel_loop3A_908 = arith.andi %parallel_loop3A_905, %parallel_loop3A_907 : vector<16xi32>
      %parallel_loop3A_909 = arith.addi %parallel_loop3A_908, %iota3A : vector<16xi32>
      tpu.vector_store_idx %arg5[%parallel_loop3A_909], %broadcast_in_dim3A_3 {add = true} : memref<256xf32, #tpu.memory_space<vmem>>[vector<16xi32>], vector<16xf32>,
    } {sc.loop_unroll_factor = 16 : i64, sc.parallel_access}
    %add3A_734 = arith.constant 1 : i32
    %add3A_735 = arith.addi %mul3A_2, %add3A_734 : i32
    %dma_start3A_736 = arith.constant 1 : i32
    %dma_start3A_737 = arith.constant 0 : i32
    %dma_start3A_738 = arith.constant 0 : i32
    %dma_start3A_739 = tpu.memref_slice %arg4[%dma_start3A_736, %dma_start3A_737, %dma_start3A_738] : memref<2x64x512xf32, #tpu.memory_space<vmem>> -> memref<1x64x512xf32, #tpu.memory_space<vmem>>
    %dma_start3A_740 = tpu.memref_squeeze %dma_start3A_739 : memref<1x64x512xf32, #tpu.memory_space<vmem>> -> memref<64x512xf32, #tpu.memory_space<vmem>>
    %dma_start3A_741 = arith.constant 448 : i32
    %dma_start3A_742 = arith.constant 0 : i32
    %dma_start3A_743 = tpu.memref_slice %arg2[%add3A_735, %dma_start3A_741, %dma_start3A_742] : memref<96x512x512xf32, #tpu.memory_space<hbm>> -> memref<1x64x512xf32, #tpu.memory_space<hbm>>
    %dma_start3A_744 = tpu.memref_squeeze %dma_start3A_743 : memref<1x64x512xf32, #tpu.memory_space<hbm>> -> memref<64x512xf32, #tpu.memory_space<hbm>>
    %dma_start3A_745 = arith.constant 0 : i32
    %dma_start3A_746 = arith.constant 0 : i32
    %dma_start3A_747 = tpu.memref_slice %arg4[%dma_start3A_736, %dma_start3A_745, %dma_start3A_746] : memref<2x64x512xf32, #tpu.memory_space<vmem>> -> memref<1x64x512xf32, #tpu.memory_space<vmem>>
    %dma_start3A_748 = tpu.memref_squeeze %dma_start3A_747 : memref<1x64x512xf32, #tpu.memory_space<vmem>> -> memref<64x512xf32, #tpu.memory_space<vmem>>
    %dma_start3A_749 = arith.constant 448 : i32
    %dma_start3A_750 = arith.constant 0 : i32
    %dma_start3A_751 = tpu.memref_slice %arg2[%add3A_735, %dma_start3A_749, %dma_start3A_750] : memref<96x512x512xf32, #tpu.memory_space<hbm>> -> memref<1x64x512xf32, #tpu.memory_space<hbm>>
    %dma_start3A_752 = tpu.memref_squeeze %dma_start3A_751 : memref<1x64x512xf32, #tpu.memory_space<hbm>> -> memref<64x512xf32, #tpu.memory_space<hbm>>
    tpu.enqueue_dma source(%dma_start3A_752 : memref<64x512xf32, #tpu.memory_space<hbm>>) target(%dma_start3A_748 : memref<64x512xf32, #tpu.memory_space<vmem>>) target_semaphore(%arg8 : memref<!tpu.dma_semaphore, #tpu.memory_space<semaphore_mem>>)
    %dma_wait3A_753 = arith.constant 0 : i32
    %dma_wait3A_754 = arith.constant 0 : i32
    %dma_wait3A_755 = arith.constant 0 : i32
    %dma_wait3A_756 = tpu.memref_slice %arg4[%dma_wait3A_753, %dma_wait3A_754, %dma_wait3A_755] : memref<2x64x512xf32, #tpu.memory_space<vmem>> -> memref<1x64x512xf32, #tpu.memory_space<vmem>>
    %dma_wait3A_757 = tpu.memref_squeeze %dma_wait3A_756 : memref<1x64x512xf32, #tpu.memory_space<vmem>> -> memref<64x512xf32, #tpu.memory_space<vmem>>
    %dma_wait3A_758 = arith.constant 384 : i32
    %dma_wait3A_759 = arith.constant 0 : i32
    %dma_wait3A_760 = tpu.memref_slice %arg2[%add3A_695, %dma_wait3A_758, %dma_wait3A_759] : memref<96x512x512xf32, #tpu.memory_space<hbm>> -> memref<1x64x512xf32, #tpu.memory_space<hbm>>
    %dma_wait3A_761 = tpu.memref_squeeze %dma_wait3A_760 : memref<1x64x512xf32, #tpu.memory_space<hbm>> -> memref<64x512xf32, #tpu.memory_space<hbm>>
    %dma_wait3A_762 = arith.constant 0 : i32
    %dma_wait3A_763 = arith.constant 0 : i32
    %dma_wait3A_764 = tpu.memref_slice %arg4[%dma_wait3A_753, %dma_wait3A_762, %dma_wait3A_763] : memref<2x64x512xf32, #tpu.memory_space<vmem>> -> memref<1x64x512xf32, #tpu.memory_space<vmem>>
    %dma_wait3A_765 = tpu.memref_squeeze %dma_wait3A_764 : memref<1x64x512xf32, #tpu.memory_space<vmem>> -> memref<64x512xf32, #tpu.memory_space<vmem>>
    %dma_wait3A_766 = arith.constant 384 : i32
    %dma_wait3A_767 = arith.constant 0 : i32
    %dma_wait3A_768 = tpu.memref_slice %arg2[%add3A_695, %dma_wait3A_766, %dma_wait3A_767] : memref<96x512x512xf32, #tpu.memory_space<hbm>> -> memref<1x64x512xf32, #tpu.memory_space<hbm>>
    %dma_wait3A_769 = tpu.memref_squeeze %dma_wait3A_768 : memref<1x64x512xf32, #tpu.memory_space<hbm>> -> memref<64x512xf32, #tpu.memory_space<hbm>>
    tpu.wait_dma2 semaphore(%arg7 : memref<!tpu.dma_semaphore, #tpu.memory_space<semaphore_mem>>) src(%dma_wait3A_769 : memref<64x512xf32, #tpu.memory_space<hbm>>) dst(%dma_wait3A_765 : memref<64x512xf32, #tpu.memory_space<vmem>>)
    %parallel_loop3A_770 = arith.constant 0 : i32
    %parallel_loop3A_771 = arith.constant 2048 : i32
    %parallel_loop3A_772 = arith.constant 1 : i32
    %parallel_loop3A_773 = arith.constant 0 : i32
    scf.for %parallel_loop3A_885 = %parallel_loop3A_770 to %parallel_loop3A_771 step %parallel_loop3A_772  : i32 {
      %parallel_loop3A_886 = arith.constant 5 : i32
      %parallel_loop3A_887 = arith.shrui %parallel_loop3A_885, %parallel_loop3A_886 : i32
      %parallel_loop3A_888 = arith.constant 31 : i32
      %parallel_loop3A_889 = arith.andi %parallel_loop3A_885, %parallel_loop3A_888 : i32
      %parallel_loop3A_890 = arith.constant 4 : i32
      %parallel_loop3A_891 = arith.shli %parallel_loop3A_889, %parallel_loop3A_890 : i32
      %parallel_loop3A_892 = arith.constant 0 : i32
      %parallel_loop3A_893 = arith.constant 0 : i32
      %parallel_loop3A_894 = tpu.memref_slice %arg4[%parallel_loop3A_773, %parallel_loop3A_892, %parallel_loop3A_893] : memref<2x64x512xf32, #tpu.memory_space<vmem>> -> memref<1x64x512xf32, #tpu.memory_space<vmem>>
      %parallel_loop3A_895 = tpu.memref_squeeze %parallel_loop3A_894 : memref<1x64x512xf32, #tpu.memory_space<vmem>> -> memref<64x512xf32, #tpu.memory_space<vmem>>
      %parallel_loop3A_896 = arith.index_cast %parallel_loop3A_887 : i32 to index
      %parallel_loop3A_897 = arith.index_cast %parallel_loop3A_891 : i32 to index
      %parallel_loop3A_898 = tpu.vector_load %parallel_loop3A_895[%parallel_loop3A_896, %parallel_loop3A_897] {strides = array<i32>} : memref<64x512xf32, #tpu.memory_space<vmem>>, vector<16xf32>,
      %parallel_loop3A_899 = arith.constant 1.000000e+00 : f32
      %parallel_loop3A_900 = vector.broadcast %parallel_loop3A_899 : f32 to vector<16xf32>
      %parallel_loop3A_901 = arith.addf %parallel_loop3A_898, %parallel_loop3A_900 : vector<16xf32>
      %parallel_loop3A_902 = vector.bitcast %parallel_loop3A_901 : vector<16xf32> to vector<16xi32>
      %parallel_loop3A_903 = arith.constant 15 : i32
      %parallel_loop3A_904 = vector.broadcast %parallel_loop3A_903 : i32 to vector<16xi32>
      %parallel_loop3A_905 = arith.shrui %parallel_loop3A_902, %parallel_loop3A_904 : vector<16xi32>
      %parallel_loop3A_906 = arith.constant 240 : i32
      %parallel_loop3A_907 = vector.broadcast %parallel_loop3A_906 : i32 to vector<16xi32>
      %parallel_loop3A_908 = arith.andi %parallel_loop3A_905, %parallel_loop3A_907 : vector<16xi32>
      %parallel_loop3A_909 = arith.addi %parallel_loop3A_908, %iota3A : vector<16xi32>
      tpu.vector_store_idx %arg5[%parallel_loop3A_909], %broadcast_in_dim3A_3 {add = true} : memref<256xf32, #tpu.memory_space<vmem>>[vector<16xi32>], vector<16xf32>,
    } {sc.loop_unroll_factor = 16 : i64, sc.parallel_access}
    %dma_wait3A_774 = arith.constant 1 : i32
    %dma_wait3A_775 = arith.constant 0 : i32
    %dma_wait3A_776 = arith.constant 0 : i32
    %dma_wait3A_777 = tpu.memref_slice %arg4[%dma_wait3A_774, %dma_wait3A_775, %dma_wait3A_776] : memref<2x64x512xf32, #tpu.memory_space<vmem>> -> memref<1x64x512xf32, #tpu.memory_space<vmem>>
    %dma_wait3A_778 = tpu.memref_squeeze %dma_wait3A_777 : memref<1x64x512xf32, #tpu.memory_space<vmem>> -> memref<64x512xf32, #tpu.memory_space<vmem>>
    %dma_wait3A_779 = arith.constant 448 : i32
    %dma_wait3A_780 = arith.constant 0 : i32
    %dma_wait3A_781 = tpu.memref_slice %arg2[%add3A_735, %dma_wait3A_779, %dma_wait3A_780] : memref<96x512x512xf32, #tpu.memory_space<hbm>> -> memref<1x64x512xf32, #tpu.memory_space<hbm>>
    %dma_wait3A_782 = tpu.memref_squeeze %dma_wait3A_781 : memref<1x64x512xf32, #tpu.memory_space<hbm>> -> memref<64x512xf32, #tpu.memory_space<hbm>>
    %dma_wait3A_783 = arith.constant 0 : i32
    %dma_wait3A_784 = arith.constant 0 : i32
    %dma_wait3A_785 = tpu.memref_slice %arg4[%dma_wait3A_774, %dma_wait3A_783, %dma_wait3A_784] : memref<2x64x512xf32, #tpu.memory_space<vmem>> -> memref<1x64x512xf32, #tpu.memory_space<vmem>>
    %dma_wait3A_786 = tpu.memref_squeeze %dma_wait3A_785 : memref<1x64x512xf32, #tpu.memory_space<vmem>> -> memref<64x512xf32, #tpu.memory_space<vmem>>
    %dma_wait3A_787 = arith.constant 448 : i32
    %dma_wait3A_788 = arith.constant 0 : i32
    %dma_wait3A_789 = tpu.memref_slice %arg2[%add3A_735, %dma_wait3A_787, %dma_wait3A_788] : memref<96x512x512xf32, #tpu.memory_space<hbm>> -> memref<1x64x512xf32, #tpu.memory_space<hbm>>
    %dma_wait3A_790 = tpu.memref_squeeze %dma_wait3A_789 : memref<1x64x512xf32, #tpu.memory_space<hbm>> -> memref<64x512xf32, #tpu.memory_space<hbm>>
    tpu.wait_dma2 semaphore(%arg8 : memref<!tpu.dma_semaphore, #tpu.memory_space<semaphore_mem>>) src(%dma_wait3A_790 : memref<64x512xf32, #tpu.memory_space<hbm>>) dst(%dma_wait3A_786 : memref<64x512xf32, #tpu.memory_space<vmem>>)
    %parallel_loop3A_791 = arith.constant 0 : i32
    %parallel_loop3A_792 = arith.constant 2048 : i32
    %parallel_loop3A_793 = arith.constant 1 : i32
    %parallel_loop3A_794 = arith.constant 1 : i32
    scf.for %parallel_loop3A_885 = %parallel_loop3A_791 to %parallel_loop3A_792 step %parallel_loop3A_793  : i32 {
      %parallel_loop3A_886 = arith.constant 5 : i32
      %parallel_loop3A_887 = arith.shrui %parallel_loop3A_885, %parallel_loop3A_886 : i32
      %parallel_loop3A_888 = arith.constant 31 : i32
      %parallel_loop3A_889 = arith.andi %parallel_loop3A_885, %parallel_loop3A_888 : i32
      %parallel_loop3A_890 = arith.constant 4 : i32
      %parallel_loop3A_891 = arith.shli %parallel_loop3A_889, %parallel_loop3A_890 : i32
      %parallel_loop3A_892 = arith.constant 0 : i32
      %parallel_loop3A_893 = arith.constant 0 : i32
      %parallel_loop3A_894 = tpu.memref_slice %arg4[%parallel_loop3A_794, %parallel_loop3A_892, %parallel_loop3A_893] : memref<2x64x512xf32, #tpu.memory_space<vmem>> -> memref<1x64x512xf32, #tpu.memory_space<vmem>>
      %parallel_loop3A_895 = tpu.memref_squeeze %parallel_loop3A_894 : memref<1x64x512xf32, #tpu.memory_space<vmem>> -> memref<64x512xf32, #tpu.memory_space<vmem>>
      %parallel_loop3A_896 = arith.index_cast %parallel_loop3A_887 : i32 to index
      %parallel_loop3A_897 = arith.index_cast %parallel_loop3A_891 : i32 to index
      %parallel_loop3A_898 = tpu.vector_load %parallel_loop3A_895[%parallel_loop3A_896, %parallel_loop3A_897] {strides = array<i32>} : memref<64x512xf32, #tpu.memory_space<vmem>>, vector<16xf32>,
      %parallel_loop3A_899 = arith.constant 1.000000e+00 : f32
      %parallel_loop3A_900 = vector.broadcast %parallel_loop3A_899 : f32 to vector<16xf32>
      %parallel_loop3A_901 = arith.addf %parallel_loop3A_898, %parallel_loop3A_900 : vector<16xf32>
      %parallel_loop3A_902 = vector.bitcast %parallel_loop3A_901 : vector<16xf32> to vector<16xi32>
      %parallel_loop3A_903 = arith.constant 15 : i32
      %parallel_loop3A_904 = vector.broadcast %parallel_loop3A_903 : i32 to vector<16xi32>
      %parallel_loop3A_905 = arith.shrui %parallel_loop3A_902, %parallel_loop3A_904 : vector<16xi32>
      %parallel_loop3A_906 = arith.constant 240 : i32
      %parallel_loop3A_907 = vector.broadcast %parallel_loop3A_906 : i32 to vector<16xi32>
      %parallel_loop3A_908 = arith.andi %parallel_loop3A_905, %parallel_loop3A_907 : vector<16xi32>
      %parallel_loop3A_909 = arith.addi %parallel_loop3A_908, %iota3A : vector<16xi32>
      tpu.vector_store_idx %arg5[%parallel_loop3A_909], %broadcast_in_dim3A_3 {add = true} : memref<256xf32, #tpu.memory_space<vmem>>[vector<16xi32>], vector<16xf32>,
    } {sc.loop_unroll_factor = 16 : i64, sc.parallel_access}
    %mul3A_795 = arith.constant 16 : i32
    %mul3A_796 = vector.broadcast %mul3A_795 : i32 to vector<16xi32>
    %mul3A_797 = arith.muli %iota3A, %mul3A_796 : vector<16xi32>
    %add3A_798 = arith.constant 0 : i32
    %add3A_799 = vector.broadcast %add3A_798 : i32 to vector<16xi32>
    %add3A_800 = arith.addi %mul3A_797, %add3A_799 : vector<16xi32>
    %gather3A_801 = tpu.vector_load_idx %arg5[%add3A_800] : memref<256xf32, #tpu.memory_space<vmem>>[vector<16xi32>], vector<16xf32>,
    %add3A_802 = arith.addf %broadcast_in_dim3A_5, %gather3A_801 : vector<16xf32>
    %add3A_803 = arith.constant 1 : i32
    %add3A_804 = vector.broadcast %add3A_803 : i32 to vector<16xi32>
    %add3A_805 = arith.addi %mul3A_797, %add3A_804 : vector<16xi32>
    %gather3A_806 = tpu.vector_load_idx %arg5[%add3A_805] : memref<256xf32, #tpu.memory_space<vmem>>[vector<16xi32>], vector<16xf32>,
    %add3A_807 = arith.addf %add3A_802, %gather3A_806 : vector<16xf32>
    %add3A_808 = arith.constant 2 : i32
    %add3A_809 = vector.broadcast %add3A_808 : i32 to vector<16xi32>
    %add3A_810 = arith.addi %mul3A_797, %add3A_809 : vector<16xi32>
    %gather3A_811 = tpu.vector_load_idx %arg5[%add3A_810] : memref<256xf32, #tpu.memory_space<vmem>>[vector<16xi32>], vector<16xf32>,
    %add3A_812 = arith.addf %add3A_807, %gather3A_811 : vector<16xf32>
    %add3A_813 = arith.constant 3 : i32
    %add3A_814 = vector.broadcast %add3A_813 : i32 to vector<16xi32>
    %add3A_815 = arith.addi %mul3A_797, %add3A_814 : vector<16xi32>
    %gather3A_816 = tpu.vector_load_idx %arg5[%add3A_815] : memref<256xf32, #tpu.memory_space<vmem>>[vector<16xi32>], vector<16xf32>,
    %add3A_817 = arith.addf %add3A_812, %gather3A_816 : vector<16xf32>
    %add3A_818 = arith.constant 4 : i32
    %add3A_819 = vector.broadcast %add3A_818 : i32 to vector<16xi32>
    %add3A_820 = arith.addi %mul3A_797, %add3A_819 : vector<16xi32>
    %gather3A_821 = tpu.vector_load_idx %arg5[%add3A_820] : memref<256xf32, #tpu.memory_space<vmem>>[vector<16xi32>], vector<16xf32>,
    %add3A_822 = arith.addf %add3A_817, %gather3A_821 : vector<16xf32>
    %add3A_823 = arith.constant 5 : i32
    %add3A_824 = vector.broadcast %add3A_823 : i32 to vector<16xi32>
    %add3A_825 = arith.addi %mul3A_797, %add3A_824 : vector<16xi32>
    %gather3A_826 = tpu.vector_load_idx %arg5[%add3A_825] : memref<256xf32, #tpu.memory_space<vmem>>[vector<16xi32>], vector<16xf32>,
    %add3A_827 = arith.addf %add3A_822, %gather3A_826 : vector<16xf32>
    %add3A_828 = arith.constant 6 : i32
    %add3A_829 = vector.broadcast %add3A_828 : i32 to vector<16xi32>
    %add3A_830 = arith.addi %mul3A_797, %add3A_829 : vector<16xi32>
    %gather3A_831 = tpu.vector_load_idx %arg5[%add3A_830] : memref<256xf32, #tpu.memory_space<vmem>>[vector<16xi32>], vector<16xf32>,
    %add3A_832 = arith.addf %add3A_827, %gather3A_831 : vector<16xf32>
    %add3A_833 = arith.constant 7 : i32
    %add3A_834 = vector.broadcast %add3A_833 : i32 to vector<16xi32>
    %add3A_835 = arith.addi %mul3A_797, %add3A_834 : vector<16xi32>
    %gather3A_836 = tpu.vector_load_idx %arg5[%add3A_835] : memref<256xf32, #tpu.memory_space<vmem>>[vector<16xi32>], vector<16xf32>,
    %add3A_837 = arith.addf %add3A_832, %gather3A_836 : vector<16xf32>
    %add3A_838 = arith.constant 8 : i32
    %add3A_839 = vector.broadcast %add3A_838 : i32 to vector<16xi32>
    %add3A_840 = arith.addi %mul3A_797, %add3A_839 : vector<16xi32>
    %gather3A_841 = tpu.vector_load_idx %arg5[%add3A_840] : memref<256xf32, #tpu.memory_space<vmem>>[vector<16xi32>], vector<16xf32>,
    %add3A_842 = arith.addf %add3A_837, %gather3A_841 : vector<16xf32>
    %add3A_843 = arith.constant 9 : i32
    %add3A_844 = vector.broadcast %add3A_843 : i32 to vector<16xi32>
    %add3A_845 = arith.addi %mul3A_797, %add3A_844 : vector<16xi32>
    %gather3A_846 = tpu.vector_load_idx %arg5[%add3A_845] : memref<256xf32, #tpu.memory_space<vmem>>[vector<16xi32>], vector<16xf32>,
    %add3A_847 = arith.addf %add3A_842, %gather3A_846 : vector<16xf32>
    %add3A_848 = arith.constant 10 : i32
    %add3A_849 = vector.broadcast %add3A_848 : i32 to vector<16xi32>
    %add3A_850 = arith.addi %mul3A_797, %add3A_849 : vector<16xi32>
    %gather3A_851 = tpu.vector_load_idx %arg5[%add3A_850] : memref<256xf32, #tpu.memory_space<vmem>>[vector<16xi32>], vector<16xf32>,
    %add3A_852 = arith.addf %add3A_847, %gather3A_851 : vector<16xf32>
    %add3A_853 = arith.constant 11 : i32
    %add3A_854 = vector.broadcast %add3A_853 : i32 to vector<16xi32>
    %add3A_855 = arith.addi %mul3A_797, %add3A_854 : vector<16xi32>
    %gather3A_856 = tpu.vector_load_idx %arg5[%add3A_855] : memref<256xf32, #tpu.memory_space<vmem>>[vector<16xi32>], vector<16xf32>,
    %add3A_857 = arith.addf %add3A_852, %gather3A_856 : vector<16xf32>
    %add3A_858 = arith.constant 12 : i32
    %add3A_859 = vector.broadcast %add3A_858 : i32 to vector<16xi32>
    %add3A_860 = arith.addi %mul3A_797, %add3A_859 : vector<16xi32>
    %gather3A_861 = tpu.vector_load_idx %arg5[%add3A_860] : memref<256xf32, #tpu.memory_space<vmem>>[vector<16xi32>], vector<16xf32>,
    %add3A_862 = arith.addf %add3A_857, %gather3A_861 : vector<16xf32>
    %add3A_863 = arith.constant 13 : i32
    %add3A_864 = vector.broadcast %add3A_863 : i32 to vector<16xi32>
    %add3A_865 = arith.addi %mul3A_797, %add3A_864 : vector<16xi32>
    %gather3A_866 = tpu.vector_load_idx %arg5[%add3A_865] : memref<256xf32, #tpu.memory_space<vmem>>[vector<16xi32>], vector<16xf32>,
    %add3A_867 = arith.addf %add3A_862, %gather3A_866 : vector<16xf32>
    %add3A_868 = arith.constant 14 : i32
    %add3A_869 = vector.broadcast %add3A_868 : i32 to vector<16xi32>
    %add3A_870 = arith.addi %mul3A_797, %add3A_869 : vector<16xi32>
    %gather3A_871 = tpu.vector_load_idx %arg5[%add3A_870] : memref<256xf32, #tpu.memory_space<vmem>>[vector<16xi32>], vector<16xf32>,
    %add3A_872 = arith.addf %add3A_867, %gather3A_871 : vector<16xf32>
    %add3A_873 = arith.constant 15 : i32
    %add3A_874 = vector.broadcast %add3A_873 : i32 to vector<16xi32>
    %add3A_875 = arith.addi %mul3A_797, %add3A_874 : vector<16xi32>
    %gather3A_876 = tpu.vector_load_idx %arg5[%add3A_875] : memref<256xf32, #tpu.memory_space<vmem>>[vector<16xi32>], vector<16xf32>,
    %add3A_877 = arith.addf %add3A_872, %gather3A_876 : vector<16xf32>
    %mul3A_878 = arith.constant 3.81469727E-6 : f32
    %mul3A_879 = vector.broadcast %mul3A_878 : f32 to vector<16xf32>
    %mul3A_880 = arith.mulf %add3A_877, %mul3A_879 : vector<16xf32>
    %swap3A_881 = arith.constant 1 : i32
    %swap3A_882 = arith.index_cast %swap3A_881 : i32 to index
    %swap3A_883 = arith.constant 0 : index
    %swap3A_884 = tpu.vector_load %arg6[%swap3A_882, %swap3A_883] {strides = array<i32>} : memref<2x16xf32, #tpu.memory_space<vmem>>, vector<16xf32>,
    tpu.vector_store %arg6[%swap3A_882, %swap3A_883], %mul3A_880 {strides = array<i32>} : memref<2x16xf32, #tpu.memory_space<vmem>>, vector<16xf32>,
    "tpu.region"() ({
      %run_scoped3A = tpu.sem_alloc : memref<!tpu.dma_semaphore, #tpu.memory_space<semaphore_mem>>
      %dma_start3A_885 = arith.constant 0 : i32
      %dma_start3A_886 = arith.constant 0 : i32
      %dma_start3A_887 = tpu.memref_slice %arg3[%add3A, %dma_start3A_885, %dma_start3A_886] : memref<32x2x16xf32, #tpu.memory_space<hbm>> -> memref<1x2x16xf32, #tpu.memory_space<hbm>>
      %dma_start3A_888 = tpu.memref_squeeze %dma_start3A_887 : memref<1x2x16xf32, #tpu.memory_space<hbm>> -> memref<2x16xf32, #tpu.memory_space<hbm>>
      %dma_start3A_889 = arith.constant 0 : i32
      %dma_start3A_890 = arith.constant 0 : i32
      %dma_start3A_891 = tpu.memref_slice %arg3[%add3A, %dma_start3A_889, %dma_start3A_890] : memref<32x2x16xf32, #tpu.memory_space<hbm>> -> memref<1x2x16xf32, #tpu.memory_space<hbm>>
      %dma_start3A_892 = tpu.memref_squeeze %dma_start3A_891 : memref<1x2x16xf32, #tpu.memory_space<hbm>> -> memref<2x16xf32, #tpu.memory_space<hbm>>
      tpu.enqueue_dma source(%arg6 : memref<2x16xf32, #tpu.memory_space<vmem>>) target(%dma_start3A_892 : memref<2x16xf32, #tpu.memory_space<hbm>>) target_semaphore(%run_scoped3A : memref<!tpu.dma_semaphore, #tpu.memory_space<semaphore_mem>>)
      %dma_wait3A_893 = arith.constant 0 : i32
      %dma_wait3A_894 = arith.constant 0 : i32
      %dma_wait3A_895 = tpu.memref_slice %arg3[%add3A, %dma_wait3A_893, %dma_wait3A_894] : memref<32x2x16xf32, #tpu.memory_space<hbm>> -> memref<1x2x16xf32, #tpu.memory_space<hbm>>
      %dma_wait3A_896 = tpu.memref_squeeze %dma_wait3A_895 : memref<1x2x16xf32, #tpu.memory_space<hbm>> -> memref<2x16xf32, #tpu.memory_space<hbm>>
      %dma_wait3A_897 = arith.constant 0 : i32
      %dma_wait3A_898 = arith.constant 0 : i32
      %dma_wait3A_899 = tpu.memref_slice %arg3[%add3A, %dma_wait3A_897, %dma_wait3A_898] : memref<32x2x16xf32, #tpu.memory_space<hbm>> -> memref<1x2x16xf32, #tpu.memory_space<hbm>>
      %dma_wait3A_900 = tpu.memref_squeeze %dma_wait3A_899 : memref<1x2x16xf32, #tpu.memory_space<hbm>> -> memref<2x16xf32, #tpu.memory_space<hbm>>
      tpu.wait_dma2 semaphore(%run_scoped3A : memref<!tpu.dma_semaphore, #tpu.memory_space<semaphore_mem>>) src(%arg6 : memref<2x16xf32, #tpu.memory_space<vmem>>) dst(%dma_wait3A_900 : memref<2x16xf32, #tpu.memory_space<hbm>>)
      tpu.yield
    }) : () -> ()
    return
  }
}

module attributes {stable_mosaic.version = 14 : i64} {
  func.func @hbody(%arg0: i32, %arg1: memref<1x512x512xf32, #tpu.memory_space<vmem>>, %arg2: memref<1x8x128xf32, #tpu.memory_space<vmem>>) attributes {dimension_semantics = [#tpu.dimension_semantics<arbitrary>], iteration_bounds = array<i64: 32>, scalar_prefetch = 0 : i64, scratch_operands = 0 : i64, tpu.core_type = #tpu.core_type<tc>, window_params = [{transform_indices = @transform_0, window_bounds = array<i64: 1, 512, 512>}, {transform_indices = @transform_1, window_bounds = array<i64: 1, 8, 128>}]} {
    %get3A = arith.constant 0 : index
    %get3A_0 = arith.constant 0 : index
    %get3A_1 = arith.constant 0 : index
    %get3A_2 = vector.load %arg1[%get3A, %get3A_0, %get3A_1] : memref<1x512x512xf32, #tpu.memory_space<vmem>>, vector<1x512x512xf32>
    %get3A_3 = vector.shape_cast %get3A_2 : vector<1x512x512xf32> to vector<512x512xf32>
    %add3A = arith.constant 1.000000e+00 : f32
    %add3A_4 = vector.broadcast %add3A : f32 to vector<512x512xf32>
    %add3A_5 = arith.addf %get3A_3, %add3A_4 : vector<512x512xf32>
    %bitcast_convert_type3A = tpu.bitcast %add3A_5 : vector<512x512xf32> -> vector<512x512xi32>
    %shift_right_logical3A = arith.constant 19 : i32
    %shift_right_logical3A_6 = vector.broadcast %shift_right_logical3A : i32 to vector<512x512xi32>
    %shift_right_logical3A_7 = arith.shrui %bitcast_convert_type3A, %shift_right_logical3A_6 : vector<512x512xi32>
    %and3A = arith.constant 15 : i32
    %and3A_8 = vector.broadcast %and3A : i32 to vector<512x512xi32>
    %and3A_9 = arith.andi %shift_right_logical3A_7, %and3A_8 : vector<512x512xi32>
    %convert_element_type3A = arith.trunci %and3A_9 : vector<512x512xi32> to vector<512x512xi16>
    %eq3A = arith.constant 0 : i16
    %eq3A_10 = vector.broadcast %eq3A : i16 to vector<512x512xi16>
    %eq3A_11 = arith.cmpi eq, %convert_element_type3A, %eq3A_10 : vector<512x512xi16>
    %convert_element_type3A_12 = arith.extui %eq3A_11 : vector<512x512xi1> to vector<512x512xi16>
    %slice3A = vector.extract_strided_slice %convert_element_type3A_12 {offsets = [0, 0], sizes = [256, 512], strides = [1, 1]} : vector<512x512xi16> to vector<256x512xi16>
    %slice3A_13 = vector.extract_strided_slice %convert_element_type3A_12 {offsets = [256, 0], sizes = [256, 512], strides = [1, 1]} : vector<512x512xi16> to vector<256x512xi16>
    %add3A_14 = arith.addi %slice3A, %slice3A_13 : vector<256x512xi16>
    %slice3A_15 = vector.extract_strided_slice %add3A_14 {offsets = [0, 0], sizes = [128, 512], strides = [1, 1]} : vector<256x512xi16> to vector<128x512xi16>
    %slice3A_16 = vector.extract_strided_slice %add3A_14 {offsets = [128, 0], sizes = [128, 512], strides = [1, 1]} : vector<256x512xi16> to vector<128x512xi16>
    %add3A_17 = arith.addi %slice3A_15, %slice3A_16 : vector<128x512xi16>
    %slice3A_18 = vector.extract_strided_slice %add3A_17 {offsets = [0, 0], sizes = [64, 512], strides = [1, 1]} : vector<128x512xi16> to vector<64x512xi16>
    %slice3A_19 = vector.extract_strided_slice %add3A_17 {offsets = [64, 0], sizes = [64, 512], strides = [1, 1]} : vector<128x512xi16> to vector<64x512xi16>
    %add3A_20 = arith.addi %slice3A_18, %slice3A_19 : vector<64x512xi16>
    %slice3A_21 = vector.extract_strided_slice %add3A_20 {offsets = [0, 0], sizes = [32, 512], strides = [1, 1]} : vector<64x512xi16> to vector<32x512xi16>
    %slice3A_22 = vector.extract_strided_slice %add3A_20 {offsets = [32, 0], sizes = [32, 512], strides = [1, 1]} : vector<64x512xi16> to vector<32x512xi16>
    %add3A_23 = arith.addi %slice3A_21, %slice3A_22 : vector<32x512xi16>
    %slice3A_24 = vector.extract_strided_slice %add3A_23 {offsets = [0, 0], sizes = [16, 512], strides = [1, 1]} : vector<32x512xi16> to vector<16x512xi16>
    %slice3A_25 = vector.extract_strided_slice %add3A_23 {offsets = [16, 0], sizes = [16, 512], strides = [1, 1]} : vector<32x512xi16> to vector<16x512xi16>
    %add3A_26 = arith.addi %slice3A_24, %slice3A_25 : vector<16x512xi16>
    %slice3A_27 = vector.extract_strided_slice %add3A_26 {offsets = [0, 0], sizes = [8, 512], strides = [1, 1]} : vector<16x512xi16> to vector<8x512xi16>
    %slice3A_28 = vector.extract_strided_slice %add3A_26 {offsets = [8, 0], sizes = [8, 512], strides = [1, 1]} : vector<16x512xi16> to vector<8x512xi16>
    %add3A_29 = arith.addi %slice3A_27, %slice3A_28 : vector<8x512xi16>
    %convert_element_type3A_30 = arith.sitofp %add3A_29 : vector<8x512xi16> to vector<8x512xf32>
    %reduce_sum3A = vector.shape_cast %convert_element_type3A_30 : vector<8x512xf32> to vector<1x8x512xf32>
    %reduce_sum3A_31 = arith.constant dense<0.000000e+00> : vector<1xf32>
    %reduce_sum3A_32 = vector.multi_reduction <add>, %reduce_sum3A, %reduce_sum3A_31 [1, 2] : vector<1x8x512xf32> to vector<1xf32>
    %reduce_sum3A_33 = vector.shape_cast %reduce_sum3A_32 : vector<1xf32> to vector<1x1x1xf32>
    %reduce_sum3A_34 = vector.extract %reduce_sum3A_33[0, 0, 0] : f32 from vector<1x1x1xf32>
    %eq3A_35 = arith.constant 1 : i16
    %eq3A_36 = vector.broadcast %eq3A_35 : i16 to vector<512x512xi16>
    %eq3A_37 = arith.cmpi eq, %convert_element_type3A, %eq3A_36 : vector<512x512xi16>
    %convert_element_type3A_38 = arith.extui %eq3A_37 : vector<512x512xi1> to vector<512x512xi16>
    %slice3A_39 = vector.extract_strided_slice %convert_element_type3A_38 {offsets = [0, 0], sizes = [256, 512], strides = [1, 1]} : vector<512x512xi16> to vector<256x512xi16>
    %slice3A_40 = vector.extract_strided_slice %convert_element_type3A_38 {offsets = [256, 0], sizes = [256, 512], strides = [1, 1]} : vector<512x512xi16> to vector<256x512xi16>
    %add3A_41 = arith.addi %slice3A_39, %slice3A_40 : vector<256x512xi16>
    %slice3A_42 = vector.extract_strided_slice %add3A_41 {offsets = [0, 0], sizes = [128, 512], strides = [1, 1]} : vector<256x512xi16> to vector<128x512xi16>
    %slice3A_43 = vector.extract_strided_slice %add3A_41 {offsets = [128, 0], sizes = [128, 512], strides = [1, 1]} : vector<256x512xi16> to vector<128x512xi16>
    %add3A_44 = arith.addi %slice3A_42, %slice3A_43 : vector<128x512xi16>
    %slice3A_45 = vector.extract_strided_slice %add3A_44 {offsets = [0, 0], sizes = [64, 512], strides = [1, 1]} : vector<128x512xi16> to vector<64x512xi16>
    %slice3A_46 = vector.extract_strided_slice %add3A_44 {offsets = [64, 0], sizes = [64, 512], strides = [1, 1]} : vector<128x512xi16> to vector<64x512xi16>
    %add3A_47 = arith.addi %slice3A_45, %slice3A_46 : vector<64x512xi16>
    %slice3A_48 = vector.extract_strided_slice %add3A_47 {offsets = [0, 0], sizes = [32, 512], strides = [1, 1]} : vector<64x512xi16> to vector<32x512xi16>
    %slice3A_49 = vector.extract_strided_slice %add3A_47 {offsets = [32, 0], sizes = [32, 512], strides = [1, 1]} : vector<64x512xi16> to vector<32x512xi16>
    %add3A_50 = arith.addi %slice3A_48, %slice3A_49 : vector<32x512xi16>
    %slice3A_51 = vector.extract_strided_slice %add3A_50 {offsets = [0, 0], sizes = [16, 512], strides = [1, 1]} : vector<32x512xi16> to vector<16x512xi16>
    %slice3A_52 = vector.extract_strided_slice %add3A_50 {offsets = [16, 0], sizes = [16, 512], strides = [1, 1]} : vector<32x512xi16> to vector<16x512xi16>
    %add3A_53 = arith.addi %slice3A_51, %slice3A_52 : vector<16x512xi16>
    %slice3A_54 = vector.extract_strided_slice %add3A_53 {offsets = [0, 0], sizes = [8, 512], strides = [1, 1]} : vector<16x512xi16> to vector<8x512xi16>
    %slice3A_55 = vector.extract_strided_slice %add3A_53 {offsets = [8, 0], sizes = [8, 512], strides = [1, 1]} : vector<16x512xi16> to vector<8x512xi16>
    %add3A_56 = arith.addi %slice3A_54, %slice3A_55 : vector<8x512xi16>
    %convert_element_type3A_57 = arith.sitofp %add3A_56 : vector<8x512xi16> to vector<8x512xf32>
    %reduce_sum3A_58 = vector.shape_cast %convert_element_type3A_57 : vector<8x512xf32> to vector<1x8x512xf32>
    %reduce_sum3A_59 = arith.constant dense<0.000000e+00> : vector<1xf32>
    %reduce_sum3A_60 = vector.multi_reduction <add>, %reduce_sum3A_58, %reduce_sum3A_59 [1, 2] : vector<1x8x512xf32> to vector<1xf32>
    %reduce_sum3A_61 = vector.shape_cast %reduce_sum3A_60 : vector<1xf32> to vector<1x1x1xf32>
    %reduce_sum3A_62 = vector.extract %reduce_sum3A_61[0, 0, 0] : f32 from vector<1x1x1xf32>
    %eq3A_63 = arith.constant 2 : i16
    %eq3A_64 = vector.broadcast %eq3A_63 : i16 to vector<512x512xi16>
    %eq3A_65 = arith.cmpi eq, %convert_element_type3A, %eq3A_64 : vector<512x512xi16>
    %convert_element_type3A_66 = arith.extui %eq3A_65 : vector<512x512xi1> to vector<512x512xi16>
    %slice3A_67 = vector.extract_strided_slice %convert_element_type3A_66 {offsets = [0, 0], sizes = [256, 512], strides = [1, 1]} : vector<512x512xi16> to vector<256x512xi16>
    %slice3A_68 = vector.extract_strided_slice %convert_element_type3A_66 {offsets = [256, 0], sizes = [256, 512], strides = [1, 1]} : vector<512x512xi16> to vector<256x512xi16>
    %add3A_69 = arith.addi %slice3A_67, %slice3A_68 : vector<256x512xi16>
    %slice3A_70 = vector.extract_strided_slice %add3A_69 {offsets = [0, 0], sizes = [128, 512], strides = [1, 1]} : vector<256x512xi16> to vector<128x512xi16>
    %slice3A_71 = vector.extract_strided_slice %add3A_69 {offsets = [128, 0], sizes = [128, 512], strides = [1, 1]} : vector<256x512xi16> to vector<128x512xi16>
    %add3A_72 = arith.addi %slice3A_70, %slice3A_71 : vector<128x512xi16>
    %slice3A_73 = vector.extract_strided_slice %add3A_72 {offsets = [0, 0], sizes = [64, 512], strides = [1, 1]} : vector<128x512xi16> to vector<64x512xi16>
    %slice3A_74 = vector.extract_strided_slice %add3A_72 {offsets = [64, 0], sizes = [64, 512], strides = [1, 1]} : vector<128x512xi16> to vector<64x512xi16>
    %add3A_75 = arith.addi %slice3A_73, %slice3A_74 : vector<64x512xi16>
    %slice3A_76 = vector.extract_strided_slice %add3A_75 {offsets = [0, 0], sizes = [32, 512], strides = [1, 1]} : vector<64x512xi16> to vector<32x512xi16>
    %slice3A_77 = vector.extract_strided_slice %add3A_75 {offsets = [32, 0], sizes = [32, 512], strides = [1, 1]} : vector<64x512xi16> to vector<32x512xi16>
    %add3A_78 = arith.addi %slice3A_76, %slice3A_77 : vector<32x512xi16>
    %slice3A_79 = vector.extract_strided_slice %add3A_78 {offsets = [0, 0], sizes = [16, 512], strides = [1, 1]} : vector<32x512xi16> to vector<16x512xi16>
    %slice3A_80 = vector.extract_strided_slice %add3A_78 {offsets = [16, 0], sizes = [16, 512], strides = [1, 1]} : vector<32x512xi16> to vector<16x512xi16>
    %add3A_81 = arith.addi %slice3A_79, %slice3A_80 : vector<16x512xi16>
    %slice3A_82 = vector.extract_strided_slice %add3A_81 {offsets = [0, 0], sizes = [8, 512], strides = [1, 1]} : vector<16x512xi16> to vector<8x512xi16>
    %slice3A_83 = vector.extract_strided_slice %add3A_81 {offsets = [8, 0], sizes = [8, 512], strides = [1, 1]} : vector<16x512xi16> to vector<8x512xi16>
    %add3A_84 = arith.addi %slice3A_82, %slice3A_83 : vector<8x512xi16>
    %convert_element_type3A_85 = arith.sitofp %add3A_84 : vector<8x512xi16> to vector<8x512xf32>
    %reduce_sum3A_86 = vector.shape_cast %convert_element_type3A_85 : vector<8x512xf32> to vector<1x8x512xf32>
    %reduce_sum3A_87 = arith.constant dense<0.000000e+00> : vector<1xf32>
    %reduce_sum3A_88 = vector.multi_reduction <add>, %reduce_sum3A_86, %reduce_sum3A_87 [1, 2] : vector<1x8x512xf32> to vector<1xf32>
    %reduce_sum3A_89 = vector.shape_cast %reduce_sum3A_88 : vector<1xf32> to vector<1x1x1xf32>
    %reduce_sum3A_90 = vector.extract %reduce_sum3A_89[0, 0, 0] : f32 from vector<1x1x1xf32>
    %eq3A_91 = arith.constant 3 : i16
    %eq3A_92 = vector.broadcast %eq3A_91 : i16 to vector<512x512xi16>
    %eq3A_93 = arith.cmpi eq, %convert_element_type3A, %eq3A_92 : vector<512x512xi16>
    %convert_element_type3A_94 = arith.extui %eq3A_93 : vector<512x512xi1> to vector<512x512xi16>
    %slice3A_95 = vector.extract_strided_slice %convert_element_type3A_94 {offsets = [0, 0], sizes = [256, 512], strides = [1, 1]} : vector<512x512xi16> to vector<256x512xi16>
    %slice3A_96 = vector.extract_strided_slice %convert_element_type3A_94 {offsets = [256, 0], sizes = [256, 512], strides = [1, 1]} : vector<512x512xi16> to vector<256x512xi16>
    %add3A_97 = arith.addi %slice3A_95, %slice3A_96 : vector<256x512xi16>
    %slice3A_98 = vector.extract_strided_slice %add3A_97 {offsets = [0, 0], sizes = [128, 512], strides = [1, 1]} : vector<256x512xi16> to vector<128x512xi16>
    %slice3A_99 = vector.extract_strided_slice %add3A_97 {offsets = [128, 0], sizes = [128, 512], strides = [1, 1]} : vector<256x512xi16> to vector<128x512xi16>
    %add3A_100 = arith.addi %slice3A_98, %slice3A_99 : vector<128x512xi16>
    %slice3A_101 = vector.extract_strided_slice %add3A_100 {offsets = [0, 0], sizes = [64, 512], strides = [1, 1]} : vector<128x512xi16> to vector<64x512xi16>
    %slice3A_102 = vector.extract_strided_slice %add3A_100 {offsets = [64, 0], sizes = [64, 512], strides = [1, 1]} : vector<128x512xi16> to vector<64x512xi16>
    %add3A_103 = arith.addi %slice3A_101, %slice3A_102 : vector<64x512xi16>
    %slice3A_104 = vector.extract_strided_slice %add3A_103 {offsets = [0, 0], sizes = [32, 512], strides = [1, 1]} : vector<64x512xi16> to vector<32x512xi16>
    %slice3A_105 = vector.extract_strided_slice %add3A_103 {offsets = [32, 0], sizes = [32, 512], strides = [1, 1]} : vector<64x512xi16> to vector<32x512xi16>
    %add3A_106 = arith.addi %slice3A_104, %slice3A_105 : vector<32x512xi16>
    %slice3A_107 = vector.extract_strided_slice %add3A_106 {offsets = [0, 0], sizes = [16, 512], strides = [1, 1]} : vector<32x512xi16> to vector<16x512xi16>
    %slice3A_108 = vector.extract_strided_slice %add3A_106 {offsets = [16, 0], sizes = [16, 512], strides = [1, 1]} : vector<32x512xi16> to vector<16x512xi16>
    %add3A_109 = arith.addi %slice3A_107, %slice3A_108 : vector<16x512xi16>
    %slice3A_110 = vector.extract_strided_slice %add3A_109 {offsets = [0, 0], sizes = [8, 512], strides = [1, 1]} : vector<16x512xi16> to vector<8x512xi16>
    %slice3A_111 = vector.extract_strided_slice %add3A_109 {offsets = [8, 0], sizes = [8, 512], strides = [1, 1]} : vector<16x512xi16> to vector<8x512xi16>
    %add3A_112 = arith.addi %slice3A_110, %slice3A_111 : vector<8x512xi16>
    %convert_element_type3A_113 = arith.sitofp %add3A_112 : vector<8x512xi16> to vector<8x512xf32>
    %reduce_sum3A_114 = vector.shape_cast %convert_element_type3A_113 : vector<8x512xf32> to vector<1x8x512xf32>
    %reduce_sum3A_115 = arith.constant dense<0.000000e+00> : vector<1xf32>
    %reduce_sum3A_116 = vector.multi_reduction <add>, %reduce_sum3A_114, %reduce_sum3A_115 [1, 2] : vector<1x8x512xf32> to vector<1xf32>
    %reduce_sum3A_117 = vector.shape_cast %reduce_sum3A_116 : vector<1xf32> to vector<1x1x1xf32>
    %reduce_sum3A_118 = vector.extract %reduce_sum3A_117[0, 0, 0] : f32 from vector<1x1x1xf32>
    %eq3A_119 = arith.constant 4 : i16
    %eq3A_120 = vector.broadcast %eq3A_119 : i16 to vector<512x512xi16>
    %eq3A_121 = arith.cmpi eq, %convert_element_type3A, %eq3A_120 : vector<512x512xi16>
    %convert_element_type3A_122 = arith.extui %eq3A_121 : vector<512x512xi1> to vector<512x512xi16>
    %slice3A_123 = vector.extract_strided_slice %convert_element_type3A_122 {offsets = [0, 0], sizes = [256, 512], strides = [1, 1]} : vector<512x512xi16> to vector<256x512xi16>
    %slice3A_124 = vector.extract_strided_slice %convert_element_type3A_122 {offsets = [256, 0], sizes = [256, 512], strides = [1, 1]} : vector<512x512xi16> to vector<256x512xi16>
    %add3A_125 = arith.addi %slice3A_123, %slice3A_124 : vector<256x512xi16>
    %slice3A_126 = vector.extract_strided_slice %add3A_125 {offsets = [0, 0], sizes = [128, 512], strides = [1, 1]} : vector<256x512xi16> to vector<128x512xi16>
    %slice3A_127 = vector.extract_strided_slice %add3A_125 {offsets = [128, 0], sizes = [128, 512], strides = [1, 1]} : vector<256x512xi16> to vector<128x512xi16>
    %add3A_128 = arith.addi %slice3A_126, %slice3A_127 : vector<128x512xi16>
    %slice3A_129 = vector.extract_strided_slice %add3A_128 {offsets = [0, 0], sizes = [64, 512], strides = [1, 1]} : vector<128x512xi16> to vector<64x512xi16>
    %slice3A_130 = vector.extract_strided_slice %add3A_128 {offsets = [64, 0], sizes = [64, 512], strides = [1, 1]} : vector<128x512xi16> to vector<64x512xi16>
    %add3A_131 = arith.addi %slice3A_129, %slice3A_130 : vector<64x512xi16>
    %slice3A_132 = vector.extract_strided_slice %add3A_131 {offsets = [0, 0], sizes = [32, 512], strides = [1, 1]} : vector<64x512xi16> to vector<32x512xi16>
    %slice3A_133 = vector.extract_strided_slice %add3A_131 {offsets = [32, 0], sizes = [32, 512], strides = [1, 1]} : vector<64x512xi16> to vector<32x512xi16>
    %add3A_134 = arith.addi %slice3A_132, %slice3A_133 : vector<32x512xi16>
    %slice3A_135 = vector.extract_strided_slice %add3A_134 {offsets = [0, 0], sizes = [16, 512], strides = [1, 1]} : vector<32x512xi16> to vector<16x512xi16>
    %slice3A_136 = vector.extract_strided_slice %add3A_134 {offsets = [16, 0], sizes = [16, 512], strides = [1, 1]} : vector<32x512xi16> to vector<16x512xi16>
    %add3A_137 = arith.addi %slice3A_135, %slice3A_136 : vector<16x512xi16>
    %slice3A_138 = vector.extract_strided_slice %add3A_137 {offsets = [0, 0], sizes = [8, 512], strides = [1, 1]} : vector<16x512xi16> to vector<8x512xi16>
    %slice3A_139 = vector.extract_strided_slice %add3A_137 {offsets = [8, 0], sizes = [8, 512], strides = [1, 1]} : vector<16x512xi16> to vector<8x512xi16>
    %add3A_140 = arith.addi %slice3A_138, %slice3A_139 : vector<8x512xi16>
    %convert_element_type3A_141 = arith.sitofp %add3A_140 : vector<8x512xi16> to vector<8x512xf32>
    %reduce_sum3A_142 = vector.shape_cast %convert_element_type3A_141 : vector<8x512xf32> to vector<1x8x512xf32>
    %reduce_sum3A_143 = arith.constant dense<0.000000e+00> : vector<1xf32>
    %reduce_sum3A_144 = vector.multi_reduction <add>, %reduce_sum3A_142, %reduce_sum3A_143 [1, 2] : vector<1x8x512xf32> to vector<1xf32>
    %reduce_sum3A_145 = vector.shape_cast %reduce_sum3A_144 : vector<1xf32> to vector<1x1x1xf32>
    %reduce_sum3A_146 = vector.extract %reduce_sum3A_145[0, 0, 0] : f32 from vector<1x1x1xf32>
    %eq3A_147 = arith.constant 5 : i16
    %eq3A_148 = vector.broadcast %eq3A_147 : i16 to vector<512x512xi16>
    %eq3A_149 = arith.cmpi eq, %convert_element_type3A, %eq3A_148 : vector<512x512xi16>
    %convert_element_type3A_150 = arith.extui %eq3A_149 : vector<512x512xi1> to vector<512x512xi16>
    %slice3A_151 = vector.extract_strided_slice %convert_element_type3A_150 {offsets = [0, 0], sizes = [256, 512], strides = [1, 1]} : vector<512x512xi16> to vector<256x512xi16>
    %slice3A_152 = vector.extract_strided_slice %convert_element_type3A_150 {offsets = [256, 0], sizes = [256, 512], strides = [1, 1]} : vector<512x512xi16> to vector<256x512xi16>
    %add3A_153 = arith.addi %slice3A_151, %slice3A_152 : vector<256x512xi16>
    %slice3A_154 = vector.extract_strided_slice %add3A_153 {offsets = [0, 0], sizes = [128, 512], strides = [1, 1]} : vector<256x512xi16> to vector<128x512xi16>
    %slice3A_155 = vector.extract_strided_slice %add3A_153 {offsets = [128, 0], sizes = [128, 512], strides = [1, 1]} : vector<256x512xi16> to vector<128x512xi16>
    %add3A_156 = arith.addi %slice3A_154, %slice3A_155 : vector<128x512xi16>
    %slice3A_157 = vector.extract_strided_slice %add3A_156 {offsets = [0, 0], sizes = [64, 512], strides = [1, 1]} : vector<128x512xi16> to vector<64x512xi16>
    %slice3A_158 = vector.extract_strided_slice %add3A_156 {offsets = [64, 0], sizes = [64, 512], strides = [1, 1]} : vector<128x512xi16> to vector<64x512xi16>
    %add3A_159 = arith.addi %slice3A_157, %slice3A_158 : vector<64x512xi16>
    %slice3A_160 = vector.extract_strided_slice %add3A_159 {offsets = [0, 0], sizes = [32, 512], strides = [1, 1]} : vector<64x512xi16> to vector<32x512xi16>
    %slice3A_161 = vector.extract_strided_slice %add3A_159 {offsets = [32, 0], sizes = [32, 512], strides = [1, 1]} : vector<64x512xi16> to vector<32x512xi16>
    %add3A_162 = arith.addi %slice3A_160, %slice3A_161 : vector<32x512xi16>
    %slice3A_163 = vector.extract_strided_slice %add3A_162 {offsets = [0, 0], sizes = [16, 512], strides = [1, 1]} : vector<32x512xi16> to vector<16x512xi16>
    %slice3A_164 = vector.extract_strided_slice %add3A_162 {offsets = [16, 0], sizes = [16, 512], strides = [1, 1]} : vector<32x512xi16> to vector<16x512xi16>
    %add3A_165 = arith.addi %slice3A_163, %slice3A_164 : vector<16x512xi16>
    %slice3A_166 = vector.extract_strided_slice %add3A_165 {offsets = [0, 0], sizes = [8, 512], strides = [1, 1]} : vector<16x512xi16> to vector<8x512xi16>
    %slice3A_167 = vector.extract_strided_slice %add3A_165 {offsets = [8, 0], sizes = [8, 512], strides = [1, 1]} : vector<16x512xi16> to vector<8x512xi16>
    %add3A_168 = arith.addi %slice3A_166, %slice3A_167 : vector<8x512xi16>
    %convert_element_type3A_169 = arith.sitofp %add3A_168 : vector<8x512xi16> to vector<8x512xf32>
    %reduce_sum3A_170 = vector.shape_cast %convert_element_type3A_169 : vector<8x512xf32> to vector<1x8x512xf32>
    %reduce_sum3A_171 = arith.constant dense<0.000000e+00> : vector<1xf32>
    %reduce_sum3A_172 = vector.multi_reduction <add>, %reduce_sum3A_170, %reduce_sum3A_171 [1, 2] : vector<1x8x512xf32> to vector<1xf32>
    %reduce_sum3A_173 = vector.shape_cast %reduce_sum3A_172 : vector<1xf32> to vector<1x1x1xf32>
    %reduce_sum3A_174 = vector.extract %reduce_sum3A_173[0, 0, 0] : f32 from vector<1x1x1xf32>
    %eq3A_175 = arith.constant 6 : i16
    %eq3A_176 = vector.broadcast %eq3A_175 : i16 to vector<512x512xi16>
    %eq3A_177 = arith.cmpi eq, %convert_element_type3A, %eq3A_176 : vector<512x512xi16>
    %convert_element_type3A_178 = arith.extui %eq3A_177 : vector<512x512xi1> to vector<512x512xi16>
    %slice3A_179 = vector.extract_strided_slice %convert_element_type3A_178 {offsets = [0, 0], sizes = [256, 512], strides = [1, 1]} : vector<512x512xi16> to vector<256x512xi16>
    %slice3A_180 = vector.extract_strided_slice %convert_element_type3A_178 {offsets = [256, 0], sizes = [256, 512], strides = [1, 1]} : vector<512x512xi16> to vector<256x512xi16>
    %add3A_181 = arith.addi %slice3A_179, %slice3A_180 : vector<256x512xi16>
    %slice3A_182 = vector.extract_strided_slice %add3A_181 {offsets = [0, 0], sizes = [128, 512], strides = [1, 1]} : vector<256x512xi16> to vector<128x512xi16>
    %slice3A_183 = vector.extract_strided_slice %add3A_181 {offsets = [128, 0], sizes = [128, 512], strides = [1, 1]} : vector<256x512xi16> to vector<128x512xi16>
    %add3A_184 = arith.addi %slice3A_182, %slice3A_183 : vector<128x512xi16>
    %slice3A_185 = vector.extract_strided_slice %add3A_184 {offsets = [0, 0], sizes = [64, 512], strides = [1, 1]} : vector<128x512xi16> to vector<64x512xi16>
    %slice3A_186 = vector.extract_strided_slice %add3A_184 {offsets = [64, 0], sizes = [64, 512], strides = [1, 1]} : vector<128x512xi16> to vector<64x512xi16>
    %add3A_187 = arith.addi %slice3A_185, %slice3A_186 : vector<64x512xi16>
    %slice3A_188 = vector.extract_strided_slice %add3A_187 {offsets = [0, 0], sizes = [32, 512], strides = [1, 1]} : vector<64x512xi16> to vector<32x512xi16>
    %slice3A_189 = vector.extract_strided_slice %add3A_187 {offsets = [32, 0], sizes = [32, 512], strides = [1, 1]} : vector<64x512xi16> to vector<32x512xi16>
    %add3A_190 = arith.addi %slice3A_188, %slice3A_189 : vector<32x512xi16>
    %slice3A_191 = vector.extract_strided_slice %add3A_190 {offsets = [0, 0], sizes = [16, 512], strides = [1, 1]} : vector<32x512xi16> to vector<16x512xi16>
    %slice3A_192 = vector.extract_strided_slice %add3A_190 {offsets = [16, 0], sizes = [16, 512], strides = [1, 1]} : vector<32x512xi16> to vector<16x512xi16>
    %add3A_193 = arith.addi %slice3A_191, %slice3A_192 : vector<16x512xi16>
    %slice3A_194 = vector.extract_strided_slice %add3A_193 {offsets = [0, 0], sizes = [8, 512], strides = [1, 1]} : vector<16x512xi16> to vector<8x512xi16>
    %slice3A_195 = vector.extract_strided_slice %add3A_193 {offsets = [8, 0], sizes = [8, 512], strides = [1, 1]} : vector<16x512xi16> to vector<8x512xi16>
    %add3A_196 = arith.addi %slice3A_194, %slice3A_195 : vector<8x512xi16>
    %convert_element_type3A_197 = arith.sitofp %add3A_196 : vector<8x512xi16> to vector<8x512xf32>
    %reduce_sum3A_198 = vector.shape_cast %convert_element_type3A_197 : vector<8x512xf32> to vector<1x8x512xf32>
    %reduce_sum3A_199 = arith.constant dense<0.000000e+00> : vector<1xf32>
    %reduce_sum3A_200 = vector.multi_reduction <add>, %reduce_sum3A_198, %reduce_sum3A_199 [1, 2] : vector<1x8x512xf32> to vector<1xf32>
    %reduce_sum3A_201 = vector.shape_cast %reduce_sum3A_200 : vector<1xf32> to vector<1x1x1xf32>
    %reduce_sum3A_202 = vector.extract %reduce_sum3A_201[0, 0, 0] : f32 from vector<1x1x1xf32>
    %eq3A_203 = arith.constant 7 : i16
    %eq3A_204 = vector.broadcast %eq3A_203 : i16 to vector<512x512xi16>
    %eq3A_205 = arith.cmpi eq, %convert_element_type3A, %eq3A_204 : vector<512x512xi16>
    %convert_element_type3A_206 = arith.extui %eq3A_205 : vector<512x512xi1> to vector<512x512xi16>
    %slice3A_207 = vector.extract_strided_slice %convert_element_type3A_206 {offsets = [0, 0], sizes = [256, 512], strides = [1, 1]} : vector<512x512xi16> to vector<256x512xi16>
    %slice3A_208 = vector.extract_strided_slice %convert_element_type3A_206 {offsets = [256, 0], sizes = [256, 512], strides = [1, 1]} : vector<512x512xi16> to vector<256x512xi16>
    %add3A_209 = arith.addi %slice3A_207, %slice3A_208 : vector<256x512xi16>
    %slice3A_210 = vector.extract_strided_slice %add3A_209 {offsets = [0, 0], sizes = [128, 512], strides = [1, 1]} : vector<256x512xi16> to vector<128x512xi16>
    %slice3A_211 = vector.extract_strided_slice %add3A_209 {offsets = [128, 0], sizes = [128, 512], strides = [1, 1]} : vector<256x512xi16> to vector<128x512xi16>
    %add3A_212 = arith.addi %slice3A_210, %slice3A_211 : vector<128x512xi16>
    %slice3A_213 = vector.extract_strided_slice %add3A_212 {offsets = [0, 0], sizes = [64, 512], strides = [1, 1]} : vector<128x512xi16> to vector<64x512xi16>
    %slice3A_214 = vector.extract_strided_slice %add3A_212 {offsets = [64, 0], sizes = [64, 512], strides = [1, 1]} : vector<128x512xi16> to vector<64x512xi16>
    %add3A_215 = arith.addi %slice3A_213, %slice3A_214 : vector<64x512xi16>
    %slice3A_216 = vector.extract_strided_slice %add3A_215 {offsets = [0, 0], sizes = [32, 512], strides = [1, 1]} : vector<64x512xi16> to vector<32x512xi16>
    %slice3A_217 = vector.extract_strided_slice %add3A_215 {offsets = [32, 0], sizes = [32, 512], strides = [1, 1]} : vector<64x512xi16> to vector<32x512xi16>
    %add3A_218 = arith.addi %slice3A_216, %slice3A_217 : vector<32x512xi16>
    %slice3A_219 = vector.extract_strided_slice %add3A_218 {offsets = [0, 0], sizes = [16, 512], strides = [1, 1]} : vector<32x512xi16> to vector<16x512xi16>
    %slice3A_220 = vector.extract_strided_slice %add3A_218 {offsets = [16, 0], sizes = [16, 512], strides = [1, 1]} : vector<32x512xi16> to vector<16x512xi16>
    %add3A_221 = arith.addi %slice3A_219, %slice3A_220 : vector<16x512xi16>
    %slice3A_222 = vector.extract_strided_slice %add3A_221 {offsets = [0, 0], sizes = [8, 512], strides = [1, 1]} : vector<16x512xi16> to vector<8x512xi16>
    %slice3A_223 = vector.extract_strided_slice %add3A_221 {offsets = [8, 0], sizes = [8, 512], strides = [1, 1]} : vector<16x512xi16> to vector<8x512xi16>
    %add3A_224 = arith.addi %slice3A_222, %slice3A_223 : vector<8x512xi16>
    %convert_element_type3A_225 = arith.sitofp %add3A_224 : vector<8x512xi16> to vector<8x512xf32>
    %reduce_sum3A_226 = vector.shape_cast %convert_element_type3A_225 : vector<8x512xf32> to vector<1x8x512xf32>
    %reduce_sum3A_227 = arith.constant dense<0.000000e+00> : vector<1xf32>
    %reduce_sum3A_228 = vector.multi_reduction <add>, %reduce_sum3A_226, %reduce_sum3A_227 [1, 2] : vector<1x8x512xf32> to vector<1xf32>
    %reduce_sum3A_229 = vector.shape_cast %reduce_sum3A_228 : vector<1xf32> to vector<1x1x1xf32>
    %reduce_sum3A_230 = vector.extract %reduce_sum3A_229[0, 0, 0] : f32 from vector<1x1x1xf32>
    %eq3A_231 = arith.constant 8 : i16
    %eq3A_232 = vector.broadcast %eq3A_231 : i16 to vector<512x512xi16>
    %eq3A_233 = arith.cmpi eq, %convert_element_type3A, %eq3A_232 : vector<512x512xi16>
    %convert_element_type3A_234 = arith.extui %eq3A_233 : vector<512x512xi1> to vector<512x512xi16>
    %slice3A_235 = vector.extract_strided_slice %convert_element_type3A_234 {offsets = [0, 0], sizes = [256, 512], strides = [1, 1]} : vector<512x512xi16> to vector<256x512xi16>
    %slice3A_236 = vector.extract_strided_slice %convert_element_type3A_234 {offsets = [256, 0], sizes = [256, 512], strides = [1, 1]} : vector<512x512xi16> to vector<256x512xi16>
    %add3A_237 = arith.addi %slice3A_235, %slice3A_236 : vector<256x512xi16>
    %slice3A_238 = vector.extract_strided_slice %add3A_237 {offsets = [0, 0], sizes = [128, 512], strides = [1, 1]} : vector<256x512xi16> to vector<128x512xi16>
    %slice3A_239 = vector.extract_strided_slice %add3A_237 {offsets = [128, 0], sizes = [128, 512], strides = [1, 1]} : vector<256x512xi16> to vector<128x512xi16>
    %add3A_240 = arith.addi %slice3A_238, %slice3A_239 : vector<128x512xi16>
    %slice3A_241 = vector.extract_strided_slice %add3A_240 {offsets = [0, 0], sizes = [64, 512], strides = [1, 1]} : vector<128x512xi16> to vector<64x512xi16>
    %slice3A_242 = vector.extract_strided_slice %add3A_240 {offsets = [64, 0], sizes = [64, 512], strides = [1, 1]} : vector<128x512xi16> to vector<64x512xi16>
    %add3A_243 = arith.addi %slice3A_241, %slice3A_242 : vector<64x512xi16>
    %slice3A_244 = vector.extract_strided_slice %add3A_243 {offsets = [0, 0], sizes = [32, 512], strides = [1, 1]} : vector<64x512xi16> to vector<32x512xi16>
    %slice3A_245 = vector.extract_strided_slice %add3A_243 {offsets = [32, 0], sizes = [32, 512], strides = [1, 1]} : vector<64x512xi16> to vector<32x512xi16>
    %add3A_246 = arith.addi %slice3A_244, %slice3A_245 : vector<32x512xi16>
    %slice3A_247 = vector.extract_strided_slice %add3A_246 {offsets = [0, 0], sizes = [16, 512], strides = [1, 1]} : vector<32x512xi16> to vector<16x512xi16>
    %slice3A_248 = vector.extract_strided_slice %add3A_246 {offsets = [16, 0], sizes = [16, 512], strides = [1, 1]} : vector<32x512xi16> to vector<16x512xi16>
    %add3A_249 = arith.addi %slice3A_247, %slice3A_248 : vector<16x512xi16>
    %slice3A_250 = vector.extract_strided_slice %add3A_249 {offsets = [0, 0], sizes = [8, 512], strides = [1, 1]} : vector<16x512xi16> to vector<8x512xi16>
    %slice3A_251 = vector.extract_strided_slice %add3A_249 {offsets = [8, 0], sizes = [8, 512], strides = [1, 1]} : vector<16x512xi16> to vector<8x512xi16>
    %add3A_252 = arith.addi %slice3A_250, %slice3A_251 : vector<8x512xi16>
    %convert_element_type3A_253 = arith.sitofp %add3A_252 : vector<8x512xi16> to vector<8x512xf32>
    %reduce_sum3A_254 = vector.shape_cast %convert_element_type3A_253 : vector<8x512xf32> to vector<1x8x512xf32>
    %reduce_sum3A_255 = arith.constant dense<0.000000e+00> : vector<1xf32>
    %reduce_sum3A_256 = vector.multi_reduction <add>, %reduce_sum3A_254, %reduce_sum3A_255 [1, 2] : vector<1x8x512xf32> to vector<1xf32>
    %reduce_sum3A_257 = vector.shape_cast %reduce_sum3A_256 : vector<1xf32> to vector<1x1x1xf32>
    %reduce_sum3A_258 = vector.extract %reduce_sum3A_257[0, 0, 0] : f32 from vector<1x1x1xf32>
    %eq3A_259 = arith.constant 9 : i16
    %eq3A_260 = vector.broadcast %eq3A_259 : i16 to vector<512x512xi16>
    %eq3A_261 = arith.cmpi eq, %convert_element_type3A, %eq3A_260 : vector<512x512xi16>
    %convert_element_type3A_262 = arith.extui %eq3A_261 : vector<512x512xi1> to vector<512x512xi16>
    %slice3A_263 = vector.extract_strided_slice %convert_element_type3A_262 {offsets = [0, 0], sizes = [256, 512], strides = [1, 1]} : vector<512x512xi16> to vector<256x512xi16>
    %slice3A_264 = vector.extract_strided_slice %convert_element_type3A_262 {offsets = [256, 0], sizes = [256, 512], strides = [1, 1]} : vector<512x512xi16> to vector<256x512xi16>
    %add3A_265 = arith.addi %slice3A_263, %slice3A_264 : vector<256x512xi16>
    %slice3A_266 = vector.extract_strided_slice %add3A_265 {offsets = [0, 0], sizes = [128, 512], strides = [1, 1]} : vector<256x512xi16> to vector<128x512xi16>
    %slice3A_267 = vector.extract_strided_slice %add3A_265 {offsets = [128, 0], sizes = [128, 512], strides = [1, 1]} : vector<256x512xi16> to vector<128x512xi16>
    %add3A_268 = arith.addi %slice3A_266, %slice3A_267 : vector<128x512xi16>
    %slice3A_269 = vector.extract_strided_slice %add3A_268 {offsets = [0, 0], sizes = [64, 512], strides = [1, 1]} : vector<128x512xi16> to vector<64x512xi16>
    %slice3A_270 = vector.extract_strided_slice %add3A_268 {offsets = [64, 0], sizes = [64, 512], strides = [1, 1]} : vector<128x512xi16> to vector<64x512xi16>
    %add3A_271 = arith.addi %slice3A_269, %slice3A_270 : vector<64x512xi16>
    %slice3A_272 = vector.extract_strided_slice %add3A_271 {offsets = [0, 0], sizes = [32, 512], strides = [1, 1]} : vector<64x512xi16> to vector<32x512xi16>
    %slice3A_273 = vector.extract_strided_slice %add3A_271 {offsets = [32, 0], sizes = [32, 512], strides = [1, 1]} : vector<64x512xi16> to vector<32x512xi16>
    %add3A_274 = arith.addi %slice3A_272, %slice3A_273 : vector<32x512xi16>
    %slice3A_275 = vector.extract_strided_slice %add3A_274 {offsets = [0, 0], sizes = [16, 512], strides = [1, 1]} : vector<32x512xi16> to vector<16x512xi16>
    %slice3A_276 = vector.extract_strided_slice %add3A_274 {offsets = [16, 0], sizes = [16, 512], strides = [1, 1]} : vector<32x512xi16> to vector<16x512xi16>
    %add3A_277 = arith.addi %slice3A_275, %slice3A_276 : vector<16x512xi16>
    %slice3A_278 = vector.extract_strided_slice %add3A_277 {offsets = [0, 0], sizes = [8, 512], strides = [1, 1]} : vector<16x512xi16> to vector<8x512xi16>
    %slice3A_279 = vector.extract_strided_slice %add3A_277 {offsets = [8, 0], sizes = [8, 512], strides = [1, 1]} : vector<16x512xi16> to vector<8x512xi16>
    %add3A_280 = arith.addi %slice3A_278, %slice3A_279 : vector<8x512xi16>
    %convert_element_type3A_281 = arith.sitofp %add3A_280 : vector<8x512xi16> to vector<8x512xf32>
    %reduce_sum3A_282 = vector.shape_cast %convert_element_type3A_281 : vector<8x512xf32> to vector<1x8x512xf32>
    %reduce_sum3A_283 = arith.constant dense<0.000000e+00> : vector<1xf32>
    %reduce_sum3A_284 = vector.multi_reduction <add>, %reduce_sum3A_282, %reduce_sum3A_283 [1, 2] : vector<1x8x512xf32> to vector<1xf32>
    %reduce_sum3A_285 = vector.shape_cast %reduce_sum3A_284 : vector<1xf32> to vector<1x1x1xf32>
    %reduce_sum3A_286 = vector.extract %reduce_sum3A_285[0, 0, 0] : f32 from vector<1x1x1xf32>
    %eq3A_287 = arith.constant 10 : i16
    %eq3A_288 = vector.broadcast %eq3A_287 : i16 to vector<512x512xi16>
    %eq3A_289 = arith.cmpi eq, %convert_element_type3A, %eq3A_288 : vector<512x512xi16>
    %convert_element_type3A_290 = arith.extui %eq3A_289 : vector<512x512xi1> to vector<512x512xi16>
    %slice3A_291 = vector.extract_strided_slice %convert_element_type3A_290 {offsets = [0, 0], sizes = [256, 512], strides = [1, 1]} : vector<512x512xi16> to vector<256x512xi16>
    %slice3A_292 = vector.extract_strided_slice %convert_element_type3A_290 {offsets = [256, 0], sizes = [256, 512], strides = [1, 1]} : vector<512x512xi16> to vector<256x512xi16>
    %add3A_293 = arith.addi %slice3A_291, %slice3A_292 : vector<256x512xi16>
    %slice3A_294 = vector.extract_strided_slice %add3A_293 {offsets = [0, 0], sizes = [128, 512], strides = [1, 1]} : vector<256x512xi16> to vector<128x512xi16>
    %slice3A_295 = vector.extract_strided_slice %add3A_293 {offsets = [128, 0], sizes = [128, 512], strides = [1, 1]} : vector<256x512xi16> to vector<128x512xi16>
    %add3A_296 = arith.addi %slice3A_294, %slice3A_295 : vector<128x512xi16>
    %slice3A_297 = vector.extract_strided_slice %add3A_296 {offsets = [0, 0], sizes = [64, 512], strides = [1, 1]} : vector<128x512xi16> to vector<64x512xi16>
    %slice3A_298 = vector.extract_strided_slice %add3A_296 {offsets = [64, 0], sizes = [64, 512], strides = [1, 1]} : vector<128x512xi16> to vector<64x512xi16>
    %add3A_299 = arith.addi %slice3A_297, %slice3A_298 : vector<64x512xi16>
    %slice3A_300 = vector.extract_strided_slice %add3A_299 {offsets = [0, 0], sizes = [32, 512], strides = [1, 1]} : vector<64x512xi16> to vector<32x512xi16>
    %slice3A_301 = vector.extract_strided_slice %add3A_299 {offsets = [32, 0], sizes = [32, 512], strides = [1, 1]} : vector<64x512xi16> to vector<32x512xi16>
    %add3A_302 = arith.addi %slice3A_300, %slice3A_301 : vector<32x512xi16>
    %slice3A_303 = vector.extract_strided_slice %add3A_302 {offsets = [0, 0], sizes = [16, 512], strides = [1, 1]} : vector<32x512xi16> to vector<16x512xi16>
    %slice3A_304 = vector.extract_strided_slice %add3A_302 {offsets = [16, 0], sizes = [16, 512], strides = [1, 1]} : vector<32x512xi16> to vector<16x512xi16>
    %add3A_305 = arith.addi %slice3A_303, %slice3A_304 : vector<16x512xi16>
    %slice3A_306 = vector.extract_strided_slice %add3A_305 {offsets = [0, 0], sizes = [8, 512], strides = [1, 1]} : vector<16x512xi16> to vector<8x512xi16>
    %slice3A_307 = vector.extract_strided_slice %add3A_305 {offsets = [8, 0], sizes = [8, 512], strides = [1, 1]} : vector<16x512xi16> to vector<8x512xi16>
    %add3A_308 = arith.addi %slice3A_306, %slice3A_307 : vector<8x512xi16>
    %convert_element_type3A_309 = arith.sitofp %add3A_308 : vector<8x512xi16> to vector<8x512xf32>
    %reduce_sum3A_310 = vector.shape_cast %convert_element_type3A_309 : vector<8x512xf32> to vector<1x8x512xf32>
    %reduce_sum3A_311 = arith.constant dense<0.000000e+00> : vector<1xf32>
    %reduce_sum3A_312 = vector.multi_reduction <add>, %reduce_sum3A_310, %reduce_sum3A_311 [1, 2] : vector<1x8x512xf32> to vector<1xf32>
    %reduce_sum3A_313 = vector.shape_cast %reduce_sum3A_312 : vector<1xf32> to vector<1x1x1xf32>
    %reduce_sum3A_314 = vector.extract %reduce_sum3A_313[0, 0, 0] : f32 from vector<1x1x1xf32>
    %eq3A_315 = arith.constant 11 : i16
    %eq3A_316 = vector.broadcast %eq3A_315 : i16 to vector<512x512xi16>
    %eq3A_317 = arith.cmpi eq, %convert_element_type3A, %eq3A_316 : vector<512x512xi16>
    %convert_element_type3A_318 = arith.extui %eq3A_317 : vector<512x512xi1> to vector<512x512xi16>
    %slice3A_319 = vector.extract_strided_slice %convert_element_type3A_318 {offsets = [0, 0], sizes = [256, 512], strides = [1, 1]} : vector<512x512xi16> to vector<256x512xi16>
    %slice3A_320 = vector.extract_strided_slice %convert_element_type3A_318 {offsets = [256, 0], sizes = [256, 512], strides = [1, 1]} : vector<512x512xi16> to vector<256x512xi16>
    %add3A_321 = arith.addi %slice3A_319, %slice3A_320 : vector<256x512xi16>
    %slice3A_322 = vector.extract_strided_slice %add3A_321 {offsets = [0, 0], sizes = [128, 512], strides = [1, 1]} : vector<256x512xi16> to vector<128x512xi16>
    %slice3A_323 = vector.extract_strided_slice %add3A_321 {offsets = [128, 0], sizes = [128, 512], strides = [1, 1]} : vector<256x512xi16> to vector<128x512xi16>
    %add3A_324 = arith.addi %slice3A_322, %slice3A_323 : vector<128x512xi16>
    %slice3A_325 = vector.extract_strided_slice %add3A_324 {offsets = [0, 0], sizes = [64, 512], strides = [1, 1]} : vector<128x512xi16> to vector<64x512xi16>
    %slice3A_326 = vector.extract_strided_slice %add3A_324 {offsets = [64, 0], sizes = [64, 512], strides = [1, 1]} : vector<128x512xi16> to vector<64x512xi16>
    %add3A_327 = arith.addi %slice3A_325, %slice3A_326 : vector<64x512xi16>
    %slice3A_328 = vector.extract_strided_slice %add3A_327 {offsets = [0, 0], sizes = [32, 512], strides = [1, 1]} : vector<64x512xi16> to vector<32x512xi16>
    %slice3A_329 = vector.extract_strided_slice %add3A_327 {offsets = [32, 0], sizes = [32, 512], strides = [1, 1]} : vector<64x512xi16> to vector<32x512xi16>
    %add3A_330 = arith.addi %slice3A_328, %slice3A_329 : vector<32x512xi16>
    %slice3A_331 = vector.extract_strided_slice %add3A_330 {offsets = [0, 0], sizes = [16, 512], strides = [1, 1]} : vector<32x512xi16> to vector<16x512xi16>
    %slice3A_332 = vector.extract_strided_slice %add3A_330 {offsets = [16, 0], sizes = [16, 512], strides = [1, 1]} : vector<32x512xi16> to vector<16x512xi16>
    %add3A_333 = arith.addi %slice3A_331, %slice3A_332 : vector<16x512xi16>
    %slice3A_334 = vector.extract_strided_slice %add3A_333 {offsets = [0, 0], sizes = [8, 512], strides = [1, 1]} : vector<16x512xi16> to vector<8x512xi16>
    %slice3A_335 = vector.extract_strided_slice %add3A_333 {offsets = [8, 0], sizes = [8, 512], strides = [1, 1]} : vector<16x512xi16> to vector<8x512xi16>
    %add3A_336 = arith.addi %slice3A_334, %slice3A_335 : vector<8x512xi16>
    %convert_element_type3A_337 = arith.sitofp %add3A_336 : vector<8x512xi16> to vector<8x512xf32>
    %reduce_sum3A_338 = vector.shape_cast %convert_element_type3A_337 : vector<8x512xf32> to vector<1x8x512xf32>
    %reduce_sum3A_339 = arith.constant dense<0.000000e+00> : vector<1xf32>
    %reduce_sum3A_340 = vector.multi_reduction <add>, %reduce_sum3A_338, %reduce_sum3A_339 [1, 2] : vector<1x8x512xf32> to vector<1xf32>
    %reduce_sum3A_341 = vector.shape_cast %reduce_sum3A_340 : vector<1xf32> to vector<1x1x1xf32>
    %reduce_sum3A_342 = vector.extract %reduce_sum3A_341[0, 0, 0] : f32 from vector<1x1x1xf32>
    %eq3A_343 = arith.constant 12 : i16
    %eq3A_344 = vector.broadcast %eq3A_343 : i16 to vector<512x512xi16>
    %eq3A_345 = arith.cmpi eq, %convert_element_type3A, %eq3A_344 : vector<512x512xi16>
    %convert_element_type3A_346 = arith.extui %eq3A_345 : vector<512x512xi1> to vector<512x512xi16>
    %slice3A_347 = vector.extract_strided_slice %convert_element_type3A_346 {offsets = [0, 0], sizes = [256, 512], strides = [1, 1]} : vector<512x512xi16> to vector<256x512xi16>
    %slice3A_348 = vector.extract_strided_slice %convert_element_type3A_346 {offsets = [256, 0], sizes = [256, 512], strides = [1, 1]} : vector<512x512xi16> to vector<256x512xi16>
    %add3A_349 = arith.addi %slice3A_347, %slice3A_348 : vector<256x512xi16>
    %slice3A_350 = vector.extract_strided_slice %add3A_349 {offsets = [0, 0], sizes = [128, 512], strides = [1, 1]} : vector<256x512xi16> to vector<128x512xi16>
    %slice3A_351 = vector.extract_strided_slice %add3A_349 {offsets = [128, 0], sizes = [128, 512], strides = [1, 1]} : vector<256x512xi16> to vector<128x512xi16>
    %add3A_352 = arith.addi %slice3A_350, %slice3A_351 : vector<128x512xi16>
    %slice3A_353 = vector.extract_strided_slice %add3A_352 {offsets = [0, 0], sizes = [64, 512], strides = [1, 1]} : vector<128x512xi16> to vector<64x512xi16>
    %slice3A_354 = vector.extract_strided_slice %add3A_352 {offsets = [64, 0], sizes = [64, 512], strides = [1, 1]} : vector<128x512xi16> to vector<64x512xi16>
    %add3A_355 = arith.addi %slice3A_353, %slice3A_354 : vector<64x512xi16>
    %slice3A_356 = vector.extract_strided_slice %add3A_355 {offsets = [0, 0], sizes = [32, 512], strides = [1, 1]} : vector<64x512xi16> to vector<32x512xi16>
    %slice3A_357 = vector.extract_strided_slice %add3A_355 {offsets = [32, 0], sizes = [32, 512], strides = [1, 1]} : vector<64x512xi16> to vector<32x512xi16>
    %add3A_358 = arith.addi %slice3A_356, %slice3A_357 : vector<32x512xi16>
    %slice3A_359 = vector.extract_strided_slice %add3A_358 {offsets = [0, 0], sizes = [16, 512], strides = [1, 1]} : vector<32x512xi16> to vector<16x512xi16>
    %slice3A_360 = vector.extract_strided_slice %add3A_358 {offsets = [16, 0], sizes = [16, 512], strides = [1, 1]} : vector<32x512xi16> to vector<16x512xi16>
    %add3A_361 = arith.addi %slice3A_359, %slice3A_360 : vector<16x512xi16>
    %slice3A_362 = vector.extract_strided_slice %add3A_361 {offsets = [0, 0], sizes = [8, 512], strides = [1, 1]} : vector<16x512xi16> to vector<8x512xi16>
    %slice3A_363 = vector.extract_strided_slice %add3A_361 {offsets = [8, 0], sizes = [8, 512], strides = [1, 1]} : vector<16x512xi16> to vector<8x512xi16>
    %add3A_364 = arith.addi %slice3A_362, %slice3A_363 : vector<8x512xi16>
    %convert_element_type3A_365 = arith.sitofp %add3A_364 : vector<8x512xi16> to vector<8x512xf32>
    %reduce_sum3A_366 = vector.shape_cast %convert_element_type3A_365 : vector<8x512xf32> to vector<1x8x512xf32>
    %reduce_sum3A_367 = arith.constant dense<0.000000e+00> : vector<1xf32>
    %reduce_sum3A_368 = vector.multi_reduction <add>, %reduce_sum3A_366, %reduce_sum3A_367 [1, 2] : vector<1x8x512xf32> to vector<1xf32>
    %reduce_sum3A_369 = vector.shape_cast %reduce_sum3A_368 : vector<1xf32> to vector<1x1x1xf32>
    %reduce_sum3A_370 = vector.extract %reduce_sum3A_369[0, 0, 0] : f32 from vector<1x1x1xf32>
    %eq3A_371 = arith.constant 13 : i16
    %eq3A_372 = vector.broadcast %eq3A_371 : i16 to vector<512x512xi16>
    %eq3A_373 = arith.cmpi eq, %convert_element_type3A, %eq3A_372 : vector<512x512xi16>
    %convert_element_type3A_374 = arith.extui %eq3A_373 : vector<512x512xi1> to vector<512x512xi16>
    %slice3A_375 = vector.extract_strided_slice %convert_element_type3A_374 {offsets = [0, 0], sizes = [256, 512], strides = [1, 1]} : vector<512x512xi16> to vector<256x512xi16>
    %slice3A_376 = vector.extract_strided_slice %convert_element_type3A_374 {offsets = [256, 0], sizes = [256, 512], strides = [1, 1]} : vector<512x512xi16> to vector<256x512xi16>
    %add3A_377 = arith.addi %slice3A_375, %slice3A_376 : vector<256x512xi16>
    %slice3A_378 = vector.extract_strided_slice %add3A_377 {offsets = [0, 0], sizes = [128, 512], strides = [1, 1]} : vector<256x512xi16> to vector<128x512xi16>
    %slice3A_379 = vector.extract_strided_slice %add3A_377 {offsets = [128, 0], sizes = [128, 512], strides = [1, 1]} : vector<256x512xi16> to vector<128x512xi16>
    %add3A_380 = arith.addi %slice3A_378, %slice3A_379 : vector<128x512xi16>
    %slice3A_381 = vector.extract_strided_slice %add3A_380 {offsets = [0, 0], sizes = [64, 512], strides = [1, 1]} : vector<128x512xi16> to vector<64x512xi16>
    %slice3A_382 = vector.extract_strided_slice %add3A_380 {offsets = [64, 0], sizes = [64, 512], strides = [1, 1]} : vector<128x512xi16> to vector<64x512xi16>
    %add3A_383 = arith.addi %slice3A_381, %slice3A_382 : vector<64x512xi16>
    %slice3A_384 = vector.extract_strided_slice %add3A_383 {offsets = [0, 0], sizes = [32, 512], strides = [1, 1]} : vector<64x512xi16> to vector<32x512xi16>
    %slice3A_385 = vector.extract_strided_slice %add3A_383 {offsets = [32, 0], sizes = [32, 512], strides = [1, 1]} : vector<64x512xi16> to vector<32x512xi16>
    %add3A_386 = arith.addi %slice3A_384, %slice3A_385 : vector<32x512xi16>
    %slice3A_387 = vector.extract_strided_slice %add3A_386 {offsets = [0, 0], sizes = [16, 512], strides = [1, 1]} : vector<32x512xi16> to vector<16x512xi16>
    %slice3A_388 = vector.extract_strided_slice %add3A_386 {offsets = [16, 0], sizes = [16, 512], strides = [1, 1]} : vector<32x512xi16> to vector<16x512xi16>
    %add3A_389 = arith.addi %slice3A_387, %slice3A_388 : vector<16x512xi16>
    %slice3A_390 = vector.extract_strided_slice %add3A_389 {offsets = [0, 0], sizes = [8, 512], strides = [1, 1]} : vector<16x512xi16> to vector<8x512xi16>
    %slice3A_391 = vector.extract_strided_slice %add3A_389 {offsets = [8, 0], sizes = [8, 512], strides = [1, 1]} : vector<16x512xi16> to vector<8x512xi16>
    %add3A_392 = arith.addi %slice3A_390, %slice3A_391 : vector<8x512xi16>
    %convert_element_type3A_393 = arith.sitofp %add3A_392 : vector<8x512xi16> to vector<8x512xf32>
    %reduce_sum3A_394 = vector.shape_cast %convert_element_type3A_393 : vector<8x512xf32> to vector<1x8x512xf32>
    %reduce_sum3A_395 = arith.constant dense<0.000000e+00> : vector<1xf32>
    %reduce_sum3A_396 = vector.multi_reduction <add>, %reduce_sum3A_394, %reduce_sum3A_395 [1, 2] : vector<1x8x512xf32> to vector<1xf32>
    %reduce_sum3A_397 = vector.shape_cast %reduce_sum3A_396 : vector<1xf32> to vector<1x1x1xf32>
    %reduce_sum3A_398 = vector.extract %reduce_sum3A_397[0, 0, 0] : f32 from vector<1x1x1xf32>
    %eq3A_399 = arith.constant 14 : i16
    %eq3A_400 = vector.broadcast %eq3A_399 : i16 to vector<512x512xi16>
    %eq3A_401 = arith.cmpi eq, %convert_element_type3A, %eq3A_400 : vector<512x512xi16>
    %convert_element_type3A_402 = arith.extui %eq3A_401 : vector<512x512xi1> to vector<512x512xi16>
    %slice3A_403 = vector.extract_strided_slice %convert_element_type3A_402 {offsets = [0, 0], sizes = [256, 512], strides = [1, 1]} : vector<512x512xi16> to vector<256x512xi16>
    %slice3A_404 = vector.extract_strided_slice %convert_element_type3A_402 {offsets = [256, 0], sizes = [256, 512], strides = [1, 1]} : vector<512x512xi16> to vector<256x512xi16>
    %add3A_405 = arith.addi %slice3A_403, %slice3A_404 : vector<256x512xi16>
    %slice3A_406 = vector.extract_strided_slice %add3A_405 {offsets = [0, 0], sizes = [128, 512], strides = [1, 1]} : vector<256x512xi16> to vector<128x512xi16>
    %slice3A_407 = vector.extract_strided_slice %add3A_405 {offsets = [128, 0], sizes = [128, 512], strides = [1, 1]} : vector<256x512xi16> to vector<128x512xi16>
    %add3A_408 = arith.addi %slice3A_406, %slice3A_407 : vector<128x512xi16>
    %slice3A_409 = vector.extract_strided_slice %add3A_408 {offsets = [0, 0], sizes = [64, 512], strides = [1, 1]} : vector<128x512xi16> to vector<64x512xi16>
    %slice3A_410 = vector.extract_strided_slice %add3A_408 {offsets = [64, 0], sizes = [64, 512], strides = [1, 1]} : vector<128x512xi16> to vector<64x512xi16>
    %add3A_411 = arith.addi %slice3A_409, %slice3A_410 : vector<64x512xi16>
    %slice3A_412 = vector.extract_strided_slice %add3A_411 {offsets = [0, 0], sizes = [32, 512], strides = [1, 1]} : vector<64x512xi16> to vector<32x512xi16>
    %slice3A_413 = vector.extract_strided_slice %add3A_411 {offsets = [32, 0], sizes = [32, 512], strides = [1, 1]} : vector<64x512xi16> to vector<32x512xi16>
    %add3A_414 = arith.addi %slice3A_412, %slice3A_413 : vector<32x512xi16>
    %slice3A_415 = vector.extract_strided_slice %add3A_414 {offsets = [0, 0], sizes = [16, 512], strides = [1, 1]} : vector<32x512xi16> to vector<16x512xi16>
    %slice3A_416 = vector.extract_strided_slice %add3A_414 {offsets = [16, 0], sizes = [16, 512], strides = [1, 1]} : vector<32x512xi16> to vector<16x512xi16>
    %add3A_417 = arith.addi %slice3A_415, %slice3A_416 : vector<16x512xi16>
    %slice3A_418 = vector.extract_strided_slice %add3A_417 {offsets = [0, 0], sizes = [8, 512], strides = [1, 1]} : vector<16x512xi16> to vector<8x512xi16>
    %slice3A_419 = vector.extract_strided_slice %add3A_417 {offsets = [8, 0], sizes = [8, 512], strides = [1, 1]} : vector<16x512xi16> to vector<8x512xi16>
    %add3A_420 = arith.addi %slice3A_418, %slice3A_419 : vector<8x512xi16>
    %convert_element_type3A_421 = arith.sitofp %add3A_420 : vector<8x512xi16> to vector<8x512xf32>
    %reduce_sum3A_422 = vector.shape_cast %convert_element_type3A_421 : vector<8x512xf32> to vector<1x8x512xf32>
    %reduce_sum3A_423 = arith.constant dense<0.000000e+00> : vector<1xf32>
    %reduce_sum3A_424 = vector.multi_reduction <add>, %reduce_sum3A_422, %reduce_sum3A_423 [1, 2] : vector<1x8x512xf32> to vector<1xf32>
    %reduce_sum3A_425 = vector.shape_cast %reduce_sum3A_424 : vector<1xf32> to vector<1x1x1xf32>
    %reduce_sum3A_426 = vector.extract %reduce_sum3A_425[0, 0, 0] : f32 from vector<1x1x1xf32>
    %eq3A_427 = arith.constant 15 : i16
    %eq3A_428 = vector.broadcast %eq3A_427 : i16 to vector<512x512xi16>
    %eq3A_429 = arith.cmpi eq, %convert_element_type3A, %eq3A_428 : vector<512x512xi16>
    %convert_element_type3A_430 = arith.extui %eq3A_429 : vector<512x512xi1> to vector<512x512xi16>
    %slice3A_431 = vector.extract_strided_slice %convert_element_type3A_430 {offsets = [0, 0], sizes = [256, 512], strides = [1, 1]} : vector<512x512xi16> to vector<256x512xi16>
    %slice3A_432 = vector.extract_strided_slice %convert_element_type3A_430 {offsets = [256, 0], sizes = [256, 512], strides = [1, 1]} : vector<512x512xi16> to vector<256x512xi16>
    %add3A_433 = arith.addi %slice3A_431, %slice3A_432 : vector<256x512xi16>
    %slice3A_434 = vector.extract_strided_slice %add3A_433 {offsets = [0, 0], sizes = [128, 512], strides = [1, 1]} : vector<256x512xi16> to vector<128x512xi16>
    %slice3A_435 = vector.extract_strided_slice %add3A_433 {offsets = [128, 0], sizes = [128, 512], strides = [1, 1]} : vector<256x512xi16> to vector<128x512xi16>
    %add3A_436 = arith.addi %slice3A_434, %slice3A_435 : vector<128x512xi16>
    %slice3A_437 = vector.extract_strided_slice %add3A_436 {offsets = [0, 0], sizes = [64, 512], strides = [1, 1]} : vector<128x512xi16> to vector<64x512xi16>
    %slice3A_438 = vector.extract_strided_slice %add3A_436 {offsets = [64, 0], sizes = [64, 512], strides = [1, 1]} : vector<128x512xi16> to vector<64x512xi16>
    %add3A_439 = arith.addi %slice3A_437, %slice3A_438 : vector<64x512xi16>
    %slice3A_440 = vector.extract_strided_slice %add3A_439 {offsets = [0, 0], sizes = [32, 512], strides = [1, 1]} : vector<64x512xi16> to vector<32x512xi16>
    %slice3A_441 = vector.extract_strided_slice %add3A_439 {offsets = [32, 0], sizes = [32, 512], strides = [1, 1]} : vector<64x512xi16> to vector<32x512xi16>
    %add3A_442 = arith.addi %slice3A_440, %slice3A_441 : vector<32x512xi16>
    %slice3A_443 = vector.extract_strided_slice %add3A_442 {offsets = [0, 0], sizes = [16, 512], strides = [1, 1]} : vector<32x512xi16> to vector<16x512xi16>
    %slice3A_444 = vector.extract_strided_slice %add3A_442 {offsets = [16, 0], sizes = [16, 512], strides = [1, 1]} : vector<32x512xi16> to vector<16x512xi16>
    %add3A_445 = arith.addi %slice3A_443, %slice3A_444 : vector<16x512xi16>
    %slice3A_446 = vector.extract_strided_slice %add3A_445 {offsets = [0, 0], sizes = [8, 512], strides = [1, 1]} : vector<16x512xi16> to vector<8x512xi16>
    %slice3A_447 = vector.extract_strided_slice %add3A_445 {offsets = [8, 0], sizes = [8, 512], strides = [1, 1]} : vector<16x512xi16> to vector<8x512xi16>
    %add3A_448 = arith.addi %slice3A_446, %slice3A_447 : vector<8x512xi16>
    %convert_element_type3A_449 = arith.sitofp %add3A_448 : vector<8x512xi16> to vector<8x512xf32>
    %reduce_sum3A_450 = vector.shape_cast %convert_element_type3A_449 : vector<8x512xf32> to vector<1x8x512xf32>
    %reduce_sum3A_451 = arith.constant dense<0.000000e+00> : vector<1xf32>
    %reduce_sum3A_452 = vector.multi_reduction <add>, %reduce_sum3A_450, %reduce_sum3A_451 [1, 2] : vector<1x8x512xf32> to vector<1xf32>
    %reduce_sum3A_453 = vector.shape_cast %reduce_sum3A_452 : vector<1xf32> to vector<1x1x1xf32>
    %reduce_sum3A_454 = vector.extract %reduce_sum3A_453[0, 0, 0] : f32 from vector<1x1x1xf32>
    %stack3A = vector.broadcast %reduce_sum3A_34 : f32 to vector<1xf32>
    %stack3A_455 = vector.broadcast %reduce_sum3A_62 : f32 to vector<1xf32>
    %stack3A_456 = vector.broadcast %reduce_sum3A_90 : f32 to vector<1xf32>
    %stack3A_457 = vector.broadcast %reduce_sum3A_118 : f32 to vector<1xf32>
    %stack3A_458 = vector.broadcast %reduce_sum3A_146 : f32 to vector<1xf32>
    %stack3A_459 = vector.broadcast %reduce_sum3A_174 : f32 to vector<1xf32>
    %stack3A_460 = vector.broadcast %reduce_sum3A_202 : f32 to vector<1xf32>
    %stack3A_461 = vector.broadcast %reduce_sum3A_230 : f32 to vector<1xf32>
    %stack3A_462 = vector.broadcast %reduce_sum3A_258 : f32 to vector<1xf32>
    %stack3A_463 = vector.broadcast %reduce_sum3A_286 : f32 to vector<1xf32>
    %stack3A_464 = vector.broadcast %reduce_sum3A_314 : f32 to vector<1xf32>
    %stack3A_465 = vector.broadcast %reduce_sum3A_342 : f32 to vector<1xf32>
    %stack3A_466 = vector.broadcast %reduce_sum3A_370 : f32 to vector<1xf32>
    %stack3A_467 = vector.broadcast %reduce_sum3A_398 : f32 to vector<1xf32>
    %stack3A_468 = vector.broadcast %reduce_sum3A_426 : f32 to vector<1xf32>
    %stack3A_469 = vector.broadcast %reduce_sum3A_454 : f32 to vector<1xf32>
    %stack3A_470 = tpu.concatenate %stack3A, %stack3A_455, %stack3A_456, %stack3A_457, %stack3A_458, %stack3A_459, %stack3A_460, %stack3A_461, %stack3A_462, %stack3A_463, %stack3A_464, %stack3A_465, %stack3A_466, %stack3A_467, %stack3A_468, %stack3A_469 in 0 : vector<1xf32>, vector<1xf32>, vector<1xf32>, vector<1xf32>, vector<1xf32>, vector<1xf32>, vector<1xf32>, vector<1xf32>, vector<1xf32>, vector<1xf32>, vector<1xf32>, vector<1xf32>, vector<1xf32>, vector<1xf32>, vector<1xf32>, vector<1xf32> -> vector<16xf32>
    %mul3A = arith.constant 3.81469727E-6 : f32
    %mul3A_471 = vector.broadcast %mul3A : f32 to vector<16xf32>
    %mul3A_472 = arith.mulf %stack3A_470, %mul3A_471 : vector<16xf32>
    %broadcast_in_dim3A = arith.constant 0.000000e+00 : f32
    %broadcast_in_dim3A_473 = vector.broadcast %broadcast_in_dim3A : f32 to vector<112xf32>
    %concatenate3A = tpu.concatenate %mul3A_472, %broadcast_in_dim3A_473 in 0 : vector<16xf32>, vector<112xf32> -> vector<128xf32>
    %reshape3A = vector.shape_cast %concatenate3A : vector<128xf32> to vector<1x1x128xf32>
    %broadcast_in_dim3A_474 = vector.shape_cast %reshape3A : vector<1x1x128xf32> to vector<1x1x128xf32>
    %broadcast_in_dim3A_475 = vector.broadcast %broadcast_in_dim3A_474 : vector<1x1x128xf32> to vector<1x8x128xf32>
    %swap3A = arith.constant 0 : index
    %swap3A_476 = arith.constant 0 : index
    %swap3A_477 = arith.constant 0 : index
    %swap3A_478 = vector.load %arg2[%swap3A, %swap3A_476, %swap3A_477] : memref<1x8x128xf32, #tpu.memory_space<vmem>>, vector<1x8x128xf32>
    tpu.vector_store %arg2[%swap3A, %swap3A_476, %swap3A_477], %broadcast_in_dim3A_475 {strides = array<i32>} : memref<1x8x128xf32, #tpu.memory_space<vmem>>, vector<1x8x128xf32>,
    return
  }
  func.func @transform_0(%arg0: i32) -> (i32, i32, i32) {
    %add3A = arith.constant 64 : i32
    %add3A_0 = arith.addi %arg0, %add3A : i32
    %c0_i32 = arith.constant 0 : i32
    %c0_i32_1 = arith.constant 0 : i32
    %c0_i32_2 = arith.constant 0 : i32
    return %add3A_0, %c0_i32, %c0_i32_1 : i32, i32, i32
  }
  func.func @transform_1(%arg0: i32) -> (i32, i32, i32) {
    %c0_i32 = arith.constant 0 : i32
    %c0_i32_0 = arith.constant 0 : i32
    %c0_i32_1 = arith.constant 0 : i32
    return %arg0, %c0_i32, %c0_i32_0 : i32, i32, i32
  }
}

module attributes {stable_mosaic.version = 14 : i64} {
  func.func @fc_body(%arg0: memref<32x48xf32, #tpu.memory_space<vmem>>, %arg1: memref<48x64xf32, #tpu.memory_space<vmem>>, %arg2: memref<1x64xf32, #tpu.memory_space<vmem>>, %arg3: memref<32x64xf32, #tpu.memory_space<vmem>>) attributes {dimension_semantics = [], scalar_prefetch = 0 : i64, scratch_operands = 0 : i64, tpu.core_type = #tpu.core_type<tc>} {
    %get3A = arith.constant 0 : index
    %get3A_0 = arith.constant 0 : index
    %get3A_1 = vector.load %arg0[%get3A, %get3A_0] : memref<32x48xf32, #tpu.memory_space<vmem>>, vector<32x48xf32>
    %get3A_2 = arith.constant 0 : index
    %get3A_3 = arith.constant 0 : index
    %get3A_4 = vector.load %arg1[%get3A_2, %get3A_3] : memref<48x64xf32, #tpu.memory_space<vmem>>, vector<48x64xf32>
    %dot_general3A = arith.constant dense<0.000000e+00> : vector<32x64xf32>
    %dot_general3A_5 = tpu.matmul %get3A_1, %get3A_4, %dot_general3A {dimension_numbers = #tpu.dot_dimension_numbers<[1], [0], [0], [1], [0, 0, 1, 1], [], []>, transpose_lhs_hint = false} : vector<32x48xf32>, vector<48x64xf32>, vector<32x64xf32> -> vector<32x64xf32>
    %get3A_6 = arith.constant 0 : index
    %get3A_7 = arith.constant 0 : index
    %get3A_8 = vector.load %arg2[%get3A_6, %get3A_7] : memref<1x64xf32, #tpu.memory_space<vmem>>, vector<1x64xf32>
    %add3A = vector.broadcast %get3A_8 : vector<1x64xf32> to vector<32x64xf32>
    %add3A_9 = arith.addf %dot_general3A_5, %add3A : vector<32x64xf32>
    %max3A = arith.constant 0.000000e+00 : f32
    %max3A_10 = vector.broadcast %max3A : f32 to vector<32x64xf32>
    %max3A_11 = arith.maximumf %add3A_9, %max3A_10 : vector<32x64xf32>
    %swap3A = arith.constant 0 : index
    %swap3A_12 = arith.constant 0 : index
    %swap3A_13 = vector.load %arg3[%swap3A, %swap3A_12] : memref<32x64xf32, #tpu.memory_space<vmem>>, vector<32x64xf32>
    tpu.vector_store %arg3[%swap3A, %swap3A_12], %max3A_11 {strides = array<i32>} : memref<32x64xf32, #tpu.memory_space<vmem>>, vector<32x64xf32>,
    return
  }
}

</mosaic_0001>

<sc_bundles>
// kernel: kernel.5.cloned.1.call-start
scs
__scs_entry_jumppad:
0x0: {  	(pc) =	sbr.rel $0x88, $3  }
0x1: {  	(tag) =	ssettag $0x0;
	lr =	simm.s32 $0x1  }
0x2: {  	[smem:$0x3F9E] =	sst lr;
	_ =	strace $0xD0000000  }
0x3: {  	_ = 	snop  }
0x4: {  	_ = 	snop  }
0x5: {  	_ = 	snop  }
0x6: {  	_ = 	snop  }
0x7: {  	_ = 	snop  }
__scs_overlays_trampoline_lowered:
0x8: {  	[smem:$0x3FAD] =	sst s0  }
0x9: {  	[smem:$0x3FAE] =	sst s1  }
0xa: {  	[smem:$0x3FAF] =	sst s2  }
0xb: {  	[smem:$0x3FB0] =	sst s3  }
0xc: {  	[smem:$0x3FB1] =	sst s4  }
0xd: {  	[smem:$0x3FB2] =	sst s5  }
0xe: {  	[smem:$0x3FB3] =	sst s6  }
0xf: {  	[smem:$0x3FB4] =	sst s7  }
0x10: {  	[smem:$0x3FB5] =	sst s8  }
0x11: {  	[smem:$0x3FB6] =	sst s9;
	s0 =	simm.s32 @!p0 $0x0  }
0x12: {  	s1 =	sld [smem:$0x3F9C];
	s0 =	simm.s32 @p0 $0x1  }
0x13: {  	[smem:$0x3FB7] =	sst s0;
	s0 =	simm.s32 @!p1 $0x0  }
0x14: {  	s2 =	sld [smem:$0x3F9B];
	s0 =	simm.s32 @p1 $0x1  }
0x15: {  	[smem:$0x3FB8] =	sst s0;
	s0 =	simm.s32 @!p2 $0x0  }
0x16: {  	s3 =	sld [smem:$0x3FDB];
	s0 =	simm.s32 @p2 $0x1  }
0x17: {  	s4 =	simm.s32 $0x1BF5;
	[smem:$0x3FBA] =	sst s0  }
0x18: {  	s0 =	sld [smem:$0x3F9D];
	_ =	swait.ge [sflag:s4], $0x0  }
0x19: {  	s7 =	sld [smem:$0x3F9E]  }
0x1a: {  	s8 =	sadd.s32 $0xFFFFE003, lr  }
0x1b: {  	s9 =	sadd.s32 $0xFFFFFEF7, lr;
	s5 =	simm.s32 $0xFFFFFFFF;
	p2 =	slt.u32 s8, $0xFFFFF086  }
0x1c: {  	p1 =	slt.u32 s9, $0xF7A;
	s5 =	simm.s32 @!p2 $0x0  }
0x1d: {  	s5 =	simm.s32 @p1 $0x1;
	p0 =	seq.s32 s7, s2  }
0x1e: {  	s7 =	smul.u32 @!p0 $0xF7A, s2;
	p2 =	seq.s32 @!p0 s5, $0x0  }
0x1f: {  	s9 =	smul.u32 $0xF7A, s1;
	s8 =	simm.s32 @!p0 $0x1BF5;
	p2 =	por !p2, p0  }
0x20: {  	[sflag:s8] =	ssyncset.s32 @!p0 $0xFFFFF086;
	s6 =	sadd.s32 @!p0 s3, s7;
	s7 =	simm.s32 @!p0 $0x108  }
0x21: {  	s3 =	sadd.s32 s3, s9;
	s6 =	sadd.s32 @!p0 $0x88, s6;
	s7 =	simm.s32 @p2 $0x1082  }
0x22: {  	[simem:s7], [sflag:s8] =	dma.local @!p0 [hbm:s6], $0xF7A  }
0x23: {  	s9 =	sor.u32 $0xD0000000, s2;
	s6 =	simm.s32 $0x108;
	_ =	swait.ge @!p0 [sflag:s8], $0x0  }
0x24: {  	s3 =	sadd.s32 $0x88, s3;
	s6 =	simm.s32 @!p1 $0x1082;
	[sflag:s4] =	ssyncset.s32 $0xFFFFF086  }
0x25: {  	[simem:s6], [sflag:s4] =	dma.local [hbm:s3], $0xF7A  }
0x26: {  	[smem:$0x3F9E] =	sst s1;
	(tag) =	ssettag s2;
	_ =	strace s9  }
0x27: {  	s1 =	sld [smem:$0x3FAE]  }
0x28: {  	s2 =	sld [smem:$0x3FAF]  }
0x29: {  	s4 =	sld [smem:$0x3FB1]  }
0x2a: {  	p0 =	seq.s32 s5, $0x0;
	s5 =	sld [smem:$0x3FB2]  }
0x2b: {  	s6 =	sld [smem:$0x3FB3]  }
0x2c: {  	s7 =	sld [smem:$0x3FB4]  }
0x2d: {  	s3 =	simm.s32 $0x108;
	s8 =	sld [smem:$0x3FB5]  }
0x2e: {  	s3 =	simm.s32 @!p0 $0x1082;
	s9 =	sld [smem:$0x3FB6]  }
0x2f: {  	lr =	sadd.s32 s0, s3;
	s0 =	sld [smem:$0x3FAD]  }
0x30: {  	s3 =	sld [smem:$0x3FB0]  }
0x31: {  	[smem:$0x3FB9] =	sst s10  }
0x32: {  	s10 =	sld [smem:$0x3FB7];
	_ =	sdelay $0x3  }
0x33: {  	p0 =	seq.s32 s10, $0x1;
	s10 =	sld [smem:$0x3FB9];
	_ =	sdelay $0x3  }
0x34: {  	[smem:$0x3FB9] =	sst s10  }
0x35: {  	s10 =	sld [smem:$0x3FB8];
	_ =	sdelay $0x3  }
0x36: {  	p1 =	seq.s32 s10, $0x1;
	s10 =	sld [smem:$0x3FB9];
	_ =	sdelay $0x3  }
0x37: {  	[smem:$0x3FB9] =	sst s10  }
0x38: {  	s10 =	sld [smem:$0x3FBA]  }
0x39: {  	_ = 	snop;
	(pc) =	sbr.ind lr, $3  }
0x3a: {  	_ = 	snop  }
0x3b: {  	_ = 	snop  }
0x3c: {  	p2 =	seq.s32 s10, $0x1;
	s10 =	sld [smem:$0x3FB9]  }
0x3d: {  	_ =	shalt  }
0x3e: {  	_ =	shalt  }
0x3f: {  	_ =	shalt  }
0x40: {  	_ =	shalt  }
0x41: {  	_ =	shalt  }
0x42: {  	_ =	shalt  }
0x43: {  	_ =	shalt  }
0x44: {  	_ =	shalt  }
0x45: {  	_ =	shalt  }
0x46: {  	_ =	shalt  }
0x47: {  	_ =	shalt  }
0x48: {  	_ =	shalt  }
0x49: {  	_ =	shalt  }
0x4a: {  	_ =	shalt  }
0x4b: {  	_ =	shalt  }
0x4c: {  	_ =	shalt  }
0x4d: {  	_ =	shalt  }
0x4e: {  	_ =	shalt  }
0x4f: {  	_ =	shalt  }
0x50: {  	_ =	shalt  }
0x51: {  	_ =	shalt  }
0x52: {  	_ =	shalt  }
0x53: {  	_ =	shalt  }
0x54: {  	_ =	shalt  }
0x55: {  	_ =	shalt  }
0x56: {  	_ =	shalt  }
0x57: {  	_ =	shalt  }
0x58: {  	_ =	shalt  }
0x59: {  	_ =	shalt  }
0x5a: {  	_ =	shalt  }
0x5b: {  	_ =	shalt  }
0x5c: {  	_ =	shalt  }
0x5d: {  	_ =	shalt  }
0x5e: {  	_ =	shalt  }
0x5f: {  	_ =	shalt  }
0x60: {  	_ =	shalt  }
0x61: {  	_ =	shalt  }
0x62: {  	_ =	shalt  }
0x63: {  	_ =	shalt  }
0x64: {  	_ =	shalt  }
0x65: {  	_ =	shalt  }
0x66: {  	_ =	shalt  }
0x67: {  	_ =	shalt  }
0x68: {  	_ =	shalt  }
0x69: {  	_ =	shalt  }
0x6a: {  	_ =	shalt  }
0x6b: {  	_ =	shalt  }
0x6c: {  	_ =	shalt  }
0x6d: {  	_ =	shalt  }
0x6e: {  	_ =	shalt  }
0x6f: {  	_ =	shalt  }
0x70: {  	_ =	shalt  }
0x71: {  	_ =	shalt  }
0x72: {  	_ =	shalt  }
0x73: {  	_ =	shalt  }
0x74: {  	_ =	shalt  }
0x75: {  	_ =	shalt  }
0x76: {  	_ =	shalt  }
0x77: {  	_ =	shalt  }
0x78: {  	_ =	shalt  }
0x79: {  	_ =	shalt  }
0x7a: {  	_ =	shalt  }
0x7b: {  	_ =	shalt  }
0x7c: {  	_ =	shalt  }
0x7d: {  	_ =	shalt  }
0x7e: {  	_ =	shalt  }
0x7f: {  	_ =	shalt  }
0x80: {  	_ =	shalt  }
0x81: {  	_ =	shalt  }
0x82: {  	_ =	shalt  }
0x83: {  	_ =	shalt  }
0x84: {  	_ =	shalt  }
0x85: {  	_ =	shalt  }
0x86: {  	_ =	shalt  }
0x87: {  	_ =	shalt  }
.Lfunc_end0:
.L_simem_size_0:
called_computation_lowered:
.L_overlay_start_0:
0x88: {  	s2 =	sld [smem:$0x3FD9]  }
0x89: {  	s3 =	sld [smem:$0x3FFE];
	_ =	sdelay $0x1  }
0x8a: {  	s1 =	srdreg.scid  }
0x8b: {  	s0 =	sand.u32 $0x1, s1  }
0x8c: {  	s17 =	sshll.u32 s0, $0xA;
	s2 =	sadd.s32 s3, s2  }
0x8d: {  	s2 =	sadd.s32 s2, s17  }
0x8e: {  	[smem:$0x3FC5] =	sst s2  }
0x8f: {  	_ = 	snop  }
0x90: {  	s2 =	sld [smem:$0x3FC9];
	(tm) =	ssettm $0x1  }
0x91: {  	s18 =	sld [smem:$0x3FFB];
	_ =	sdelay $0x3  }
0x92: {  	_ =	strace s18  }
0x93: {  	s3 =	sld [smem:$0x3FFC];
	_ =	sdelay $0x3  }
0x94: {  	_ =	strace s3  }
0x95: {  	s3 =	sld [smem:$0x3FFD];
	_ =	sdelay $0x3  }
0x96: {  	_ =	strace s3  }
0x97: {  	_ =	strace $0x8FFFFFFF  }
0x98: {  	s19 =	sld [smem:$0x3FDB];
	_ =	sdelay $0x1  }
0x99: {  	s4 =	simm.s32 $_scs_section_size  }
0x9a: {  	s5 =	simm.s32 $_size__tile_overlayer_lowered;
	s6 =	simm.s32 $_tile_overlayer_lowered  }
0x9b: {  	s22 =	simm.s32 $0x1BFF;
	s21 =	sshll.u32 s6, $0x1;
	s3 =	sadd.s32 s4, s19  }
0x9c: {  	s7 =	simm.s32 $0x0;
	s20 =	sshll.u32 s5, $0x1;
	s5 =	sadd.s32 s21, s3  }
0x9d: {  	[timem:s7], [sflag:s22] =	dma.local [hbm:s5], s20  }
0x9e: {  	_ =	swait.ge [sflag:s22], s20  }
0x9f: {  	s4 =	ssub.s32 $0x0, s20;
	[sflag:s22] =	ssyncset.done $0x0  }
0xa0: {  	[sflag:s22] =	ssyncadd.s32 s4;
	_ =	sdelay $0x1  }
0xa1: {  	s23 =	simm.s32 $0x1B8B  }
0xa2: {  	_ =	swait.ge [sflag:s23], $0x1  }
0xa3: {  	[sflag:s23] =	ssyncset.done $0x0  }
0xa4: {  	s25 =	simm.s32 $0x1B8E;
	s24 =	sld [smem:$0x3FFE];
	[sflag:s23] =	ssyncadd.s32 $0xFFFFFFFF  }
0xa5: {  	s26 =	simm.s32 $execute0_lowered;
	[smem:$0x3FD2] =	sst s25  }
0xa6: {  	s5 =	sshll.u32 s26, $0x1;
	_ =	strace $0x80000046;
	[dreg:$0x1] =	wrdreg $0xFFFFFFFF  }
0xa7: {  	s28 =	simm.s32 $_size_execute0_lowered;
	s3 =	sadd.s32 s3, s5;
	[dreg:$0x0] =	wrdreg $0x0  }
0xa8: {  	s5 =	sshll.u32 s28, $0x1;
	[dreg:$0x2] =	wrdreg s3  }
0xa9: {  	[dreg:$0x3] =	wrdreg s5  }
0xaa: {  	[dreg:$0x4] =	wrdreg $0xC0  }
0xab: {  	_ =	task [dreg:s7], $0x5FFFF  }
0xac: {  	[dreg:$0x1] =	wrdreg $0xFFFFFFFF  }
0xad: {  	[dreg:$0x0] =	wrdreg $0x60  }
0xae: {  	[dreg:$0x2] =	wrdreg s2  }
0xaf: {  	[dreg:$0x3] =	wrdreg s24  }
0xb0: {  	[dreg:$0x4] =	wrdreg $0x9  }
0xb1: {  	_ =	task.clear_ibuf [dreg:s7], $0x5FFFF;
	_ =	strace $0x90000046  }
0xb2: {  	s29 =	simm.s32 $0x9;
	_ =	strace $0x80000048  }
0xb3: {  	_ =	swait.ge [sflag:s29], $0x1  }
0xb4: {  	[sflag:s29] =	ssyncadd.s32 $0xFFFFFFFF  }
0xb5: {  	_ =	strace $0x90000048  }
0xb6: {  	_ =	sfence  }
0xb7: {  	s30 =	sld [smem:$0x0];
	_ =	sdelay $0x2  }
0xb8: {  	s31 =	sshll.u32 s1, $0xD;
	s1 =	sshrl.u32 s1, $0x2  }
0xb9: {  	s3 =	sand.u32 $0x4000, s31;
	s1 =	sadd.s32 s1, s30  }
0xba: {  	s0 =	sor.u32 s3, s0;
	s1 =	sshll.u32 s1, $0x11  }
0xbb: {  	s0 =	sor.u32 s1, s0  }
0xbc: {  	s0 =	sadd.s32 $0x8F2B, s0  }
0xbd: {  	[sflag:s0] =	ssyncadd.remote.s32 $0x1  }
0xbe: {  	_ =	sfence.sel $0xFFFF  }
0xbf: {  	[dreg:$0x0] =	wrdreg $0xFFFFFFFF;
	(pc) =	sbr.abs _section_cstart, $3  }
0xc0: {  	[dreg:$0x1] =	wrdreg $0xFFFFFFFF  }
0xc1: {  	_ =	task.clear_ibuf [dreg:s7], $0x2FFFF;
	_ =	strace $0x9FFFFFFF  }
0xc2: {  	(tm) =	ssettm $0x7FFFFFFF  }
0xc3: {  	_ =	shalt  }
tec
execute0_lowered:
.L_overlay_start_1:
0x0: {  	(tag) =	ssettag $0x1  }
0x1: {  	s0 =	rddreg [dreg:$0x0]  }
0x2: {  	s1 =	rddreg [dreg:$0x1]  }
0x3: {  	s2 =	simm.s32 $0x0;
	s3 =	srdreg.scid;
	s4 =	stileid.u32  }
0x4: {  	s21 =	simm.s32 $0x8000;
	s22 =	simm.s32 $0x1;
	s23 =	simm.s32 $0x10000  }
0x5: {  	s24 =	simm.s32 $0x2;
	s26 =	simm.s32 $0x3;
	s28 =	simm.s32 $0x0  }
0x6: {  	[smem:$0x7FF] =	sst s2;
	s3 =	sand.u32 $0x1, s3;
	s4 =	sshll.u32 s4, $0x1  }
0x7: {  	_ =	strace $0x80000047;
	s4 =	sor.u32 s3, s4;
	s3 =	ssub.s32 $0x2, s3  }
0x8: {  	v0 =	vlaneseq.u32;
	s5 =	sshll.u32 s4, $0x5;
	s6 =	sshrl.u32 s3, $0x1;
	s4 =	sshll.u32 s4, $0x10  }
0x9: {  	v1 =	vmul.u32 $0x10, v0;
	s1 =	sadd.s32 s5, s1;
	s20 =	ssub.s32 s3, s6;
	s3 =	sadd.s32 s0, s4  }
0xa: {  	v2 =	vimm.f32 $0.0e+00;
	v3 =	vimm.f32 $1.000000000e+00;
	s0 =	sadd.s32 $0x1000, s3;
	s5 =	sadd.s32 $0x2000, s3;
	s6 =	sadd.s32 $0x3000, s3  }
0xb: {  	v4 =	vor.u32 $0x1, v1;
	v5 =	vor.u32 $0x2, v1;
	v6 =	vor.u32 $0x3, v1;
	s7 =	sadd.s32 $0x4000, s3;
	s8 =	sadd.s32 $0x5000, s3;
	s9 =	sadd.s32 $0x6000, s3  }
0xc: {  	v7 =	vor.u32 $0x4, v1;
	v8 =	vor.u32 $0x5, v1;
	v9 =	vor.u32 $0x6, v1;
	s10 =	sadd.s32 $0x7000, s3;
	s11 =	sadd.s32 $0x8000, s3;
	s12 =	sadd.s32 $0x9000, s3  }
0xd: {  	v10 =	vor.u32 $0x7, v1;
	v11 =	vor.u32 $0x8, v1;
	v12 =	vor.u32 $0x9, v1;
	s13 =	sadd.s32 $0xA000, s3;
	s14 =	sadd.s32 $0xB000, s3;
	s15 =	sadd.s32 $0xC000, s3  }
0xe: {  	v13 =	vor.u32 $0xA, v1;
	v14 =	vor.u32 $0xB, v1;
	v15 =	vor.u32 $0xC, v1;
	s16 =	sadd.s32 $0xD000, s3;
	s17 =	sadd.s32 $0xE000, s3;
	s18 =	sadd.s32 $0xF000, s3  }
0xf: {  	v16 =	vor.u32 $0xD, v1;
	v17 =	vor.u32 $0xE, v1;
	v18 =	vor.u32 $0xF, v1;
	s19 =	sadd.s32 $0x800, s1;
	s20 =	smax.u32 s20, $0x1;
	[dreg:$0x3] =	wrdreg s0  }
.LBB2_1:
0x10: {  	[tilespmem:s2], [sflag:$0x1] =	stream.linear.gather [hbm4b:s3+s2], $0x8000, $0x38;
	[tilespmem:$0x10200] =	vst v63  }
0x11: {  	s0 =	rddreg [dreg:$0x3]  }
0x12: {  	[tilespmem:s21], [sflag:$0x2] =	stream.linear.gather [hbm4b:s0+s2], $0x8000, $0x38;
	[tilespmem:$0x10200] =	vst v63  }
0x13: {  	[tilespmem:$0x10000] =	vst v2  }
0x14: {  	[tilespmem:$0x10010] =	vst v2  }
0x15: {  	[tilespmem:$0x10020] =	vst v2  }
0x16: {  	[tilespmem:$0x10030] =	vst v2  }
0x17: {  	[tilespmem:$0x10040] =	vst v2  }
0x18: {  	[tilespmem:$0x10050] =	vst v2  }
0x19: {  	[tilespmem:$0x10060] =	vst v2  }
0x1a: {  	[tilespmem:$0x10070] =	vst v2  }
0x1b: {  	[tilespmem:$0x10080] =	vst v2  }
0x1c: {  	[tilespmem:$0x10090] =	vst v2  }
0x1d: {  	[tilespmem:$0x100A0] =	vst v2  }
0x1e: {  	[tilespmem:$0x100B0] =	vst v2  }
0x1f: {  	[tilespmem:$0x100C0] =	vst v2  }
0x20: {  	[tilespmem:$0x100D0] =	vst v2  }
0x21: {  	[tilespmem:$0x100E0] =	vst v2  }
0x22: {  	[tilespmem:$0x100F0] =	vst v2  }
0x23: {  	s25 =	sand.u32 $0x7000, s2;
	s1 =	sand.u32 $0x800, s2;
	_ =	swait.ge [sflag:s22], $0x8000  }
0x24: {  	s29 =	sand.u32 $0x380, s2;
	s0 =	sor.u32 s1, s25;
	[sflag:s22] =	ssyncset.done $0x0  }
0x25: {  	s0 =	sor.u32 s29, s0;
	[sflag:s22] =	ssyncadd.s32 $0xFFFF8000  }
0x26: {  	v19 =	vld [tilespmem:s0+$0x420]  }
0x27: {  	v20 =	vld [tilespmem:s0+$0x0]  }
0x28: {  	v21 =	vld [tilespmem:s0+$0x470]  }
0x29: {  	v22 =	vld [tilespmem:s0+$0x40]  }
0x2a: {  	v23 =	vld [tilespmem:s0+$0x20]  }
0x2b: {  	v24 =	vld [tilespmem:s0+$0x440]  }
0x2c: {  	v25 =	vld [tilespmem:s0+$0x430]  }
0x2d: {  	v26 =	vld [tilespmem:s0+$0x70]  }
0x2e: {  	v28 =	vld [tilespmem:s0+$0x410]  }
0x2f: {  	v27 =	vld [tilespmem:s0+$0x50];
	v22 =	vadd.f32 $1.000000000e+00, v22  }
0x30: {  	v30 =	vadd.f32 $1.000000000e+00, v20;
	v32 =	vadd.f32 $1.000000000e+00, v21  }
0x31: {  	v24 =	vadd.f32 $1.000000000e+00, v24;
	v31 =	vadd.f32 $1.000000000e+00, v23  }
0x32: {  	v29 =	vld [tilespmem:s0+$0x460];
	v23 =	vadd.f32 $1.000000000e+00, v26;
	v19 =	vadd.f32 $1.000000000e+00, v19  }
0x33: {  	v33 =	vld [tilespmem:s0+$0x400];
	v26 =	vadd.f32 $1.000000000e+00, v28;
	v20 =	vshrl.u32 v22, $0xF;
	v22 =	vadd.f32 $1.000000000e+00, v25  }
0x34: {  	v21 =	vld [tilespmem:s0+$0x450];
	v25 =	vadd.f32 $1.000000000e+00, v27;
	v24 =	vshrl.u32 v24, $0xF;
	v23 =	vshrl.u32 v23, $0xF  }
0x35: {  	v35 =	vshrl.u32 v26, $0xF;
	v63 =	vshrl.u32 v19, $0xF;
	v20 =	vand.u32 $0xF0, v20  }
0x36: {  	v24 =	vand.u32 $0xF0, v24;
	v23 =	vand.u32 $0xF0, v23;
	v20 =	vor.u32 v0, v20  }
0x37: {  	v34 =	vor.u32 v0, v24;
	v24 =	vadd.f32 $1.000000000e+00, v29;
	v27 =	vshrl.u32 v25, $0xF  }
0x38: {  	v36 =	vor.u32 v0, v23;
	v22 =	vshrl.u32 v22, $0xF;
	v29 =	vadd.f32 $1.000000000e+00, v33  }
0x39: {  	v26 =	vld [tilespmem:s0+$0x60];
	v21 =	vadd.f32 $1.000000000e+00, v21;
	v23 =	vshrl.u32 v24, $0xF;
	v24 =	vand.u32 $0xF0, v22  }
0x3a: {  	v25 =	vld [tilespmem:s0+$0x30];
	v27 =	vand.u32 $0xF0, v27;
	v23 =	vand.u32 $0xF0, v23;
	v28 =	vor.u32 v0, v24  }
0x3b: {  	v22 =	vshrl.u32 v30, $0xF;
	v30 =	vshrl.u32 v31, $0xF;
	v24 =	vld [tilespmem:s0+$0x10];
	v23 =	vor.u32 v0, v23  }
0x3c: {  	s30 =	simm.s32 $0x40;
	v31 =	vand.u32 $0xF0, v35;
	v19 =	vand.u32 $0xF0, v30;
	v30 =	vshrl.u32 v32, $0xF;
	[tilespmem:v34+s23+$0x0] =	vst.idx.add.f32.msk $0xffff, v3  }
0x3d: {  	s31 =	simm.s32 $0x800;
	s29 =	simm.s32 $0x0;
	v32 =	vand.u32 $0xF0, v63;
	s0 =	simm.s32 $0x100;
	v19 =	vor.u32 v0, v19;
	v30 =	vand.u32 $0xF0, v30;
	[tilespmem:v36+s23+$0x0] =	vst.idx.add.f32.msk $0xffff, v3  }
.LBB2_2:
0x3e: {  	s1 =	sand.u32 $0x7000, s0;
	s25 =	sand.u32 $0x800, s31;
	s29 =	sadd.s32 $0x10, s29;
	[tilespmem:v20+s23+$0x0] =	vst.idx.add.f32.msk $0xffff, v3;
	v20 =	vor.u32 v0, v27;
	v21 =	vshrl.u32 v21, $0xF;
	v27 =	vor.u32 v0, v30  }
0x3f: {  	s4 =	sand.u32 $0x380, s30;
	v22 =	vand.u32 $0xF0, v22;
	v25 =	vadd.f32 $1.000000000e+00, v25;
	v30 =	vor.u32 v0, v31;
	s1 =	sor.u32 s25, s1;
	p0 =	slt.u32 s29, $0x7F0;
	[tilespmem:v28+s23+$0x0] =	vst.idx.add.f32.msk $0xffff, v3  }
0x40: {  	v28 =	vshrl.u32 v29, $0xF;
	v29 =	vor.u32 v0, v32;
	s1 =	sor.u32 s4, s1;
	v24 =	vadd.f32 $1.000000000e+00, v24;
	[tilespmem:v23+s23+$0x0] =	vst.idx.add.f32.msk $0xffff, v3  }
0x41: {  	v26 =	vadd.f32 $1.000000000e+00, v26;
	v25 =	vshrl.u32 v25, $0xF;
	v28 =	vand.u32 $0xF0, v28;
	v23 =	vld [tilespmem:s1+$0x420]  }
0x42: {  	v22 =	vor.u32 v0, v22;
	v28 =	vor.u32 v0, v28;
	v31 =	vld [tilespmem:s1+$0x0];
	v24 =	vshrl.u32 v24, $0xF  }
0x43: {  	v25 =	vand.u32 $0xF0, v25;
	v26 =	vshrl.u32 v26, $0xF;
	v32 =	vld [tilespmem:s1+$0x470];
	v24 =	vand.u32 $0xF0, v24  }
0x44: {  	v26 =	vand.u32 $0xF0, v26;
	v24 =	vor.u32 v0, v24;
	[tilespmem:v30+s23+$0x0] =	vst.idx.add.f32.msk $0xffff, v3  }
0x45: {  	v26 =	vor.u32 v0, v26;
	v30 =	vld [tilespmem:s1+$0x450]  }
0x46: {  	[tilespmem:v29+s23+$0x0] =	vst.idx.add.f32.msk $0xffff, v3  }
0x47: {  	v29 =	vld [tilespmem:s1+$0x20]  }
0x48: {  	[tilespmem:v28+s23+$0x0] =	vst.idx.add.f32.msk $0xffff, v3  }
0x49: {  	v28 =	vld [tilespmem:s1+$0x460]  }
0x4a: {  	v25 =	vor.u32 v0, v25;
	v33 =	vld [tilespmem:s1+$0x40]  }
0x4b: {  	v34 =	vld [tilespmem:s1+$0x440]  }
0x4c: {  	[tilespmem:v26+s23+$0x0] =	vst.idx.add.f32.msk $0xffff, v3  }
0x4d: {  	v26 =	vld [tilespmem:s1+$0x430]  }
0x4e: {  	v21 =	vand.u32 $0xF0, v21;
	v35 =	vld [tilespmem:s1+$0x70]  }
0x4f: {  	v21 =	vor.u32 v0, v21;
	v33 =	vadd.f32 $1.000000000e+00, v33;
	v36 =	vld [tilespmem:s1+$0x50]  }
0x50: {  	v37 =	vld [tilespmem:s1+$0x410]  }
0x51: {  	v31 =	vadd.f32 $1.000000000e+00, v31;
	v32 =	vadd.f32 $1.000000000e+00, v32;
	v33 =	vshrl.u32 v33, $0xF;
	v38 =	vld [tilespmem:s1+$0x400]  }
0x52: {  	v34 =	vadd.f32 $1.000000000e+00, v34;
	v33 =	vand.u32 $0xF0, v33;
	v26 =	vadd.f32 $1.000000000e+00, v26;
	[tilespmem:v20+s23+$0x0] =	vst.idx.add.f32.msk $0xffff, v3  }
0x53: {  	v29 =	vadd.f32 $1.000000000e+00, v29;
	v20 =	vor.u32 v0, v33;
	v33 =	vadd.f32 $1.000000000e+00, v35;
	[tilespmem:v25+s23+$0x0] =	vst.idx.add.f32.msk $0xffff, v3  }
0x54: {  	v35 =	vadd.f32 $1.000000000e+00, v23;
	v23 =	vshrl.u32 v34, $0xF;
	v25 =	vadd.f32 $1.000000000e+00, v36;
	[tilespmem:v21+s23+$0x0] =	vst.idx.add.f32.msk $0xffff, v3  }
0x55: {  	v23 =	vand.u32 $0xF0, v23;
	v21 =	vshrl.u32 v33, $0xF;
	v33 =	vadd.f32 $1.000000000e+00, v37;
	[tilespmem:v19+s23+$0x0] =	vst.idx.add.f32.msk $0xffff, v3  }
0x56: {  	v34 =	vor.u32 v0, v23;
	v23 =	vadd.f32 $1.000000000e+00, v28;
	v19 =	vand.u32 $0xF0, v21;
	[tilespmem:v24+s23+$0x0] =	vst.idx.add.f32.msk $0xffff, v3  }
0x57: {  	v24 =	vshrl.u32 v25, $0xF;
	v21 =	vadd.f32 $1.000000000e+00, v30;
	v33 =	vshrl.u32 v33, $0xF;
	[tilespmem:v22+s23+$0x0] =	vst.idx.add.f32.msk $0xffff, v3  }
0x58: {  	v30 =	vor.u32 v0, v19;
	v19 =	vshrl.u32 v26, $0xF;
	v22 =	vshrl.u32 v23, $0xF;
	[tilespmem:v27+s23+$0x0] =	vst.idx.add.f32.msk $0xffff, v3  }
.Ltmp0:
0x59: {  	v27 =	vand.u32 $0xF0, v24;
	v19 =	vand.u32 $0xF0, v19;
	v23 =	vand.u32 $0xF0, v22;
	v25 =	vld [tilespmem:s1+$0x30];
	(pc) =	sbr.rel @p0 .LBB2_2-.Ltmp0, $4  }
0x5a: {  	v22 =	vshrl.u32 v31, $0xF;
	v28 =	vor.u32 v0, v19;
	v23 =	vor.u32 v0, v23;
	v26 =	vld [tilespmem:s1+$0x60]  }
0x5b: {  	v35 =	vshrl.u32 v35, $0xF;
	v19 =	vshrl.u32 v29, $0xF;
	v29 =	vadd.f32 $1.000000000e+00, v38;
	v24 =	vld [tilespmem:s1+$0x10]  }
0x5c: {  	v31 =	vand.u32 $0xF0, v33;
	v33 =	vshrl.u32 v32, $0xF;
	v19 =	vand.u32 $0xF0, v19;
	[tilespmem:v34+s23+$0x0] =	vst.idx.add.f32.msk $0xffff, v3  }
0x5d: {  	s30 =	sadd.s32 $0x40, s30;
	s31 =	sadd.s32 $0x800, s31;
	s0 =	sadd.s32 $0x100, s0;
	v32 =	vand.u32 $0xF0, v35;
	v19 =	vor.u32 v0, v19;
	[tilespmem:v30+s23+$0x0] =	vst.idx.add.f32.msk $0xffff, v3;
	v30 =	vand.u32 $0xF0, v33  }
0x5e: {  	_ =	sdelay $0x2  }
0x5f: {  	v25 =	vadd.f32 $1.000000000e+00, v25;
	v31 =	vor.u32 v0, v31;
	v29 =	vshrl.u32 v29, $0xF  }
0x60: {  	v32 =	vor.u32 v0, v32;
	[tilespmem:v20+s23+$0x0] =	vst.idx.add.f32.msk $0xffff, v3;
	v27 =	vor.u32 v0, v27;
	v29 =	vand.u32 $0xF0, v29  }
0x61: {  	[tilespmem:v28+s23+$0x0] =	vst.idx.add.f32.msk $0xffff, v3;
	v21 =	vshrl.u32 v21, $0xF;
	v26 =	vadd.f32 $1.000000000e+00, v26;
	v20 =	vor.u32 v0, v29  }
0x62: {  	[tilespmem:v23+s23+$0x0] =	vst.idx.add.f32.msk $0xffff, v3;
	v21 =	vand.u32 $0xF0, v21;
	v25 =	vshrl.u32 v25, $0xF;
	v24 =	vadd.f32 $1.000000000e+00, v24  }
0x63: {  	[tilespmem:v19+s23+$0x0] =	vst.idx.add.f32.msk $0xffff, v3;
	v21 =	vor.u32 v0, v21;
	v26 =	vshrl.u32 v26, $0xF;
	v23 =	vand.u32 $0xF0, v25  }
0x64: {  	v26 =	vand.u32 $0xF0, v26;
	v23 =	vor.u32 v0, v23;
	v24 =	vshrl.u32 v24, $0xF;
	[tilespmem:v31+s23+$0x0] =	vst.idx.add.f32.msk $0xffff, v3  }
0x65: {  	v26 =	vor.u32 v0, v26;
	[tilespmem:v32+s23+$0x0] =	vst.idx.add.f32.msk $0xffff, v3;
	v24 =	vand.u32 $0xF0, v24  }
0x66: {  	[tilespmem:v20+s23+$0x0] =	vst.idx.add.f32.msk $0xffff, v3;
	v20 =	vand.u32 $0xF0, v22;
	v22 =	vor.u32 v0, v24  }
0x67: {  	[tilespmem:v27+s23+$0x0] =	vst.idx.add.f32.msk $0xffff, v3;
	v24 =	vor.u32 v0, v30  }
0x68: {  	[tilespmem:v21+s23+$0x0] =	vst.idx.add.f32.msk $0xffff, v3;
	v20 =	vor.u32 v0, v20  }
0x69: {  	[tilespmem:v23+s23+$0x0] =	vst.idx.add.f32.msk $0xffff, v3  }
0x6a: {  	[tilespmem:v26+s23+$0x0] =	vst.idx.add.f32.msk $0xffff, v3  }
0x6b: {  	[tilespmem:v22+s23+$0x0] =	vst.idx.add.f32.msk $0xffff, v3  }
0x6c: {  	[tilespmem:v24+s23+$0x0] =	vst.idx.add.f32.msk $0xffff, v3  }
0x6d: {  	s0 =	simm.s32 $0x0;
	[tilespmem:v20+s23+$0x0] =	vst.idx.add.f32.msk $0xffff, v3  }
0x6e: {  	[tilespmem:s0], [sflag:$0x1] =	stream.linear.gather [hbm4b:s5+s0], $0x8000, $0x38;
	[tilespmem:$0x10200] =	vst v63  }
0x6f: {  	s1 =	sand.u32 $0x7000, s0;
	s4 =	sand.u32 $0x800, s0;
	_ =	swait.ge [sflag:s24], $0x8000  }
0x70: {  	s1 =	sor.u32 s4, s1;
	s0 =	sand.u32 $0x380, s0;
	[sflag:s24] =	ssyncset.done $0x0  }
0x71: {  	s0 =	sor.u32 s0, s1;
	[sflag:s24] =	ssyncadd.s32 $0xFFFF8000  }
0x72: {  	v19 =	vld [tilespmem:s0+$0x8420]  }
0x73: {  	v20 =	vld [tilespmem:s0+$0x8000]  }
0x74: {  	v21 =	vld [tilespmem:s0+$0x8470]  }
0x75: {  	v22 =	vld [tilespmem:s0+$0x8040]  }
0x76: {  	v23 =	vld [tilespmem:s0+$0x8020]  }
0x77: {  	v24 =	vld [tilespmem:s0+$0x8440]  }
0x78: {  	v25 =	vld [tilespmem:s0+$0x8430]  }
0x79: {  	v26 =	vld [tilespmem:s0+$0x8070]  }
0x7a: {  	v28 =	vld [tilespmem:s0+$0x8410]  }
0x7b: {  	v27 =	vld [tilespmem:s0+$0x8050];
	v22 =	vadd.f32 $1.000000000e+00, v22  }
0x7c: {  	v30 =	vadd.f32 $1.000000000e+00, v20;
	v62 =	vadd.f32 $1.000000000e+00, v21  }
0x7d: {  	v24 =	vadd.f32 $1.000000000e+00, v24;
	v31 =	vadd.f32 $1.000000000e+00, v23  }
0x7e: {  	v29 =	vld [tilespmem:s0+$0x8460];
	v23 =	vadd.f32 $1.000000000e+00, v26;
	v19 =	vadd.f32 $1.000000000e+00, v19  }
0x7f: {  	v26 =	vadd.f32 $1.000000000e+00, v28;
	v20 =	vshrl.u32 v22, $0xF;
	v22 =	vadd.f32 $1.000000000e+00, v25  }
0x80: {  	v33 =	vld [tilespmem:s0+$0x8400];
	v25 =	vadd.f32 $1.000000000e+00, v27;
	v24 =	vshrl.u32 v24, $0xF;
	v23 =	vshrl.u32 v23, $0xF  }
0x81: {  	v21 =	vld [tilespmem:s0+$0x8450];
	v35 =	vshrl.u32 v26, $0xF;
	v63 =	vshrl.u32 v19, $0xF;
	v20 =	vand.u32 $0xF0, v20  }
0x82: {  	v24 =	vand.u32 $0xF0, v24;
	v23 =	vand.u32 $0xF0, v23;
	v32 =	vand.u32 $0xF0, v63  }
0x83: {  	v20 =	vor.u32 v0, v20;
	v34 =	vor.u32 v0, v24;
	v24 =	vadd.f32 $1.000000000e+00, v29  }
0x84: {  	v27 =	vshrl.u32 v25, $0xF;
	v36 =	vor.u32 v0, v23;
	v22 =	vshrl.u32 v22, $0xF  }
0x85: {  	v26 =	vld [tilespmem:s0+$0x8060];
	v29 =	vadd.f32 $1.000000000e+00, v33;
	v23 =	vshrl.u32 v24, $0xF;
	v24 =	vand.u32 $0xF0, v22  }
0x86: {  	v25 =	vld [tilespmem:s0+$0x8030];
	v21 =	vadd.f32 $1.000000000e+00, v21;
	v23 =	vand.u32 $0xF0, v23;
	v28 =	vor.u32 v0, v24  }
0x87: {  	v22 =	vshrl.u32 v30, $0xF;
	v30 =	vshrl.u32 v31, $0xF;
	v24 =	vld [tilespmem:s0+$0x8010];
	v23 =	vor.u32 v0, v23  }
0x88: {  	s29 =	simm.s32 $0x0;
	v27 =	vand.u32 $0xF0, v27;
	v19 =	vand.u32 $0xF0, v30;
	v30 =	vshrl.u32 v62, $0xF;
	[tilespmem:v34+s23+$0x0] =	vst.idx.add.f32.msk $0xffff, v3  }
0x89: {  	s30 =	simm.s32 $0x40;
	s31 =	simm.s32 $0x800;
	v31 =	vand.u32 $0xF0, v35;
	s0 =	simm.s32 $0x100;
	v19 =	vor.u32 v0, v19;
	v30 =	vand.u32 $0xF0, v30;
	[tilespmem:v36+s23+$0x0] =	vst.idx.add.f32.msk $0xffff, v3  }
.LBB2_4:
0x8a: {  	s1 =	sand.u32 $0x7000, s0;
	s4 =	sand.u32 $0x800, s31;
	s29 =	sadd.s32 $0x10, s29;
	[tilespmem:v20+s23+$0x0] =	vst.idx.add.f32.msk $0xffff, v3;
	v20 =	vor.u32 v0, v27;
	v21 =	vshrl.u32 v21, $0xF;
	v27 =	vor.u32 v0, v30  }
0x8b: {  	s25 =	sand.u32 $0x380, s30;
	v22 =	vand.u32 $0xF0, v22;
	v25 =	vadd.f32 $1.000000000e+00, v25;
	v30 =	vor.u32 v0, v31;
	s1 =	sor.u32 s4, s1;
	p0 =	slt.u32 s29, $0x7F0;
	[tilespmem:v28+s23+$0x0] =	vst.idx.add.f32.msk $0xffff, v3  }
0x8c: {  	v28 =	vshrl.u32 v29, $0xF;
	v29 =	vor.u32 v0, v32;
	s1 =	sor.u32 s25, s1;
	v24 =	vadd.f32 $1.000000000e+00, v24;
	[tilespmem:v23+s23+$0x0] =	vst.idx.add.f32.msk $0xffff, v3  }
0x8d: {  	v26 =	vadd.f32 $1.000000000e+00, v26;
	v25 =	vshrl.u32 v25, $0xF;
	v28 =	vand.u32 $0xF0, v28;
	v23 =	vld [tilespmem:s1+$0x8420]  }
0x8e: {  	v22 =	vor.u32 v0, v22;
	v28 =	vor.u32 v0, v28;
	v31 =	vld [tilespmem:s1+$0x8000];
	v24 =	vshrl.u32 v24, $0xF  }
0x8f: {  	v25 =	vand.u32 $0xF0, v25;
	v26 =	vshrl.u32 v26, $0xF;
	v32 =	vld [tilespmem:s1+$0x8470];
	v24 =	vand.u32 $0xF0, v24  }
0x90: {  	v26 =	vand.u32 $0xF0, v26;
	v24 =	vor.u32 v0, v24;
	[tilespmem:v30+s23+$0x0] =	vst.idx.add.f32.msk $0xffff, v3  }
0x91: {  	v26 =	vor.u32 v0, v26;
	v30 =	vld [tilespmem:s1+$0x8450]  }
0x92: {  	[tilespmem:v29+s23+$0x0] =	vst.idx.add.f32.msk $0xffff, v3  }
0x93: {  	v29 =	vld [tilespmem:s1+$0x8020]  }
0x94: {  	[tilespmem:v28+s23+$0x0] =	vst.idx.add.f32.msk $0xffff, v3  }
0x95: {  	v28 =	vld [tilespmem:s1+$0x8460]  }
0x96: {  	v25 =	vor.u32 v0, v25;
	v33 =	vld [tilespmem:s1+$0x8040]  }
0x97: {  	v34 =	vld [tilespmem:s1+$0x8440]  }
0x98: {  	[tilespmem:v26+s23+$0x0] =	vst.idx.add.f32.msk $0xffff, v3  }
0x99: {  	v26 =	vld [tilespmem:s1+$0x8430]  }
0x9a: {  	v21 =	vand.u32 $0xF0, v21;
	v35 =	vld [tilespmem:s1+$0x8070]  }
0x9b: {  	v21 =	vor.u32 v0, v21;
	v33 =	vadd.f32 $1.000000000e+00, v33;
	v36 =	vld [tilespmem:s1+$0x8050]  }
0x9c: {  	v37 =	vld [tilespmem:s1+$0x8410]  }
0x9d: {  	v31 =	vadd.f32 $1.000000000e+00, v31;
	v32 =	vadd.f32 $1.000000000e+00, v32;
	v33 =	vshrl.u32 v33, $0xF;
	v38 =	vld [tilespmem:s1+$0x8400]  }
0x9e: {  	v34 =	vadd.f32 $1.000000000e+00, v34;
	v33 =	vand.u32 $0xF0, v33;
	v26 =	vadd.f32 $1.000000000e+00, v26;
	[tilespmem:v20+s23+$0x0] =	vst.idx.add.f32.msk $0xffff, v3  }
0x9f: {  	v29 =	vadd.f32 $1.000000000e+00, v29;
	v20 =	vor.u32 v0, v33;
	v33 =	vadd.f32 $1.000000000e+00, v35;
	[tilespmem:v25+s23+$0x0] =	vst.idx.add.f32.msk $0xffff, v3  }
0xa0: {  	v35 =	vadd.f32 $1.000000000e+00, v23;
	v23 =	vshrl.u32 v34, $0xF;
	v25 =	vadd.f32 $1.000000000e+00, v36;
	[tilespmem:v21+s23+$0x0] =	vst.idx.add.f32.msk $0xffff, v3  }
0xa1: {  	v23 =	vand.u32 $0xF0, v23;
	v21 =	vshrl.u32 v33, $0xF;
	v33 =	vadd.f32 $1.000000000e+00, v37;
	[tilespmem:v19+s23+$0x0] =	vst.idx.add.f32.msk $0xffff, v3  }
0xa2: {  	v34 =	vor.u32 v0, v23;
	v23 =	vadd.f32 $1.000000000e+00, v28;
	v19 =	vand.u32 $0xF0, v21;
	[tilespmem:v24+s23+$0x0] =	vst.idx.add.f32.msk $0xffff, v3  }
0xa3: {  	v24 =	vshrl.u32 v25, $0xF;
	v21 =	vadd.f32 $1.000000000e+00, v30;
	v33 =	vshrl.u32 v33, $0xF;
	[tilespmem:v22+s23+$0x0] =	vst.idx.add.f32.msk $0xffff, v3  }
0xa4: {  	v30 =	vor.u32 v0, v19;
	v19 =	vshrl.u32 v26, $0xF;
	v22 =	vshrl.u32 v23, $0xF;
	[tilespmem:v27+s23+$0x0] =	vst.idx.add.f32.msk $0xffff, v3  }
.Ltmp1:
0xa5: {  	v27 =	vand.u32 $0xF0, v24;
	v19 =	vand.u32 $0xF0, v19;
	v23 =	vand.u32 $0xF0, v22;
	v25 =	vld [tilespmem:s1+$0x8030];
	(pc) =	sbr.rel @p0 .LBB2_4-.Ltmp1, $4  }
0xa6: {  	v22 =	vshrl.u32 v31, $0xF;
	v28 =	vor.u32 v0, v19;
	v23 =	vor.u32 v0, v23;
	v26 =	vld [tilespmem:s1+$0x8060]  }
0xa7: {  	v35 =	vshrl.u32 v35, $0xF;
	v19 =	vshrl.u32 v29, $0xF;
	v29 =	vadd.f32 $1.000000000e+00, v38;
	v24 =	vld [tilespmem:s1+$0x8010]  }
0xa8: {  	v31 =	vand.u32 $0xF0, v33;
	v33 =	vshrl.u32 v32, $0xF;
	v19 =	vand.u32 $0xF0, v19;
	[tilespmem:v34+s23+$0x0] =	vst.idx.add.f32.msk $0xffff, v3  }
0xa9: {  	s30 =	sadd.s32 $0x40, s30;
	s31 =	sadd.s32 $0x800, s31;
	s0 =	sadd.s32 $0x100, s0;
	v32 =	vand.u32 $0xF0, v35;
	v19 =	vor.u32 v0, v19;
	[tilespmem:v30+s23+$0x0] =	vst.idx.add.f32.msk $0xffff, v3;
	v30 =	vand.u32 $0xF0, v33  }
0xaa: {  	_ =	sdelay $0x2  }
0xab: {  	v25 =	vadd.f32 $1.000000000e+00, v25;
	v31 =	vor.u32 v0, v31;
	v29 =	vshrl.u32 v29, $0xF  }
0xac: {  	v32 =	vor.u32 v0, v32;
	[tilespmem:v20+s23+$0x0] =	vst.idx.add.f32.msk $0xffff, v3;
	v27 =	vor.u32 v0, v27;
	v29 =	vand.u32 $0xF0, v29  }
0xad: {  	[tilespmem:v28+s23+$0x0] =	vst.idx.add.f32.msk $0xffff, v3;
	v21 =	vshrl.u32 v21, $0xF;
	v26 =	vadd.f32 $1.000000000e+00, v26;
	v20 =	vor.u32 v0, v29  }
0xae: {  	[tilespmem:v23+s23+$0x0] =	vst.idx.add.f32.msk $0xffff, v3;
	v21 =	vand.u32 $0xF0, v21;
	v25 =	vshrl.u32 v25, $0xF;
	v24 =	vadd.f32 $1.000000000e+00, v24  }
0xaf: {  	[tilespmem:v19+s23+$0x0] =	vst.idx.add.f32.msk $0xffff, v3;
	v21 =	vor.u32 v0, v21;
	v26 =	vshrl.u32 v26, $0xF;
	v23 =	vand.u32 $0xF0, v25  }
0xb0: {  	v26 =	vand.u32 $0xF0, v26;
	v23 =	vor.u32 v0, v23;
	v24 =	vshrl.u32 v24, $0xF;
	[tilespmem:v31+s23+$0x0] =	vst.idx.add.f32.msk $0xffff, v3  }
0xb1: {  	v26 =	vor.u32 v0, v26;
	[tilespmem:v32+s23+$0x0] =	vst.idx.add.f32.msk $0xffff, v3;
	v24 =	vand.u32 $0xF0, v24  }
0xb2: {  	[tilespmem:v20+s23+$0x0] =	vst.idx.add.f32.msk $0xffff, v3;
	v20 =	vand.u32 $0xF0, v22;
	v22 =	vor.u32 v0, v24  }
0xb3: {  	[tilespmem:v27+s23+$0x0] =	vst.idx.add.f32.msk $0xffff, v3;
	v24 =	vor.u32 v0, v30  }
0xb4: {  	[tilespmem:v21+s23+$0x0] =	vst.idx.add.f32.msk $0xffff, v3;
	v20 =	vor.u32 v0, v20  }
0xb5: {  	[tilespmem:v23+s23+$0x0] =	vst.idx.add.f32.msk $0xffff, v3  }
0xb6: {  	[tilespmem:v26+s23+$0x0] =	vst.idx.add.f32.msk $0xffff, v3  }
0xb7: {  	[tilespmem:v22+s23+$0x0] =	vst.idx.add.f32.msk $0xffff, v3  }
0xb8: {  	[tilespmem:v24+s23+$0x0] =	vst.idx.add.f32.msk $0xffff, v3  }
0xb9: {  	s0 =	simm.s32 $0x0;
	[tilespmem:v20+s23+$0x0] =	vst.idx.add.f32.msk $0xffff, v3  }
0xba: {  	[tilespmem:s21], [sflag:$0x2] =	stream.linear.gather [hbm4b:s6+s0], $0x8000, $0x38;
	[tilespmem:$0x10200] =	vst v63  }
0xbb: {  	s1 =	sand.u32 $0x7000, s0;
	s4 =	sand.u32 $0x800, s0;
	_ =	swait.ge [sflag:s22], $0x8000  }
0xbc: {  	s1 =	sor.u32 s4, s1;
	s0 =	sand.u32 $0x380, s0;
	[sflag:s22] =	ssyncset.done $0x0  }
0xbd: {  	s0 =	sor.u32 s0, s1;
	[sflag:s22] =	ssyncadd.s32 $0xFFFF8000  }
0xbe: {  	v19 =	vld [tilespmem:s0+$0x420]  }
0xbf: {  	v20 =	vld [tilespmem:s0+$0x0]  }
0xc0: {  	v21 =	vld [tilespmem:s0+$0x470]  }
0xc1: {  	v22 =	vld [tilespmem:s0+$0x40]  }
0xc2: {  	v23 =	vld [tilespmem:s0+$0x20]  }
0xc3: {  	v24 =	vld [tilespmem:s0+$0x440]  }
0xc4: {  	v25 =	vld [tilespmem:s0+$0x430]  }
0xc5: {  	v26 =	vld [tilespmem:s0+$0x70]  }
0xc6: {  	v28 =	vld [tilespmem:s0+$0x410]  }
0xc7: {  	v27 =	vld [tilespmem:s0+$0x50];
	v22 =	vadd.f32 $1.000000000e+00, v22  }
0xc8: {  	v30 =	vadd.f32 $1.000000000e+00, v20;
	v62 =	vadd.f32 $1.000000000e+00, v21  }
0xc9: {  	v24 =	vadd.f32 $1.000000000e+00, v24;
	v31 =	vadd.f32 $1.000000000e+00, v23  }
0xca: {  	v29 =	vld [tilespmem:s0+$0x460];
	v23 =	vadd.f32 $1.000000000e+00, v26;
	v19 =	vadd.f32 $1.000000000e+00, v19  }
0xcb: {  	v26 =	vadd.f32 $1.000000000e+00, v28;
	v20 =	vshrl.u32 v22, $0xF;
	v22 =	vadd.f32 $1.000000000e+00, v25  }
0xcc: {  	v33 =	vld [tilespmem:s0+$0x400];
	v25 =	vadd.f32 $1.000000000e+00, v27;
	v24 =	vshrl.u32 v24, $0xF;
	v23 =	vshrl.u32 v23, $0xF  }
0xcd: {  	v21 =	vld [tilespmem:s0+$0x450];
	v35 =	vshrl.u32 v26, $0xF;
	v63 =	vshrl.u32 v19, $0xF;
	v20 =	vand.u32 $0xF0, v20  }
0xce: {  	v24 =	vand.u32 $0xF0, v24;
	v23 =	vand.u32 $0xF0, v23;
	v32 =	vand.u32 $0xF0, v63  }
0xcf: {  	v20 =	vor.u32 v0, v20;
	v34 =	vor.u32 v0, v24;
	v24 =	vadd.f32 $1.000000000e+00, v29  }
0xd0: {  	v27 =	vshrl.u32 v25, $0xF;
	v36 =	vor.u32 v0, v23;
	v22 =	vshrl.u32 v22, $0xF  }
0xd1: {  	v26 =	vld [tilespmem:s0+$0x60];
	v29 =	vadd.f32 $1.000000000e+00, v33;
	v23 =	vshrl.u32 v24, $0xF;
	v24 =	vand.u32 $0xF0, v22  }
0xd2: {  	v25 =	vld [tilespmem:s0+$0x30];
	v21 =	vadd.f32 $1.000000000e+00, v21;
	v23 =	vand.u32 $0xF0, v23;
	v28 =	vor.u32 v0, v24  }
0xd3: {  	v22 =	vshrl.u32 v30, $0xF;
	v30 =	vshrl.u32 v31, $0xF;
	v24 =	vld [tilespmem:s0+$0x10];
	v23 =	vor.u32 v0, v23  }
0xd4: {  	s29 =	simm.s32 $0x0;
	v27 =	vand.u32 $0xF0, v27;
	v19 =	vand.u32 $0xF0, v30;
	v30 =	vshrl.u32 v62, $0xF;
	[tilespmem:v34+s23+$0x0] =	vst.idx.add.f32.msk $0xffff, v3  }
0xd5: {  	s30 =	simm.s32 $0x40;
	s31 =	simm.s32 $0x800;
	v31 =	vand.u32 $0xF0, v35;
	s0 =	simm.s32 $0x100;
	v19 =	vor.u32 v0, v19;
	v30 =	vand.u32 $0xF0, v30;
	[tilespmem:v36+s23+$0x0] =	vst.idx.add.f32.msk $0xffff, v3  }
.LBB2_6:
0xd6: {  	s1 =	sand.u32 $0x7000, s0;
	s4 =	sand.u32 $0x800, s31;
	s29 =	sadd.s32 $0x10, s29;
	[tilespmem:v20+s23+$0x0] =	vst.idx.add.f32.msk $0xffff, v3;
	v20 =	vor.u32 v0, v27;
	v21 =	vshrl.u32 v21, $0xF;
	v27 =	vor.u32 v0, v30  }
0xd7: {  	s25 =	sand.u32 $0x380, s30;
	v22 =	vand.u32 $0xF0, v22;
	v25 =	vadd.f32 $1.000000000e+00, v25;
	v30 =	vor.u32 v0, v31;
	s1 =	sor.u32 s4, s1;
	p0 =	slt.u32 s29, $0x7F0;
	[tilespmem:v28+s23+$0x0] =	vst.idx.add.f32.msk $0xffff, v3  }
0xd8: {  	v28 =	vshrl.u32 v29, $0xF;
	v29 =	vor.u32 v0, v32;
	s1 =	sor.u32 s25, s1;
	v24 =	vadd.f32 $1.000000000e+00, v24;
	[tilespmem:v23+s23+$0x0] =	vst.idx.add.f32.msk $0xffff, v3  }
0xd9: {  	v26 =	vadd.f32 $1.000000000e+00, v26;
	v25 =	vshrl.u32 v25, $0xF;
	v28 =	vand.u32 $0xF0, v28;
	v23 =	vld [tilespmem:s1+$0x420]  }
0xda: {  	v22 =	vor.u32 v0, v22;
	v28 =	vor.u32 v0, v28;
	v31 =	vld [tilespmem:s1+$0x0];
	v24 =	vshrl.u32 v24, $0xF  }
0xdb: {  	v25 =	vand.u32 $0xF0, v25;
	v26 =	vshrl.u32 v26, $0xF;
	v32 =	vld [tilespmem:s1+$0x470];
	v24 =	vand.u32 $0xF0, v24  }
0xdc: {  	v26 =	vand.u32 $0xF0, v26;
	v24 =	vor.u32 v0, v24;
	[tilespmem:v30+s23+$0x0] =	vst.idx.add.f32.msk $0xffff, v3  }
0xdd: {  	v26 =	vor.u32 v0, v26;
	v30 =	vld [tilespmem:s1+$0x450]  }
0xde: {  	[tilespmem:v29+s23+$0x0] =	vst.idx.add.f32.msk $0xffff, v3  }
0xdf: {  	v29 =	vld [tilespmem:s1+$0x20]  }
0xe0: {  	[tilespmem:v28+s23+$0x0] =	vst.idx.add.f32.msk $0xffff, v3  }
0xe1: {  	v28 =	vld [tilespmem:s1+$0x460]  }
0xe2: {  	v25 =	vor.u32 v0, v25;
	v33 =	vld [tilespmem:s1+$0x40]  }
0xe3: {  	v34 =	vld [tilespmem:s1+$0x440]  }
0xe4: {  	[tilespmem:v26+s23+$0x0] =	vst.idx.add.f32.msk $0xffff, v3  }
0xe5: {  	v26 =	vld [tilespmem:s1+$0x430]  }
0xe6: {  	v21 =	vand.u32 $0xF0, v21;
	v35 =	vld [tilespmem:s1+$0x70]  }
0xe7: {  	v21 =	vor.u32 v0, v21;
	v33 =	vadd.f32 $1.000000000e+00, v33;
	v36 =	vld [tilespmem:s1+$0x50]  }
0xe8: {  	v37 =	vld [tilespmem:s1+$0x410]  }
0xe9: {  	v31 =	vadd.f32 $1.000000000e+00, v31;
	v32 =	vadd.f32 $1.000000000e+00, v32;
	v33 =	vshrl.u32 v33, $0xF;
	v38 =	vld [tilespmem:s1+$0x400]  }
0xea: {  	v34 =	vadd.f32 $1.000000000e+00, v34;
	v33 =	vand.u32 $0xF0, v33;
	v26 =	vadd.f32 $1.000000000e+00, v26;
	[tilespmem:v20+s23+$0x0] =	vst.idx.add.f32.msk $0xffff, v3  }
0xeb: {  	v29 =	vadd.f32 $1.000000000e+00, v29;
	v20 =	vor.u32 v0, v33;
	v33 =	vadd.f32 $1.000000000e+00, v35;
	[tilespmem:v25+s23+$0x0] =	vst.idx.add.f32.msk $0xffff, v3  }
0xec: {  	v35 =	vadd.f32 $1.000000000e+00, v23;
	v23 =	vshrl.u32 v34, $0xF;
	v25 =	vadd.f32 $1.000000000e+00, v36;
	[tilespmem:v21+s23+$0x0] =	vst.idx.add.f32.msk $0xffff, v3  }
0xed: {  	v23 =	vand.u32 $0xF0, v23;
	v21 =	vshrl.u32 v33, $0xF;
	v33 =	vadd.f32 $1.000000000e+00, v37;
	[tilespmem:v19+s23+$0x0] =	vst.idx.add.f32.msk $0xffff, v3  }
0xee: {  	v34 =	vor.u32 v0, v23;
	v23 =	vadd.f32 $1.000000000e+00, v28;
	v19 =	vand.u32 $0xF0, v21;
	[tilespmem:v24+s23+$0x0] =	vst.idx.add.f32.msk $0xffff, v3  }
0xef: {  	v24 =	vshrl.u32 v25, $0xF;
	v21 =	vadd.f32 $1.000000000e+00, v30;
	v33 =	vshrl.u32 v33, $0xF;
	[tilespmem:v22+s23+$0x0] =	vst.idx.add.f32.msk $0xffff, v3  }
0xf0: {  	v30 =	vor.u32 v0, v19;
	v19 =	vshrl.u32 v26, $0xF;
	v22 =	vshrl.u32 v23, $0xF;
	[tilespmem:v27+s23+$0x0] =	vst.idx.add.f32.msk $0xffff, v3  }
.Ltmp2:
0xf1: {  	v27 =	vand.u32 $0xF0, v24;
	v19 =	vand.u32 $0xF0, v19;
	v23 =	vand.u32 $0xF0, v22;
	v25 =	vld [tilespmem:s1+$0x30];
	(pc) =	sbr.rel @p0 .LBB2_6-.Ltmp2, $4  }
0xf2: {  	v22 =	vshrl.u32 v31, $0xF;
	v28 =	vor.u32 v0, v19;
	v23 =	vor.u32 v0, v23;
	v26 =	vld [tilespmem:s1+$0x60]  }
0xf3: {  	v35 =	vshrl.u32 v35, $0xF;
	v19 =	vshrl.u32 v29, $0xF;
	v29 =	vadd.f32 $1.000000000e+00, v38;
	v24 =	vld [tilespmem:s1+$0x10]  }
0xf4: {  	v31 =	vand.u32 $0xF0, v33;
	v33 =	vshrl.u32 v32, $0xF;
	v19 =	vand.u32 $0xF0, v19;
	[tilespmem:v34+s23+$0x0] =	vst.idx.add.f32.msk $0xffff, v3  }
0xf5: {  	s30 =	sadd.s32 $0x40, s30;
	s31 =	sadd.s32 $0x800, s31;
	s0 =	sadd.s32 $0x100, s0;
	v32 =	vand.u32 $0xF0, v35;
	v19 =	vor.u32 v0, v19;
	[tilespmem:v30+s23+$0x0] =	vst.idx.add.f32.msk $0xffff, v3;
	v30 =	vand.u32 $0xF0, v33  }
0xf6: {  	_ =	sdelay $0x2  }
0xf7: {  	v25 =	vadd.f32 $1.000000000e+00, v25;
	v31 =	vor.u32 v0, v31;
	v29 =	vshrl.u32 v29, $0xF  }
0xf8: {  	v32 =	vor.u32 v0, v32;
	[tilespmem:v20+s23+$0x0] =	vst.idx.add.f32.msk $0xffff, v3;
	v27 =	vor.u32 v0, v27;
	v29 =	vand.u32 $0xF0, v29  }
0xf9: {  	[tilespmem:v28+s23+$0x0] =	vst.idx.add.f32.msk $0xffff, v3;
	v21 =	vshrl.u32 v21, $0xF;
	v26 =	vadd.f32 $1.000000000e+00, v26;
	v20 =	vor.u32 v0, v29  }
0xfa: {  	[tilespmem:v23+s23+$0x0] =	vst.idx.add.f32.msk $0xffff, v3;
	v21 =	vand.u32 $0xF0, v21;
	v25 =	vshrl.u32 v25, $0xF;
	v24 =	vadd.f32 $1.000000000e+00, v24  }
0xfb: {  	[tilespmem:v19+s23+$0x0] =	vst.idx.add.f32.msk $0xffff, v3;
	v21 =	vor.u32 v0, v21;
	v26 =	vshrl.u32 v26, $0xF;
	v23 =	vand.u32 $0xF0, v25  }
0xfc: {  	v26 =	vand.u32 $0xF0, v26;
	v23 =	vor.u32 v0, v23;
	v24 =	vshrl.u32 v24, $0xF;
	[tilespmem:v31+s23+$0x0] =	vst.idx.add.f32.msk $0xffff, v3  }
0xfd: {  	v26 =	vor.u32 v0, v26;
	[tilespmem:v32+s23+$0x0] =	vst.idx.add.f32.msk $0xffff, v3;
	v24 =	vand.u32 $0xF0, v24  }
0xfe: {  	[tilespmem:v20+s23+$0x0] =	vst.idx.add.f32.msk $0xffff, v3;
	v20 =	vand.u32 $0xF0, v22;
	v22 =	vor.u32 v0, v24  }
0xff: {  	[tilespmem:v27+s23+$0x0] =	vst.idx.add.f32.msk $0xffff, v3;
	v24 =	vor.u32 v0, v30  }
0x100: {  	[tilespmem:v21+s23+$0x0] =	vst.idx.add.f32.msk $0xffff, v3;
	v20 =	vor.u32 v0, v20  }
0x101: {  	[tilespmem:v23+s23+$0x0] =	vst.idx.add.f32.msk $0xffff, v3  }
0x102: {  	[tilespmem:v26+s23+$0x0] =	vst.idx.add.f32.msk $0xffff, v3  }
0x103: {  	[tilespmem:v22+s23+$0x0] =	vst.idx.add.f32.msk $0xffff, v3  }
0x104: {  	[tilespmem:v24+s23+$0x0] =	vst.idx.add.f32.msk $0xffff, v3  }
0x105: {  	s0 =	simm.s32 $0x0;
	[tilespmem:v20+s23+$0x0] =	vst.idx.add.f32.msk $0xffff, v3  }
0x106: {  	[tilespmem:s0], [sflag:$0x1] =	stream.linear.gather [hbm4b:s7+s0], $0x8000, $0x38;
	[tilespmem:$0x10200] =	vst v63  }
0x107: {  	s1 =	sand.u32 $0x7000, s0;
	s4 =	sand.u32 $0x800, s0;
	_ =	swait.ge [sflag:s24], $0x8000  }
0x108: {  	s1 =	sor.u32 s4, s1;
	s0 =	sand.u32 $0x380, s0;
	[sflag:s24] =	ssyncset.done $0x0  }
0x109: {  	s0 =	sor.u32 s0, s1;
	[sflag:s24] =	ssyncadd.s32 $0xFFFF8000  }
0x10a: {  	v19 =	vld [tilespmem:s0+$0x8420]  }
0x10b: {  	v20 =	vld [tilespmem:s0+$0x8000]  }
0x10c: {  	v21 =	vld [tilespmem:s0+$0x8470]  }
0x10d: {  	v22 =	vld [tilespmem:s0+$0x8040]  }
0x10e: {  	v23 =	vld [tilespmem:s0+$0x8020]  }
0x10f: {  	v24 =	vld [tilespmem:s0+$0x8440]  }
0x110: {  	v25 =	vld [tilespmem:s0+$0x8430]  }
0x111: {  	v26 =	vld [tilespmem:s0+$0x8070]  }
0x112: {  	v28 =	vld [tilespmem:s0+$0x8410]  }
0x113: {  	v27 =	vld [tilespmem:s0+$0x8050];
	v22 =	vadd.f32 $1.000000000e+00, v22  }
0x114: {  	v30 =	vadd.f32 $1.000000000e+00, v20;
	v62 =	vadd.f32 $1.000000000e+00, v21  }
0x115: {  	v24 =	vadd.f32 $1.000000000e+00, v24;
	v31 =	vadd.f32 $1.000000000e+00, v23  }
0x116: {  	v29 =	vld [tilespmem:s0+$0x8460];
	v23 =	vadd.f32 $1.000000000e+00, v26;
	v19 =	vadd.f32 $1.000000000e+00, v19  }
0x117: {  	v26 =	vadd.f32 $1.000000000e+00, v28;
	v20 =	vshrl.u32 v22, $0xF;
	v22 =	vadd.f32 $1.000000000e+00, v25  }
0x118: {  	v33 =	vld [tilespmem:s0+$0x8400];
	v25 =	vadd.f32 $1.000000000e+00, v27;
	v24 =	vshrl.u32 v24, $0xF;
	v23 =	vshrl.u32 v23, $0xF  }
0x119: {  	v21 =	vld [tilespmem:s0+$0x8450];
	v35 =	vshrl.u32 v26, $0xF;
	v63 =	vshrl.u32 v19, $0xF;
	v20 =	vand.u32 $0xF0, v20  }
0x11a: {  	v24 =	vand.u32 $0xF0, v24;
	v23 =	vand.u32 $0xF0, v23;
	v32 =	vand.u32 $0xF0, v63  }
0x11b: {  	v20 =	vor.u32 v0, v20;
	v34 =	vor.u32 v0, v24;
	v24 =	vadd.f32 $1.000000000e+00, v29  }
0x11c: {  	v27 =	vshrl.u32 v25, $0xF;
	v36 =	vor.u32 v0, v23;
	v22 =	vshrl.u32 v22, $0xF  }
0x11d: {  	v26 =	vld [tilespmem:s0+$0x8060];
	v29 =	vadd.f32 $1.000000000e+00, v33;
	v23 =	vshrl.u32 v24, $0xF;
	v24 =	vand.u32 $0xF0, v22  }
0x11e: {  	v25 =	vld [tilespmem:s0+$0x8030];
	v21 =	vadd.f32 $1.000000000e+00, v21;
	v23 =	vand.u32 $0xF0, v23;
	v28 =	vor.u32 v0, v24  }
0x11f: {  	v22 =	vshrl.u32 v30, $0xF;
	v30 =	vshrl.u32 v31, $0xF;
	v24 =	vld [tilespmem:s0+$0x8010];
	v23 =	vor.u32 v0, v23  }
0x120: {  	s29 =	simm.s32 $0x0;
	v27 =	vand.u32 $0xF0, v27;
	v19 =	vand.u32 $0xF0, v30;
	v30 =	vshrl.u32 v62, $0xF;
	[tilespmem:v34+s23+$0x0] =	vst.idx.add.f32.msk $0xffff, v3  }
0x121: {  	s30 =	simm.s32 $0x40;
	s31 =	simm.s32 $0x800;
	v31 =	vand.u32 $0xF0, v35;
	s0 =	simm.s32 $0x100;
	v19 =	vor.u32 v0, v19;
	v30 =	vand.u32 $0xF0, v30;
	[tilespmem:v36+s23+$0x0] =	vst.idx.add.f32.msk $0xffff, v3  }
.LBB2_8:
0x122: {  	s1 =	sand.u32 $0x7000, s0;
	s4 =	sand.u32 $0x800, s31;
	s29 =	sadd.s32 $0x10, s29;
	[tilespmem:v20+s23+$0x0] =	vst.idx.add.f32.msk $0xffff, v3;
	v20 =	vor.u32 v0, v27;
	v21 =	vshrl.u32 v21, $0xF;
	v27 =	vor.u32 v0, v30  }
0x123: {  	s25 =	sand.u32 $0x380, s30;
	v22 =	vand.u32 $0xF0, v22;
	v25 =	vadd.f32 $1.000000000e+00, v25;
	v30 =	vor.u32 v0, v31;
	s1 =	sor.u32 s4, s1;
	p0 =	slt.u32 s29, $0x7F0;
	[tilespmem:v28+s23+$0x0] =	vst.idx.add.f32.msk $0xffff, v3  }
0x124: {  	v28 =	vshrl.u32 v29, $0xF;
	v29 =	vor.u32 v0, v32;
	s1 =	sor.u32 s25, s1;
	v24 =	vadd.f32 $1.000000000e+00, v24;
	[tilespmem:v23+s23+$0x0] =	vst.idx.add.f32.msk $0xffff, v3  }
0x125: {  	v26 =	vadd.f32 $1.000000000e+00, v26;
	v25 =	vshrl.u32 v25, $0xF;
	v28 =	vand.u32 $0xF0, v28;
	v23 =	vld [tilespmem:s1+$0x8420]  }
0x126: {  	v22 =	vor.u32 v0, v22;
	v28 =	vor.u32 v0, v28;
	v31 =	vld [tilespmem:s1+$0x8000];
	v24 =	vshrl.u32 v24, $0xF  }
0x127: {  	v25 =	vand.u32 $0xF0, v25;
	v26 =	vshrl.u32 v26, $0xF;
	v32 =	vld [tilespmem:s1+$0x8470];
	v24 =	vand.u32 $0xF0, v24  }
0x128: {  	v26 =	vand.u32 $0xF0, v26;
	v24 =	vor.u32 v0, v24;
	[tilespmem:v30+s23+$0x0] =	vst.idx.add.f32.msk $0xffff, v3  }
0x129: {  	v26 =	vor.u32 v0, v26;
	v30 =	vld [tilespmem:s1+$0x8450]  }
0x12a: {  	[tilespmem:v29+s23+$0x0] =	vst.idx.add.f32.msk $0xffff, v3  }
0x12b: {  	v29 =	vld [tilespmem:s1+$0x8020]  }
0x12c: {  	[tilespmem:v28+s23+$0x0] =	vst.idx.add.f32.msk $0xffff, v3  }
0x12d: {  	v28 =	vld [tilespmem:s1+$0x8460]  }
0x12e: {  	v25 =	vor.u32 v0, v25;
	v33 =	vld [tilespmem:s1+$0x8040]  }
0x12f: {  	v34 =	vld [tilespmem:s1+$0x8440]  }
0x130: {  	[tilespmem:v26+s23+$0x0] =	vst.idx.add.f32.msk $0xffff, v3  }
0x131: {  	v26 =	vld [tilespmem:s1+$0x8430]  }
0x132: {  	v21 =	vand.u32 $0xF0, v21;
	v35 =	vld [tilespmem:s1+$0x8070]  }
0x133: {  	v21 =	vor.u32 v0, v21;
	v33 =	vadd.f32 $1.000000000e+00, v33;
	v36 =	vld [tilespmem:s1+$0x8050]  }
0x134: {  	v37 =	vld [tilespmem:s1+$0x8410]  }
0x135: {  	v31 =	vadd.f32 $1.000000000e+00, v31;
	v32 =	vadd.f32 $1.000000000e+00, v32;
	v33 =	vshrl.u32 v33, $0xF;
	v38 =	vld [tilespmem:s1+$0x8400]  }
0x136: {  	v34 =	vadd.f32 $1.000000000e+00, v34;
	v33 =	vand.u32 $0xF0, v33;
	v26 =	vadd.f32 $1.000000000e+00, v26;
	[tilespmem:v20+s23+$0x0] =	vst.idx.add.f32.msk $0xffff, v3  }
0x137: {  	v29 =	vadd.f32 $1.000000000e+00, v29;
	v20 =	vor.u32 v0, v33;
	v33 =	vadd.f32 $1.000000000e+00, v35;
	[tilespmem:v25+s23+$0x0] =	vst.idx.add.f32.msk $0xffff, v3  }
0x138: {  	v35 =	vadd.f32 $1.000000000e+00, v23;
	v23 =	vshrl.u32 v34, $0xF;
	v25 =	vadd.f32 $1.000000000e+00, v36;
	[tilespmem:v21+s23+$0x0] =	vst.idx.add.f32.msk $0xffff, v3  }
0x139: {  	v23 =	vand.u32 $0xF0, v23;
	v21 =	vshrl.u32 v33, $0xF;
	v33 =	vadd.f32 $1.000000000e+00, v37;
	[tilespmem:v19+s23+$0x0] =	vst.idx.add.f32.msk $0xffff, v3  }
0x13a: {  	v34 =	vor.u32 v0, v23;
	v23 =	vadd.f32 $1.000000000e+00, v28;
	v19 =	vand.u32 $0xF0, v21;
	[tilespmem:v24+s23+$0x0] =	vst.idx.add.f32.msk $0xffff, v3  }
0x13b: {  	v24 =	vshrl.u32 v25, $0xF;
	v21 =	vadd.f32 $1.000000000e+00, v30;
	v33 =	vshrl.u32 v33, $0xF;
	[tilespmem:v22+s23+$0x0] =	vst.idx.add.f32.msk $0xffff, v3  }
0x13c: {  	v30 =	vor.u32 v0, v19;
	v19 =	vshrl.u32 v26, $0xF;
	v22 =	vshrl.u32 v23, $0xF;
	[tilespmem:v27+s23+$0x0] =	vst.idx.add.f32.msk $0xffff, v3  }
.Ltmp3:
0x13d: {  	v27 =	vand.u32 $0xF0, v24;
	v19 =	vand.u32 $0xF0, v19;
	v23 =	vand.u32 $0xF0, v22;
	v25 =	vld [tilespmem:s1+$0x8030];
	(pc) =	sbr.rel @p0 .LBB2_8-.Ltmp3, $4  }
0x13e: {  	v22 =	vshrl.u32 v31, $0xF;
	v28 =	vor.u32 v0, v19;
	v23 =	vor.u32 v0, v23;
	v26 =	vld [tilespmem:s1+$0x8060]  }
0x13f: {  	v35 =	vshrl.u32 v35, $0xF;
	v19 =	vshrl.u32 v29, $0xF;
	v29 =	vadd.f32 $1.000000000e+00, v38;
	v24 =	vld [tilespmem:s1+$0x8010]  }
0x140: {  	v31 =	vand.u32 $0xF0, v33;
	v33 =	vshrl.u32 v32, $0xF;
	v19 =	vand.u32 $0xF0, v19;
	[tilespmem:v34+s23+$0x0] =	vst.idx.add.f32.msk $0xffff, v3  }
0x141: {  	s30 =	sadd.s32 $0x40, s30;
	s31 =	sadd.s32 $0x800, s31;
	s0 =	sadd.s32 $0x100, s0;
	v32 =	vand.u32 $0xF0, v35;
	v19 =	vor.u32 v0, v19;
	[tilespmem:v30+s23+$0x0] =	vst.idx.add.f32.msk $0xffff, v3;
	v30 =	vand.u32 $0xF0, v33  }
0x142: {  	_ =	sdelay $0x2  }
0x143: {  	v25 =	vadd.f32 $1.000000000e+00, v25;
	v31 =	vor.u32 v0, v31;
	v29 =	vshrl.u32 v29, $0xF  }
0x144: {  	v32 =	vor.u32 v0, v32;
	[tilespmem:v20+s23+$0x0] =	vst.idx.add.f32.msk $0xffff, v3;
	v27 =	vor.u32 v0, v27;
	v29 =	vand.u32 $0xF0, v29  }
0x145: {  	[tilespmem:v28+s23+$0x0] =	vst.idx.add.f32.msk $0xffff, v3;
	v21 =	vshrl.u32 v21, $0xF;
	v26 =	vadd.f32 $1.000000000e+00, v26;
	v20 =	vor.u32 v0, v29  }
0x146: {  	[tilespmem:v23+s23+$0x0] =	vst.idx.add.f32.msk $0xffff, v3;
	v21 =	vand.u32 $0xF0, v21;
	v25 =	vshrl.u32 v25, $0xF;
	v24 =	vadd.f32 $1.000000000e+00, v24  }
0x147: {  	[tilespmem:v19+s23+$0x0] =	vst.idx.add.f32.msk $0xffff, v3;
	v21 =	vor.u32 v0, v21;
	v26 =	vshrl.u32 v26, $0xF;
	v23 =	vand.u32 $0xF0, v25  }
0x148: {  	v26 =	vand.u32 $0xF0, v26;
	v23 =	vor.u32 v0, v23;
	v24 =	vshrl.u32 v24, $0xF;
	[tilespmem:v31+s23+$0x0] =	vst.idx.add.f32.msk $0xffff, v3  }
0x149: {  	v26 =	vor.u32 v0, v26;
	[tilespmem:v32+s23+$0x0] =	vst.idx.add.f32.msk $0xffff, v3;
	v24 =	vand.u32 $0xF0, v24  }
0x14a: {  	[tilespmem:v20+s23+$0x0] =	vst.idx.add.f32.msk $0xffff, v3;
	v20 =	vand.u32 $0xF0, v22;
	v22 =	vor.u32 v0, v24  }
0x14b: {  	[tilespmem:v27+s23+$0x0] =	vst.idx.add.f32.msk $0xffff, v3;
	v24 =	vor.u32 v0, v30  }
0x14c: {  	[tilespmem:v21+s23+$0x0] =	vst.idx.add.f32.msk $0xffff, v3;
	v20 =	vor.u32 v0, v20  }
0x14d: {  	[tilespmem:v23+s23+$0x0] =	vst.idx.add.f32.msk $0xffff, v3  }
0x14e: {  	[tilespmem:v26+s23+$0x0] =	vst.idx.add.f32.msk $0xffff, v3  }
0x14f: {  	[tilespmem:v22+s23+$0x0] =	vst.idx.add.f32.msk $0xffff, v3  }
0x150: {  	[tilespmem:v24+s23+$0x0] =	vst.idx.add.f32.msk $0xffff, v3  }
0x151: {  	s0 =	simm.s32 $0x0;
	[tilespmem:v20+s23+$0x0] =	vst.idx.add.f32.msk $0xffff, v3  }
0x152: {  	[tilespmem:s21], [sflag:$0x2] =	stream.linear.gather [hbm4b:s8+s0], $0x8000, $0x38;
	[tilespmem:$0x10200] =	vst v63  }
0x153: {  	s1 =	sand.u32 $0x7000, s0;
	s4 =	sand.u32 $0x800, s0;
	_ =	swait.ge [sflag:s22], $0x8000  }
0x154: {  	s1 =	sor.u32 s4, s1;
	s0 =	sand.u32 $0x380, s0;
	[sflag:s22] =	ssyncset.done $0x0  }
0x155: {  	s0 =	sor.u32 s0, s1;
	[sflag:s22] =	ssyncadd.s32 $0xFFFF8000  }
0x156: {  	v19 =	vld [tilespmem:s0+$0x420]  }
0x157: {  	v20 =	vld [tilespmem:s0+$0x0]  }
0x158: {  	v21 =	vld [tilespmem:s0+$0x470]  }
0x159: {  	v22 =	vld [tilespmem:s0+$0x40]  }
0x15a: {  	v23 =	vld [tilespmem:s0+$0x20]  }
0x15b: {  	v24 =	vld [tilespmem:s0+$0x440]  }
0x15c: {  	v25 =	vld [tilespmem:s0+$0x430]  }
0x15d: {  	v26 =	vld [tilespmem:s0+$0x70]  }
0x15e: {  	v28 =	vld [tilespmem:s0+$0x410]  }
0x15f: {  	v27 =	vld [tilespmem:s0+$0x50];
	v22 =	vadd.f32 $1.000000000e+00, v22  }
0x160: {  	v30 =	vadd.f32 $1.000000000e+00, v20;
	v62 =	vadd.f32 $1.000000000e+00, v21  }
0x161: {  	v24 =	vadd.f32 $1.000000000e+00, v24;
	v31 =	vadd.f32 $1.000000000e+00, v23  }
0x162: {  	v29 =	vld [tilespmem:s0+$0x460];
	v23 =	vadd.f32 $1.000000000e+00, v26;
	v19 =	vadd.f32 $1.000000000e+00, v19  }
0x163: {  	v26 =	vadd.f32 $1.000000000e+00, v28;
	v20 =	vshrl.u32 v22, $0xF;
	v22 =	vadd.f32 $1.000000000e+00, v25  }
0x164: {  	v33 =	vld [tilespmem:s0+$0x400];
	v25 =	vadd.f32 $1.000000000e+00, v27;
	v24 =	vshrl.u32 v24, $0xF;
	v23 =	vshrl.u32 v23, $0xF  }
0x165: {  	v21 =	vld [tilespmem:s0+$0x450];
	v35 =	vshrl.u32 v26, $0xF;
	v63 =	vshrl.u32 v19, $0xF;
	v20 =	vand.u32 $0xF0, v20  }
0x166: {  	v24 =	vand.u32 $0xF0, v24;
	v23 =	vand.u32 $0xF0, v23;
	v32 =	vand.u32 $0xF0, v63  }
0x167: {  	v20 =	vor.u32 v0, v20;
	v34 =	vor.u32 v0, v24;
	v24 =	vadd.f32 $1.000000000e+00, v29  }
0x168: {  	v27 =	vshrl.u32 v25, $0xF;
	v36 =	vor.u32 v0, v23;
	v22 =	vshrl.u32 v22, $0xF  }
0x169: {  	v26 =	vld [tilespmem:s0+$0x60];
	v29 =	vadd.f32 $1.000000000e+00, v33;
	v23 =	vshrl.u32 v24, $0xF;
	v24 =	vand.u32 $0xF0, v22  }
0x16a: {  	v25 =	vld [tilespmem:s0+$0x30];
	v21 =	vadd.f32 $1.000000000e+00, v21;
	v23 =	vand.u32 $0xF0, v23;
	v28 =	vor.u32 v0, v24  }
0x16b: {  	v22 =	vshrl.u32 v30, $0xF;
	v30 =	vshrl.u32 v31, $0xF;
	v24 =	vld [tilespmem:s0+$0x10];
	v23 =	vor.u32 v0, v23  }
0x16c: {  	s29 =	simm.s32 $0x0;
	v27 =	vand.u32 $0xF0, v27;
	v19 =	vand.u32 $0xF0, v30;
	v30 =	vshrl.u32 v62, $0xF;
	[tilespmem:v34+s23+$0x0] =	vst.idx.add.f32.msk $0xffff, v3  }
0x16d: {  	s30 =	simm.s32 $0x40;
	s31 =	simm.s32 $0x800;
	v31 =	vand.u32 $0xF0, v35;
	s0 =	simm.s32 $0x100;
	v19 =	vor.u32 v0, v19;
	v30 =	vand.u32 $0xF0, v30;
	[tilespmem:v36+s23+$0x0] =	vst.idx.add.f32.msk $0xffff, v3  }
.LBB2_10:
0x16e: {  	s1 =	sand.u32 $0x7000, s0;
	s4 =	sand.u32 $0x800, s31;
	s29 =	sadd.s32 $0x10, s29;
	[tilespmem:v20+s23+$0x0] =	vst.idx.add.f32.msk $0xffff, v3;
	v20 =	vor.u32 v0, v27;
	v21 =	vshrl.u32 v21, $0xF;
	v27 =	vor.u32 v0, v30  }
0x16f: {  	s25 =	sand.u32 $0x380, s30;
	v22 =	vand.u32 $0xF0, v22;
	v25 =	vadd.f32 $1.000000000e+00, v25;
	v30 =	vor.u32 v0, v31;
	s1 =	sor.u32 s4, s1;
	p0 =	slt.u32 s29, $0x7F0;
	[tilespmem:v28+s23+$0x0] =	vst.idx.add.f32.msk $0xffff, v3  }
0x170: {  	v28 =	vshrl.u32 v29, $0xF;
	v29 =	vor.u32 v0, v32;
	s1 =	sor.u32 s25, s1;
	v24 =	vadd.f32 $1.000000000e+00, v24;
	[tilespmem:v23+s23+$0x0] =	vst.idx.add.f32.msk $0xffff, v3  }
0x171: {  	v26 =	vadd.f32 $1.000000000e+00, v26;
	v25 =	vshrl.u32 v25, $0xF;
	v28 =	vand.u32 $0xF0, v28;
	v23 =	vld [tilespmem:s1+$0x420]  }
0x172: {  	v22 =	vor.u32 v0, v22;
	v28 =	vor.u32 v0, v28;
	v31 =	vld [tilespmem:s1+$0x0];
	v24 =	vshrl.u32 v24, $0xF  }
0x173: {  	v25 =	vand.u32 $0xF0, v25;
	v26 =	vshrl.u32 v26, $0xF;
	v32 =	vld [tilespmem:s1+$0x470];
	v24 =	vand.u32 $0xF0, v24  }
0x174: {  	v26 =	vand.u32 $0xF0, v26;
	v24 =	vor.u32 v0, v24;
	[tilespmem:v30+s23+$0x0] =	vst.idx.add.f32.msk $0xffff, v3  }
0x175: {  	v26 =	vor.u32 v0, v26;
	v30 =	vld [tilespmem:s1+$0x450]  }
0x176: {  	[tilespmem:v29+s23+$0x0] =	vst.idx.add.f32.msk $0xffff, v3  }
0x177: {  	v29 =	vld [tilespmem:s1+$0x20]  }
0x178: {  	[tilespmem:v28+s23+$0x0] =	vst.idx.add.f32.msk $0xffff, v3  }
0x179: {  	v28 =	vld [tilespmem:s1+$0x460]  }
0x17a: {  	v25 =	vor.u32 v0, v25;
	v33 =	vld [tilespmem:s1+$0x40]  }
0x17b: {  	v34 =	vld [tilespmem:s1+$0x440]  }
0x17c: {  	[tilespmem:v26+s23+$0x0] =	vst.idx.add.f32.msk $0xffff, v3  }
0x17d: {  	v26 =	vld [tilespmem:s1+$0x430]  }
0x17e: {  	v21 =	vand.u32 $0xF0, v21;
	v35 =	vld [tilespmem:s1+$0x70]  }
0x17f: {  	v21 =	vor.u32 v0, v21;
	v33 =	vadd.f32 $1.000000000e+00, v33;
	v36 =	vld [tilespmem:s1+$0x50]  }
0x180: {  	v37 =	vld [tilespmem:s1+$0x410]  }
0x181: {  	v31 =	vadd.f32 $1.000000000e+00, v31;
	v32 =	vadd.f32 $1.000000000e+00, v32;
	v33 =	vshrl.u32 v33, $0xF;
	v38 =	vld [tilespmem:s1+$0x400]  }
0x182: {  	v34 =	vadd.f32 $1.000000000e+00, v34;
	v33 =	vand.u32 $0xF0, v33;
	v26 =	vadd.f32 $1.000000000e+00, v26;
	[tilespmem:v20+s23+$0x0] =	vst.idx.add.f32.msk $0xffff, v3  }
0x183: {  	v29 =	vadd.f32 $1.000000000e+00, v29;
	v20 =	vor.u32 v0, v33;
	v33 =	vadd.f32 $1.000000000e+00, v35;
	[tilespmem:v25+s23+$0x0] =	vst.idx.add.f32.msk $0xffff, v3  }
0x184: {  	v35 =	vadd.f32 $1.000000000e+00, v23;
	v23 =	vshrl.u32 v34, $0xF;
	v25 =	vadd.f32 $1.000000000e+00, v36;
	[tilespmem:v21+s23+$0x0] =	vst.idx.add.f32.msk $0xffff, v3  }
0x185: {  	v23 =	vand.u32 $0xF0, v23;
	v21 =	vshrl.u32 v33, $0xF;
	v33 =	vadd.f32 $1.000000000e+00, v37;
	[tilespmem:v19+s23+$0x0] =	vst.idx.add.f32.msk $0xffff, v3  }
0x186: {  	v34 =	vor.u32 v0, v23;
	v23 =	vadd.f32 $1.000000000e+00, v28;
	v19 =	vand.u32 $0xF0, v21;
	[tilespmem:v24+s23+$0x0] =	vst.idx.add.f32.msk $0xffff, v3  }
0x187: {  	v24 =	vshrl.u32 v25, $0xF;
	v21 =	vadd.f32 $1.000000000e+00, v30;
	v33 =	vshrl.u32 v33, $0xF;
	[tilespmem:v22+s23+$0x0] =	vst.idx.add.f32.msk $0xffff, v3  }
0x188: {  	v30 =	vor.u32 v0, v19;
	v19 =	vshrl.u32 v26, $0xF;
	v22 =	vshrl.u32 v23, $0xF;
	[tilespmem:v27+s23+$0x0] =	vst.idx.add.f32.msk $0xffff, v3  }
.Ltmp4:
0x189: {  	v27 =	vand.u32 $0xF0, v24;
	v19 =	vand.u32 $0xF0, v19;
	v23 =	vand.u32 $0xF0, v22;
	v25 =	vld [tilespmem:s1+$0x30];
	(pc) =	sbr.rel @p0 .LBB2_10-.Ltmp4, $4  }
0x18a: {  	v22 =	vshrl.u32 v31, $0xF;
	v28 =	vor.u32 v0, v19;
	v23 =	vor.u32 v0, v23;
	v26 =	vld [tilespmem:s1+$0x60]  }
0x18b: {  	v35 =	vshrl.u32 v35, $0xF;
	v19 =	vshrl.u32 v29, $0xF;
	v29 =	vadd.f32 $1.000000000e+00, v38;
	v24 =	vld [tilespmem:s1+$0x10]  }
0x18c: {  	v31 =	vand.u32 $0xF0, v33;
	v33 =	vshrl.u32 v32, $0xF;
	v19 =	vand.u32 $0xF0, v19;
	[tilespmem:v34+s23+$0x0] =	vst.idx.add.f32.msk $0xffff, v3  }
0x18d: {  	s30 =	sadd.s32 $0x40, s30;
	s31 =	sadd.s32 $0x800, s31;
	s0 =	sadd.s32 $0x100, s0;
	v32 =	vand.u32 $0xF0, v35;
	v19 =	vor.u32 v0, v19;
	[tilespmem:v30+s23+$0x0] =	vst.idx.add.f32.msk $0xffff, v3;
	v30 =	vand.u32 $0xF0, v33  }
0x18e: {  	_ =	sdelay $0x2  }
0x18f: {  	v25 =	vadd.f32 $1.000000000e+00, v25;
	v31 =	vor.u32 v0, v31;
	v29 =	vshrl.u32 v29, $0xF  }
0x190: {  	v32 =	vor.u32 v0, v32;
	[tilespmem:v20+s23+$0x0] =	vst.idx.add.f32.msk $0xffff, v3;
	v27 =	vor.u32 v0, v27;
	v29 =	vand.u32 $0xF0, v29  }
0x191: {  	[tilespmem:v28+s23+$0x0] =	vst.idx.add.f32.msk $0xffff, v3;
	v21 =	vshrl.u32 v21, $0xF;
	v26 =	vadd.f32 $1.000000000e+00, v26;
	v20 =	vor.u32 v0, v29  }
0x192: {  	[tilespmem:v23+s23+$0x0] =	vst.idx.add.f32.msk $0xffff, v3;
	v21 =	vand.u32 $0xF0, v21;
	v25 =	vshrl.u32 v25, $0xF;
	v24 =	vadd.f32 $1.000000000e+00, v24  }
0x193: {  	[tilespmem:v19+s23+$0x0] =	vst.idx.add.f32.msk $0xffff, v3;
	v21 =	vor.u32 v0, v21;
	v26 =	vshrl.u32 v26, $0xF;
	v23 =	vand.u32 $0xF0, v25  }
0x194: {  	v26 =	vand.u32 $0xF0, v26;
	v23 =	vor.u32 v0, v23;
	v24 =	vshrl.u32 v24, $0xF;
	[tilespmem:v31+s23+$0x0] =	vst.idx.add.f32.msk $0xffff, v3  }
0x195: {  	v26 =	vor.u32 v0, v26;
	[tilespmem:v32+s23+$0x0] =	vst.idx.add.f32.msk $0xffff, v3;
	v24 =	vand.u32 $0xF0, v24  }
0x196: {  	[tilespmem:v20+s23+$0x0] =	vst.idx.add.f32.msk $0xffff, v3;
	v20 =	vand.u32 $0xF0, v22;
	v22 =	vor.u32 v0, v24  }
0x197: {  	[tilespmem:v27+s23+$0x0] =	vst.idx.add.f32.msk $0xffff, v3;
	v24 =	vor.u32 v0, v30  }
0x198: {  	[tilespmem:v21+s23+$0x0] =	vst.idx.add.f32.msk $0xffff, v3;
	v20 =	vor.u32 v0, v20  }
0x199: {  	[tilespmem:v23+s23+$0x0] =	vst.idx.add.f32.msk $0xffff, v3  }
0x19a: {  	[tilespmem:v26+s23+$0x0] =	vst.idx.add.f32.msk $0xffff, v3  }
0x19b: {  	[tilespmem:v22+s23+$0x0] =	vst.idx.add.f32.msk $0xffff, v3  }
0x19c: {  	[tilespmem:v24+s23+$0x0] =	vst.idx.add.f32.msk $0xffff, v3  }
0x19d: {  	s0 =	simm.s32 $0x0;
	[tilespmem:v20+s23+$0x0] =	vst.idx.add.f32.msk $0xffff, v3  }
0x19e: {  	[tilespmem:s0], [sflag:$0x1] =	stream.linear.gather [hbm4b:s9+s0], $0x8000, $0x38;
	[tilespmem:$0x10200] =	vst v63  }
0x19f: {  	s1 =	sand.u32 $0x7000, s0;
	s4 =	sand.u32 $0x800, s0;
	_ =	swait.ge [sflag:s24], $0x8000  }
0x1a0: {  	s1 =	sor.u32 s4, s1;
	s0 =	sand.u32 $0x380, s0;
	[sflag:s24] =	ssyncset.done $0x0  }
0x1a1: {  	s0 =	sor.u32 s0, s1;
	[sflag:s24] =	ssyncadd.s32 $0xFFFF8000  }
0x1a2: {  	v19 =	vld [tilespmem:s0+$0x8420]  }
0x1a3: {  	v20 =	vld [tilespmem:s0+$0x8000]  }
0x1a4: {  	v21 =	vld [tilespmem:s0+$0x8470]  }
0x1a5: {  	v22 =	vld [tilespmem:s0+$0x8040]  }
0x1a6: {  	v23 =	vld [tilespmem:s0+$0x8020]  }
0x1a7: {  	v24 =	vld [tilespmem:s0+$0x8440]  }
0x1a8: {  	v25 =	vld [tilespmem:s0+$0x8430]  }
0x1a9: {  	v26 =	vld [tilespmem:s0+$0x8070]  }
0x1aa: {  	v28 =	vld [tilespmem:s0+$0x8410]  }
0x1ab: {  	v27 =	vld [tilespmem:s0+$0x8050];
	v22 =	vadd.f32 $1.000000000e+00, v22  }
0x1ac: {  	v30 =	vadd.f32 $1.000000000e+00, v20;
	v62 =	vadd.f32 $1.000000000e+00, v21  }
0x1ad: {  	v24 =	vadd.f32 $1.000000000e+00, v24;
	v31 =	vadd.f32 $1.000000000e+00, v23  }
0x1ae: {  	v29 =	vld [tilespmem:s0+$0x8460];
	v23 =	vadd.f32 $1.000000000e+00, v26;
	v19 =	vadd.f32 $1.000000000e+00, v19  }
0x1af: {  	v26 =	vadd.f32 $1.000000000e+00, v28;
	v20 =	vshrl.u32 v22, $0xF;
	v22 =	vadd.f32 $1.000000000e+00, v25  }
0x1b0: {  	v33 =	vld [tilespmem:s0+$0x8400];
	v25 =	vadd.f32 $1.000000000e+00, v27;
	v24 =	vshrl.u32 v24, $0xF;
	v23 =	vshrl.u32 v23, $0xF  }
0x1b1: {  	v21 =	vld [tilespmem:s0+$0x8450];
	v35 =	vshrl.u32 v26, $0xF;
	v63 =	vshrl.u32 v19, $0xF;
	v20 =	vand.u32 $0xF0, v20  }
0x1b2: {  	v24 =	vand.u32 $0xF0, v24;
	v23 =	vand.u32 $0xF0, v23;
	v32 =	vand.u32 $0xF0, v63  }
0x1b3: {  	v20 =	vor.u32 v0, v20;
	v34 =	vor.u32 v0, v24;
	v24 =	vadd.f32 $1.000000000e+00, v29  }
0x1b4: {  	v27 =	vshrl.u32 v25, $0xF;
	v36 =	vor.u32 v0, v23;
	v22 =	vshrl.u32 v22, $0xF  }
0x1b5: {  	v26 =	vld [tilespmem:s0+$0x8060];
	v29 =	vadd.f32 $1.000000000e+00, v33;
	v23 =	vshrl.u32 v24, $0xF;
	v24 =	vand.u32 $0xF0, v22  }
0x1b6: {  	v25 =	vld [tilespmem:s0+$0x8030];
	v21 =	vadd.f32 $1.000000000e+00, v21;
	v23 =	vand.u32 $0xF0, v23;
	v28 =	vor.u32 v0, v24  }
0x1b7: {  	v22 =	vshrl.u32 v30, $0xF;
	v30 =	vshrl.u32 v31, $0xF;
	v24 =	vld [tilespmem:s0+$0x8010];
	v23 =	vor.u32 v0, v23  }
0x1b8: {  	s29 =	simm.s32 $0x0;
	v27 =	vand.u32 $0xF0, v27;
	v19 =	vand.u32 $0xF0, v30;
	v30 =	vshrl.u32 v62, $0xF;
	[tilespmem:v34+s23+$0x0] =	vst.idx.add.f32.msk $0xffff, v3  }
0x1b9: {  	s30 =	simm.s32 $0x40;
	s31 =	simm.s32 $0x800;
	v31 =	vand.u32 $0xF0, v35;
	s0 =	simm.s32 $0x100;
	v19 =	vor.u32 v0, v19;
	v30 =	vand.u32 $0xF0, v30;
	[tilespmem:v36+s23+$0x0] =	vst.idx.add.f32.msk $0xffff, v3  }
.LBB2_12:
0x1ba: {  	s1 =	sand.u32 $0x7000, s0;
	s4 =	sand.u32 $0x800, s31;
	s29 =	sadd.s32 $0x10, s29;
	[tilespmem:v20+s23+$0x0] =	vst.idx.add.f32.msk $0xffff, v3;
	v20 =	vor.u32 v0, v27;
	v21 =	vshrl.u32 v21, $0xF;
	v27 =	vor.u32 v0, v30  }
0x1bb: {  	s25 =	sand.u32 $0x380, s30;
	v22 =	vand.u32 $0xF0, v22;
	v25 =	vadd.f32 $1.000000000e+00, v25;
	v30 =	vor.u32 v0, v31;
	s1 =	sor.u32 s4, s1;
	p0 =	slt.u32 s29, $0x7F0;
	[tilespmem:v28+s23+$0x0] =	vst.idx.add.f32.msk $0xffff, v3  }
0x1bc: {  	v28 =	vshrl.u32 v29, $0xF;
	v29 =	vor.u32 v0, v32;
	s1 =	sor.u32 s25, s1;
	v24 =	vadd.f32 $1.000000000e+00, v24;
	[tilespmem:v23+s23+$0x0] =	vst.idx.add.f32.msk $0xffff, v3  }
0x1bd: {  	v26 =	vadd.f32 $1.000000000e+00, v26;
	v25 =	vshrl.u32 v25, $0xF;
	v28 =	vand.u32 $0xF0, v28;
	v23 =	vld [tilespmem:s1+$0x8420]  }
0x1be: {  	v22 =	vor.u32 v0, v22;
	v28 =	vor.u32 v0, v28;
	v31 =	vld [tilespmem:s1+$0x8000];
	v24 =	vshrl.u32 v24, $0xF  }
0x1bf: {  	v25 =	vand.u32 $0xF0, v25;
	v26 =	vshrl.u32 v26, $0xF;
	v32 =	vld [tilespmem:s1+$0x8470];
	v24 =	vand.u32 $0xF0, v24  }
0x1c0: {  	v26 =	vand.u32 $0xF0, v26;
	v24 =	vor.u32 v0, v24;
	[tilespmem:v30+s23+$0x0] =	vst.idx.add.f32.msk $0xffff, v3  }
0x1c1: {  	v26 =	vor.u32 v0, v26;
	v30 =	vld [tilespmem:s1+$0x8450]  }
0x1c2: {  	[tilespmem:v29+s23+$0x0] =	vst.idx.add.f32.msk $0xffff, v3  }
0x1c3: {  	v29 =	vld [tilespmem:s1+$0x8020]  }
0x1c4: {  	[tilespmem:v28+s23+$0x0] =	vst.idx.add.f32.msk $0xffff, v3  }
0x1c5: {  	v28 =	vld [tilespmem:s1+$0x8460]  }
0x1c6: {  	v25 =	vor.u32 v0, v25;
	v33 =	vld [tilespmem:s1+$0x8040]  }
0x1c7: {  	v34 =	vld [tilespmem:s1+$0x8440]  }
0x1c8: {  	[tilespmem:v26+s23+$0x0] =	vst.idx.add.f32.msk $0xffff, v3  }
0x1c9: {  	v26 =	vld [tilespmem:s1+$0x8430]  }
0x1ca: {  	v21 =	vand.u32 $0xF0, v21;
	v35 =	vld [tilespmem:s1+$0x8070]  }
0x1cb: {  	v21 =	vor.u32 v0, v21;
	v33 =	vadd.f32 $1.000000000e+00, v33;
	v36 =	vld [tilespmem:s1+$0x8050]  }
0x1cc: {  	v37 =	vld [tilespmem:s1+$0x8410]  }
0x1cd: {  	v31 =	vadd.f32 $1.000000000e+00, v31;
	v32 =	vadd.f32 $1.000000000e+00, v32;
	v33 =	vshrl.u32 v33, $0xF;
	v38 =	vld [tilespmem:s1+$0x8400]  }
0x1ce: {  	v34 =	vadd.f32 $1.000000000e+00, v34;
	v33 =	vand.u32 $0xF0, v33;
	v26 =	vadd.f32 $1.000000000e+00, v26;
	[tilespmem:v20+s23+$0x0] =	vst.idx.add.f32.msk $0xffff, v3  }
0x1cf: {  	v29 =	vadd.f32 $1.000000000e+00, v29;
	v20 =	vor.u32 v0, v33;
	v33 =	vadd.f32 $1.000000000e+00, v35;
	[tilespmem:v25+s23+$0x0] =	vst.idx.add.f32.msk $0xffff, v3  }
0x1d0: {  	v35 =	vadd.f32 $1.000000000e+00, v23;
	v23 =	vshrl.u32 v34, $0xF;
	v25 =	vadd.f32 $1.000000000e+00, v36;
	[tilespmem:v21+s23+$0x0] =	vst.idx.add.f32.msk $0xffff, v3  }
0x1d1: {  	v23 =	vand.u32 $0xF0, v23;
	v21 =	vshrl.u32 v33, $0xF;
	v33 =	vadd.f32 $1.000000000e+00, v37;
	[tilespmem:v19+s23+$0x0] =	vst.idx.add.f32.msk $0xffff, v3  }
0x1d2: {  	v34 =	vor.u32 v0, v23;
	v23 =	vadd.f32 $1.000000000e+00, v28;
	v19 =	vand.u32 $0xF0, v21;
	[tilespmem:v24+s23+$0x0] =	vst.idx.add.f32.msk $0xffff, v3  }
0x1d3: {  	v24 =	vshrl.u32 v25, $0xF;
	v21 =	vadd.f32 $1.000000000e+00, v30;
	v33 =	vshrl.u32 v33, $0xF;
	[tilespmem:v22+s23+$0x0] =	vst.idx.add.f32.msk $0xffff, v3  }
0x1d4: {  	v30 =	vor.u32 v0, v19;
	v19 =	vshrl.u32 v26, $0xF;
	v22 =	vshrl.u32 v23, $0xF;
	[tilespmem:v27+s23+$0x0] =	vst.idx.add.f32.msk $0xffff, v3  }
.Ltmp5:
0x1d5: {  	v27 =	vand.u32 $0xF0, v24;
	v19 =	vand.u32 $0xF0, v19;
	v23 =	vand.u32 $0xF0, v22;
	v25 =	vld [tilespmem:s1+$0x8030];
	(pc) =	sbr.rel @p0 .LBB2_12-.Ltmp5, $4  }
0x1d6: {  	v22 =	vshrl.u32 v31, $0xF;
	v28 =	vor.u32 v0, v19;
	v23 =	vor.u32 v0, v23;
	v26 =	vld [tilespmem:s1+$0x8060]  }
0x1d7: {  	v35 =	vshrl.u32 v35, $0xF;
	v19 =	vshrl.u32 v29, $0xF;
	v29 =	vadd.f32 $1.000000000e+00, v38;
	v24 =	vld [tilespmem:s1+$0x8010]  }
0x1d8: {  	v31 =	vand.u32 $0xF0, v33;
	v33 =	vshrl.u32 v32, $0xF;
	v19 =	vand.u32 $0xF0, v19;
	[tilespmem:v34+s23+$0x0] =	vst.idx.add.f32.msk $0xffff, v3  }
0x1d9: {  	s30 =	sadd.s32 $0x40, s30;
	s31 =	sadd.s32 $0x800, s31;
	s0 =	sadd.s32 $0x100, s0;
	v32 =	vand.u32 $0xF0, v35;
	v19 =	vor.u32 v0, v19;
	[tilespmem:v30+s23+$0x0] =	vst.idx.add.f32.msk $0xffff, v3;
	v30 =	vand.u32 $0xF0, v33  }
0x1da: {  	_ =	sdelay $0x2  }
0x1db: {  	v25 =	vadd.f32 $1.000000000e+00, v25;
	v31 =	vor.u32 v0, v31;
	v29 =	vshrl.u32 v29, $0xF  }
0x1dc: {  	v32 =	vor.u32 v0, v32;
	[tilespmem:v20+s23+$0x0] =	vst.idx.add.f32.msk $0xffff, v3;
	v27 =	vor.u32 v0, v27;
	v29 =	vand.u32 $0xF0, v29  }
0x1dd: {  	[tilespmem:v28+s23+$0x0] =	vst.idx.add.f32.msk $0xffff, v3;
	v21 =	vshrl.u32 v21, $0xF;
	v26 =	vadd.f32 $1.000000000e+00, v26;
	v20 =	vor.u32 v0, v29  }
0x1de: {  	[tilespmem:v23+s23+$0x0] =	vst.idx.add.f32.msk $0xffff, v3;
	v21 =	vand.u32 $0xF0, v21;
	v25 =	vshrl.u32 v25, $0xF;
	v24 =	vadd.f32 $1.000000000e+00, v24  }
0x1df: {  	[tilespmem:v19+s23+$0x0] =	vst.idx.add.f32.msk $0xffff, v3;
	v21 =	vor.u32 v0, v21;
	v26 =	vshrl.u32 v26, $0xF;
	v23 =	vand.u32 $0xF0, v25  }
0x1e0: {  	v26 =	vand.u32 $0xF0, v26;
	v23 =	vor.u32 v0, v23;
	v24 =	vshrl.u32 v24, $0xF;
	[tilespmem:v31+s23+$0x0] =	vst.idx.add.f32.msk $0xffff, v3  }
0x1e1: {  	v26 =	vor.u32 v0, v26;
	[tilespmem:v32+s23+$0x0] =	vst.idx.add.f32.msk $0xffff, v3;
	v24 =	vand.u32 $0xF0, v24  }
0x1e2: {  	[tilespmem:v20+s23+$0x0] =	vst.idx.add.f32.msk $0xffff, v3;
	v20 =	vand.u32 $0xF0, v22;
	v22 =	vor.u32 v0, v24  }
0x1e3: {  	[tilespmem:v27+s23+$0x0] =	vst.idx.add.f32.msk $0xffff, v3;
	v24 =	vor.u32 v0, v30  }
0x1e4: {  	[tilespmem:v21+s23+$0x0] =	vst.idx.add.f32.msk $0xffff, v3;
	v20 =	vor.u32 v0, v20  }
0x1e5: {  	[tilespmem:v23+s23+$0x0] =	vst.idx.add.f32.msk $0xffff, v3  }
0x1e6: {  	[tilespmem:v26+s23+$0x0] =	vst.idx.add.f32.msk $0xffff, v3  }
0x1e7: {  	[tilespmem:v22+s23+$0x0] =	vst.idx.add.f32.msk $0xffff, v3  }
0x1e8: {  	[tilespmem:v24+s23+$0x0] =	vst.idx.add.f32.msk $0xffff, v3  }
0x1e9: {  	s0 =	simm.s32 $0x0;
	[tilespmem:v20+s23+$0x0] =	vst.idx.add.f32.msk $0xffff, v3  }
0x1ea: {  	[tilespmem:s21], [sflag:$0x2] =	stream.linear.gather [hbm4b:s10+s0], $0x8000, $0x38;
	[tilespmem:$0x10200] =	vst v63  }
0x1eb: {  	s1 =	sand.u32 $0x7000, s0;
	s4 =	sand.u32 $0x800, s0;
	_ =	swait.ge [sflag:s22], $0x8000  }
0x1ec: {  	s1 =	sor.u32 s4, s1;
	s0 =	sand.u32 $0x380, s0;
	[sflag:s22] =	ssyncset.done $0x0  }
0x1ed: {  	s0 =	sor.u32 s0, s1;
	[sflag:s22] =	ssyncadd.s32 $0xFFFF8000  }
0x1ee: {  	v19 =	vld [tilespmem:s0+$0x420]  }
0x1ef: {  	v20 =	vld [tilespmem:s0+$0x0]  }
0x1f0: {  	v21 =	vld [tilespmem:s0+$0x470]  }
0x1f1: {  	v22 =	vld [tilespmem:s0+$0x40]  }
0x1f2: {  	v23 =	vld [tilespmem:s0+$0x20]  }
0x1f3: {  	v24 =	vld [tilespmem:s0+$0x440]  }
0x1f4: {  	v25 =	vld [tilespmem:s0+$0x430]  }
0x1f5: {  	v26 =	vld [tilespmem:s0+$0x70]  }
0x1f6: {  	v28 =	vld [tilespmem:s0+$0x410]  }
0x1f7: {  	v27 =	vld [tilespmem:s0+$0x50];
	v22 =	vadd.f32 $1.000000000e+00, v22  }
0x1f8: {  	v30 =	vadd.f32 $1.000000000e+00, v20;
	v62 =	vadd.f32 $1.000000000e+00, v21  }
0x1f9: {  	v24 =	vadd.f32 $1.000000000e+00, v24;
	v31 =	vadd.f32 $1.000000000e+00, v23  }
0x1fa: {  	v29 =	vld [tilespmem:s0+$0x460];
	v23 =	vadd.f32 $1.000000000e+00, v26;
	v19 =	vadd.f32 $1.000000000e+00, v19  }
0x1fb: {  	v26 =	vadd.f32 $1.000000000e+00, v28;
	v20 =	vshrl.u32 v22, $0xF;
	v22 =	vadd.f32 $1.000000000e+00, v25  }
0x1fc: {  	v33 =	vld [tilespmem:s0+$0x400];
	v25 =	vadd.f32 $1.000000000e+00, v27;
	v24 =	vshrl.u32 v24, $0xF;
	v23 =	vshrl.u32 v23, $0xF  }
0x1fd: {  	v21 =	vld [tilespmem:s0+$0x450];
	v35 =	vshrl.u32 v26, $0xF;
	v63 =	vshrl.u32 v19, $0xF;
	v20 =	vand.u32 $0xF0, v20  }
0x1fe: {  	v24 =	vand.u32 $0xF0, v24;
	v23 =	vand.u32 $0xF0, v23;
	v32 =	vand.u32 $0xF0, v63  }
0x1ff: {  	v20 =	vor.u32 v0, v20;
	v34 =	vor.u32 v0, v24;
	v24 =	vadd.f32 $1.000000000e+00, v29  }
0x200: {  	v27 =	vshrl.u32 v25, $0xF;
	v36 =	vor.u32 v0, v23;
	v22 =	vshrl.u32 v22, $0xF  }
0x201: {  	v26 =	vld [tilespmem:s0+$0x60];
	v29 =	vadd.f32 $1.000000000e+00, v33;
	v23 =	vshrl.u32 v24, $0xF;
	v24 =	vand.u32 $0xF0, v22  }
0x202: {  	v25 =	vld [tilespmem:s0+$0x30];
	v21 =	vadd.f32 $1.000000000e+00, v21;
	v23 =	vand.u32 $0xF0, v23;
	v28 =	vor.u32 v0, v24  }
0x203: {  	v22 =	vshrl.u32 v30, $0xF;
	v30 =	vshrl.u32 v31, $0xF;
	v24 =	vld [tilespmem:s0+$0x10];
	v23 =	vor.u32 v0, v23  }
0x204: {  	s29 =	simm.s32 $0x0;
	v27 =	vand.u32 $0xF0, v27;
	v19 =	vand.u32 $0xF0, v30;
	v30 =	vshrl.u32 v62, $0xF;
	[tilespmem:v34+s23+$0x0] =	vst.idx.add.f32.msk $0xffff, v3  }
0x205: {  	s30 =	simm.s32 $0x40;
	s31 =	simm.s32 $0x800;
	v31 =	vand.u32 $0xF0, v35;
	s0 =	simm.s32 $0x100;
	v19 =	vor.u32 v0, v19;
	v30 =	vand.u32 $0xF0, v30;
	[tilespmem:v36+s23+$0x0] =	vst.idx.add.f32.msk $0xffff, v3  }
.LBB2_14:
0x206: {  	s1 =	sand.u32 $0x7000, s0;
	s4 =	sand.u32 $0x800, s31;
	s29 =	sadd.s32 $0x10, s29;
	[tilespmem:v20+s23+$0x0] =	vst.idx.add.f32.msk $0xffff, v3;
	v20 =	vor.u32 v0, v27;
	v21 =	vshrl.u32 v21, $0xF;
	v27 =	vor.u32 v0, v30  }
0x207: {  	s25 =	sand.u32 $0x380, s30;
	v22 =	vand.u32 $0xF0, v22;
	v25 =	vadd.f32 $1.000000000e+00, v25;
	v30 =	vor.u32 v0, v31;
	s1 =	sor.u32 s4, s1;
	p0 =	slt.u32 s29, $0x7F0;
	[tilespmem:v28+s23+$0x0] =	vst.idx.add.f32.msk $0xffff, v3  }
0x208: {  	v28 =	vshrl.u32 v29, $0xF;
	v29 =	vor.u32 v0, v32;
	s1 =	sor.u32 s25, s1;
	v24 =	vadd.f32 $1.000000000e+00, v24;
	[tilespmem:v23+s23+$0x0] =	vst.idx.add.f32.msk $0xffff, v3  }
0x209: {  	v26 =	vadd.f32 $1.000000000e+00, v26;
	v25 =	vshrl.u32 v25, $0xF;
	v28 =	vand.u32 $0xF0, v28;
	v23 =	vld [tilespmem:s1+$0x420]  }
0x20a: {  	v22 =	vor.u32 v0, v22;
	v28 =	vor.u32 v0, v28;
	v31 =	vld [tilespmem:s1+$0x0];
	v24 =	vshrl.u32 v24, $0xF  }
0x20b: {  	v25 =	vand.u32 $0xF0, v25;
	v26 =	vshrl.u32 v26, $0xF;
	v32 =	vld [tilespmem:s1+$0x470];
	v24 =	vand.u32 $0xF0, v24  }
0x20c: {  	v26 =	vand.u32 $0xF0, v26;
	v24 =	vor.u32 v0, v24;
	[tilespmem:v30+s23+$0x0] =	vst.idx.add.f32.msk $0xffff, v3  }
0x20d: {  	v26 =	vor.u32 v0, v26;
	v30 =	vld [tilespmem:s1+$0x450]  }
0x20e: {  	[tilespmem:v29+s23+$0x0] =	vst.idx.add.f32.msk $0xffff, v3  }
0x20f: {  	v29 =	vld [tilespmem:s1+$0x20]  }
0x210: {  	[tilespmem:v28+s23+$0x0] =	vst.idx.add.f32.msk $0xffff, v3  }
0x211: {  	v28 =	vld [tilespmem:s1+$0x460]  }
0x212: {  	v25 =	vor.u32 v0, v25;
	v33 =	vld [tilespmem:s1+$0x40]  }
0x213: {  	v34 =	vld [tilespmem:s1+$0x440]  }
0x214: {  	[tilespmem:v26+s23+$0x0] =	vst.idx.add.f32.msk $0xffff, v3  }
0x215: {  	v26 =	vld [tilespmem:s1+$0x430]  }
0x216: {  	v21 =	vand.u32 $0xF0, v21;
	v35 =	vld [tilespmem:s1+$0x70]  }
0x217: {  	v21 =	vor.u32 v0, v21;
	v33 =	vadd.f32 $1.000000000e+00, v33;
	v36 =	vld [tilespmem:s1+$0x50]  }
0x218: {  	v37 =	vld [tilespmem:s1+$0x410]  }
0x219: {  	v31 =	vadd.f32 $1.000000000e+00, v31;
	v32 =	vadd.f32 $1.000000000e+00, v32;
	v33 =	vshrl.u32 v33, $0xF;
	v38 =	vld [tilespmem:s1+$0x400]  }
0x21a: {  	v34 =	vadd.f32 $1.000000000e+00, v34;
	v33 =	vand.u32 $0xF0, v33;
	v26 =	vadd.f32 $1.000000000e+00, v26;
	[tilespmem:v20+s23+$0x0] =	vst.idx.add.f32.msk $0xffff, v3  }
0x21b: {  	v29 =	vadd.f32 $1.000000000e+00, v29;
	v20 =	vor.u32 v0, v33;
	v33 =	vadd.f32 $1.000000000e+00, v35;
	[tilespmem:v25+s23+$0x0] =	vst.idx.add.f32.msk $0xffff, v3  }
0x21c: {  	v35 =	vadd.f32 $1.000000000e+00, v23;
	v23 =	vshrl.u32 v34, $0xF;
	v25 =	vadd.f32 $1.000000000e+00, v36;
	[tilespmem:v21+s23+$0x0] =	vst.idx.add.f32.msk $0xffff, v3  }
0x21d: {  	v23 =	vand.u32 $0xF0, v23;
	v21 =	vshrl.u32 v33, $0xF;
	v33 =	vadd.f32 $1.000000000e+00, v37;
	[tilespmem:v19+s23+$0x0] =	vst.idx.add.f32.msk $0xffff, v3  }
0x21e: {  	v34 =	vor.u32 v0, v23;
	v23 =	vadd.f32 $1.000000000e+00, v28;
	v19 =	vand.u32 $0xF0, v21;
	[tilespmem:v24+s23+$0x0] =	vst.idx.add.f32.msk $0xffff, v3  }
0x21f: {  	v24 =	vshrl.u32 v25, $0xF;
	v21 =	vadd.f32 $1.000000000e+00, v30;
	v33 =	vshrl.u32 v33, $0xF;
	[tilespmem:v22+s23+$0x0] =	vst.idx.add.f32.msk $0xffff, v3  }
0x220: {  	v30 =	vor.u32 v0, v19;
	v19 =	vshrl.u32 v26, $0xF;
	v22 =	vshrl.u32 v23, $0xF;
	[tilespmem:v27+s23+$0x0] =	vst.idx.add.f32.msk $0xffff, v3  }
.Ltmp6:
0x221: {  	v27 =	vand.u32 $0xF0, v24;
	v19 =	vand.u32 $0xF0, v19;
	v23 =	vand.u32 $0xF0, v22;
	v25 =	vld [tilespmem:s1+$0x30];
	(pc) =	sbr.rel @p0 .LBB2_14-.Ltmp6, $4  }
0x222: {  	v22 =	vshrl.u32 v31, $0xF;
	v28 =	vor.u32 v0, v19;
	v23 =	vor.u32 v0, v23;
	v26 =	vld [tilespmem:s1+$0x60]  }
0x223: {  	v35 =	vshrl.u32 v35, $0xF;
	v19 =	vshrl.u32 v29, $0xF;
	v29 =	vadd.f32 $1.000000000e+00, v38;
	v24 =	vld [tilespmem:s1+$0x10]  }
0x224: {  	v31 =	vand.u32 $0xF0, v33;
	v33 =	vshrl.u32 v32, $0xF;
	v19 =	vand.u32 $0xF0, v19;
	[tilespmem:v34+s23+$0x0] =	vst.idx.add.f32.msk $0xffff, v3  }
0x225: {  	s30 =	sadd.s32 $0x40, s30;
	s31 =	sadd.s32 $0x800, s31;
	s0 =	sadd.s32 $0x100, s0;
	v32 =	vand.u32 $0xF0, v35;
	v19 =	vor.u32 v0, v19;
	[tilespmem:v30+s23+$0x0] =	vst.idx.add.f32.msk $0xffff, v3;
	v30 =	vand.u32 $0xF0, v33  }
0x226: {  	_ =	sdelay $0x2  }
0x227: {  	v25 =	vadd.f32 $1.000000000e+00, v25;
	v31 =	vor.u32 v0, v31;
	v29 =	vshrl.u32 v29, $0xF  }
0x228: {  	v32 =	vor.u32 v0, v32;
	[tilespmem:v20+s23+$0x0] =	vst.idx.add.f32.msk $0xffff, v3;
	v27 =	vor.u32 v0, v27;
	v29 =	vand.u32 $0xF0, v29  }
0x229: {  	[tilespmem:v28+s23+$0x0] =	vst.idx.add.f32.msk $0xffff, v3;
	v21 =	vshrl.u32 v21, $0xF;
	v26 =	vadd.f32 $1.000000000e+00, v26;
	v20 =	vor.u32 v0, v29  }
0x22a: {  	[tilespmem:v23+s23+$0x0] =	vst.idx.add.f32.msk $0xffff, v3;
	v21 =	vand.u32 $0xF0, v21;
	v25 =	vshrl.u32 v25, $0xF;
	v24 =	vadd.f32 $1.000000000e+00, v24  }
0x22b: {  	[tilespmem:v19+s23+$0x0] =	vst.idx.add.f32.msk $0xffff, v3;
	v21 =	vor.u32 v0, v21;
	v26 =	vshrl.u32 v26, $0xF;
	v23 =	vand.u32 $0xF0, v25  }
0x22c: {  	v26 =	vand.u32 $0xF0, v26;
	v23 =	vor.u32 v0, v23;
	v24 =	vshrl.u32 v24, $0xF;
	[tilespmem:v31+s23+$0x0] =	vst.idx.add.f32.msk $0xffff, v3  }
0x22d: {  	v26 =	vor.u32 v0, v26;
	[tilespmem:v32+s23+$0x0] =	vst.idx.add.f32.msk $0xffff, v3;
	v24 =	vand.u32 $0xF0, v24  }
0x22e: {  	[tilespmem:v20+s23+$0x0] =	vst.idx.add.f32.msk $0xffff, v3;
	v20 =	vand.u32 $0xF0, v22;
	v22 =	vor.u32 v0, v24  }
0x22f: {  	[tilespmem:v27+s23+$0x0] =	vst.idx.add.f32.msk $0xffff, v3;
	v24 =	vor.u32 v0, v30  }
0x230: {  	[tilespmem:v21+s23+$0x0] =	vst.idx.add.f32.msk $0xffff, v3;
	v20 =	vor.u32 v0, v20  }
0x231: {  	[tilespmem:v23+s23+$0x0] =	vst.idx.add.f32.msk $0xffff, v3  }
0x232: {  	[tilespmem:v26+s23+$0x0] =	vst.idx.add.f32.msk $0xffff, v3  }
0x233: {  	[tilespmem:v22+s23+$0x0] =	vst.idx.add.f32.msk $0xffff, v3  }
0x234: {  	[tilespmem:v24+s23+$0x0] =	vst.idx.add.f32.msk $0xffff, v3  }
0x235: {  	s0 =	simm.s32 $0x0;
	[tilespmem:v20+s23+$0x0] =	vst.idx.add.f32.msk $0xffff, v3  }
0x236: {  	[tilespmem:s0], [sflag:$0x1] =	stream.linear.gather [hbm4b:s11+s0], $0x8000, $0x38;
	[tilespmem:$0x10200] =	vst v63  }
0x237: {  	s1 =	sand.u32 $0x7000, s0;
	s4 =	sand.u32 $0x800, s0;
	_ =	swait.ge [sflag:s24], $0x8000  }
0x238: {  	s1 =	sor.u32 s4, s1;
	s0 =	sand.u32 $0x380, s0;
	[sflag:s24] =	ssyncset.done $0x0  }
0x239: {  	s0 =	sor.u32 s0, s1;
	[sflag:s24] =	ssyncadd.s32 $0xFFFF8000  }
0x23a: {  	v19 =	vld [tilespmem:s0+$0x8420]  }
0x23b: {  	v20 =	vld [tilespmem:s0+$0x8000]  }
0x23c: {  	v21 =	vld [tilespmem:s0+$0x8470]  }
0x23d: {  	v22 =	vld [tilespmem:s0+$0x8040]  }
0x23e: {  	v23 =	vld [tilespmem:s0+$0x8020]  }
0x23f: {  	v24 =	vld [tilespmem:s0+$0x8440]  }
0x240: {  	v25 =	vld [tilespmem:s0+$0x8430]  }
0x241: {  	v26 =	vld [tilespmem:s0+$0x8070]  }
0x242: {  	v28 =	vld [tilespmem:s0+$0x8410]  }
0x243: {  	v27 =	vld [tilespmem:s0+$0x8050];
	v22 =	vadd.f32 $1.000000000e+00, v22  }
0x244: {  	v30 =	vadd.f32 $1.000000000e+00, v20;
	v62 =	vadd.f32 $1.000000000e+00, v21  }
0x245: {  	v24 =	vadd.f32 $1.000000000e+00, v24;
	v31 =	vadd.f32 $1.000000000e+00, v23  }
0x246: {  	v29 =	vld [tilespmem:s0+$0x8460];
	v23 =	vadd.f32 $1.000000000e+00, v26;
	v19 =	vadd.f32 $1.000000000e+00, v19  }
0x247: {  	v26 =	vadd.f32 $1.000000000e+00, v28;
	v20 =	vshrl.u32 v22, $0xF;
	v22 =	vadd.f32 $1.000000000e+00, v25  }
0x248: {  	v33 =	vld [tilespmem:s0+$0x8400];
	v25 =	vadd.f32 $1.000000000e+00, v27;
	v24 =	vshrl.u32 v24, $0xF;
	v23 =	vshrl.u32 v23, $0xF  }
0x249: {  	v21 =	vld [tilespmem:s0+$0x8450];
	v35 =	vshrl.u32 v26, $0xF;
	v63 =	vshrl.u32 v19, $0xF;
	v20 =	vand.u32 $0xF0, v20  }
0x24a: {  	v24 =	vand.u32 $0xF0, v24;
	v23 =	vand.u32 $0xF0, v23;
	v32 =	vand.u32 $0xF0, v63  }
0x24b: {  	v20 =	vor.u32 v0, v20;
	v34 =	vor.u32 v0, v24;
	v24 =	vadd.f32 $1.000000000e+00, v29  }
0x24c: {  	v27 =	vshrl.u32 v25, $0xF;
	v36 =	vor.u32 v0, v23;
	v22 =	vshrl.u32 v22, $0xF  }
0x24d: {  	v26 =	vld [tilespmem:s0+$0x8060];
	v29 =	vadd.f32 $1.000000000e+00, v33;
	v23 =	vshrl.u32 v24, $0xF;
	v24 =	vand.u32 $0xF0, v22  }
0x24e: {  	v25 =	vld [tilespmem:s0+$0x8030];
	v21 =	vadd.f32 $1.000000000e+00, v21;
	v23 =	vand.u32 $0xF0, v23;
	v28 =	vor.u32 v0, v24  }
0x24f: {  	v22 =	vshrl.u32 v30, $0xF;
	v30 =	vshrl.u32 v31, $0xF;
	v24 =	vld [tilespmem:s0+$0x8010];
	v23 =	vor.u32 v0, v23  }
0x250: {  	s29 =	simm.s32 $0x0;
	v27 =	vand.u32 $0xF0, v27;
	v19 =	vand.u32 $0xF0, v30;
	v30 =	vshrl.u32 v62, $0xF;
	[tilespmem:v34+s23+$0x0] =	vst.idx.add.f32.msk $0xffff, v3  }
0x251: {  	s30 =	simm.s32 $0x40;
	s31 =	simm.s32 $0x800;
	v31 =	vand.u32 $0xF0, v35;
	s0 =	simm.s32 $0x100;
	v19 =	vor.u32 v0, v19;
	v30 =	vand.u32 $0xF0, v30;
	[tilespmem:v36+s23+$0x0] =	vst.idx.add.f32.msk $0xffff, v3  }
.LBB2_16:
0x252: {  	s1 =	sand.u32 $0x7000, s0;
	s4 =	sand.u32 $0x800, s31;
	s29 =	sadd.s32 $0x10, s29;
	[tilespmem:v20+s23+$0x0] =	vst.idx.add.f32.msk $0xffff, v3;
	v20 =	vor.u32 v0, v27;
	v21 =	vshrl.u32 v21, $0xF;
	v27 =	vor.u32 v0, v30  }
0x253: {  	s25 =	sand.u32 $0x380, s30;
	v22 =	vand.u32 $0xF0, v22;
	v25 =	vadd.f32 $1.000000000e+00, v25;
	v30 =	vor.u32 v0, v31;
	s1 =	sor.u32 s4, s1;
	p0 =	slt.u32 s29, $0x7F0;
	[tilespmem:v28+s23+$0x0] =	vst.idx.add.f32.msk $0xffff, v3  }
0x254: {  	v28 =	vshrl.u32 v29, $0xF;
	v29 =	vor.u32 v0, v32;
	s1 =	sor.u32 s25, s1;
	v24 =	vadd.f32 $1.000000000e+00, v24;
	[tilespmem:v23+s23+$0x0] =	vst.idx.add.f32.msk $0xffff, v3  }
0x255: {  	v26 =	vadd.f32 $1.000000000e+00, v26;
	v25 =	vshrl.u32 v25, $0xF;
	v28 =	vand.u32 $0xF0, v28;
	v23 =	vld [tilespmem:s1+$0x8420]  }
0x256: {  	v22 =	vor.u32 v0, v22;
	v28 =	vor.u32 v0, v28;
	v31 =	vld [tilespmem:s1+$0x8000];
	v24 =	vshrl.u32 v24, $0xF  }
0x257: {  	v25 =	vand.u32 $0xF0, v25;
	v26 =	vshrl.u32 v26, $0xF;
	v32 =	vld [tilespmem:s1+$0x8470];
	v24 =	vand.u32 $0xF0, v24  }
0x258: {  	v26 =	vand.u32 $0xF0, v26;
	v24 =	vor.u32 v0, v24;
	[tilespmem:v30+s23+$0x0] =	vst.idx.add.f32.msk $0xffff, v3  }
0x259: {  	v26 =	vor.u32 v0, v26;
	v30 =	vld [tilespmem:s1+$0x8450]  }
0x25a: {  	[tilespmem:v29+s23+$0x0] =	vst.idx.add.f32.msk $0xffff, v3  }
0x25b: {  	v29 =	vld [tilespmem:s1+$0x8020]  }
0x25c: {  	[tilespmem:v28+s23+$0x0] =	vst.idx.add.f32.msk $0xffff, v3  }
0x25d: {  	v28 =	vld [tilespmem:s1+$0x8460]  }
0x25e: {  	v25 =	vor.u32 v0, v25;
	v33 =	vld [tilespmem:s1+$0x8040]  }
0x25f: {  	v34 =	vld [tilespmem:s1+$0x8440]  }
0x260: {  	[tilespmem:v26+s23+$0x0] =	vst.idx.add.f32.msk $0xffff, v3  }
0x261: {  	v26 =	vld [tilespmem:s1+$0x8430]  }
0x262: {  	v21 =	vand.u32 $0xF0, v21;
	v35 =	vld [tilespmem:s1+$0x8070]  }
0x263: {  	v21 =	vor.u32 v0, v21;
	v33 =	vadd.f32 $1.000000000e+00, v33;
	v36 =	vld [tilespmem:s1+$0x8050]  }
0x264: {  	v37 =	vld [tilespmem:s1+$0x8410]  }
0x265: {  	v31 =	vadd.f32 $1.000000000e+00, v31;
	v32 =	vadd.f32 $1.000000000e+00, v32;
	v33 =	vshrl.u32 v33, $0xF;
	v38 =	vld [tilespmem:s1+$0x8400]  }
0x266: {  	v34 =	vadd.f32 $1.000000000e+00, v34;
	v33 =	vand.u32 $0xF0, v33;
	v26 =	vadd.f32 $1.000000000e+00, v26;
	[tilespmem:v20+s23+$0x0] =	vst.idx.add.f32.msk $0xffff, v3  }
0x267: {  	v29 =	vadd.f32 $1.000000000e+00, v29;
	v20 =	vor.u32 v0, v33;
	v33 =	vadd.f32 $1.000000000e+00, v35;
	[tilespmem:v25+s23+$0x0] =	vst.idx.add.f32.msk $0xffff, v3  }
0x268: {  	v35 =	vadd.f32 $1.000000000e+00, v23;
	v23 =	vshrl.u32 v34, $0xF;
	v25 =	vadd.f32 $1.000000000e+00, v36;
	[tilespmem:v21+s23+$0x0] =	vst.idx.add.f32.msk $0xffff, v3  }
0x269: {  	v23 =	vand.u32 $0xF0, v23;
	v21 =	vshrl.u32 v33, $0xF;
	v33 =	vadd.f32 $1.000000000e+00, v37;
	[tilespmem:v19+s23+$0x0] =	vst.idx.add.f32.msk $0xffff, v3  }
0x26a: {  	v34 =	vor.u32 v0, v23;
	v23 =	vadd.f32 $1.000000000e+00, v28;
	v19 =	vand.u32 $0xF0, v21;
	[tilespmem:v24+s23+$0x0] =	vst.idx.add.f32.msk $0xffff, v3  }
0x26b: {  	v24 =	vshrl.u32 v25, $0xF;
	v21 =	vadd.f32 $1.000000000e+00, v30;
	v33 =	vshrl.u32 v33, $0xF;
	[tilespmem:v22+s23+$0x0] =	vst.idx.add.f32.msk $0xffff, v3  }
0x26c: {  	v30 =	vor.u32 v0, v19;
	v19 =	vshrl.u32 v26, $0xF;
	v22 =	vshrl.u32 v23, $0xF;
	[tilespmem:v27+s23+$0x0] =	vst.idx.add.f32.msk $0xffff, v3  }
.Ltmp7:
0x26d: {  	v27 =	vand.u32 $0xF0, v24;
	v19 =	vand.u32 $0xF0, v19;
	v23 =	vand.u32 $0xF0, v22;
	v25 =	vld [tilespmem:s1+$0x8030];
	(pc) =	sbr.rel @p0 .LBB2_16-.Ltmp7, $4  }
0x26e: {  	v22 =	vshrl.u32 v31, $0xF;
	v28 =	vor.u32 v0, v19;
	v23 =	vor.u32 v0, v23;
	v26 =	vld [tilespmem:s1+$0x8060]  }
0x26f: {  	v35 =	vshrl.u32 v35, $0xF;
	v19 =	vshrl.u32 v29, $0xF;
	v29 =	vadd.f32 $1.000000000e+00, v38;
	v24 =	vld [tilespmem:s1+$0x8010]  }
0x270: {  	v31 =	vand.u32 $0xF0, v33;
	v33 =	vshrl.u32 v32, $0xF;
	v19 =	vand.u32 $0xF0, v19;
	[tilespmem:v34+s23+$0x0] =	vst.idx.add.f32.msk $0xffff, v3  }
0x271: {  	s30 =	sadd.s32 $0x40, s30;
	s31 =	sadd.s32 $0x800, s31;
	s0 =	sadd.s32 $0x100, s0;
	v32 =	vand.u32 $0xF0, v35;
	v19 =	vor.u32 v0, v19;
	[tilespmem:v30+s23+$0x0] =	vst.idx.add.f32.msk $0xffff, v3;
	v30 =	vand.u32 $0xF0, v33  }
0x272: {  	_ =	sdelay $0x2  }
0x273: {  	v25 =	vadd.f32 $1.000000000e+00, v25;
	v31 =	vor.u32 v0, v31;
	v29 =	vshrl.u32 v29, $0xF  }
0x274: {  	v32 =	vor.u32 v0, v32;
	[tilespmem:v20+s23+$0x0] =	vst.idx.add.f32.msk $0xffff, v3;
	v27 =	vor.u32 v0, v27;
	v29 =	vand.u32 $0xF0, v29  }
0x275: {  	[tilespmem:v28+s23+$0x0] =	vst.idx.add.f32.msk $0xffff, v3;
	v21 =	vshrl.u32 v21, $0xF;
	v26 =	vadd.f32 $1.000000000e+00, v26;
	v20 =	vor.u32 v0, v29  }
0x276: {  	[tilespmem:v23+s23+$0x0] =	vst.idx.add.f32.msk $0xffff, v3;
	v21 =	vand.u32 $0xF0, v21;
	v25 =	vshrl.u32 v25, $0xF;
	v24 =	vadd.f32 $1.000000000e+00, v24  }
0x277: {  	[tilespmem:v19+s23+$0x0] =	vst.idx.add.f32.msk $0xffff, v3;
	v21 =	vor.u32 v0, v21;
	v26 =	vshrl.u32 v26, $0xF;
	v23 =	vand.u32 $0xF0, v25  }
0x278: {  	v26 =	vand.u32 $0xF0, v26;
	v23 =	vor.u32 v0, v23;
	v24 =	vshrl.u32 v24, $0xF;
	[tilespmem:v31+s23+$0x0] =	vst.idx.add.f32.msk $0xffff, v3  }
0x279: {  	v26 =	vor.u32 v0, v26;
	[tilespmem:v32+s23+$0x0] =	vst.idx.add.f32.msk $0xffff, v3;
	v24 =	vand.u32 $0xF0, v24  }
0x27a: {  	[tilespmem:v20+s23+$0x0] =	vst.idx.add.f32.msk $0xffff, v3;
	v20 =	vand.u32 $0xF0, v22;
	v22 =	vor.u32 v0, v24  }
0x27b: {  	[tilespmem:v27+s23+$0x0] =	vst.idx.add.f32.msk $0xffff, v3;
	v24 =	vor.u32 v0, v30  }
0x27c: {  	[tilespmem:v21+s23+$0x0] =	vst.idx.add.f32.msk $0xffff, v3;
	v20 =	vor.u32 v0, v20  }
0x27d: {  	[tilespmem:v23+s23+$0x0] =	vst.idx.add.f32.msk $0xffff, v3  }
0x27e: {  	[tilespmem:v26+s23+$0x0] =	vst.idx.add.f32.msk $0xffff, v3  }
0x27f: {  	[tilespmem:v22+s23+$0x0] =	vst.idx.add.f32.msk $0xffff, v3  }
0x280: {  	[tilespmem:v24+s23+$0x0] =	vst.idx.add.f32.msk $0xffff, v3  }
0x281: {  	[tilespmem:v20+s23+$0x0] =	vst.idx.add.f32.msk $0xffff, v3  }
0x282: {  	v19 =	vld.idx.msk [tilespmem:v1+s23+$0x0], $0xffff;
	_ =	sdelay $0x1  }
0x283: {  	v20 =	vld.idx.msk [tilespmem:v4+s23+$0x0], $0xffff;
	_ =	sdelay $0x1  }
0x284: {  	v21 =	vld.idx.msk [tilespmem:v5+s23+$0x0], $0xffff  }
0x285: {  	v19 =	vadd.f32 $0.0e+00, v19  }
0x286: {  	v22 =	vld.idx.msk [tilespmem:v6+s23+$0x0], $0xffff  }
0x287: {  	v19 =	vadd.f32 v20, v19  }
0x288: {  	v20 =	vld.idx.msk [tilespmem:v7+s23+$0x0], $0xffff  }
0x289: {  	v19 =	vadd.f32 v21, v19  }
0x28a: {  	v21 =	vld.idx.msk [tilespmem:v8+s23+$0x0], $0xffff  }
0x28b: {  	v19 =	vadd.f32 v22, v19  }
0x28c: {  	v22 =	vld.idx.msk [tilespmem:v9+s23+$0x0], $0xffff  }
0x28d: {  	v19 =	vadd.f32 v20, v19  }
0x28e: {  	v20 =	vld.idx.msk [tilespmem:v10+s23+$0x0], $0xffff  }
0x28f: {  	v19 =	vadd.f32 v21, v19  }
0x290: {  	v21 =	vld.idx.msk [tilespmem:v11+s23+$0x0], $0xffff  }
0x291: {  	v19 =	vadd.f32 v22, v19  }
0x292: {  	v22 =	vld.idx.msk [tilespmem:v12+s23+$0x0], $0xffff  }
0x293: {  	v19 =	vadd.f32 v20, v19  }
0x294: {  	v20 =	vld.idx.msk [tilespmem:v13+s23+$0x0], $0xffff  }
0x295: {  	v19 =	vadd.f32 v21, v19  }
0x296: {  	v21 =	vld.idx.msk [tilespmem:v14+s23+$0x0], $0xffff  }
0x297: {  	v19 =	vadd.f32 v22, v19  }
0x298: {  	v22 =	vld.idx.msk [tilespmem:v15+s23+$0x0], $0xffff  }
0x299: {  	v19 =	vadd.f32 v20, v19  }
0x29a: {  	v20 =	vld.idx.msk [tilespmem:v16+s23+$0x0], $0xffff  }
0x29b: {  	v19 =	vadd.f32 v21, v19  }
0x29c: {  	v21 =	vld.idx.msk [tilespmem:v17+s23+$0x0], $0xffff  }
0x29d: {  	v19 =	vadd.f32 v22, v19  }
0x29e: {  	v22 =	vld.idx.msk [tilespmem:v18+s23+$0x0], $0xffff  }
0x29f: {  	v19 =	vadd.f32 v20, v19;
	_ =	sdelay $0x1  }
0x2a0: {  	v19 =	vadd.f32 v21, v19;
	_ =	sdelay $0x1  }
0x2a1: {  	v19 =	vadd.f32 v22, v19;
	_ =	sdelay $0x1  }
0x2a2: {  	v19 =	vmul.f32 $3.814697270e-06, v19;
	_ =	sdelay $0x1  }
0x2a3: {  	s0 =	simm.s32 $0x0;
	[tilespmem:$0x10100] =	vst v19  }
0x2a4: {  	[tilespmem:s21], [sflag:$0x2] =	stream.linear.gather [hbm4b:s12+s0], $0x8000, $0x38;
	[tilespmem:$0x10200] =	vst v63  }
0x2a5: {  	[tilespmem:$0x10000] =	vst v2  }
0x2a6: {  	[tilespmem:$0x10010] =	vst v2  }
0x2a7: {  	[tilespmem:$0x10020] =	vst v2  }
0x2a8: {  	[tilespmem:$0x10030] =	vst v2  }
0x2a9: {  	[tilespmem:$0x10040] =	vst v2  }
0x2aa: {  	[tilespmem:$0x10050] =	vst v2  }
0x2ab: {  	[tilespmem:$0x10060] =	vst v2  }
0x2ac: {  	[tilespmem:$0x10070] =	vst v2  }
0x2ad: {  	[tilespmem:$0x10080] =	vst v2  }
0x2ae: {  	[tilespmem:$0x10090] =	vst v2  }
0x2af: {  	[tilespmem:$0x100A0] =	vst v2  }
0x2b0: {  	[tilespmem:$0x100B0] =	vst v2  }
0x2b1: {  	[tilespmem:$0x100C0] =	vst v2  }
0x2b2: {  	[tilespmem:$0x100D0] =	vst v2  }
0x2b3: {  	[tilespmem:$0x100E0] =	vst v2  }
0x2b4: {  	[tilespmem:$0x100F0] =	vst v2  }
0x2b5: {  	s1 =	sand.u32 $0x7000, s0;
	s4 =	sand.u32 $0x800, s0;
	_ =	swait.ge [sflag:s22], $0x8000  }
0x2b6: {  	s1 =	sor.u32 s4, s1;
	s0 =	sand.u32 $0x380, s0;
	[sflag:s22] =	ssyncset.done $0x0  }
0x2b7: {  	s0 =	sor.u32 s0, s1;
	[sflag:s22] =	ssyncadd.s32 $0xFFFF8000  }
0x2b8: {  	v19 =	vld [tilespmem:s0+$0x420]  }
0x2b9: {  	v20 =	vld [tilespmem:s0+$0x0]  }
0x2ba: {  	v21 =	vld [tilespmem:s0+$0x470]  }
0x2bb: {  	v22 =	vld [tilespmem:s0+$0x40]  }
0x2bc: {  	v23 =	vld [tilespmem:s0+$0x20]  }
0x2bd: {  	v24 =	vld [tilespmem:s0+$0x440]  }
0x2be: {  	v25 =	vld [tilespmem:s0+$0x430]  }
0x2bf: {  	v26 =	vld [tilespmem:s0+$0x70]  }
0x2c0: {  	v28 =	vld [tilespmem:s0+$0x410]  }
0x2c1: {  	v27 =	vld [tilespmem:s0+$0x50];
	v22 =	vadd.f32 $1.000000000e+00, v22  }
0x2c2: {  	v30 =	vadd.f32 $1.000000000e+00, v20;
	v62 =	vadd.f32 $1.000000000e+00, v21  }
0x2c3: {  	v24 =	vadd.f32 $1.000000000e+00, v24;
	v31 =	vadd.f32 $1.000000000e+00, v23  }
0x2c4: {  	v29 =	vld [tilespmem:s0+$0x460];
	v23 =	vadd.f32 $1.000000000e+00, v26;
	v19 =	vadd.f32 $1.000000000e+00, v19  }
0x2c5: {  	v26 =	vadd.f32 $1.000000000e+00, v28;
	v20 =	vshrl.u32 v22, $0xF;
	v22 =	vadd.f32 $1.000000000e+00, v25  }
0x2c6: {  	v33 =	vld [tilespmem:s0+$0x400];
	v25 =	vadd.f32 $1.000000000e+00, v27;
	v24 =	vshrl.u32 v24, $0xF;
	v23 =	vshrl.u32 v23, $0xF  }
0x2c7: {  	v21 =	vld [tilespmem:s0+$0x450];
	v35 =	vshrl.u32 v26, $0xF;
	v63 =	vshrl.u32 v19, $0xF;
	v20 =	vand.u32 $0xF0, v20  }
0x2c8: {  	v24 =	vand.u32 $0xF0, v24;
	v23 =	vand.u32 $0xF0, v23;
	v32 =	vand.u32 $0xF0, v63  }
0x2c9: {  	v20 =	vor.u32 v0, v20;
	v34 =	vor.u32 v0, v24;
	v24 =	vadd.f32 $1.000000000e+00, v29  }
0x2ca: {  	v27 =	vshrl.u32 v25, $0xF;
	v36 =	vor.u32 v0, v23;
	v22 =	vshrl.u32 v22, $0xF  }
0x2cb: {  	v26 =	vld [tilespmem:s0+$0x60];
	v29 =	vadd.f32 $1.000000000e+00, v33;
	v23 =	vshrl.u32 v24, $0xF;
	v24 =	vand.u32 $0xF0, v22  }
0x2cc: {  	v25 =	vld [tilespmem:s0+$0x30];
	v21 =	vadd.f32 $1.000000000e+00, v21;
	v23 =	vand.u32 $0xF0, v23;
	v28 =	vor.u32 v0, v24  }
0x2cd: {  	v22 =	vshrl.u32 v30, $0xF;
	v30 =	vshrl.u32 v31, $0xF;
	v24 =	vld [tilespmem:s0+$0x10];
	v23 =	vor.u32 v0, v23  }
0x2ce: {  	s29 =	simm.s32 $0x0;
	v27 =	vand.u32 $0xF0, v27;
	v19 =	vand.u32 $0xF0, v30;
	v30 =	vshrl.u32 v62, $0xF;
	[tilespmem:v34+s23+$0x0] =	vst.idx.add.f32.msk $0xffff, v3  }
0x2cf: {  	s30 =	simm.s32 $0x40;
	s31 =	simm.s32 $0x800;
	v31 =	vand.u32 $0xF0, v35;
	s0 =	simm.s32 $0x100;
	v19 =	vor.u32 v0, v19;
	v30 =	vand.u32 $0xF0, v30;
	[tilespmem:v36+s23+$0x0] =	vst.idx.add.f32.msk $0xffff, v3  }
.LBB2_18:
0x2d0: {  	s1 =	sand.u32 $0x7000, s0;
	s4 =	sand.u32 $0x800, s31;
	s29 =	sadd.s32 $0x10, s29;
	[tilespmem:v20+s23+$0x0] =	vst.idx.add.f32.msk $0xffff, v3;
	v20 =	vor.u32 v0, v27;
	v21 =	vshrl.u32 v21, $0xF;
	v27 =	vor.u32 v0, v30  }
0x2d1: {  	s25 =	sand.u32 $0x380, s30;
	v22 =	vand.u32 $0xF0, v22;
	v25 =	vadd.f32 $1.000000000e+00, v25;
	v30 =	vor.u32 v0, v31;
	s1 =	sor.u32 s4, s1;
	p0 =	slt.u32 s29, $0x7F0;
	[tilespmem:v28+s23+$0x0] =	vst.idx.add.f32.msk $0xffff, v3  }
0x2d2: {  	v28 =	vshrl.u32 v29, $0xF;
	v29 =	vor.u32 v0, v32;
	s1 =	sor.u32 s25, s1;
	v24 =	vadd.f32 $1.000000000e+00, v24;
	[tilespmem:v23+s23+$0x0] =	vst.idx.add.f32.msk $0xffff, v3  }
0x2d3: {  	v26 =	vadd.f32 $1.000000000e+00, v26;
	v25 =	vshrl.u32 v25, $0xF;
	v28 =	vand.u32 $0xF0, v28;
	v23 =	vld [tilespmem:s1+$0x420]  }
0x2d4: {  	v22 =	vor.u32 v0, v22;
	v28 =	vor.u32 v0, v28;
	v31 =	vld [tilespmem:s1+$0x0];
	v24 =	vshrl.u32 v24, $0xF  }
0x2d5: {  	v25 =	vand.u32 $0xF0, v25;
	v26 =	vshrl.u32 v26, $0xF;
	v32 =	vld [tilespmem:s1+$0x470];
	v24 =	vand.u32 $0xF0, v24  }
0x2d6: {  	v26 =	vand.u32 $0xF0, v26;
	v24 =	vor.u32 v0, v24;
	[tilespmem:v30+s23+$0x0] =	vst.idx.add.f32.msk $0xffff, v3  }
0x2d7: {  	v26 =	vor.u32 v0, v26;
	v30 =	vld [tilespmem:s1+$0x450]  }
0x2d8: {  	[tilespmem:v29+s23+$0x0] =	vst.idx.add.f32.msk $0xffff, v3  }
0x2d9: {  	v29 =	vld [tilespmem:s1+$0x20]  }
0x2da: {  	[tilespmem:v28+s23+$0x0] =	vst.idx.add.f32.msk $0xffff, v3  }
0x2db: {  	v28 =	vld [tilespmem:s1+$0x460]  }
0x2dc: {  	v25 =	vor.u32 v0, v25;
	v33 =	vld [tilespmem:s1+$0x40]  }
0x2dd: {  	v34 =	vld [tilespmem:s1+$0x440]  }
0x2de: {  	[tilespmem:v26+s23+$0x0] =	vst.idx.add.f32.msk $0xffff, v3  }
0x2df: {  	v26 =	vld [tilespmem:s1+$0x430]  }
0x2e0: {  	v21 =	vand.u32 $0xF0, v21;
	v35 =	vld [tilespmem:s1+$0x70]  }
0x2e1: {  	v21 =	vor.u32 v0, v21;
	v33 =	vadd.f32 $1.000000000e+00, v33;
	v36 =	vld [tilespmem:s1+$0x50]  }
0x2e2: {  	v37 =	vld [tilespmem:s1+$0x410]  }
0x2e3: {  	v31 =	vadd.f32 $1.000000000e+00, v31;
	v32 =	vadd.f32 $1.000000000e+00, v32;
	v33 =	vshrl.u32 v33, $0xF;
	v38 =	vld [tilespmem:s1+$0x400]  }
0x2e4: {  	v34 =	vadd.f32 $1.000000000e+00, v34;
	v33 =	vand.u32 $0xF0, v33;
	v26 =	vadd.f32 $1.000000000e+00, v26;
	[tilespmem:v20+s23+$0x0] =	vst.idx.add.f32.msk $0xffff, v3  }
0x2e5: {  	v29 =	vadd.f32 $1.000000000e+00, v29;
	v20 =	vor.u32 v0, v33;
	v33 =	vadd.f32 $1.000000000e+00, v35;
	[tilespmem:v25+s23+$0x0] =	vst.idx.add.f32.msk $0xffff, v3  }
0x2e6: {  	v35 =	vadd.f32 $1.000000000e+00, v23;
	v23 =	vshrl.u32 v34, $0xF;
	v25 =	vadd.f32 $1.000000000e+00, v36;
	[tilespmem:v21+s23+$0x0] =	vst.idx.add.f32.msk $0xffff, v3  }
0x2e7: {  	v23 =	vand.u32 $0xF0, v23;
	v21 =	vshrl.u32 v33, $0xF;
	v33 =	vadd.f32 $1.000000000e+00, v37;
	[tilespmem:v19+s23+$0x0] =	vst.idx.add.f32.msk $0xffff, v3  }
0x2e8: {  	v34 =	vor.u32 v0, v23;
	v23 =	vadd.f32 $1.000000000e+00, v28;
	v19 =	vand.u32 $0xF0, v21;
	[tilespmem:v24+s23+$0x0] =	vst.idx.add.f32.msk $0xffff, v3  }
0x2e9: {  	v24 =	vshrl.u32 v25, $0xF;
	v21 =	vadd.f32 $1.000000000e+00, v30;
	v33 =	vshrl.u32 v33, $0xF;
	[tilespmem:v22+s23+$0x0] =	vst.idx.add.f32.msk $0xffff, v3  }
0x2ea: {  	v30 =	vor.u32 v0, v19;
	v19 =	vshrl.u32 v26, $0xF;
	v22 =	vshrl.u32 v23, $0xF;
	[tilespmem:v27+s23+$0x0] =	vst.idx.add.f32.msk $0xffff, v3  }
.Ltmp8:
0x2eb: {  	v27 =	vand.u32 $0xF0, v24;
	v19 =	vand.u32 $0xF0, v19;
	v23 =	vand.u32 $0xF0, v22;
	v25 =	vld [tilespmem:s1+$0x30];
	(pc) =	sbr.rel @p0 .LBB2_18-.Ltmp8, $4  }
0x2ec: {  	v22 =	vshrl.u32 v31, $0xF;
	v28 =	vor.u32 v0, v19;
	v23 =	vor.u32 v0, v23;
	v26 =	vld [tilespmem:s1+$0x60]  }
0x2ed: {  	v35 =	vshrl.u32 v35, $0xF;
	v19 =	vshrl.u32 v29, $0xF;
	v29 =	vadd.f32 $1.000000000e+00, v38;
	v24 =	vld [tilespmem:s1+$0x10]  }
0x2ee: {  	v31 =	vand.u32 $0xF0, v33;
	v33 =	vshrl.u32 v32, $0xF;
	v19 =	vand.u32 $0xF0, v19;
	[tilespmem:v34+s23+$0x0] =	vst.idx.add.f32.msk $0xffff, v3  }
0x2ef: {  	s30 =	sadd.s32 $0x40, s30;
	s31 =	sadd.s32 $0x800, s31;
	s0 =	sadd.s32 $0x100, s0;
	v32 =	vand.u32 $0xF0, v35;
	v19 =	vor.u32 v0, v19;
	[tilespmem:v30+s23+$0x0] =	vst.idx.add.f32.msk $0xffff, v3;
	v30 =	vand.u32 $0xF0, v33  }
0x2f0: {  	_ =	sdelay $0x2  }
0x2f1: {  	v25 =	vadd.f32 $1.000000000e+00, v25;
	v31 =	vor.u32 v0, v31;
	v29 =	vshrl.u32 v29, $0xF  }
0x2f2: {  	v32 =	vor.u32 v0, v32;
	[tilespmem:v20+s23+$0x0] =	vst.idx.add.f32.msk $0xffff, v3;
	v27 =	vor.u32 v0, v27;
	v29 =	vand.u32 $0xF0, v29  }
0x2f3: {  	[tilespmem:v28+s23+$0x0] =	vst.idx.add.f32.msk $0xffff, v3;
	v21 =	vshrl.u32 v21, $0xF;
	v26 =	vadd.f32 $1.000000000e+00, v26;
	v20 =	vor.u32 v0, v29  }
0x2f4: {  	[tilespmem:v23+s23+$0x0] =	vst.idx.add.f32.msk $0xffff, v3;
	v21 =	vand.u32 $0xF0, v21;
	v25 =	vshrl.u32 v25, $0xF;
	v24 =	vadd.f32 $1.000000000e+00, v24  }
0x2f5: {  	[tilespmem:v19+s23+$0x0] =	vst.idx.add.f32.msk $0xffff, v3;
	v21 =	vor.u32 v0, v21;
	v26 =	vshrl.u32 v26, $0xF;
	v23 =	vand.u32 $0xF0, v25  }
0x2f6: {  	v26 =	vand.u32 $0xF0, v26;
	v23 =	vor.u32 v0, v23;
	v24 =	vshrl.u32 v24, $0xF;
	[tilespmem:v31+s23+$0x0] =	vst.idx.add.f32.msk $0xffff, v3  }
0x2f7: {  	v26 =	vor.u32 v0, v26;
	[tilespmem:v32+s23+$0x0] =	vst.idx.add.f32.msk $0xffff, v3;
	v24 =	vand.u32 $0xF0, v24  }
0x2f8: {  	[tilespmem:v20+s23+$0x0] =	vst.idx.add.f32.msk $0xffff, v3;
	v20 =	vand.u32 $0xF0, v22;
	v22 =	vor.u32 v0, v24  }
0x2f9: {  	[tilespmem:v27+s23+$0x0] =	vst.idx.add.f32.msk $0xffff, v3;
	v24 =	vor.u32 v0, v30  }
0x2fa: {  	[tilespmem:v21+s23+$0x0] =	vst.idx.add.f32.msk $0xffff, v3;
	v20 =	vor.u32 v0, v20  }
0x2fb: {  	[tilespmem:v23+s23+$0x0] =	vst.idx.add.f32.msk $0xffff, v3  }
0x2fc: {  	[tilespmem:v26+s23+$0x0] =	vst.idx.add.f32.msk $0xffff, v3  }
0x2fd: {  	[tilespmem:v22+s23+$0x0] =	vst.idx.add.f32.msk $0xffff, v3  }
0x2fe: {  	[tilespmem:v24+s23+$0x0] =	vst.idx.add.f32.msk $0xffff, v3  }
0x2ff: {  	s0 =	simm.s32 $0x0;
	[tilespmem:v20+s23+$0x0] =	vst.idx.add.f32.msk $0xffff, v3  }
0x300: {  	[tilespmem:s0], [sflag:$0x1] =	stream.linear.gather [hbm4b:s13+s0], $0x8000, $0x38;
	[tilespmem:$0x10200] =	vst v63  }
0x301: {  	s1 =	sand.u32 $0x7000, s0;
	s4 =	sand.u32 $0x800, s0;
	_ =	swait.ge [sflag:s24], $0x8000  }
0x302: {  	s1 =	sor.u32 s4, s1;
	s0 =	sand.u32 $0x380, s0;
	[sflag:s24] =	ssyncset.done $0x0  }
0x303: {  	s0 =	sor.u32 s0, s1;
	[sflag:s24] =	ssyncadd.s32 $0xFFFF8000  }
0x304: {  	v19 =	vld [tilespmem:s0+$0x8420]  }
0x305: {  	v20 =	vld [tilespmem:s0+$0x8000]  }
0x306: {  	v21 =	vld [tilespmem:s0+$0x8470]  }
0x307: {  	v22 =	vld [tilespmem:s0+$0x8040]  }
0x308: {  	v23 =	vld [tilespmem:s0+$0x8020]  }
0x309: {  	v24 =	vld [tilespmem:s0+$0x8440]  }
0x30a: {  	v25 =	vld [tilespmem:s0+$0x8430]  }
0x30b: {  	v26 =	vld [tilespmem:s0+$0x8070]  }
0x30c: {  	v28 =	vld [tilespmem:s0+$0x8410]  }
0x30d: {  	v27 =	vld [tilespmem:s0+$0x8050];
	v22 =	vadd.f32 $1.000000000e+00, v22  }
0x30e: {  	v30 =	vadd.f32 $1.000000000e+00, v20;
	v62 =	vadd.f32 $1.000000000e+00, v21  }
0x30f: {  	v24 =	vadd.f32 $1.000000000e+00, v24;
	v31 =	vadd.f32 $1.000000000e+00, v23  }
0x310: {  	v29 =	vld [tilespmem:s0+$0x8460];
	v23 =	vadd.f32 $1.000000000e+00, v26;
	v19 =	vadd.f32 $1.000000000e+00, v19  }
0x311: {  	v26 =	vadd.f32 $1.000000000e+00, v28;
	v20 =	vshrl.u32 v22, $0xF;
	v22 =	vadd.f32 $1.000000000e+00, v25  }
0x312: {  	v33 =	vld [tilespmem:s0+$0x8400];
	v25 =	vadd.f32 $1.000000000e+00, v27;
	v24 =	vshrl.u32 v24, $0xF;
	v23 =	vshrl.u32 v23, $0xF  }
0x313: {  	v21 =	vld [tilespmem:s0+$0x8450];
	v35 =	vshrl.u32 v26, $0xF;
	v63 =	vshrl.u32 v19, $0xF;
	v20 =	vand.u32 $0xF0, v20  }
0x314: {  	v24 =	vand.u32 $0xF0, v24;
	v23 =	vand.u32 $0xF0, v23;
	v32 =	vand.u32 $0xF0, v63  }
0x315: {  	v20 =	vor.u32 v0, v20;
	v34 =	vor.u32 v0, v24;
	v24 =	vadd.f32 $1.000000000e+00, v29  }
0x316: {  	v27 =	vshrl.u32 v25, $0xF;
	v36 =	vor.u32 v0, v23;
	v22 =	vshrl.u32 v22, $0xF  }
0x317: {  	v26 =	vld [tilespmem:s0+$0x8060];
	v29 =	vadd.f32 $1.000000000e+00, v33;
	v23 =	vshrl.u32 v24, $0xF;
	v24 =	vand.u32 $0xF0, v22  }
0x318: {  	v25 =	vld [tilespmem:s0+$0x8030];
	v21 =	vadd.f32 $1.000000000e+00, v21;
	v23 =	vand.u32 $0xF0, v23;
	v28 =	vor.u32 v0, v24  }
0x319: {  	v22 =	vshrl.u32 v30, $0xF;
	v30 =	vshrl.u32 v31, $0xF;
	v24 =	vld [tilespmem:s0+$0x8010];
	v23 =	vor.u32 v0, v23  }
0x31a: {  	s29 =	simm.s32 $0x0;
	v27 =	vand.u32 $0xF0, v27;
	v19 =	vand.u32 $0xF0, v30;
	v30 =	vshrl.u32 v62, $0xF;
	[tilespmem:v34+s23+$0x0] =	vst.idx.add.f32.msk $0xffff, v3  }
0x31b: {  	s30 =	simm.s32 $0x40;
	s31 =	simm.s32 $0x800;
	v31 =	vand.u32 $0xF0, v35;
	s0 =	simm.s32 $0x100;
	v19 =	vor.u32 v0, v19;
	v30 =	vand.u32 $0xF0, v30;
	[tilespmem:v36+s23+$0x0] =	vst.idx.add.f32.msk $0xffff, v3  }
.LBB2_20:
0x31c: {  	s1 =	sand.u32 $0x7000, s0;
	s4 =	sand.u32 $0x800, s31;
	s29 =	sadd.s32 $0x10, s29;
	[tilespmem:v20+s23+$0x0] =	vst.idx.add.f32.msk $0xffff, v3;
	v20 =	vor.u32 v0, v27;
	v21 =	vshrl.u32 v21, $0xF;
	v27 =	vor.u32 v0, v30  }
0x31d: {  	s25 =	sand.u32 $0x380, s30;
	v22 =	vand.u32 $0xF0, v22;
	v25 =	vadd.f32 $1.000000000e+00, v25;
	v30 =	vor.u32 v0, v31;
	s1 =	sor.u32 s4, s1;
	p0 =	slt.u32 s29, $0x7F0;
	[tilespmem:v28+s23+$0x0] =	vst.idx.add.f32.msk $0xffff, v3  }
0x31e: {  	v28 =	vshrl.u32 v29, $0xF;
	v29 =	vor.u32 v0, v32;
	s1 =	sor.u32 s25, s1;
	v24 =	vadd.f32 $1.000000000e+00, v24;
	[tilespmem:v23+s23+$0x0] =	vst.idx.add.f32.msk $0xffff, v3  }
0x31f: {  	v26 =	vadd.f32 $1.000000000e+00, v26;
	v25 =	vshrl.u32 v25, $0xF;
	v28 =	vand.u32 $0xF0, v28;
	v23 =	vld [tilespmem:s1+$0x8420]  }
0x320: {  	v22 =	vor.u32 v0, v22;
	v28 =	vor.u32 v0, v28;
	v31 =	vld [tilespmem:s1+$0x8000];
	v24 =	vshrl.u32 v24, $0xF  }
0x321: {  	v25 =	vand.u32 $0xF0, v25;
	v26 =	vshrl.u32 v26, $0xF;
	v32 =	vld [tilespmem:s1+$0x8470];
	v24 =	vand.u32 $0xF0, v24  }
0x322: {  	v26 =	vand.u32 $0xF0, v26;
	v24 =	vor.u32 v0, v24;
	[tilespmem:v30+s23+$0x0] =	vst.idx.add.f32.msk $0xffff, v3  }
0x323: {  	v26 =	vor.u32 v0, v26;
	v30 =	vld [tilespmem:s1+$0x8450]  }
0x324: {  	[tilespmem:v29+s23+$0x0] =	vst.idx.add.f32.msk $0xffff, v3  }
0x325: {  	v29 =	vld [tilespmem:s1+$0x8020]  }
0x326: {  	[tilespmem:v28+s23+$0x0] =	vst.idx.add.f32.msk $0xffff, v3  }
0x327: {  	v28 =	vld [tilespmem:s1+$0x8460]  }
0x328: {  	v25 =	vor.u32 v0, v25;
	v33 =	vld [tilespmem:s1+$0x8040]  }
0x329: {  	v34 =	vld [tilespmem:s1+$0x8440]  }
0x32a: {  	[tilespmem:v26+s23+$0x0] =	vst.idx.add.f32.msk $0xffff, v3  }
0x32b: {  	v26 =	vld [tilespmem:s1+$0x8430]  }
0x32c: {  	v21 =	vand.u32 $0xF0, v21;
	v35 =	vld [tilespmem:s1+$0x8070]  }
0x32d: {  	v21 =	vor.u32 v0, v21;
	v33 =	vadd.f32 $1.000000000e+00, v33;
	v36 =	vld [tilespmem:s1+$0x8050]  }
0x32e: {  	v37 =	vld [tilespmem:s1+$0x8410]  }
0x32f: {  	v31 =	vadd.f32 $1.000000000e+00, v31;
	v32 =	vadd.f32 $1.000000000e+00, v32;
	v33 =	vshrl.u32 v33, $0xF;
	v38 =	vld [tilespmem:s1+$0x8400]  }
0x330: {  	v34 =	vadd.f32 $1.000000000e+00, v34;
	v33 =	vand.u32 $0xF0, v33;
	v26 =	vadd.f32 $1.000000000e+00, v26;
	[tilespmem:v20+s23+$0x0] =	vst.idx.add.f32.msk $0xffff, v3  }
0x331: {  	v29 =	vadd.f32 $1.000000000e+00, v29;
	v20 =	vor.u32 v0, v33;
	v33 =	vadd.f32 $1.000000000e+00, v35;
	[tilespmem:v25+s23+$0x0] =	vst.idx.add.f32.msk $0xffff, v3  }
0x332: {  	v35 =	vadd.f32 $1.000000000e+00, v23;
	v23 =	vshrl.u32 v34, $0xF;
	v25 =	vadd.f32 $1.000000000e+00, v36;
	[tilespmem:v21+s23+$0x0] =	vst.idx.add.f32.msk $0xffff, v3  }
0x333: {  	v23 =	vand.u32 $0xF0, v23;
	v21 =	vshrl.u32 v33, $0xF;
	v33 =	vadd.f32 $1.000000000e+00, v37;
	[tilespmem:v19+s23+$0x0] =	vst.idx.add.f32.msk $0xffff, v3  }
0x334: {  	v34 =	vor.u32 v0, v23;
	v23 =	vadd.f32 $1.000000000e+00, v28;
	v19 =	vand.u32 $0xF0, v21;
	[tilespmem:v24+s23+$0x0] =	vst.idx.add.f32.msk $0xffff, v3  }
0x335: {  	v24 =	vshrl.u32 v25, $0xF;
	v21 =	vadd.f32 $1.000000000e+00, v30;
	v33 =	vshrl.u32 v33, $0xF;
	[tilespmem:v22+s23+$0x0] =	vst.idx.add.f32.msk $0xffff, v3  }
0x336: {  	v30 =	vor.u32 v0, v19;
	v19 =	vshrl.u32 v26, $0xF;
	v22 =	vshrl.u32 v23, $0xF;
	[tilespmem:v27+s23+$0x0] =	vst.idx.add.f32.msk $0xffff, v3  }
.Ltmp9:
0x337: {  	v27 =	vand.u32 $0xF0, v24;
	v19 =	vand.u32 $0xF0, v19;
	v23 =	vand.u32 $0xF0, v22;
	v25 =	vld [tilespmem:s1+$0x8030];
	(pc) =	sbr.rel @p0 .LBB2_20-.Ltmp9, $4  }
0x338: {  	v22 =	vshrl.u32 v31, $0xF;
	v28 =	vor.u32 v0, v19;
	v23 =	vor.u32 v0, v23;
	v26 =	vld [tilespmem:s1+$0x8060]  }
0x339: {  	v35 =	vshrl.u32 v35, $0xF;
	v19 =	vshrl.u32 v29, $0xF;
	v29 =	vadd.f32 $1.000000000e+00, v38;
	v24 =	vld [tilespmem:s1+$0x8010]  }
0x33a: {  	v31 =	vand.u32 $0xF0, v33;
	v33 =	vshrl.u32 v32, $0xF;
	v19 =	vand.u32 $0xF0, v19;
	[tilespmem:v34+s23+$0x0] =	vst.idx.add.f32.msk $0xffff, v3  }
0x33b: {  	s30 =	sadd.s32 $0x40, s30;
	s31 =	sadd.s32 $0x800, s31;
	s0 =	sadd.s32 $0x100, s0;
	v32 =	vand.u32 $0xF0, v35;
	v19 =	vor.u32 v0, v19;
	[tilespmem:v30+s23+$0x0] =	vst.idx.add.f32.msk $0xffff, v3;
	v30 =	vand.u32 $0xF0, v33  }
0x33c: {  	_ =	sdelay $0x2  }
0x33d: {  	v25 =	vadd.f32 $1.000000000e+00, v25;
	v31 =	vor.u32 v0, v31;
	v29 =	vshrl.u32 v29, $0xF  }
0x33e: {  	v32 =	vor.u32 v0, v32;
	[tilespmem:v20+s23+$0x0] =	vst.idx.add.f32.msk $0xffff, v3;
	v27 =	vor.u32 v0, v27;
	v29 =	vand.u32 $0xF0, v29  }
0x33f: {  	[tilespmem:v28+s23+$0x0] =	vst.idx.add.f32.msk $0xffff, v3;
	v21 =	vshrl.u32 v21, $0xF;
	v26 =	vadd.f32 $1.000000000e+00, v26;
	v20 =	vor.u32 v0, v29  }
0x340: {  	[tilespmem:v23+s23+$0x0] =	vst.idx.add.f32.msk $0xffff, v3;
	v21 =	vand.u32 $0xF0, v21;
	v25 =	vshrl.u32 v25, $0xF;
	v24 =	vadd.f32 $1.000000000e+00, v24  }
0x341: {  	[tilespmem:v19+s23+$0x0] =	vst.idx.add.f32.msk $0xffff, v3;
	v21 =	vor.u32 v0, v21;
	v26 =	vshrl.u32 v26, $0xF;
	v23 =	vand.u32 $0xF0, v25  }
0x342: {  	v26 =	vand.u32 $0xF0, v26;
	v23 =	vor.u32 v0, v23;
	v24 =	vshrl.u32 v24, $0xF;
	[tilespmem:v31+s23+$0x0] =	vst.idx.add.f32.msk $0xffff, v3  }
0x343: {  	v26 =	vor.u32 v0, v26;
	[tilespmem:v32+s23+$0x0] =	vst.idx.add.f32.msk $0xffff, v3;
	v24 =	vand.u32 $0xF0, v24  }
0x344: {  	[tilespmem:v20+s23+$0x0] =	vst.idx.add.f32.msk $0xffff, v3;
	v20 =	vand.u32 $0xF0, v22;
	v22 =	vor.u32 v0, v24  }
0x345: {  	[tilespmem:v27+s23+$0x0] =	vst.idx.add.f32.msk $0xffff, v3;
	v24 =	vor.u32 v0, v30  }
0x346: {  	[tilespmem:v21+s23+$0x0] =	vst.idx.add.f32.msk $0xffff, v3;
	v20 =	vor.u32 v0, v20  }
0x347: {  	[tilespmem:v23+s23+$0x0] =	vst.idx.add.f32.msk $0xffff, v3  }
0x348: {  	[tilespmem:v26+s23+$0x0] =	vst.idx.add.f32.msk $0xffff, v3  }
0x349: {  	[tilespmem:v22+s23+$0x0] =	vst.idx.add.f32.msk $0xffff, v3  }
0x34a: {  	[tilespmem:v24+s23+$0x0] =	vst.idx.add.f32.msk $0xffff, v3  }
0x34b: {  	s0 =	simm.s32 $0x0;
	[tilespmem:v20+s23+$0x0] =	vst.idx.add.f32.msk $0xffff, v3  }
0x34c: {  	[tilespmem:s21], [sflag:$0x2] =	stream.linear.gather [hbm4b:s14+s0], $0x8000, $0x38;
	[tilespmem:$0x10200] =	vst v63  }
0x34d: {  	s1 =	sand.u32 $0x7000, s0;
	s4 =	sand.u32 $0x800, s0;
	_ =	swait.ge [sflag:s22], $0x8000  }
0x34e: {  	s1 =	sor.u32 s4, s1;
	s0 =	sand.u32 $0x380, s0;
	[sflag:s22] =	ssyncset.done $0x0  }
0x34f: {  	s0 =	sor.u32 s0, s1;
	[sflag:s22] =	ssyncadd.s32 $0xFFFF8000  }
0x350: {  	v19 =	vld [tilespmem:s0+$0x420]  }
0x351: {  	v20 =	vld [tilespmem:s0+$0x0]  }
0x352: {  	v21 =	vld [tilespmem:s0+$0x470]  }
0x353: {  	v22 =	vld [tilespmem:s0+$0x40]  }
0x354: {  	v23 =	vld [tilespmem:s0+$0x20]  }
0x355: {  	v24 =	vld [tilespmem:s0+$0x440]  }
0x356: {  	v25 =	vld [tilespmem:s0+$0x430]  }
0x357: {  	v26 =	vld [tilespmem:s0+$0x70]  }
0x358: {  	v28 =	vld [tilespmem:s0+$0x410]  }
0x359: {  	v27 =	vld [tilespmem:s0+$0x50];
	v22 =	vadd.f32 $1.000000000e+00, v22  }
0x35a: {  	v30 =	vadd.f32 $1.000000000e+00, v20;
	v62 =	vadd.f32 $1.000000000e+00, v21  }
0x35b: {  	v24 =	vadd.f32 $1.000000000e+00, v24;
	v31 =	vadd.f32 $1.000000000e+00, v23  }
0x35c: {  	v29 =	vld [tilespmem:s0+$0x460];
	v23 =	vadd.f32 $1.000000000e+00, v26;
	v19 =	vadd.f32 $1.000000000e+00, v19  }
0x35d: {  	v26 =	vadd.f32 $1.000000000e+00, v28;
	v20 =	vshrl.u32 v22, $0xF;
	v22 =	vadd.f32 $1.000000000e+00, v25  }
0x35e: {  	v33 =	vld [tilespmem:s0+$0x400];
	v25 =	vadd.f32 $1.000000000e+00, v27;
	v24 =	vshrl.u32 v24, $0xF;
	v23 =	vshrl.u32 v23, $0xF  }
0x35f: {  	v21 =	vld [tilespmem:s0+$0x450];
	v35 =	vshrl.u32 v26, $0xF;
	v63 =	vshrl.u32 v19, $0xF;
	v20 =	vand.u32 $0xF0, v20  }
0x360: {  	v24 =	vand.u32 $0xF0, v24;
	v23 =	vand.u32 $0xF0, v23;
	v32 =	vand.u32 $0xF0, v63  }
0x361: {  	v20 =	vor.u32 v0, v20;
	v34 =	vor.u32 v0, v24;
	v24 =	vadd.f32 $1.000000000e+00, v29  }
0x362: {  	v27 =	vshrl.u32 v25, $0xF;
	v36 =	vor.u32 v0, v23;
	v22 =	vshrl.u32 v22, $0xF  }
0x363: {  	v26 =	vld [tilespmem:s0+$0x60];
	v29 =	vadd.f32 $1.000000000e+00, v33;
	v23 =	vshrl.u32 v24, $0xF;
	v24 =	vand.u32 $0xF0, v22  }
0x364: {  	v25 =	vld [tilespmem:s0+$0x30];
	v21 =	vadd.f32 $1.000000000e+00, v21;
	v23 =	vand.u32 $0xF0, v23;
	v28 =	vor.u32 v0, v24  }
0x365: {  	v22 =	vshrl.u32 v30, $0xF;
	v30 =	vshrl.u32 v31, $0xF;
	v24 =	vld [tilespmem:s0+$0x10];
	v23 =	vor.u32 v0, v23  }
0x366: {  	s29 =	simm.s32 $0x0;
	v27 =	vand.u32 $0xF0, v27;
	v19 =	vand.u32 $0xF0, v30;
	v30 =	vshrl.u32 v62, $0xF;
	[tilespmem:v34+s23+$0x0] =	vst.idx.add.f32.msk $0xffff, v3  }
0x367: {  	s30 =	simm.s32 $0x40;
	s31 =	simm.s32 $0x800;
	v31 =	vand.u32 $0xF0, v35;
	s0 =	simm.s32 $0x100;
	v19 =	vor.u32 v0, v19;
	v30 =	vand.u32 $0xF0, v30;
	[tilespmem:v36+s23+$0x0] =	vst.idx.add.f32.msk $0xffff, v3  }
.LBB2_22:
0x368: {  	s1 =	sand.u32 $0x7000, s0;
	s4 =	sand.u32 $0x800, s31;
	s29 =	sadd.s32 $0x10, s29;
	[tilespmem:v20+s23+$0x0] =	vst.idx.add.f32.msk $0xffff, v3;
	v20 =	vor.u32 v0, v27;
	v21 =	vshrl.u32 v21, $0xF;
	v27 =	vor.u32 v0, v30  }
0x369: {  	s25 =	sand.u32 $0x380, s30;
	v22 =	vand.u32 $0xF0, v22;
	v25 =	vadd.f32 $1.000000000e+00, v25;
	v30 =	vor.u32 v0, v31;
	s1 =	sor.u32 s4, s1;
	p0 =	slt.u32 s29, $0x7F0;
	[tilespmem:v28+s23+$0x0] =	vst.idx.add.f32.msk $0xffff, v3  }
0x36a: {  	v28 =	vshrl.u32 v29, $0xF;
	v29 =	vor.u32 v0, v32;
	s1 =	sor.u32 s25, s1;
	v24 =	vadd.f32 $1.000000000e+00, v24;
	[tilespmem:v23+s23+$0x0] =	vst.idx.add.f32.msk $0xffff, v3  }
0x36b: {  	v26 =	vadd.f32 $1.000000000e+00, v26;
	v25 =	vshrl.u32 v25, $0xF;
	v28 =	vand.u32 $0xF0, v28;
	v23 =	vld [tilespmem:s1+$0x420]  }
0x36c: {  	v22 =	vor.u32 v0, v22;
	v28 =	vor.u32 v0, v28;
	v31 =	vld [tilespmem:s1+$0x0];
	v24 =	vshrl.u32 v24, $0xF  }
0x36d: {  	v25 =	vand.u32 $0xF0, v25;
	v26 =	vshrl.u32 v26, $0xF;
	v32 =	vld [tilespmem:s1+$0x470];
	v24 =	vand.u32 $0xF0, v24  }
0x36e: {  	v26 =	vand.u32 $0xF0, v26;
	v24 =	vor.u32 v0, v24;
	[tilespmem:v30+s23+$0x0] =	vst.idx.add.f32.msk $0xffff, v3  }
0x36f: {  	v26 =	vor.u32 v0, v26;
	v30 =	vld [tilespmem:s1+$0x450]  }
0x370: {  	[tilespmem:v29+s23+$0x0] =	vst.idx.add.f32.msk $0xffff, v3  }
0x371: {  	v29 =	vld [tilespmem:s1+$0x20]  }
0x372: {  	[tilespmem:v28+s23+$0x0] =	vst.idx.add.f32.msk $0xffff, v3  }
0x373: {  	v28 =	vld [tilespmem:s1+$0x460]  }
0x374: {  	v25 =	vor.u32 v0, v25;
	v33 =	vld [tilespmem:s1+$0x40]  }
0x375: {  	v34 =	vld [tilespmem:s1+$0x440]  }
0x376: {  	[tilespmem:v26+s23+$0x0] =	vst.idx.add.f32.msk $0xffff, v3  }
0x377: {  	v26 =	vld [tilespmem:s1+$0x430]  }
0x378: {  	v21 =	vand.u32 $0xF0, v21;
	v35 =	vld [tilespmem:s1+$0x70]  }
0x379: {  	v21 =	vor.u32 v0, v21;
	v33 =	vadd.f32 $1.000000000e+00, v33;
	v36 =	vld [tilespmem:s1+$0x50]  }
0x37a: {  	v37 =	vld [tilespmem:s1+$0x410]  }
0x37b: {  	v31 =	vadd.f32 $1.000000000e+00, v31;
	v32 =	vadd.f32 $1.000000000e+00, v32;
	v33 =	vshrl.u32 v33, $0xF;
	v38 =	vld [tilespmem:s1+$0x400]  }
0x37c: {  	v34 =	vadd.f32 $1.000000000e+00, v34;
	v33 =	vand.u32 $0xF0, v33;
	v26 =	vadd.f32 $1.000000000e+00, v26;
	[tilespmem:v20+s23+$0x0] =	vst.idx.add.f32.msk $0xffff, v3  }
0x37d: {  	v29 =	vadd.f32 $1.000000000e+00, v29;
	v20 =	vor.u32 v0, v33;
	v33 =	vadd.f32 $1.000000000e+00, v35;
	[tilespmem:v25+s23+$0x0] =	vst.idx.add.f32.msk $0xffff, v3  }
0x37e: {  	v35 =	vadd.f32 $1.000000000e+00, v23;
	v23 =	vshrl.u32 v34, $0xF;
	v25 =	vadd.f32 $1.000000000e+00, v36;
	[tilespmem:v21+s23+$0x0] =	vst.idx.add.f32.msk $0xffff, v3  }
0x37f: {  	v23 =	vand.u32 $0xF0, v23;
	v21 =	vshrl.u32 v33, $0xF;
	v33 =	vadd.f32 $1.000000000e+00, v37;
	[tilespmem:v19+s23+$0x0] =	vst.idx.add.f32.msk $0xffff, v3  }
0x380: {  	v34 =	vor.u32 v0, v23;
	v23 =	vadd.f32 $1.000000000e+00, v28;
	v19 =	vand.u32 $0xF0, v21;
	[tilespmem:v24+s23+$0x0] =	vst.idx.add.f32.msk $0xffff, v3  }
0x381: {  	v24 =	vshrl.u32 v25, $0xF;
	v21 =	vadd.f32 $1.000000000e+00, v30;
	v33 =	vshrl.u32 v33, $0xF;
	[tilespmem:v22+s23+$0x0] =	vst.idx.add.f32.msk $0xffff, v3  }
0x382: {  	v30 =	vor.u32 v0, v19;
	v19 =	vshrl.u32 v26, $0xF;
	v22 =	vshrl.u32 v23, $0xF;
	[tilespmem:v27+s23+$0x0] =	vst.idx.add.f32.msk $0xffff, v3  }
.Ltmp10:
0x383: {  	v27 =	vand.u32 $0xF0, v24;
	v19 =	vand.u32 $0xF0, v19;
	v23 =	vand.u32 $0xF0, v22;
	v25 =	vld [tilespmem:s1+$0x30];
	(pc) =	sbr.rel @p0 .LBB2_22-.Ltmp10, $4  }
0x384: {  	v22 =	vshrl.u32 v31, $0xF;
	v28 =	vor.u32 v0, v19;
	v23 =	vor.u32 v0, v23;
	v26 =	vld [tilespmem:s1+$0x60]  }
0x385: {  	v35 =	vshrl.u32 v35, $0xF;
	v19 =	vshrl.u32 v29, $0xF;
	v29 =	vadd.f32 $1.000000000e+00, v38;
	v24 =	vld [tilespmem:s1+$0x10]  }
0x386: {  	v31 =	vand.u32 $0xF0, v33;
	v33 =	vshrl.u32 v32, $0xF;
	v19 =	vand.u32 $0xF0, v19;
	[tilespmem:v34+s23+$0x0] =	vst.idx.add.f32.msk $0xffff, v3  }
0x387: {  	s30 =	sadd.s32 $0x40, s30;
	s31 =	sadd.s32 $0x800, s31;
	s0 =	sadd.s32 $0x100, s0;
	v32 =	vand.u32 $0xF0, v35;
	v19 =	vor.u32 v0, v19;
	[tilespmem:v30+s23+$0x0] =	vst.idx.add.f32.msk $0xffff, v3;
	v30 =	vand.u32 $0xF0, v33  }
0x388: {  	_ =	sdelay $0x2  }
0x389: {  	v25 =	vadd.f32 $1.000000000e+00, v25;
	v31 =	vor.u32 v0, v31;
	v29 =	vshrl.u32 v29, $0xF  }
0x38a: {  	v32 =	vor.u32 v0, v32;
	[tilespmem:v20+s23+$0x0] =	vst.idx.add.f32.msk $0xffff, v3;
	v27 =	vor.u32 v0, v27;
	v29 =	vand.u32 $0xF0, v29  }
0x38b: {  	[tilespmem:v28+s23+$0x0] =	vst.idx.add.f32.msk $0xffff, v3;
	v21 =	vshrl.u32 v21, $0xF;
	v26 =	vadd.f32 $1.000000000e+00, v26;
	v20 =	vor.u32 v0, v29  }
0x38c: {  	[tilespmem:v23+s23+$0x0] =	vst.idx.add.f32.msk $0xffff, v3;
	v21 =	vand.u32 $0xF0, v21;
	v25 =	vshrl.u32 v25, $0xF;
	v24 =	vadd.f32 $1.000000000e+00, v24  }
0x38d: {  	[tilespmem:v19+s23+$0x0] =	vst.idx.add.f32.msk $0xffff, v3;
	v21 =	vor.u32 v0, v21;
	v26 =	vshrl.u32 v26, $0xF;
	v23 =	vand.u32 $0xF0, v25  }
0x38e: {  	v26 =	vand.u32 $0xF0, v26;
	v23 =	vor.u32 v0, v23;
	v24 =	vshrl.u32 v24, $0xF;
	[tilespmem:v31+s23+$0x0] =	vst.idx.add.f32.msk $0xffff, v3  }
0x38f: {  	v26 =	vor.u32 v0, v26;
	[tilespmem:v32+s23+$0x0] =	vst.idx.add.f32.msk $0xffff, v3;
	v24 =	vand.u32 $0xF0, v24  }
0x390: {  	[tilespmem:v20+s23+$0x0] =	vst.idx.add.f32.msk $0xffff, v3;
	v20 =	vand.u32 $0xF0, v22;
	v22 =	vor.u32 v0, v24  }
0x391: {  	[tilespmem:v27+s23+$0x0] =	vst.idx.add.f32.msk $0xffff, v3;
	v24 =	vor.u32 v0, v30  }
0x392: {  	[tilespmem:v21+s23+$0x0] =	vst.idx.add.f32.msk $0xffff, v3;
	v20 =	vor.u32 v0, v20  }
0x393: {  	[tilespmem:v23+s23+$0x0] =	vst.idx.add.f32.msk $0xffff, v3  }
0x394: {  	[tilespmem:v26+s23+$0x0] =	vst.idx.add.f32.msk $0xffff, v3  }
0x395: {  	[tilespmem:v22+s23+$0x0] =	vst.idx.add.f32.msk $0xffff, v3  }
0x396: {  	[tilespmem:v24+s23+$0x0] =	vst.idx.add.f32.msk $0xffff, v3  }
0x397: {  	s0 =	simm.s32 $0x0;
	[tilespmem:v20+s23+$0x0] =	vst.idx.add.f32.msk $0xffff, v3  }
0x398: {  	[tilespmem:s0], [sflag:$0x1] =	stream.linear.gather [hbm4b:s15+s0], $0x8000, $0x38;
	[tilespmem:$0x10200] =	vst v63  }
0x399: {  	s1 =	sand.u32 $0x7000, s0;
	s4 =	sand.u32 $0x800, s0;
	_ =	swait.ge [sflag:s24], $0x8000  }
0x39a: {  	s1 =	sor.u32 s4, s1;
	s0 =	sand.u32 $0x380, s0;
	[sflag:s24] =	ssyncset.done $0x0  }
0x39b: {  	s0 =	sor.u32 s0, s1;
	[sflag:s24] =	ssyncadd.s32 $0xFFFF8000  }
0x39c: {  	v19 =	vld [tilespmem:s0+$0x8420]  }
0x39d: {  	v20 =	vld [tilespmem:s0+$0x8000]  }
0x39e: {  	v21 =	vld [tilespmem:s0+$0x8470]  }
0x39f: {  	v22 =	vld [tilespmem:s0+$0x8040]  }
0x3a0: {  	v23 =	vld [tilespmem:s0+$0x8020]  }
0x3a1: {  	v24 =	vld [tilespmem:s0+$0x8440]  }
0x3a2: {  	v25 =	vld [tilespmem:s0+$0x8430]  }
0x3a3: {  	v26 =	vld [tilespmem:s0+$0x8070]  }
0x3a4: {  	v28 =	vld [tilespmem:s0+$0x8410]  }
0x3a5: {  	v27 =	vld [tilespmem:s0+$0x8050];
	v22 =	vadd.f32 $1.000000000e+00, v22  }
0x3a6: {  	v30 =	vadd.f32 $1.000000000e+00, v20;
	v62 =	vadd.f32 $1.000000000e+00, v21  }
0x3a7: {  	v24 =	vadd.f32 $1.000000000e+00, v24;
	v31 =	vadd.f32 $1.000000000e+00, v23  }
0x3a8: {  	v29 =	vld [tilespmem:s0+$0x8460];
	v23 =	vadd.f32 $1.000000000e+00, v26;
	v19 =	vadd.f32 $1.000000000e+00, v19  }
0x3a9: {  	v26 =	vadd.f32 $1.000000000e+00, v28;
	v20 =	vshrl.u32 v22, $0xF;
	v22 =	vadd.f32 $1.000000000e+00, v25  }
0x3aa: {  	v33 =	vld [tilespmem:s0+$0x8400];
	v25 =	vadd.f32 $1.000000000e+00, v27;
	v24 =	vshrl.u32 v24, $0xF;
	v23 =	vshrl.u32 v23, $0xF  }
0x3ab: {  	v21 =	vld [tilespmem:s0+$0x8450];
	v35 =	vshrl.u32 v26, $0xF;
	v63 =	vshrl.u32 v19, $0xF;
	v20 =	vand.u32 $0xF0, v20  }
0x3ac: {  	v24 =	vand.u32 $0xF0, v24;
	v23 =	vand.u32 $0xF0, v23;
	v32 =	vand.u32 $0xF0, v63  }
0x3ad: {  	v20 =	vor.u32 v0, v20;
	v34 =	vor.u32 v0, v24;
	v24 =	vadd.f32 $1.000000000e+00, v29  }
0x3ae: {  	v27 =	vshrl.u32 v25, $0xF;
	v36 =	vor.u32 v0, v23;
	v22 =	vshrl.u32 v22, $0xF  }
0x3af: {  	v26 =	vld [tilespmem:s0+$0x8060];
	v29 =	vadd.f32 $1.000000000e+00, v33;
	v23 =	vshrl.u32 v24, $0xF;
	v24 =	vand.u32 $0xF0, v22  }
0x3b0: {  	v25 =	vld [tilespmem:s0+$0x8030];
	v21 =	vadd.f32 $1.000000000e+00, v21;
	v23 =	vand.u32 $0xF0, v23;
	v28 =	vor.u32 v0, v24  }
0x3b1: {  	v22 =	vshrl.u32 v30, $0xF;
	v30 =	vshrl.u32 v31, $0xF;
	v24 =	vld [tilespmem:s0+$0x8010];
	v23 =	vor.u32 v0, v23  }
0x3b2: {  	s29 =	simm.s32 $0x0;
	v27 =	vand.u32 $0xF0, v27;
	v19 =	vand.u32 $0xF0, v30;
	v30 =	vshrl.u32 v62, $0xF;
	[tilespmem:v34+s23+$0x0] =	vst.idx.add.f32.msk $0xffff, v3  }
0x3b3: {  	s30 =	simm.s32 $0x40;
	s31 =	simm.s32 $0x800;
	v31 =	vand.u32 $0xF0, v35;
	s0 =	simm.s32 $0x100;
	v19 =	vor.u32 v0, v19;
	v30 =	vand.u32 $0xF0, v30;
	[tilespmem:v36+s23+$0x0] =	vst.idx.add.f32.msk $0xffff, v3  }
.LBB2_24:
0x3b4: {  	s1 =	sand.u32 $0x7000, s0;
	s4 =	sand.u32 $0x800, s31;
	s29 =	sadd.s32 $0x10, s29;
	[tilespmem:v20+s23+$0x0] =	vst.idx.add.f32.msk $0xffff, v3;
	v20 =	vor.u32 v0, v27;
	v21 =	vshrl.u32 v21, $0xF;
	v27 =	vor.u32 v0, v30  }
0x3b5: {  	s25 =	sand.u32 $0x380, s30;
	v22 =	vand.u32 $0xF0, v22;
	v25 =	vadd.f32 $1.000000000e+00, v25;
	v30 =	vor.u32 v0, v31;
	s1 =	sor.u32 s4, s1;
	p0 =	slt.u32 s29, $0x7F0;
	[tilespmem:v28+s23+$0x0] =	vst.idx.add.f32.msk $0xffff, v3  }
0x3b6: {  	v28 =	vshrl.u32 v29, $0xF;
	v29 =	vor.u32 v0, v32;
	s1 =	sor.u32 s25, s1;
	v24 =	vadd.f32 $1.000000000e+00, v24;
	[tilespmem:v23+s23+$0x0] =	vst.idx.add.f32.msk $0xffff, v3  }
0x3b7: {  	v26 =	vadd.f32 $1.000000000e+00, v26;
	v25 =	vshrl.u32 v25, $0xF;
	v28 =	vand.u32 $0xF0, v28;
	v23 =	vld [tilespmem:s1+$0x8420]  }
0x3b8: {  	v22 =	vor.u32 v0, v22;
	v28 =	vor.u32 v0, v28;
	v31 =	vld [tilespmem:s1+$0x8000];
	v24 =	vshrl.u32 v24, $0xF  }
0x3b9: {  	v25 =	vand.u32 $0xF0, v25;
	v26 =	vshrl.u32 v26, $0xF;
	v32 =	vld [tilespmem:s1+$0x8470];
	v24 =	vand.u32 $0xF0, v24  }
0x3ba: {  	v26 =	vand.u32 $0xF0, v26;
	v24 =	vor.u32 v0, v24;
	[tilespmem:v30+s23+$0x0] =	vst.idx.add.f32.msk $0xffff, v3  }
0x3bb: {  	v26 =	vor.u32 v0, v26;
	v30 =	vld [tilespmem:s1+$0x8450]  }
0x3bc: {  	[tilespmem:v29+s23+$0x0] =	vst.idx.add.f32.msk $0xffff, v3  }
0x3bd: {  	v29 =	vld [tilespmem:s1+$0x8020]  }
0x3be: {  	[tilespmem:v28+s23+$0x0] =	vst.idx.add.f32.msk $0xffff, v3  }
0x3bf: {  	v28 =	vld [tilespmem:s1+$0x8460]  }
0x3c0: {  	v25 =	vor.u32 v0, v25;
	v33 =	vld [tilespmem:s1+$0x8040]  }
0x3c1: {  	v34 =	vld [tilespmem:s1+$0x8440]  }
0x3c2: {  	[tilespmem:v26+s23+$0x0] =	vst.idx.add.f32.msk $0xffff, v3  }
0x3c3: {  	v26 =	vld [tilespmem:s1+$0x8430]  }
0x3c4: {  	v21 =	vand.u32 $0xF0, v21;
	v35 =	vld [tilespmem:s1+$0x8070]  }
0x3c5: {  	v21 =	vor.u32 v0, v21;
	v33 =	vadd.f32 $1.000000000e+00, v33;
	v36 =	vld [tilespmem:s1+$0x8050]  }
0x3c6: {  	v37 =	vld [tilespmem:s1+$0x8410]  }
0x3c7: {  	v31 =	vadd.f32 $1.000000000e+00, v31;
	v32 =	vadd.f32 $1.000000000e+00, v32;
	v33 =	vshrl.u32 v33, $0xF;
	v38 =	vld [tilespmem:s1+$0x8400]  }
0x3c8: {  	v34 =	vadd.f32 $1.000000000e+00, v34;
	v33 =	vand.u32 $0xF0, v33;
	v26 =	vadd.f32 $1.000000000e+00, v26;
	[tilespmem:v20+s23+$0x0] =	vst.idx.add.f32.msk $0xffff, v3  }
0x3c9: {  	v29 =	vadd.f32 $1.000000000e+00, v29;
	v20 =	vor.u32 v0, v33;
	v33 =	vadd.f32 $1.000000000e+00, v35;
	[tilespmem:v25+s23+$0x0] =	vst.idx.add.f32.msk $0xffff, v3  }
0x3ca: {  	v35 =	vadd.f32 $1.000000000e+00, v23;
	v23 =	vshrl.u32 v34, $0xF;
	v25 =	vadd.f32 $1.000000000e+00, v36;
	[tilespmem:v21+s23+$0x0] =	vst.idx.add.f32.msk $0xffff, v3  }
0x3cb: {  	v23 =	vand.u32 $0xF0, v23;
	v21 =	vshrl.u32 v33, $0xF;
	v33 =	vadd.f32 $1.000000000e+00, v37;
	[tilespmem:v19+s23+$0x0] =	vst.idx.add.f32.msk $0xffff, v3  }
0x3cc: {  	v34 =	vor.u32 v0, v23;
	v23 =	vadd.f32 $1.000000000e+00, v28;
	v19 =	vand.u32 $0xF0, v21;
	[tilespmem:v24+s23+$0x0] =	vst.idx.add.f32.msk $0xffff, v3  }
0x3cd: {  	v24 =	vshrl.u32 v25, $0xF;
	v21 =	vadd.f32 $1.000000000e+00, v30;
	v33 =	vshrl.u32 v33, $0xF;
	[tilespmem:v22+s23+$0x0] =	vst.idx.add.f32.msk $0xffff, v3  }
0x3ce: {  	v30 =	vor.u32 v0, v19;
	v19 =	vshrl.u32 v26, $0xF;
	v22 =	vshrl.u32 v23, $0xF;
	[tilespmem:v27+s23+$0x0] =	vst.idx.add.f32.msk $0xffff, v3  }
.Ltmp11:
0x3cf: {  	v27 =	vand.u32 $0xF0, v24;
	v19 =	vand.u32 $0xF0, v19;
	v23 =	vand.u32 $0xF0, v22;
	v25 =	vld [tilespmem:s1+$0x8030];
	(pc) =	sbr.rel @p0 .LBB2_24-.Ltmp11, $4  }
0x3d0: {  	v22 =	vshrl.u32 v31, $0xF;
	v28 =	vor.u32 v0, v19;
	v23 =	vor.u32 v0, v23;
	v26 =	vld [tilespmem:s1+$0x8060]  }
0x3d1: {  	v35 =	vshrl.u32 v35, $0xF;
	v19 =	vshrl.u32 v29, $0xF;
	v29 =	vadd.f32 $1.000000000e+00, v38;
	v24 =	vld [tilespmem:s1+$0x8010]  }
0x3d2: {  	v31 =	vand.u32 $0xF0, v33;
	v33 =	vshrl.u32 v32, $0xF;
	v19 =	vand.u32 $0xF0, v19;
	[tilespmem:v34+s23+$0x0] =	vst.idx.add.f32.msk $0xffff, v3  }
0x3d3: {  	s30 =	sadd.s32 $0x40, s30;
	s31 =	sadd.s32 $0x800, s31;
	s0 =	sadd.s32 $0x100, s0;
	v32 =	vand.u32 $0xF0, v35;
	v19 =	vor.u32 v0, v19;
	[tilespmem:v30+s23+$0x0] =	vst.idx.add.f32.msk $0xffff, v3;
	v30 =	vand.u32 $0xF0, v33  }
0x3d4: {  	_ =	sdelay $0x2  }
0x3d5: {  	v25 =	vadd.f32 $1.000000000e+00, v25;
	v31 =	vor.u32 v0, v31;
	v29 =	vshrl.u32 v29, $0xF  }
0x3d6: {  	v32 =	vor.u32 v0, v32;
	[tilespmem:v20+s23+$0x0] =	vst.idx.add.f32.msk $0xffff, v3;
	v27 =	vor.u32 v0, v27;
	v29 =	vand.u32 $0xF0, v29  }
0x3d7: {  	[tilespmem:v28+s23+$0x0] =	vst.idx.add.f32.msk $0xffff, v3;
	v21 =	vshrl.u32 v21, $0xF;
	v26 =	vadd.f32 $1.000000000e+00, v26;
	v20 =	vor.u32 v0, v29  }
0x3d8: {  	[tilespmem:v23+s23+$0x0] =	vst.idx.add.f32.msk $0xffff, v3;
	v21 =	vand.u32 $0xF0, v21;
	v25 =	vshrl.u32 v25, $0xF;
	v24 =	vadd.f32 $1.000000000e+00, v24  }
0x3d9: {  	[tilespmem:v19+s23+$0x0] =	vst.idx.add.f32.msk $0xffff, v3;
	v21 =	vor.u32 v0, v21;
	v26 =	vshrl.u32 v26, $0xF;
	v23 =	vand.u32 $0xF0, v25  }
0x3da: {  	v26 =	vand.u32 $0xF0, v26;
	v23 =	vor.u32 v0, v23;
	v24 =	vshrl.u32 v24, $0xF;
	[tilespmem:v31+s23+$0x0] =	vst.idx.add.f32.msk $0xffff, v3  }
0x3db: {  	v26 =	vor.u32 v0, v26;
	[tilespmem:v32+s23+$0x0] =	vst.idx.add.f32.msk $0xffff, v3;
	v24 =	vand.u32 $0xF0, v24  }
0x3dc: {  	[tilespmem:v20+s23+$0x0] =	vst.idx.add.f32.msk $0xffff, v3;
	v20 =	vand.u32 $0xF0, v22;
	v22 =	vor.u32 v0, v24  }
0x3dd: {  	[tilespmem:v27+s23+$0x0] =	vst.idx.add.f32.msk $0xffff, v3;
	v24 =	vor.u32 v0, v30  }
0x3de: {  	[tilespmem:v21+s23+$0x0] =	vst.idx.add.f32.msk $0xffff, v3;
	v20 =	vor.u32 v0, v20  }
0x3df: {  	[tilespmem:v23+s23+$0x0] =	vst.idx.add.f32.msk $0xffff, v3  }
0x3e0: {  	[tilespmem:v26+s23+$0x0] =	vst.idx.add.f32.msk $0xffff, v3  }
0x3e1: {  	[tilespmem:v22+s23+$0x0] =	vst.idx.add.f32.msk $0xffff, v3  }
0x3e2: {  	[tilespmem:v24+s23+$0x0] =	vst.idx.add.f32.msk $0xffff, v3  }
0x3e3: {  	s0 =	simm.s32 $0x0;
	[tilespmem:v20+s23+$0x0] =	vst.idx.add.f32.msk $0xffff, v3  }
0x3e4: {  	[tilespmem:s21], [sflag:$0x2] =	stream.linear.gather [hbm4b:s16+s0], $0x8000, $0x38;
	[tilespmem:$0x10200] =	vst v63  }
0x3e5: {  	s1 =	sand.u32 $0x7000, s0;
	s4 =	sand.u32 $0x800, s0;
	_ =	swait.ge [sflag:s22], $0x8000  }
0x3e6: {  	s1 =	sor.u32 s4, s1;
	s0 =	sand.u32 $0x380, s0;
	[sflag:s22] =	ssyncset.done $0x0  }
0x3e7: {  	s0 =	sor.u32 s0, s1;
	[sflag:s22] =	ssyncadd.s32 $0xFFFF8000  }
0x3e8: {  	v19 =	vld [tilespmem:s0+$0x420]  }
0x3e9: {  	v20 =	vld [tilespmem:s0+$0x0]  }
0x3ea: {  	v21 =	vld [tilespmem:s0+$0x470]  }
0x3eb: {  	v22 =	vld [tilespmem:s0+$0x40]  }
0x3ec: {  	v23 =	vld [tilespmem:s0+$0x20]  }
0x3ed: {  	v24 =	vld [tilespmem:s0+$0x440]  }
0x3ee: {  	v25 =	vld [tilespmem:s0+$0x430]  }
0x3ef: {  	v26 =	vld [tilespmem:s0+$0x70]  }
0x3f0: {  	v28 =	vld [tilespmem:s0+$0x410]  }
0x3f1: {  	v27 =	vld [tilespmem:s0+$0x50];
	v22 =	vadd.f32 $1.000000000e+00, v22  }
0x3f2: {  	v30 =	vadd.f32 $1.000000000e+00, v20;
	v62 =	vadd.f32 $1.000000000e+00, v21  }
0x3f3: {  	v24 =	vadd.f32 $1.000000000e+00, v24;
	v31 =	vadd.f32 $1.000000000e+00, v23  }
0x3f4: {  	v29 =	vld [tilespmem:s0+$0x460];
	v23 =	vadd.f32 $1.000000000e+00, v26;
	v19 =	vadd.f32 $1.000000000e+00, v19  }
0x3f5: {  	v26 =	vadd.f32 $1.000000000e+00, v28;
	v20 =	vshrl.u32 v22, $0xF;
	v22 =	vadd.f32 $1.000000000e+00, v25  }
0x3f6: {  	v33 =	vld [tilespmem:s0+$0x400];
	v25 =	vadd.f32 $1.000000000e+00, v27;
	v24 =	vshrl.u32 v24, $0xF;
	v23 =	vshrl.u32 v23, $0xF  }
0x3f7: {  	v21 =	vld [tilespmem:s0+$0x450];
	v35 =	vshrl.u32 v26, $0xF;
	v63 =	vshrl.u32 v19, $0xF;
	v20 =	vand.u32 $0xF0, v20  }
0x3f8: {  	v24 =	vand.u32 $0xF0, v24;
	v23 =	vand.u32 $0xF0, v23;
	v32 =	vand.u32 $0xF0, v63  }
0x3f9: {  	v20 =	vor.u32 v0, v20;
	v34 =	vor.u32 v0, v24;
	v24 =	vadd.f32 $1.000000000e+00, v29  }
0x3fa: {  	v27 =	vshrl.u32 v25, $0xF;
	v36 =	vor.u32 v0, v23;
	v22 =	vshrl.u32 v22, $0xF  }
0x3fb: {  	v26 =	vld [tilespmem:s0+$0x60];
	v29 =	vadd.f32 $1.000000000e+00, v33;
	v23 =	vshrl.u32 v24, $0xF;
	v24 =	vand.u32 $0xF0, v22  }
0x3fc: {  	v25 =	vld [tilespmem:s0+$0x30];
	v21 =	vadd.f32 $1.000000000e+00, v21;
	v23 =	vand.u32 $0xF0, v23;
	v28 =	vor.u32 v0, v24  }
0x3fd: {  	v22 =	vshrl.u32 v30, $0xF;
	v30 =	vshrl.u32 v31, $0xF;
	v24 =	vld [tilespmem:s0+$0x10];
	v23 =	vor.u32 v0, v23  }
0x3fe: {  	s29 =	simm.s32 $0x0;
	v27 =	vand.u32 $0xF0, v27;
	v19 =	vand.u32 $0xF0, v30;
	v30 =	vshrl.u32 v62, $0xF;
	[tilespmem:v34+s23+$0x0] =	vst.idx.add.f32.msk $0xffff, v3  }
0x3ff: {  	s30 =	simm.s32 $0x40;
	s31 =	simm.s32 $0x800;
	v31 =	vand.u32 $0xF0, v35;
	s0 =	simm.s32 $0x100;
	v19 =	vor.u32 v0, v19;
	v30 =	vand.u32 $0xF0, v30;
	[tilespmem:v36+s23+$0x0] =	vst.idx.add.f32.msk $0xffff, v3  }
.LBB2_26:
0x400: {  	s1 =	sand.u32 $0x7000, s0;
	s4 =	sand.u32 $0x800, s31;
	s29 =	sadd.s32 $0x10, s29;
	[tilespmem:v20+s23+$0x0] =	vst.idx.add.f32.msk $0xffff, v3;
	v20 =	vor.u32 v0, v27;
	v21 =	vshrl.u32 v21, $0xF;
	v27 =	vor.u32 v0, v30  }
0x401: {  	s25 =	sand.u32 $0x380, s30;
	v22 =	vand.u32 $0xF0, v22;
	v25 =	vadd.f32 $1.000000000e+00, v25;
	v30 =	vor.u32 v0, v31;
	s1 =	sor.u32 s4, s1;
	p0 =	slt.u32 s29, $0x7F0;
	[tilespmem:v28+s23+$0x0] =	vst.idx.add.f32.msk $0xffff, v3  }
0x402: {  	v28 =	vshrl.u32 v29, $0xF;
	v29 =	vor.u32 v0, v32;
	s1 =	sor.u32 s25, s1;
	v24 =	vadd.f32 $1.000000000e+00, v24;
	[tilespmem:v23+s23+$0x0] =	vst.idx.add.f32.msk $0xffff, v3  }
0x403: {  	v26 =	vadd.f32 $1.000000000e+00, v26;
	v25 =	vshrl.u32 v25, $0xF;
	v28 =	vand.u32 $0xF0, v28;
	v23 =	vld [tilespmem:s1+$0x420]  }
0x404: {  	v22 =	vor.u32 v0, v22;
	v28 =	vor.u32 v0, v28;
	v31 =	vld [tilespmem:s1+$0x0];
	v24 =	vshrl.u32 v24, $0xF  }
0x405: {  	v25 =	vand.u32 $0xF0, v25;
	v26 =	vshrl.u32 v26, $0xF;
	v32 =	vld [tilespmem:s1+$0x470];
	v24 =	vand.u32 $0xF0, v24  }
0x406: {  	v26 =	vand.u32 $0xF0, v26;
	v24 =	vor.u32 v0, v24;
	[tilespmem:v30+s23+$0x0] =	vst.idx.add.f32.msk $0xffff, v3  }
0x407: {  	v26 =	vor.u32 v0, v26;
	v30 =	vld [tilespmem:s1+$0x450]  }
0x408: {  	[tilespmem:v29+s23+$0x0] =	vst.idx.add.f32.msk $0xffff, v3  }
0x409: {  	v29 =	vld [tilespmem:s1+$0x20]  }
0x40a: {  	[tilespmem:v28+s23+$0x0] =	vst.idx.add.f32.msk $0xffff, v3  }
0x40b: {  	v28 =	vld [tilespmem:s1+$0x460]  }
0x40c: {  	v25 =	vor.u32 v0, v25;
	v33 =	vld [tilespmem:s1+$0x40]  }
0x40d: {  	v34 =	vld [tilespmem:s1+$0x440]  }
0x40e: {  	[tilespmem:v26+s23+$0x0] =	vst.idx.add.f32.msk $0xffff, v3  }
0x40f: {  	v26 =	vld [tilespmem:s1+$0x430]  }
0x410: {  	v21 =	vand.u32 $0xF0, v21;
	v35 =	vld [tilespmem:s1+$0x70]  }
0x411: {  	v21 =	vor.u32 v0, v21;
	v33 =	vadd.f32 $1.000000000e+00, v33;
	v36 =	vld [tilespmem:s1+$0x50]  }
0x412: {  	v37 =	vld [tilespmem:s1+$0x410]  }
0x413: {  	v31 =	vadd.f32 $1.000000000e+00, v31;
	v32 =	vadd.f32 $1.000000000e+00, v32;
	v33 =	vshrl.u32 v33, $0xF;
	v38 =	vld [tilespmem:s1+$0x400]  }
0x414: {  	v34 =	vadd.f32 $1.000000000e+00, v34;
	v33 =	vand.u32 $0xF0, v33;
	v26 =	vadd.f32 $1.000000000e+00, v26;
	[tilespmem:v20+s23+$0x0] =	vst.idx.add.f32.msk $0xffff, v3  }
0x415: {  	v29 =	vadd.f32 $1.000000000e+00, v29;
	v20 =	vor.u32 v0, v33;
	v33 =	vadd.f32 $1.000000000e+00, v35;
	[tilespmem:v25+s23+$0x0] =	vst.idx.add.f32.msk $0xffff, v3  }
0x416: {  	v35 =	vadd.f32 $1.000000000e+00, v23;
	v23 =	vshrl.u32 v34, $0xF;
	v25 =	vadd.f32 $1.000000000e+00, v36;
	[tilespmem:v21+s23+$0x0] =	vst.idx.add.f32.msk $0xffff, v3  }
0x417: {  	v23 =	vand.u32 $0xF0, v23;
	v21 =	vshrl.u32 v33, $0xF;
	v33 =	vadd.f32 $1.000000000e+00, v37;
	[tilespmem:v19+s23+$0x0] =	vst.idx.add.f32.msk $0xffff, v3  }
0x418: {  	v34 =	vor.u32 v0, v23;
	v23 =	vadd.f32 $1.000000000e+00, v28;
	v19 =	vand.u32 $0xF0, v21;
	[tilespmem:v24+s23+$0x0] =	vst.idx.add.f32.msk $0xffff, v3  }
0x419: {  	v24 =	vshrl.u32 v25, $0xF;
	v21 =	vadd.f32 $1.000000000e+00, v30;
	v33 =	vshrl.u32 v33, $0xF;
	[tilespmem:v22+s23+$0x0] =	vst.idx.add.f32.msk $0xffff, v3  }
0x41a: {  	v30 =	vor.u32 v0, v19;
	v19 =	vshrl.u32 v26, $0xF;
	v22 =	vshrl.u32 v23, $0xF;
	[tilespmem:v27+s23+$0x0] =	vst.idx.add.f32.msk $0xffff, v3  }
.Ltmp12:
0x41b: {  	v27 =	vand.u32 $0xF0, v24;
	v19 =	vand.u32 $0xF0, v19;
	v23 =	vand.u32 $0xF0, v22;
	v25 =	vld [tilespmem:s1+$0x30];
	(pc) =	sbr.rel @p0 .LBB2_26-.Ltmp12, $4  }
0x41c: {  	v22 =	vshrl.u32 v31, $0xF;
	v28 =	vor.u32 v0, v19;
	v23 =	vor.u32 v0, v23;
	v26 =	vld [tilespmem:s1+$0x60]  }
0x41d: {  	v35 =	vshrl.u32 v35, $0xF;
	v19 =	vshrl.u32 v29, $0xF;
	v29 =	vadd.f32 $1.000000000e+00, v38;
	v24 =	vld [tilespmem:s1+$0x10]  }
0x41e: {  	v31 =	vand.u32 $0xF0, v33;
	v33 =	vshrl.u32 v32, $0xF;
	v19 =	vand.u32 $0xF0, v19;
	[tilespmem:v34+s23+$0x0] =	vst.idx.add.f32.msk $0xffff, v3  }
0x41f: {  	s30 =	sadd.s32 $0x40, s30;
	s31 =	sadd.s32 $0x800, s31;
	s0 =	sadd.s32 $0x100, s0;
	v32 =	vand.u32 $0xF0, v35;
	v19 =	vor.u32 v0, v19;
	[tilespmem:v30+s23+$0x0] =	vst.idx.add.f32.msk $0xffff, v3;
	v30 =	vand.u32 $0xF0, v33  }
0x420: {  	_ =	sdelay $0x2  }
0x421: {  	v25 =	vadd.f32 $1.000000000e+00, v25;
	v31 =	vor.u32 v0, v31;
	v29 =	vshrl.u32 v29, $0xF  }
0x422: {  	v32 =	vor.u32 v0, v32;
	[tilespmem:v20+s23+$0x0] =	vst.idx.add.f32.msk $0xffff, v3;
	v27 =	vor.u32 v0, v27;
	v29 =	vand.u32 $0xF0, v29  }
0x423: {  	[tilespmem:v28+s23+$0x0] =	vst.idx.add.f32.msk $0xffff, v3;
	v21 =	vshrl.u32 v21, $0xF;
	v26 =	vadd.f32 $1.000000000e+00, v26;
	v20 =	vor.u32 v0, v29  }
0x424: {  	[tilespmem:v23+s23+$0x0] =	vst.idx.add.f32.msk $0xffff, v3;
	v21 =	vand.u32 $0xF0, v21;
	v25 =	vshrl.u32 v25, $0xF;
	v24 =	vadd.f32 $1.000000000e+00, v24  }
0x425: {  	[tilespmem:v19+s23+$0x0] =	vst.idx.add.f32.msk $0xffff, v3;
	v21 =	vor.u32 v0, v21;
	v26 =	vshrl.u32 v26, $0xF;
	v23 =	vand.u32 $0xF0, v25  }
0x426: {  	v26 =	vand.u32 $0xF0, v26;
	v23 =	vor.u32 v0, v23;
	v24 =	vshrl.u32 v24, $0xF;
	[tilespmem:v31+s23+$0x0] =	vst.idx.add.f32.msk $0xffff, v3  }
0x427: {  	v26 =	vor.u32 v0, v26;
	[tilespmem:v32+s23+$0x0] =	vst.idx.add.f32.msk $0xffff, v3;
	v24 =	vand.u32 $0xF0, v24  }
0x428: {  	[tilespmem:v20+s23+$0x0] =	vst.idx.add.f32.msk $0xffff, v3;
	v20 =	vand.u32 $0xF0, v22;
	v22 =	vor.u32 v0, v24  }
0x429: {  	[tilespmem:v27+s23+$0x0] =	vst.idx.add.f32.msk $0xffff, v3;
	v24 =	vor.u32 v0, v30  }
0x42a: {  	[tilespmem:v21+s23+$0x0] =	vst.idx.add.f32.msk $0xffff, v3;
	v20 =	vor.u32 v0, v20  }
0x42b: {  	[tilespmem:v23+s23+$0x0] =	vst.idx.add.f32.msk $0xffff, v3  }
0x42c: {  	[tilespmem:v26+s23+$0x0] =	vst.idx.add.f32.msk $0xffff, v3  }
0x42d: {  	[tilespmem:v22+s23+$0x0] =	vst.idx.add.f32.msk $0xffff, v3  }
0x42e: {  	[tilespmem:v24+s23+$0x0] =	vst.idx.add.f32.msk $0xffff, v3  }
0x42f: {  	s0 =	simm.s32 $0x0;
	[tilespmem:v20+s23+$0x0] =	vst.idx.add.f32.msk $0xffff, v3  }
0x430: {  	[tilespmem:s0], [sflag:$0x1] =	stream.linear.gather [hbm4b:s17+s0], $0x8000, $0x38;
	[tilespmem:$0x10200] =	vst v63  }
0x431: {  	s1 =	sand.u32 $0x7000, s0;
	s4 =	sand.u32 $0x800, s0;
	_ =	swait.ge [sflag:s24], $0x8000  }
0x432: {  	s1 =	sor.u32 s4, s1;
	s0 =	sand.u32 $0x380, s0;
	[sflag:s24] =	ssyncset.done $0x0  }
0x433: {  	s0 =	sor.u32 s0, s1;
	[sflag:s24] =	ssyncadd.s32 $0xFFFF8000  }
0x434: {  	v19 =	vld [tilespmem:s0+$0x8420]  }
0x435: {  	v20 =	vld [tilespmem:s0+$0x8000]  }
0x436: {  	v21 =	vld [tilespmem:s0+$0x8470]  }
0x437: {  	v22 =	vld [tilespmem:s0+$0x8040]  }
0x438: {  	v23 =	vld [tilespmem:s0+$0x8020]  }
0x439: {  	v24 =	vld [tilespmem:s0+$0x8440]  }
0x43a: {  	v25 =	vld [tilespmem:s0+$0x8430]  }
0x43b: {  	v26 =	vld [tilespmem:s0+$0x8070]  }
0x43c: {  	v28 =	vld [tilespmem:s0+$0x8410]  }
0x43d: {  	v27 =	vld [tilespmem:s0+$0x8050];
	v22 =	vadd.f32 $1.000000000e+00, v22  }
0x43e: {  	v30 =	vadd.f32 $1.000000000e+00, v20;
	v62 =	vadd.f32 $1.000000000e+00, v21  }
0x43f: {  	v24 =	vadd.f32 $1.000000000e+00, v24;
	v31 =	vadd.f32 $1.000000000e+00, v23  }
0x440: {  	v29 =	vld [tilespmem:s0+$0x8460];
	v23 =	vadd.f32 $1.000000000e+00, v26;
	v19 =	vadd.f32 $1.000000000e+00, v19  }
0x441: {  	v26 =	vadd.f32 $1.000000000e+00, v28;
	v20 =	vshrl.u32 v22, $0xF;
	v22 =	vadd.f32 $1.000000000e+00, v25  }
0x442: {  	v33 =	vld [tilespmem:s0+$0x8400];
	v25 =	vadd.f32 $1.000000000e+00, v27;
	v24 =	vshrl.u32 v24, $0xF;
	v23 =	vshrl.u32 v23, $0xF  }
0x443: {  	v21 =	vld [tilespmem:s0+$0x8450];
	v35 =	vshrl.u32 v26, $0xF;
	v63 =	vshrl.u32 v19, $0xF;
	v20 =	vand.u32 $0xF0, v20  }
0x444: {  	v24 =	vand.u32 $0xF0, v24;
	v23 =	vand.u32 $0xF0, v23;
	v32 =	vand.u32 $0xF0, v63  }
0x445: {  	v20 =	vor.u32 v0, v20;
	v34 =	vor.u32 v0, v24;
	v24 =	vadd.f32 $1.000000000e+00, v29  }
0x446: {  	v27 =	vshrl.u32 v25, $0xF;
	v36 =	vor.u32 v0, v23;
	v22 =	vshrl.u32 v22, $0xF  }
0x447: {  	v26 =	vld [tilespmem:s0+$0x8060];
	v29 =	vadd.f32 $1.000000000e+00, v33;
	v23 =	vshrl.u32 v24, $0xF;
	v24 =	vand.u32 $0xF0, v22  }
0x448: {  	v25 =	vld [tilespmem:s0+$0x8030];
	v21 =	vadd.f32 $1.000000000e+00, v21;
	v23 =	vand.u32 $0xF0, v23;
	v28 =	vor.u32 v0, v24  }
0x449: {  	v22 =	vshrl.u32 v30, $0xF;
	v30 =	vshrl.u32 v31, $0xF;
	v24 =	vld [tilespmem:s0+$0x8010];
	v23 =	vor.u32 v0, v23  }
0x44a: {  	s29 =	simm.s32 $0x0;
	v27 =	vand.u32 $0xF0, v27;
	v19 =	vand.u32 $0xF0, v30;
	v30 =	vshrl.u32 v62, $0xF;
	[tilespmem:v34+s23+$0x0] =	vst.idx.add.f32.msk $0xffff, v3  }
0x44b: {  	s30 =	simm.s32 $0x40;
	s31 =	simm.s32 $0x800;
	v31 =	vand.u32 $0xF0, v35;
	s0 =	simm.s32 $0x100;
	v19 =	vor.u32 v0, v19;
	v30 =	vand.u32 $0xF0, v30;
	[tilespmem:v36+s23+$0x0] =	vst.idx.add.f32.msk $0xffff, v3  }
.LBB2_28:
0x44c: {  	s1 =	sand.u32 $0x7000, s0;
	s4 =	sand.u32 $0x800, s31;
	s29 =	sadd.s32 $0x10, s29;
	[tilespmem:v20+s23+$0x0] =	vst.idx.add.f32.msk $0xffff, v3;
	v20 =	vor.u32 v0, v27;
	v21 =	vshrl.u32 v21, $0xF;
	v27 =	vor.u32 v0, v30  }
0x44d: {  	s25 =	sand.u32 $0x380, s30;
	v22 =	vand.u32 $0xF0, v22;
	v25 =	vadd.f32 $1.000000000e+00, v25;
	v30 =	vor.u32 v0, v31;
	s1 =	sor.u32 s4, s1;
	p0 =	slt.u32 s29, $0x7F0;
	[tilespmem:v28+s23+$0x0] =	vst.idx.add.f32.msk $0xffff, v3  }
0x44e: {  	v28 =	vshrl.u32 v29, $0xF;
	v29 =	vor.u32 v0, v32;
	s1 =	sor.u32 s25, s1;
	v24 =	vadd.f32 $1.000000000e+00, v24;
	[tilespmem:v23+s23+$0x0] =	vst.idx.add.f32.msk $0xffff, v3  }
0x44f: {  	v26 =	vadd.f32 $1.000000000e+00, v26;
	v25 =	vshrl.u32 v25, $0xF;
	v28 =	vand.u32 $0xF0, v28;
	v23 =	vld [tilespmem:s1+$0x8420]  }
0x450: {  	v22 =	vor.u32 v0, v22;
	v28 =	vor.u32 v0, v28;
	v31 =	vld [tilespmem:s1+$0x8000];
	v24 =	vshrl.u32 v24, $0xF  }
0x451: {  	v25 =	vand.u32 $0xF0, v25;
	v26 =	vshrl.u32 v26, $0xF;
	v32 =	vld [tilespmem:s1+$0x8470];
	v24 =	vand.u32 $0xF0, v24  }
0x452: {  	v26 =	vand.u32 $0xF0, v26;
	v24 =	vor.u32 v0, v24;
	[tilespmem:v30+s23+$0x0] =	vst.idx.add.f32.msk $0xffff, v3  }
0x453: {  	v26 =	vor.u32 v0, v26;
	v30 =	vld [tilespmem:s1+$0x8450]  }
0x454: {  	[tilespmem:v29+s23+$0x0] =	vst.idx.add.f32.msk $0xffff, v3  }
0x455: {  	v29 =	vld [tilespmem:s1+$0x8020]  }
0x456: {  	[tilespmem:v28+s23+$0x0] =	vst.idx.add.f32.msk $0xffff, v3  }
0x457: {  	v28 =	vld [tilespmem:s1+$0x8460]  }
0x458: {  	v25 =	vor.u32 v0, v25;
	v33 =	vld [tilespmem:s1+$0x8040]  }
0x459: {  	v34 =	vld [tilespmem:s1+$0x8440]  }
0x45a: {  	[tilespmem:v26+s23+$0x0] =	vst.idx.add.f32.msk $0xffff, v3  }
0x45b: {  	v26 =	vld [tilespmem:s1+$0x8430]  }
0x45c: {  	v21 =	vand.u32 $0xF0, v21;
	v35 =	vld [tilespmem:s1+$0x8070]  }
0x45d: {  	v21 =	vor.u32 v0, v21;
	v33 =	vadd.f32 $1.000000000e+00, v33;
	v36 =	vld [tilespmem:s1+$0x8050]  }
0x45e: {  	v37 =	vld [tilespmem:s1+$0x8410]  }
0x45f: {  	v31 =	vadd.f32 $1.000000000e+00, v31;
	v32 =	vadd.f32 $1.000000000e+00, v32;
	v33 =	vshrl.u32 v33, $0xF;
	v38 =	vld [tilespmem:s1+$0x8400]  }
0x460: {  	v34 =	vadd.f32 $1.000000000e+00, v34;
	v33 =	vand.u32 $0xF0, v33;
	v26 =	vadd.f32 $1.000000000e+00, v26;
	[tilespmem:v20+s23+$0x0] =	vst.idx.add.f32.msk $0xffff, v3  }
0x461: {  	v29 =	vadd.f32 $1.000000000e+00, v29;
	v20 =	vor.u32 v0, v33;
	v33 =	vadd.f32 $1.000000000e+00, v35;
	[tilespmem:v25+s23+$0x0] =	vst.idx.add.f32.msk $0xffff, v3  }
0x462: {  	v35 =	vadd.f32 $1.000000000e+00, v23;
	v23 =	vshrl.u32 v34, $0xF;
	v25 =	vadd.f32 $1.000000000e+00, v36;
	[tilespmem:v21+s23+$0x0] =	vst.idx.add.f32.msk $0xffff, v3  }
0x463: {  	v23 =	vand.u32 $0xF0, v23;
	v21 =	vshrl.u32 v33, $0xF;
	v33 =	vadd.f32 $1.000000000e+00, v37;
	[tilespmem:v19+s23+$0x0] =	vst.idx.add.f32.msk $0xffff, v3  }
0x464: {  	v34 =	vor.u32 v0, v23;
	v23 =	vadd.f32 $1.000000000e+00, v28;
	v19 =	vand.u32 $0xF0, v21;
	[tilespmem:v24+s23+$0x0] =	vst.idx.add.f32.msk $0xffff, v3  }
0x465: {  	v24 =	vshrl.u32 v25, $0xF;
	v21 =	vadd.f32 $1.000000000e+00, v30;
	v33 =	vshrl.u32 v33, $0xF;
	[tilespmem:v22+s23+$0x0] =	vst.idx.add.f32.msk $0xffff, v3  }
0x466: {  	v30 =	vor.u32 v0, v19;
	v19 =	vshrl.u32 v26, $0xF;
	v22 =	vshrl.u32 v23, $0xF;
	[tilespmem:v27+s23+$0x0] =	vst.idx.add.f32.msk $0xffff, v3  }
.Ltmp13:
0x467: {  	v27 =	vand.u32 $0xF0, v24;
	v19 =	vand.u32 $0xF0, v19;
	v23 =	vand.u32 $0xF0, v22;
	v25 =	vld [tilespmem:s1+$0x8030];
	(pc) =	sbr.rel @p0 .LBB2_28-.Ltmp13, $4  }
0x468: {  	v22 =	vshrl.u32 v31, $0xF;
	v28 =	vor.u32 v0, v19;
	v23 =	vor.u32 v0, v23;
	v26 =	vld [tilespmem:s1+$0x8060]  }
0x469: {  	v35 =	vshrl.u32 v35, $0xF;
	v19 =	vshrl.u32 v29, $0xF;
	v29 =	vadd.f32 $1.000000000e+00, v38;
	v24 =	vld [tilespmem:s1+$0x8010]  }
0x46a: {  	v31 =	vand.u32 $0xF0, v33;
	v33 =	vshrl.u32 v32, $0xF;
	v19 =	vand.u32 $0xF0, v19;
	[tilespmem:v34+s23+$0x0] =	vst.idx.add.f32.msk $0xffff, v3  }
0x46b: {  	s30 =	sadd.s32 $0x40, s30;
	s31 =	sadd.s32 $0x800, s31;
	s0 =	sadd.s32 $0x100, s0;
	v32 =	vand.u32 $0xF0, v35;
	v19 =	vor.u32 v0, v19;
	[tilespmem:v30+s23+$0x0] =	vst.idx.add.f32.msk $0xffff, v3;
	v30 =	vand.u32 $0xF0, v33  }
0x46c: {  	_ =	sdelay $0x2  }
0x46d: {  	v25 =	vadd.f32 $1.000000000e+00, v25;
	v31 =	vor.u32 v0, v31;
	v29 =	vshrl.u32 v29, $0xF  }
0x46e: {  	v32 =	vor.u32 v0, v32;
	[tilespmem:v20+s23+$0x0] =	vst.idx.add.f32.msk $0xffff, v3;
	v27 =	vor.u32 v0, v27;
	v29 =	vand.u32 $0xF0, v29  }
0x46f: {  	[tilespmem:v28+s23+$0x0] =	vst.idx.add.f32.msk $0xffff, v3;
	v21 =	vshrl.u32 v21, $0xF;
	v26 =	vadd.f32 $1.000000000e+00, v26;
	v20 =	vor.u32 v0, v29  }
0x470: {  	[tilespmem:v23+s23+$0x0] =	vst.idx.add.f32.msk $0xffff, v3;
	v21 =	vand.u32 $0xF0, v21;
	v25 =	vshrl.u32 v25, $0xF;
	v24 =	vadd.f32 $1.000000000e+00, v24  }
0x471: {  	[tilespmem:v19+s23+$0x0] =	vst.idx.add.f32.msk $0xffff, v3;
	v21 =	vor.u32 v0, v21;
	v26 =	vshrl.u32 v26, $0xF;
	v23 =	vand.u32 $0xF0, v25  }
0x472: {  	v26 =	vand.u32 $0xF0, v26;
	v23 =	vor.u32 v0, v23;
	v24 =	vshrl.u32 v24, $0xF;
	[tilespmem:v31+s23+$0x0] =	vst.idx.add.f32.msk $0xffff, v3  }
0x473: {  	v26 =	vor.u32 v0, v26;
	[tilespmem:v32+s23+$0x0] =	vst.idx.add.f32.msk $0xffff, v3;
	v24 =	vand.u32 $0xF0, v24  }
0x474: {  	[tilespmem:v20+s23+$0x0] =	vst.idx.add.f32.msk $0xffff, v3;
	v20 =	vand.u32 $0xF0, v22;
	v22 =	vor.u32 v0, v24  }
0x475: {  	[tilespmem:v27+s23+$0x0] =	vst.idx.add.f32.msk $0xffff, v3;
	v24 =	vor.u32 v0, v30  }
0x476: {  	[tilespmem:v21+s23+$0x0] =	vst.idx.add.f32.msk $0xffff, v3;
	v20 =	vor.u32 v0, v20  }
0x477: {  	[tilespmem:v23+s23+$0x0] =	vst.idx.add.f32.msk $0xffff, v3  }
0x478: {  	[tilespmem:v26+s23+$0x0] =	vst.idx.add.f32.msk $0xffff, v3  }
0x479: {  	[tilespmem:v22+s23+$0x0] =	vst.idx.add.f32.msk $0xffff, v3  }
0x47a: {  	[tilespmem:v24+s23+$0x0] =	vst.idx.add.f32.msk $0xffff, v3  }
0x47b: {  	s0 =	simm.s32 $0x0;
	[tilespmem:v20+s23+$0x0] =	vst.idx.add.f32.msk $0xffff, v3  }
0x47c: {  	[tilespmem:s21], [sflag:$0x2] =	stream.linear.gather [hbm4b:s18+s0], $0x8000, $0x38;
	[tilespmem:$0x10200] =	vst v63  }
0x47d: {  	s1 =	sand.u32 $0x7000, s0;
	s4 =	sand.u32 $0x800, s0;
	_ =	swait.ge [sflag:s22], $0x8000  }
0x47e: {  	s1 =	sor.u32 s4, s1;
	s0 =	sand.u32 $0x380, s0;
	[sflag:s22] =	ssyncset.done $0x0  }
0x47f: {  	s0 =	sor.u32 s0, s1;
	[sflag:s22] =	ssyncadd.s32 $0xFFFF8000  }
0x480: {  	v19 =	vld [tilespmem:s0+$0x420]  }
0x481: {  	v20 =	vld [tilespmem:s0+$0x0]  }
0x482: {  	v21 =	vld [tilespmem:s0+$0x470]  }
0x483: {  	v22 =	vld [tilespmem:s0+$0x40]  }
0x484: {  	v23 =	vld [tilespmem:s0+$0x20]  }
0x485: {  	v24 =	vld [tilespmem:s0+$0x440]  }
0x486: {  	v25 =	vld [tilespmem:s0+$0x430]  }
0x487: {  	v26 =	vld [tilespmem:s0+$0x70]  }
0x488: {  	v28 =	vld [tilespmem:s0+$0x410]  }
0x489: {  	v27 =	vld [tilespmem:s0+$0x50];
	v22 =	vadd.f32 $1.000000000e+00, v22  }
0x48a: {  	v30 =	vadd.f32 $1.000000000e+00, v20;
	v62 =	vadd.f32 $1.000000000e+00, v21  }
0x48b: {  	v24 =	vadd.f32 $1.000000000e+00, v24;
	v31 =	vadd.f32 $1.000000000e+00, v23  }
0x48c: {  	v29 =	vld [tilespmem:s0+$0x460];
	v23 =	vadd.f32 $1.000000000e+00, v26;
	v19 =	vadd.f32 $1.000000000e+00, v19  }
0x48d: {  	v26 =	vadd.f32 $1.000000000e+00, v28;
	v20 =	vshrl.u32 v22, $0xF;
	v22 =	vadd.f32 $1.000000000e+00, v25  }
0x48e: {  	v33 =	vld [tilespmem:s0+$0x400];
	v25 =	vadd.f32 $1.000000000e+00, v27;
	v24 =	vshrl.u32 v24, $0xF;
	v23 =	vshrl.u32 v23, $0xF  }
0x48f: {  	v21 =	vld [tilespmem:s0+$0x450];
	v35 =	vshrl.u32 v26, $0xF;
	v63 =	vshrl.u32 v19, $0xF;
	v20 =	vand.u32 $0xF0, v20  }
0x490: {  	v24 =	vand.u32 $0xF0, v24;
	v23 =	vand.u32 $0xF0, v23;
	v32 =	vand.u32 $0xF0, v63  }
0x491: {  	v20 =	vor.u32 v0, v20;
	v34 =	vor.u32 v0, v24;
	v24 =	vadd.f32 $1.000000000e+00, v29  }
0x492: {  	v27 =	vshrl.u32 v25, $0xF;
	v36 =	vor.u32 v0, v23;
	v22 =	vshrl.u32 v22, $0xF  }
0x493: {  	v26 =	vld [tilespmem:s0+$0x60];
	v29 =	vadd.f32 $1.000000000e+00, v33;
	v23 =	vshrl.u32 v24, $0xF;
	v24 =	vand.u32 $0xF0, v22  }
0x494: {  	v25 =	vld [tilespmem:s0+$0x30];
	v21 =	vadd.f32 $1.000000000e+00, v21;
	v23 =	vand.u32 $0xF0, v23;
	v28 =	vor.u32 v0, v24  }
0x495: {  	v22 =	vshrl.u32 v30, $0xF;
	v30 =	vshrl.u32 v31, $0xF;
	v24 =	vld [tilespmem:s0+$0x10];
	v23 =	vor.u32 v0, v23  }
0x496: {  	s29 =	simm.s32 $0x0;
	v27 =	vand.u32 $0xF0, v27;
	v19 =	vand.u32 $0xF0, v30;
	v30 =	vshrl.u32 v62, $0xF;
	[tilespmem:v34+s23+$0x0] =	vst.idx.add.f32.msk $0xffff, v3  }
0x497: {  	s30 =	simm.s32 $0x40;
	s31 =	simm.s32 $0x800;
	v31 =	vand.u32 $0xF0, v35;
	s0 =	simm.s32 $0x100;
	v19 =	vor.u32 v0, v19;
	v30 =	vand.u32 $0xF0, v30;
	[tilespmem:v36+s23+$0x0] =	vst.idx.add.f32.msk $0xffff, v3  }
.LBB2_30:
0x498: {  	s1 =	sand.u32 $0x7000, s0;
	s4 =	sand.u32 $0x800, s31;
	s29 =	sadd.s32 $0x10, s29;
	[tilespmem:v20+s23+$0x0] =	vst.idx.add.f32.msk $0xffff, v3;
	v20 =	vor.u32 v0, v27;
	v21 =	vshrl.u32 v21, $0xF;
	v27 =	vor.u32 v0, v30  }
0x499: {  	s25 =	sand.u32 $0x380, s30;
	v22 =	vand.u32 $0xF0, v22;
	v25 =	vadd.f32 $1.000000000e+00, v25;
	v30 =	vor.u32 v0, v31;
	s1 =	sor.u32 s4, s1;
	p0 =	slt.u32 s29, $0x7F0;
	[tilespmem:v28+s23+$0x0] =	vst.idx.add.f32.msk $0xffff, v3  }
0x49a: {  	v28 =	vshrl.u32 v29, $0xF;
	v29 =	vor.u32 v0, v32;
	s1 =	sor.u32 s25, s1;
	v24 =	vadd.f32 $1.000000000e+00, v24;
	[tilespmem:v23+s23+$0x0] =	vst.idx.add.f32.msk $0xffff, v3  }
0x49b: {  	v26 =	vadd.f32 $1.000000000e+00, v26;
	v25 =	vshrl.u32 v25, $0xF;
	v28 =	vand.u32 $0xF0, v28;
	v23 =	vld [tilespmem:s1+$0x420]  }
0x49c: {  	v22 =	vor.u32 v0, v22;
	v28 =	vor.u32 v0, v28;
	v31 =	vld [tilespmem:s1+$0x0];
	v24 =	vshrl.u32 v24, $0xF  }
0x49d: {  	v25 =	vand.u32 $0xF0, v25;
	v26 =	vshrl.u32 v26, $0xF;
	v32 =	vld [tilespmem:s1+$0x470];
	v24 =	vand.u32 $0xF0, v24  }
0x49e: {  	v26 =	vand.u32 $0xF0, v26;
	v24 =	vor.u32 v0, v24;
	[tilespmem:v30+s23+$0x0] =	vst.idx.add.f32.msk $0xffff, v3  }
0x49f: {  	v26 =	vor.u32 v0, v26;
	v30 =	vld [tilespmem:s1+$0x450]  }
0x4a0: {  	[tilespmem:v29+s23+$0x0] =	vst.idx.add.f32.msk $0xffff, v3  }
0x4a1: {  	v29 =	vld [tilespmem:s1+$0x20]  }
0x4a2: {  	[tilespmem:v28+s23+$0x0] =	vst.idx.add.f32.msk $0xffff, v3  }
0x4a3: {  	v28 =	vld [tilespmem:s1+$0x460]  }
0x4a4: {  	v25 =	vor.u32 v0, v25;
	v33 =	vld [tilespmem:s1+$0x40]  }
0x4a5: {  	v34 =	vld [tilespmem:s1+$0x440]  }
0x4a6: {  	[tilespmem:v26+s23+$0x0] =	vst.idx.add.f32.msk $0xffff, v3  }
0x4a7: {  	v26 =	vld [tilespmem:s1+$0x430]  }
0x4a8: {  	v21 =	vand.u32 $0xF0, v21;
	v35 =	vld [tilespmem:s1+$0x70]  }
0x4a9: {  	v21 =	vor.u32 v0, v21;
	v33 =	vadd.f32 $1.000000000e+00, v33;
	v36 =	vld [tilespmem:s1+$0x50]  }
0x4aa: {  	v37 =	vld [tilespmem:s1+$0x410]  }
0x4ab: {  	v31 =	vadd.f32 $1.000000000e+00, v31;
	v32 =	vadd.f32 $1.000000000e+00, v32;
	v33 =	vshrl.u32 v33, $0xF;
	v38 =	vld [tilespmem:s1+$0x400]  }
0x4ac: {  	v34 =	vadd.f32 $1.000000000e+00, v34;
	v33 =	vand.u32 $0xF0, v33;
	v26 =	vadd.f32 $1.000000000e+00, v26;
	[tilespmem:v20+s23+$0x0] =	vst.idx.add.f32.msk $0xffff, v3  }
0x4ad: {  	v29 =	vadd.f32 $1.000000000e+00, v29;
	v20 =	vor.u32 v0, v33;
	v33 =	vadd.f32 $1.000000000e+00, v35;
	[tilespmem:v25+s23+$0x0] =	vst.idx.add.f32.msk $0xffff, v3  }
0x4ae: {  	v35 =	vadd.f32 $1.000000000e+00, v23;
	v23 =	vshrl.u32 v34, $0xF;
	v25 =	vadd.f32 $1.000000000e+00, v36;
	[tilespmem:v21+s23+$0x0] =	vst.idx.add.f32.msk $0xffff, v3  }
0x4af: {  	v23 =	vand.u32 $0xF0, v23;
	v21 =	vshrl.u32 v33, $0xF;
	v33 =	vadd.f32 $1.000000000e+00, v37;
	[tilespmem:v19+s23+$0x0] =	vst.idx.add.f32.msk $0xffff, v3  }
0x4b0: {  	v34 =	vor.u32 v0, v23;
	v23 =	vadd.f32 $1.000000000e+00, v28;
	v19 =	vand.u32 $0xF0, v21;
	[tilespmem:v24+s23+$0x0] =	vst.idx.add.f32.msk $0xffff, v3  }
0x4b1: {  	v24 =	vshrl.u32 v25, $0xF;
	v21 =	vadd.f32 $1.000000000e+00, v30;
	v33 =	vshrl.u32 v33, $0xF;
	[tilespmem:v22+s23+$0x0] =	vst.idx.add.f32.msk $0xffff, v3  }
0x4b2: {  	v30 =	vor.u32 v0, v19;
	v19 =	vshrl.u32 v26, $0xF;
	v22 =	vshrl.u32 v23, $0xF;
	[tilespmem:v27+s23+$0x0] =	vst.idx.add.f32.msk $0xffff, v3  }
.Ltmp14:
0x4b3: {  	v27 =	vand.u32 $0xF0, v24;
	v19 =	vand.u32 $0xF0, v19;
	v23 =	vand.u32 $0xF0, v22;
	v25 =	vld [tilespmem:s1+$0x30];
	(pc) =	sbr.rel @p0 .LBB2_30-.Ltmp14, $4  }
0x4b4: {  	v22 =	vshrl.u32 v31, $0xF;
	v28 =	vor.u32 v0, v19;
	v23 =	vor.u32 v0, v23;
	v26 =	vld [tilespmem:s1+$0x60]  }
0x4b5: {  	v35 =	vshrl.u32 v35, $0xF;
	v19 =	vshrl.u32 v29, $0xF;
	v29 =	vadd.f32 $1.000000000e+00, v38;
	v24 =	vld [tilespmem:s1+$0x10]  }
0x4b6: {  	v31 =	vand.u32 $0xF0, v33;
	v33 =	vshrl.u32 v32, $0xF;
	v19 =	vand.u32 $0xF0, v19;
	[tilespmem:v34+s23+$0x0] =	vst.idx.add.f32.msk $0xffff, v3  }
0x4b7: {  	s30 =	sadd.s32 $0x40, s30;
	s31 =	sadd.s32 $0x800, s31;
	s0 =	sadd.s32 $0x100, s0;
	v32 =	vand.u32 $0xF0, v35;
	v19 =	vor.u32 v0, v19;
	[tilespmem:v30+s23+$0x0] =	vst.idx.add.f32.msk $0xffff, v3;
	v30 =	vand.u32 $0xF0, v33  }
0x4b8: {  	_ =	sdelay $0x2  }
0x4b9: {  	v25 =	vadd.f32 $1.000000000e+00, v25;
	v31 =	vor.u32 v0, v31;
	v29 =	vshrl.u32 v29, $0xF  }
0x4ba: {  	v32 =	vor.u32 v0, v32;
	[tilespmem:v20+s23+$0x0] =	vst.idx.add.f32.msk $0xffff, v3;
	v27 =	vor.u32 v0, v27;
	v29 =	vand.u32 $0xF0, v29  }
0x4bb: {  	[tilespmem:v28+s23+$0x0] =	vst.idx.add.f32.msk $0xffff, v3;
	v21 =	vshrl.u32 v21, $0xF;
	v26 =	vadd.f32 $1.000000000e+00, v26;
	v20 =	vor.u32 v0, v29  }
0x4bc: {  	[tilespmem:v23+s23+$0x0] =	vst.idx.add.f32.msk $0xffff, v3;
	v21 =	vand.u32 $0xF0, v21;
	v25 =	vshrl.u32 v25, $0xF;
	v24 =	vadd.f32 $1.000000000e+00, v24  }
0x4bd: {  	[tilespmem:v19+s23+$0x0] =	vst.idx.add.f32.msk $0xffff, v3;
	v21 =	vor.u32 v0, v21;
	v26 =	vshrl.u32 v26, $0xF;
	v23 =	vand.u32 $0xF0, v25  }
0x4be: {  	v26 =	vand.u32 $0xF0, v26;
	v23 =	vor.u32 v0, v23;
	v24 =	vshrl.u32 v24, $0xF;
	[tilespmem:v31+s23+$0x0] =	vst.idx.add.f32.msk $0xffff, v3  }
0x4bf: {  	v26 =	vor.u32 v0, v26;
	[tilespmem:v32+s23+$0x0] =	vst.idx.add.f32.msk $0xffff, v3;
	v24 =	vand.u32 $0xF0, v24  }
0x4c0: {  	[tilespmem:v20+s23+$0x0] =	vst.idx.add.f32.msk $0xffff, v3;
	v20 =	vand.u32 $0xF0, v22;
	v22 =	vor.u32 v0, v24  }
0x4c1: {  	[tilespmem:v27+s23+$0x0] =	vst.idx.add.f32.msk $0xffff, v3;
	v24 =	vor.u32 v0, v30  }
0x4c2: {  	[tilespmem:v21+s23+$0x0] =	vst.idx.add.f32.msk $0xffff, v3;
	v20 =	vor.u32 v0, v20  }
0x4c3: {  	[tilespmem:v23+s23+$0x0] =	vst.idx.add.f32.msk $0xffff, v3  }
0x4c4: {  	[tilespmem:v26+s23+$0x0] =	vst.idx.add.f32.msk $0xffff, v3  }
0x4c5: {  	[tilespmem:v22+s23+$0x0] =	vst.idx.add.f32.msk $0xffff, v3  }
0x4c6: {  	[tilespmem:v24+s23+$0x0] =	vst.idx.add.f32.msk $0xffff, v3  }
0x4c7: {  	s0 =	simm.s32 $0x0;
	[tilespmem:v20+s23+$0x0] =	vst.idx.add.f32.msk $0xffff, v3  }
0x4c8: {  	s1 =	sand.u32 $0x7000, s0;
	s4 =	sand.u32 $0x800, s0;
	_ =	swait.ge [sflag:s24], $0x8000  }
0x4c9: {  	s0 =	sand.u32 $0x380, s0;
	s1 =	sor.u32 s4, s1;
	[sflag:s24] =	ssyncset.done $0x0  }
0x4ca: {  	s0 =	sor.u32 s0, s1;
	[sflag:s24] =	ssyncadd.s32 $0xFFFF8000  }
0x4cb: {  	v19 =	vld [tilespmem:s0+$0x8420]  }
0x4cc: {  	v20 =	vld [tilespmem:s0+$0x8000]  }
0x4cd: {  	v21 =	vld [tilespmem:s0+$0x8470]  }
0x4ce: {  	v22 =	vld [tilespmem:s0+$0x8040]  }
0x4cf: {  	v23 =	vld [tilespmem:s0+$0x8020]  }
0x4d0: {  	v24 =	vld [tilespmem:s0+$0x8440]  }
0x4d1: {  	v25 =	vld [tilespmem:s0+$0x8430]  }
0x4d2: {  	v26 =	vld [tilespmem:s0+$0x8070]  }
0x4d3: {  	v28 =	vld [tilespmem:s0+$0x8410]  }
0x4d4: {  	v27 =	vld [tilespmem:s0+$0x8050];
	v22 =	vadd.f32 $1.000000000e+00, v22  }
0x4d5: {  	v30 =	vadd.f32 $1.000000000e+00, v20;
	v62 =	vadd.f32 $1.000000000e+00, v21  }
0x4d6: {  	v24 =	vadd.f32 $1.000000000e+00, v24;
	v31 =	vadd.f32 $1.000000000e+00, v23  }
0x4d7: {  	v29 =	vld [tilespmem:s0+$0x8460];
	v23 =	vadd.f32 $1.000000000e+00, v26;
	v19 =	vadd.f32 $1.000000000e+00, v19  }
0x4d8: {  	v26 =	vadd.f32 $1.000000000e+00, v28;
	v20 =	vshrl.u32 v22, $0xF;
	v22 =	vadd.f32 $1.000000000e+00, v25  }
0x4d9: {  	v33 =	vld [tilespmem:s0+$0x8400];
	v25 =	vadd.f32 $1.000000000e+00, v27;
	v24 =	vshrl.u32 v24, $0xF;
	v23 =	vshrl.u32 v23, $0xF  }
0x4da: {  	v21 =	vld [tilespmem:s0+$0x8450];
	v35 =	vshrl.u32 v26, $0xF;
	v63 =	vshrl.u32 v19, $0xF;
	v20 =	vand.u32 $0xF0, v20  }
0x4db: {  	v24 =	vand.u32 $0xF0, v24;
	v23 =	vand.u32 $0xF0, v23;
	v32 =	vand.u32 $0xF0, v63  }
0x4dc: {  	v20 =	vor.u32 v0, v20;
	v34 =	vor.u32 v0, v24;
	v24 =	vadd.f32 $1.000000000e+00, v29  }
0x4dd: {  	v27 =	vshrl.u32 v25, $0xF;
	v36 =	vor.u32 v0, v23;
	v22 =	vshrl.u32 v22, $0xF  }
0x4de: {  	v26 =	vld [tilespmem:s0+$0x8060];
	v29 =	vadd.f32 $1.000000000e+00, v33;
	v23 =	vshrl.u32 v24, $0xF;
	v24 =	vand.u32 $0xF0, v22  }
0x4df: {  	v25 =	vld [tilespmem:s0+$0x8030];
	v21 =	vadd.f32 $1.000000000e+00, v21;
	v23 =	vand.u32 $0xF0, v23;
	v28 =	vor.u32 v0, v24  }
0x4e0: {  	v22 =	vshrl.u32 v30, $0xF;
	v30 =	vshrl.u32 v31, $0xF;
	v24 =	vld [tilespmem:s0+$0x8010];
	v23 =	vor.u32 v0, v23  }
0x4e1: {  	s29 =	simm.s32 $0x0;
	v27 =	vand.u32 $0xF0, v27;
	v19 =	vand.u32 $0xF0, v30;
	v30 =	vshrl.u32 v62, $0xF;
	[tilespmem:v34+s23+$0x0] =	vst.idx.add.f32.msk $0xffff, v3  }
0x4e2: {  	s30 =	simm.s32 $0x40;
	s31 =	simm.s32 $0x800;
	v31 =	vand.u32 $0xF0, v35;
	s0 =	simm.s32 $0x100;
	v19 =	vor.u32 v0, v19;
	v30 =	vand.u32 $0xF0, v30;
	[tilespmem:v36+s23+$0x0] =	vst.idx.add.f32.msk $0xffff, v3  }
.LBB2_32:
0x4e3: {  	s1 =	sand.u32 $0x7000, s0;
	s4 =	sand.u32 $0x800, s31;
	s29 =	sadd.s32 $0x10, s29;
	[tilespmem:v20+s23+$0x0] =	vst.idx.add.f32.msk $0xffff, v3;
	v20 =	vor.u32 v0, v27;
	v21 =	vshrl.u32 v21, $0xF;
	v27 =	vor.u32 v0, v30  }
0x4e4: {  	s25 =	sand.u32 $0x380, s30;
	v22 =	vand.u32 $0xF0, v22;
	v25 =	vadd.f32 $1.000000000e+00, v25;
	v30 =	vor.u32 v0, v31;
	s1 =	sor.u32 s4, s1;
	p0 =	slt.u32 s29, $0x7F0;
	[tilespmem:v28+s23+$0x0] =	vst.idx.add.f32.msk $0xffff, v3  }
0x4e5: {  	v28 =	vshrl.u32 v29, $0xF;
	v29 =	vor.u32 v0, v32;
	s1 =	sor.u32 s25, s1;
	v24 =	vadd.f32 $1.000000000e+00, v24;
	[tilespmem:v23+s23+$0x0] =	vst.idx.add.f32.msk $0xffff, v3  }
0x4e6: {  	v26 =	vadd.f32 $1.000000000e+00, v26;
	v25 =	vshrl.u32 v25, $0xF;
	v28 =	vand.u32 $0xF0, v28;
	v23 =	vld [tilespmem:s1+$0x8420]  }
0x4e7: {  	v22 =	vor.u32 v0, v22;
	v28 =	vor.u32 v0, v28;
	v31 =	vld [tilespmem:s1+$0x8000];
	v24 =	vshrl.u32 v24, $0xF  }
0x4e8: {  	v25 =	vand.u32 $0xF0, v25;
	v26 =	vshrl.u32 v26, $0xF;
	v32 =	vld [tilespmem:s1+$0x8470];
	v24 =	vand.u32 $0xF0, v24  }
0x4e9: {  	v26 =	vand.u32 $0xF0, v26;
	v24 =	vor.u32 v0, v24;
	[tilespmem:v30+s23+$0x0] =	vst.idx.add.f32.msk $0xffff, v3  }
0x4ea: {  	v26 =	vor.u32 v0, v26;
	v30 =	vld [tilespmem:s1+$0x8450]  }
0x4eb: {  	[tilespmem:v29+s23+$0x0] =	vst.idx.add.f32.msk $0xffff, v3  }
0x4ec: {  	v29 =	vld [tilespmem:s1+$0x8020]  }
0x4ed: {  	[tilespmem:v28+s23+$0x0] =	vst.idx.add.f32.msk $0xffff, v3  }
0x4ee: {  	v28 =	vld [tilespmem:s1+$0x8460]  }
0x4ef: {  	v25 =	vor.u32 v0, v25;
	v33 =	vld [tilespmem:s1+$0x8040]  }
0x4f0: {  	v34 =	vld [tilespmem:s1+$0x8440]  }
0x4f1: {  	[tilespmem:v26+s23+$0x0] =	vst.idx.add.f32.msk $0xffff, v3  }
0x4f2: {  	v26 =	vld [tilespmem:s1+$0x8430]  }
0x4f3: {  	v21 =	vand.u32 $0xF0, v21;
	v35 =	vld [tilespmem:s1+$0x8070]  }
0x4f4: {  	v21 =	vor.u32 v0, v21;
	v33 =	vadd.f32 $1.000000000e+00, v33;
	v36 =	vld [tilespmem:s1+$0x8050]  }
0x4f5: {  	v37 =	vld [tilespmem:s1+$0x8410]  }
0x4f6: {  	v31 =	vadd.f32 $1.000000000e+00, v31;
	v32 =	vadd.f32 $1.000000000e+00, v32;
	v33 =	vshrl.u32 v33, $0xF;
	v38 =	vld [tilespmem:s1+$0x8400]  }
0x4f7: {  	v34 =	vadd.f32 $1.000000000e+00, v34;
	v33 =	vand.u32 $0xF0, v33;
	v26 =	vadd.f32 $1.000000000e+00, v26;
	[tilespmem:v20+s23+$0x0] =	vst.idx.add.f32.msk $0xffff, v3  }
0x4f8: {  	v29 =	vadd.f32 $1.000000000e+00, v29;
	v20 =	vor.u32 v0, v33;
	v33 =	vadd.f32 $1.000000000e+00, v35;
	[tilespmem:v25+s23+$0x0] =	vst.idx.add.f32.msk $0xffff, v3  }
0x4f9: {  	v35 =	vadd.f32 $1.000000000e+00, v23;
	v23 =	vshrl.u32 v34, $0xF;
	v25 =	vadd.f32 $1.000000000e+00, v36;
	[tilespmem:v21+s23+$0x0] =	vst.idx.add.f32.msk $0xffff, v3  }
0x4fa: {  	v23 =	vand.u32 $0xF0, v23;
	v21 =	vshrl.u32 v33, $0xF;
	v33 =	vadd.f32 $1.000000000e+00, v37;
	[tilespmem:v19+s23+$0x0] =	vst.idx.add.f32.msk $0xffff, v3  }
0x4fb: {  	v34 =	vor.u32 v0, v23;
	v23 =	vadd.f32 $1.000000000e+00, v28;
	v19 =	vand.u32 $0xF0, v21;
	[tilespmem:v24+s23+$0x0] =	vst.idx.add.f32.msk $0xffff, v3  }
0x4fc: {  	v24 =	vshrl.u32 v25, $0xF;
	v21 =	vadd.f32 $1.000000000e+00, v30;
	v33 =	vshrl.u32 v33, $0xF;
	[tilespmem:v22+s23+$0x0] =	vst.idx.add.f32.msk $0xffff, v3  }
0x4fd: {  	v30 =	vor.u32 v0, v19;
	v19 =	vshrl.u32 v26, $0xF;
	v22 =	vshrl.u32 v23, $0xF;
	[tilespmem:v27+s23+$0x0] =	vst.idx.add.f32.msk $0xffff, v3  }
.Ltmp15:
0x4fe: {  	v27 =	vand.u32 $0xF0, v24;
	v19 =	vand.u32 $0xF0, v19;
	v23 =	vand.u32 $0xF0, v22;
	v25 =	vld [tilespmem:s1+$0x8030];
	(pc) =	sbr.rel @p0 .LBB2_32-.Ltmp15, $4  }
0x4ff: {  	v22 =	vshrl.u32 v31, $0xF;
	v28 =	vor.u32 v0, v19;
	v23 =	vor.u32 v0, v23;
	v26 =	vld [tilespmem:s1+$0x8060]  }
0x500: {  	v35 =	vshrl.u32 v35, $0xF;
	v19 =	vshrl.u32 v29, $0xF;
	v29 =	vadd.f32 $1.000000000e+00, v38;
	v24 =	vld [tilespmem:s1+$0x8010]  }
0x501: {  	v31 =	vand.u32 $0xF0, v33;
	v33 =	vshrl.u32 v32, $0xF;
	v19 =	vand.u32 $0xF0, v19;
	[tilespmem:v34+s23+$0x0] =	vst.idx.add.f32.msk $0xffff, v3  }
0x502: {  	s30 =	sadd.s32 $0x40, s30;
	s31 =	sadd.s32 $0x800, s31;
	s0 =	sadd.s32 $0x100, s0;
	v32 =	vand.u32 $0xF0, v35;
	v19 =	vor.u32 v0, v19;
	[tilespmem:v30+s23+$0x0] =	vst.idx.add.f32.msk $0xffff, v3;
	v30 =	vand.u32 $0xF0, v33  }
0x503: {  	_ =	sdelay $0x2  }
0x504: {  	v31 =	vor.u32 v0, v31  }
0x505: {  	v25 =	vadd.f32 $1.000000000e+00, v25;
	v29 =	vshrl.u32 v29, $0xF;
	v32 =	vor.u32 v0, v32;
	[tilespmem:v20+s23+$0x0] =	vst.idx.add.f32.msk $0xffff, v3  }
0x506: {  	v27 =	vor.u32 v0, v27;
	[tilespmem:v28+s23+$0x0] =	vst.idx.add.f32.msk $0xffff, v3;
	v21 =	vshrl.u32 v21, $0xF;
	v29 =	vand.u32 $0xF0, v29  }
0x507: {  	[tilespmem:v23+s23+$0x0] =	vst.idx.add.f32.msk $0xffff, v3;
	v55 =	vor.u32 v0, v30;
	v26 =	vadd.f32 $1.000000000e+00, v26;
	v20 =	vor.u32 v0, v29  }
0x508: {  	[tilespmem:v19+s23+$0x0] =	vst.idx.add.f32.msk $0xffff, v3;
	v21 =	vand.u32 $0xF0, v21;
	v25 =	vshrl.u32 v25, $0xF;
	v24 =	vadd.f32 $1.000000000e+00, v24  }
0x509: {  	v21 =	vor.u32 v0, v21;
	v26 =	vshrl.u32 v26, $0xF;
	v53 =	vand.u32 $0xF0, v25;
	[tilespmem:v31+s23+$0x0] =	vst.idx.add.f32.msk $0xffff, v3  }
0x50a: {  	v26 =	vand.u32 $0xF0, v26;
	v23 =	vor.u32 v0, v53;
	v24 =	vshrl.u32 v24, $0xF;
	[tilespmem:v32+s23+$0x0] =	vst.idx.add.f32.msk $0xffff, v3  }
0x50b: {  	v26 =	vor.u32 v0, v26;
	v24 =	vand.u32 $0xF0, v24;
	[tilespmem:v27+s23+$0x0] =	vst.idx.add.f32.msk $0xffff, v3  }
0x50c: {  	v54 =	vor.u32 v0, v24;
	[tilespmem:v20+s23+$0x0] =	vst.idx.add.f32.msk $0xffff, v3;
	v20 =	vand.u32 $0xF0, v22  }
0x50d: {  	[tilespmem:v55+s23+$0x0] =	vst.idx.add.f32.msk $0xffff, v3;
	v20 =	vor.u32 v0, v20  }
0x50e: {  	[tilespmem:v21+s23+$0x0] =	vst.idx.add.f32.msk $0xffff, v3  }
0x50f: {  	[tilespmem:v23+s23+$0x0] =	vst.idx.add.f32.msk $0xffff, v3  }
0x510: {  	[tilespmem:v26+s23+$0x0] =	vst.idx.add.f32.msk $0xffff, v3  }
0x511: {  	[tilespmem:v54+s23+$0x0] =	vst.idx.add.f32.msk $0xffff, v3  }
0x512: {  	[tilespmem:v20+s23+$0x0] =	vst.idx.add.f32.msk $0xffff, v3  }
0x513: {  	v19 =	vld.idx.msk [tilespmem:v1+s23+$0x0], $0xffff;
	_ =	sdelay $0x1  }
0x514: {  	v20 =	vld.idx.msk [tilespmem:v4+s23+$0x0], $0xffff;
	_ =	sdelay $0x1  }
0x515: {  	v21 =	vld.idx.msk [tilespmem:v5+s23+$0x0], $0xffff  }
0x516: {  	v19 =	vadd.f32 $0.0e+00, v19  }
0x517: {  	v22 =	vld.idx.msk [tilespmem:v6+s23+$0x0], $0xffff  }
0x518: {  	v19 =	vadd.f32 v20, v19  }
0x519: {  	v20 =	vld.idx.msk [tilespmem:v7+s23+$0x0], $0xffff  }
0x51a: {  	v19 =	vadd.f32 v21, v19  }
0x51b: {  	v56 =	vld.idx.msk [tilespmem:v8+s23+$0x0], $0xffff  }
0x51c: {  	v19 =	vadd.f32 v22, v19  }
0x51d: {  	v57 =	vld.idx.msk [tilespmem:v9+s23+$0x0], $0xffff  }
0x51e: {  	v19 =	vadd.f32 v20, v19  }
0x51f: {  	v20 =	vld.idx.msk [tilespmem:v10+s23+$0x0], $0xffff  }
0x520: {  	v19 =	vadd.f32 v56, v19  }
0x521: {  	v58 =	vld.idx.msk [tilespmem:v11+s23+$0x0], $0xffff  }
0x522: {  	v19 =	vadd.f32 v57, v19  }
0x523: {  	v59 =	vld.idx.msk [tilespmem:v12+s23+$0x0], $0xffff  }
0x524: {  	v19 =	vadd.f32 v20, v19  }
0x525: {  	v20 =	vld.idx.msk [tilespmem:v13+s23+$0x0], $0xffff  }
0x526: {  	v19 =	vadd.f32 v58, v19  }
0x527: {  	v60 =	vld.idx.msk [tilespmem:v14+s23+$0x0], $0xffff  }
0x528: {  	v19 =	vadd.f32 v59, v19  }
0x529: {  	v61 =	vld.idx.msk [tilespmem:v15+s23+$0x0], $0xffff  }
0x52a: {  	v19 =	vadd.f32 v20, v19  }
0x52b: {  	v20 =	vld.idx.msk [tilespmem:v16+s23+$0x0], $0xffff  }
0x52c: {  	v19 =	vadd.f32 v60, v19  }
0x52d: {  	v62 =	vld.idx.msk [tilespmem:v17+s23+$0x0], $0xffff  }
0x52e: {  	v19 =	vadd.f32 v61, v19  }
0x52f: {  	v63 =	vld.idx.msk [tilespmem:v18+s23+$0x0], $0xffff  }
0x530: {  	v19 =	vadd.f32 v20, v19;
	_ =	sdelay $0x1  }
0x531: {  	v19 =	vadd.f32 v62, v19;
	_ =	sdelay $0x1  }
0x532: {  	v19 =	vadd.f32 v63, v19;
	_ =	sdelay $0x1  }
0x533: {  	s28 =	sadd.s32 $0x1, s28;
	v19 =	vmul.f32 $3.814697270e-06, v19  }
0x534: {  	p0 =	sne.s32 s28, s20  }
.Ltmp16:
0x535: {  	s0 =	simm.s32 $0x10100;
	[tilespmem:$0x10180] =	vst v19;
	(pc) =	sbr.rel @p0 .LBB2_1-.Ltmp16, $4  }
0x536: {  	[hbm4b:s19+s2] =	stream.linear.scatter [tilespmem:s0], [sflag:$0x3], $0x100, $0x38;
	[tilespmem:$0x10200] =	vst v63  }
0x537: {  	_ =	swait.ge [sflag:s26], $0x100  }
0x538: {  	[sflag:s26] =	ssyncset.done $0x0  }
0x539: {  	[sflag:s26] =	ssyncadd.s32 $0xFFFFFF00  }
0x53a: {  	_ =	sfence.sel $0x180000  }
0x53b: {  	[bflag:$0x0] =	sbarrier.arrive $0xFFFF  }
0x53c: {  	_ =	strace $0x90000047  }
0x53d: {  	s0 =	stileid.u32;
	[bflag:$0x2] =	sbarrier.arrive $0xFFFF  }
0x53e: {  	p0 =	sne.s32 s0, $0x0;
	s0 =	rddreg [dreg:$0x2]  }
0x53f: {  	s0 =	sadd.s32 @!p0 $0x100000, s0  }
0x540: {  	[sflag:s0] =	ssyncadd.tile.s32 @!p0 $0x1;
	_ =	shalt  }
.Lfunc_end2:
_tile_overlayer_lowered:
.L_overlay_start_2:
0x541: {  	(tag) =	ssettag $0x2  }
0x542: {  	s0 =	rddreg [dreg:$0x0];
	s2 =	stileid.u32  }
0x543: {  	s1 =	rddreg [dreg:$0x1];
	p0 =	sne.s32 s2, $0x0  }
0x544: {  	s3 =	rddreg [dreg:$0x2];
	[bflag:$0x3] =	sbarrier.arrive $0xFFFF;
	s2 =	simm.s32 @!p0 $0x1C03  }
0x545: {  	[timem:s3], [sflag:s2] =	dma.local @!p0 [hbm:s0], s1  }
0x546: {  	s0 =	simm.s32 @!p0 $0x3  }
0x547: {  	_ =	swait.ge @!p0 [sflag:s0], s1  }
0x548: {  	s1 =	ssub.s32 @!p0 $0x0, s1;
	[sflag:s0] =	ssyncset.done @!p0 $0x0  }
0x549: {  	[sflag:s0] =	ssyncadd.s32 @!p0 s1  }
0x54a: {  	[bflag:$0x3] =	sbarrier.arrive $0xFFFF  }
0x54b: {  	_ =	shalt  }

</sc_bundles>
